<compile_context>
chip_gen: v7x
topology: tpu7x:2x2x1
jax: 0.10.2.dev20260603
libtpu: 0.0.44.dev20260713+nightly
codegen_flags: <defaults>
</compile_context>

<pallas_src>
import functools

import jax
import jax.numpy as jnp
from jax import lax
from jax.experimental import pallas as pl
from jax.experimental.pallas import tpu as pltpu
from jax.experimental.pallas import tpu_sc as plsc

D = 128
LANES = 16
NC = 2
NS = 16
NW = NC * NS
CH = 128
NSLOT = 3


def _lookup_add(x2, y2, w):
    n, _ = x2.shape
    hist, bsz = y2.shape
    n_chunks = hist
    b_w = bsz // NW
    mesh = plsc.VectorSubcoreMesh(core_axis_name="c", subcore_axis_name="s")

    idx_template = (
        jnp.arange(NSLOT * CH, dtype=jnp.int32).reshape(NSLOT, CH)
    )

    scratch = (
        [pltpu.VMEM((hist, b_w), jnp.int32)]
        + [pltpu.VMEM((NSLOT, CH), jnp.int32)]
        + [pltpu.VMEM((NSLOT, CH), jnp.int32)]
        + [pltpu.VMEM((CH, D), jnp.float32) for _ in range(NSLOT)]
        + [pltpu.VMEM_SHARED((NS * NSLOT * CH, D), jnp.float32)]
        + [pltpu.SemaphoreType.DMA for _ in range(4 * NSLOT)]
    )

    @functools.partial(
        pl.kernel,
        mesh=mesh,
        out_type=jax.ShapeDtypeStruct(x2.shape, jnp.float32),
        scratch_types=scratch,
    )
    def k(x_hbm, y_hbm, w_hbm, idxt_hbm, out_hbm, idx_all, idxt, idxa,
          *bufs_and_sems):
        rows = bufs_and_sems[:NSLOT]
        shared = bufs_and_sems[NSLOT]
        gsem = bufs_and_sems[NSLOT + 1:2 * NSLOT + 1]
        xsem = bufs_and_sems[2 * NSLOT + 1:3 * NSLOT + 1]
        asem = bufs_and_sems[3 * NSLOT + 1:4 * NSLOT + 1]
        osem = bufs_and_sems[4 * NSLOT + 1:]

        sid = lax.axis_index("s")
        wid = sid * NC + lax.axis_index("c")
        b_base = wid * b_w
        s_base = sid * (NSLOT * CH)

        pltpu.sync_copy(y_hbm.at[:, pl.ds(b_base, b_w)], idx_all)
        pltpu.sync_copy(idxt_hbm, idxt)
        for sl in range(NSLOT):
            for t in range(CH // LANES):
                dl = pl.ds(t * LANES, LANES)
                idxa[sl, dl] = idxt[sl, dl] + s_base

        def issue_gather(c):
            s = c % NSLOT
            return pltpu.async_copy(
                w_hbm.at[idx_all.at[c]],
                rows[s],
                gsem[s],
            )

        def issue_x(c):
            s = c % NSLOT
            return pltpu.async_copy(
                x_hbm.at[pl.ds(c * bsz + b_base, CH)],
                shared.at[pl.ds(s_base + s * CH, CH)],
                xsem[s],
            )

        def issue_add(c):
            s = c % NSLOT
            return pltpu.async_copy(
                rows[s], shared.at[idxa.at[s]], asem[s], add=True
            )

        def issue_out(c):
            s = c % NSLOT
            return pltpu.async_copy(
                shared.at[pl.ds(s_base + s * CH, CH)],
                out_hbm.at[pl.ds(c * bsz + b_base, CH)],
                osem[s],
            )

        h_g = [None] * NSLOT
        h_x = [None] * NSLOT
        h_add = [None] * NSLOT
        h_out = [None] * NSLOT
        for c in range(min(NSLOT, n_chunks)):
            h_g[c] = issue_gather(c)
            h_x[c] = issue_x(c)

        for c in range(n_chunks):
            s = c % NSLOT
            h_g[s].wait()
            h_x[s].wait()
            h_add[s] = issue_add(c)
            if c >= 1:
                sp = (c - 1) % NSLOT
                h_add[sp].wait()
                h_add[sp] = None
                h_out[sp] = issue_out(c - 1)
                if c - 1 + NSLOT < n_chunks:
                    h_g[sp] = issue_gather(c - 1 + NSLOT)
            if c >= 2:
                so = (c - 2) % NSLOT
                h_out[so].wait()
                h_out[so] = None
                if c - 2 + NSLOT < n_chunks:
                    h_x[so] = issue_x(c - 2 + NSLOT)

        for c in (n_chunks - 1,):
            s = c % NSLOT
            if h_add[s] is not None:
                h_add[s].wait()
                h_out[s] = issue_out(c)
        for h in h_out:
            if h is not None:
                h.wait()

    return k(x2, y2, w, idx_template)


def kernel(x, y, W_lookup):
    b, h, d = x.shape
    x2 = jnp.transpose(x, (1, 0, 2)).reshape(b * h, d)
    y2 = jnp.transpose(y).astype(jnp.int32)
    out2 = _lookup_add(x2, y2, W_lookup)
    return jnp.transpose(out2.reshape(h, b, d), (1, 0, 2))

# --- scband reference (transcript-rebuilt; emitter-appended) ---
"""Pipeline reference for scband-lookup-37211596653072 (READ-ONLY COPY).

The authoritative reference and input builder live on the scoring server;
editing this copy changes nothing except your own understanding.
"""

import jax, jax.numpy as jnp
import numpy as np

VOCAB = 100000
EMBED_DIM = 128
BATCH = 4096
HIST = 50
LOOKUP_SCALE = 1.0


def setup_inputs(seed: int = 0) -> dict:
    key = jax.random.key(seed)
    k_x, k_y, k_w = jax.random.split(key, 3)
    x = jax.random.normal(k_x, (BATCH, HIST, EMBED_DIM), dtype=jnp.float32)
    y = jax.random.randint(k_y, (BATCH, HIST), 0, VOCAB, dtype=jnp.int64)
    # W_original from create_unigram_lookup_table is an arbitrary pretrained table;
    # W_lookup = lookup_scale * W_original (learned -> trainable, but fwd math identical)
    W_lookup = LOOKUP_SCALE * jax.random.normal(k_w, (VOCAB, EMBED_DIM), dtype=jnp.float32)
    return {"x": x, "y": y, "W_lookup": W_lookup}


def reference(x, y, W_lookup):
    # forward: x + self.W_lookup(y)
    emb = jnp.take(W_lookup, y, axis=0)  # gather rows: [B, L, D]
    return x + emb

if __name__ == "__main__":
    import jax
    _d = setup_inputs()
    print(jax.jit(kernel)(*tuple(_d.values())))

</pallas_src>

<mosaic_0001>
#map = affine_map<(d0, d1) -> (0, 0)>
module attributes {stable_mosaic.version = 14 : i64} {
  func.func @k(%arg0: i32, %arg1: i32, %arg2: memref<204800x128xf32, #tpu.memory_space<hbm>>, %arg3: memref<50x4096xi32, #tpu.memory_space<hbm>>, %arg4: memref<100000x128xf32, #tpu.memory_space<hbm>>, %arg5: memref<3x128xi32, #tpu.memory_space<hbm>>, %arg6: memref<204800x128xf32, #tpu.memory_space<hbm>>, %arg7: memref<50x128xi32, #tpu.memory_space<vmem>>, %arg8: memref<3x128xi32, #tpu.memory_space<vmem>>, %arg9: memref<3x128xi32, #tpu.memory_space<vmem>>, %arg10: memref<128x128xf32, #tpu.memory_space<vmem>>, %arg11: memref<128x128xf32, #tpu.memory_space<vmem>>, %arg12: memref<128x128xf32, #tpu.memory_space<vmem>>, %arg13: memref<6144x128xf32, #tpu.memory_space<vmem_shared>>, %arg14: memref<!tpu.dma_semaphore, #tpu.memory_space<semaphore_mem>>, %arg15: memref<!tpu.dma_semaphore, #tpu.memory_space<semaphore_mem>>, %arg16: memref<!tpu.dma_semaphore, #tpu.memory_space<semaphore_mem>>, %arg17: memref<!tpu.dma_semaphore, #tpu.memory_space<semaphore_mem>>, %arg18: memref<!tpu.dma_semaphore, #tpu.memory_space<semaphore_mem>>, %arg19: memref<!tpu.dma_semaphore, #tpu.memory_space<semaphore_mem>>, %arg20: memref<!tpu.dma_semaphore, #tpu.memory_space<semaphore_mem>>, %arg21: memref<!tpu.dma_semaphore, #tpu.memory_space<semaphore_mem>>, %arg22: memref<!tpu.dma_semaphore, #tpu.memory_space<semaphore_mem>>, %arg23: memref<!tpu.dma_semaphore, #tpu.memory_space<semaphore_mem>>, %arg24: memref<!tpu.dma_semaphore, #tpu.memory_space<semaphore_mem>>, %arg25: memref<!tpu.dma_semaphore, #tpu.memory_space<semaphore_mem>>) attributes {dimension_semantics = [#tpu.dimension_semantics<core_parallel>, #tpu.dimension_semantics<subcore_parallel>], iteration_bounds = array<i64: 2, 16>, scalar_prefetch = 0 : i64, scratch_operands = 19 : i64, tpu.core_type = #tpu.core_type<sc_vector_subcore>, window_params = [{transform_indices = #map}, {transform_indices = #map}, {transform_indices = #map}, {transform_indices = #map}, {transform_indices = #map}]} {
    %mul3A = arith.constant 2 : i32
    %mul3A_0 = arith.muli %arg1, %mul3A : i32
    %add3A = arith.addi %mul3A_0, %arg0 : i32
    %mul3A_1 = arith.constant 128 : i32
    %mul3A_2 = arith.muli %add3A, %mul3A_1 : i32
    %mul3A_3 = arith.constant 384 : i32
    %mul3A_4 = arith.muli %arg1, %mul3A_3 : i32
    "tpu.region"() ({
      %run_scoped3A = tpu.sem_alloc : memref<!tpu.dma_semaphore, #tpu.memory_space<semaphore_mem>>
      %dma_start3A_2913 = arith.constant 0 : i32
      %dma_start3A_2914 = tpu.memref_slice %arg3[%dma_start3A_2913, %mul3A_2] : memref<50x4096xi32, #tpu.memory_space<hbm>> -> memref<50x128xi32, #tpu.memory_space<hbm>>
      %dma_start3A_2915 = arith.constant 0 : i32
      %dma_start3A_2916 = tpu.memref_slice %arg3[%dma_start3A_2915, %mul3A_2] : memref<50x4096xi32, #tpu.memory_space<hbm>> -> memref<50x128xi32, #tpu.memory_space<hbm>>
      tpu.enqueue_dma source(%dma_start3A_2916 : memref<50x128xi32, #tpu.memory_space<hbm>>) target(%arg7 : memref<50x128xi32, #tpu.memory_space<vmem>>) target_semaphore(%run_scoped3A : memref<!tpu.dma_semaphore, #tpu.memory_space<semaphore_mem>>)
      %dma_wait3A_2917 = arith.constant 0 : i32
      %dma_wait3A_2918 = tpu.memref_slice %arg3[%dma_wait3A_2917, %mul3A_2] : memref<50x4096xi32, #tpu.memory_space<hbm>> -> memref<50x128xi32, #tpu.memory_space<hbm>>
      %dma_wait3A_2919 = arith.constant 0 : i32
      %dma_wait3A_2920 = tpu.memref_slice %arg3[%dma_wait3A_2919, %mul3A_2] : memref<50x4096xi32, #tpu.memory_space<hbm>> -> memref<50x128xi32, #tpu.memory_space<hbm>>
      tpu.wait_dma2 semaphore(%run_scoped3A : memref<!tpu.dma_semaphore, #tpu.memory_space<semaphore_mem>>) src(%dma_wait3A_2920 : memref<50x128xi32, #tpu.memory_space<hbm>>) dst(%arg7 : memref<50x128xi32, #tpu.memory_space<vmem>>)
      tpu.yield
    }) : () -> ()
    "tpu.region"() ({
      %run_scoped3A = tpu.sem_alloc : memref<!tpu.dma_semaphore, #tpu.memory_space<semaphore_mem>>
      tpu.enqueue_dma source(%arg5 : memref<3x128xi32, #tpu.memory_space<hbm>>) target(%arg8 : memref<3x128xi32, #tpu.memory_space<vmem>>) target_semaphore(%run_scoped3A : memref<!tpu.dma_semaphore, #tpu.memory_space<semaphore_mem>>)
      tpu.wait_dma2 semaphore(%run_scoped3A : memref<!tpu.dma_semaphore, #tpu.memory_space<semaphore_mem>>) src(%arg5 : memref<3x128xi32, #tpu.memory_space<hbm>>) dst(%arg8 : memref<3x128xi32, #tpu.memory_space<vmem>>)
      tpu.yield
    }) : () -> ()
    %get3A = arith.constant 0 : i32
    %get3A_5 = arith.index_cast %get3A : i32 to index
    %get3A_6 = arith.constant 0 : index
    %get3A_7 = tpu.vector_load %arg8[%get3A_5, %get3A_6] {strides = array<i32>} : memref<3x128xi32, #tpu.memory_space<vmem>>, vector<1x16xi32>,
    %get3A_8 = vector.shape_cast %get3A_7 : vector<1x16xi32> to vector<16xi32>
    %add3A_9 = vector.broadcast %mul3A_4 : i32 to vector<16xi32>
    %add3A_10 = arith.addi %get3A_8, %add3A_9 : vector<16xi32>
    %swap3A = arith.constant 0 : i32
    %swap3A_11 = arith.index_cast %swap3A : i32 to index
    %swap3A_12 = arith.constant 0 : index
    %swap3A_13 = tpu.vector_load %arg9[%swap3A_11, %swap3A_12] {strides = array<i32>} : memref<3x128xi32, #tpu.memory_space<vmem>>, vector<1x16xi32>,
    %swap3A_14 = vector.shape_cast %swap3A_13 : vector<1x16xi32> to vector<16xi32>
    %swap3A_15 = vector.shape_cast %add3A_10 : vector<16xi32> to vector<1x16xi32>
    tpu.vector_store %arg9[%swap3A_11, %swap3A_12], %swap3A_15 {strides = array<i32>} : memref<3x128xi32, #tpu.memory_space<vmem>>, vector<1x16xi32>,
    %get3A_16 = arith.constant 0 : i32
    %get3A_17 = arith.index_cast %get3A_16 : i32 to index
    %get3A_18 = arith.constant 16 : index
    %get3A_19 = tpu.vector_load %arg8[%get3A_17, %get3A_18] {strides = array<i32>} : memref<3x128xi32, #tpu.memory_space<vmem>>, vector<1x16xi32>,
    %get3A_20 = vector.shape_cast %get3A_19 : vector<1x16xi32> to vector<16xi32>
    %add3A_21 = vector.broadcast %mul3A_4 : i32 to vector<16xi32>
    %add3A_22 = arith.addi %get3A_20, %add3A_21 : vector<16xi32>
    %swap3A_23 = arith.constant 0 : i32
    %swap3A_24 = arith.index_cast %swap3A_23 : i32 to index
    %swap3A_25 = arith.constant 16 : index
    %swap3A_26 = tpu.vector_load %arg9[%swap3A_24, %swap3A_25] {strides = array<i32>} : memref<3x128xi32, #tpu.memory_space<vmem>>, vector<1x16xi32>,
    %swap3A_27 = vector.shape_cast %swap3A_26 : vector<1x16xi32> to vector<16xi32>
    %swap3A_28 = vector.shape_cast %add3A_22 : vector<16xi32> to vector<1x16xi32>
    tpu.vector_store %arg9[%swap3A_24, %swap3A_25], %swap3A_28 {strides = array<i32>} : memref<3x128xi32, #tpu.memory_space<vmem>>, vector<1x16xi32>,
    %get3A_29 = arith.constant 0 : i32
    %get3A_30 = arith.index_cast %get3A_29 : i32 to index
    %get3A_31 = arith.constant 32 : index
    %get3A_32 = tpu.vector_load %arg8[%get3A_30, %get3A_31] {strides = array<i32>} : memref<3x128xi32, #tpu.memory_space<vmem>>, vector<1x16xi32>,
    %get3A_33 = vector.shape_cast %get3A_32 : vector<1x16xi32> to vector<16xi32>
    %add3A_34 = vector.broadcast %mul3A_4 : i32 to vector<16xi32>
    %add3A_35 = arith.addi %get3A_33, %add3A_34 : vector<16xi32>
    %swap3A_36 = arith.constant 0 : i32
    %swap3A_37 = arith.index_cast %swap3A_36 : i32 to index
    %swap3A_38 = arith.constant 32 : index
    %swap3A_39 = tpu.vector_load %arg9[%swap3A_37, %swap3A_38] {strides = array<i32>} : memref<3x128xi32, #tpu.memory_space<vmem>>, vector<1x16xi32>,
    %swap3A_40 = vector.shape_cast %swap3A_39 : vector<1x16xi32> to vector<16xi32>
    %swap3A_41 = vector.shape_cast %add3A_35 : vector<16xi32> to vector<1x16xi32>
    tpu.vector_store %arg9[%swap3A_37, %swap3A_38], %swap3A_41 {strides = array<i32>} : memref<3x128xi32, #tpu.memory_space<vmem>>, vector<1x16xi32>,
    %get3A_42 = arith.constant 0 : i32
    %get3A_43 = arith.index_cast %get3A_42 : i32 to index
    %get3A_44 = arith.constant 48 : index
    %get3A_45 = tpu.vector_load %arg8[%get3A_43, %get3A_44] {strides = array<i32>} : memref<3x128xi32, #tpu.memory_space<vmem>>, vector<1x16xi32>,
    %get3A_46 = vector.shape_cast %get3A_45 : vector<1x16xi32> to vector<16xi32>
    %add3A_47 = vector.broadcast %mul3A_4 : i32 to vector<16xi32>
    %add3A_48 = arith.addi %get3A_46, %add3A_47 : vector<16xi32>
    %swap3A_49 = arith.constant 0 : i32
    %swap3A_50 = arith.index_cast %swap3A_49 : i32 to index
    %swap3A_51 = arith.constant 48 : index
    %swap3A_52 = tpu.vector_load %arg9[%swap3A_50, %swap3A_51] {strides = array<i32>} : memref<3x128xi32, #tpu.memory_space<vmem>>, vector<1x16xi32>,
    %swap3A_53 = vector.shape_cast %swap3A_52 : vector<1x16xi32> to vector<16xi32>
    %swap3A_54 = vector.shape_cast %add3A_48 : vector<16xi32> to vector<1x16xi32>
    tpu.vector_store %arg9[%swap3A_50, %swap3A_51], %swap3A_54 {strides = array<i32>} : memref<3x128xi32, #tpu.memory_space<vmem>>, vector<1x16xi32>,
    %get3A_55 = arith.constant 0 : i32
    %get3A_56 = arith.index_cast %get3A_55 : i32 to index
    %get3A_57 = arith.constant 64 : index
    %get3A_58 = tpu.vector_load %arg8[%get3A_56, %get3A_57] {strides = array<i32>} : memref<3x128xi32, #tpu.memory_space<vmem>>, vector<1x16xi32>,
    %get3A_59 = vector.shape_cast %get3A_58 : vector<1x16xi32> to vector<16xi32>
    %add3A_60 = vector.broadcast %mul3A_4 : i32 to vector<16xi32>
    %add3A_61 = arith.addi %get3A_59, %add3A_60 : vector<16xi32>
    %swap3A_62 = arith.constant 0 : i32
    %swap3A_63 = arith.index_cast %swap3A_62 : i32 to index
    %swap3A_64 = arith.constant 64 : index
    %swap3A_65 = tpu.vector_load %arg9[%swap3A_63, %swap3A_64] {strides = array<i32>} : memref<3x128xi32, #tpu.memory_space<vmem>>, vector<1x16xi32>,
    %swap3A_66 = vector.shape_cast %swap3A_65 : vector<1x16xi32> to vector<16xi32>
    %swap3A_67 = vector.shape_cast %add3A_61 : vector<16xi32> to vector<1x16xi32>
    tpu.vector_store %arg9[%swap3A_63, %swap3A_64], %swap3A_67 {strides = array<i32>} : memref<3x128xi32, #tpu.memory_space<vmem>>, vector<1x16xi32>,
    %get3A_68 = arith.constant 0 : i32
    %get3A_69 = arith.index_cast %get3A_68 : i32 to index
    %get3A_70 = arith.constant 80 : index
    %get3A_71 = tpu.vector_load %arg8[%get3A_69, %get3A_70] {strides = array<i32>} : memref<3x128xi32, #tpu.memory_space<vmem>>, vector<1x16xi32>,
    %get3A_72 = vector.shape_cast %get3A_71 : vector<1x16xi32> to vector<16xi32>
    %add3A_73 = vector.broadcast %mul3A_4 : i32 to vector<16xi32>
    %add3A_74 = arith.addi %get3A_72, %add3A_73 : vector<16xi32>
    %swap3A_75 = arith.constant 0 : i32
    %swap3A_76 = arith.index_cast %swap3A_75 : i32 to index
    %swap3A_77 = arith.constant 80 : index
    %swap3A_78 = tpu.vector_load %arg9[%swap3A_76, %swap3A_77] {strides = array<i32>} : memref<3x128xi32, #tpu.memory_space<vmem>>, vector<1x16xi32>,
    %swap3A_79 = vector.shape_cast %swap3A_78 : vector<1x16xi32> to vector<16xi32>
    %swap3A_80 = vector.shape_cast %add3A_74 : vector<16xi32> to vector<1x16xi32>
    tpu.vector_store %arg9[%swap3A_76, %swap3A_77], %swap3A_80 {strides = array<i32>} : memref<3x128xi32, #tpu.memory_space<vmem>>, vector<1x16xi32>,
    %get3A_81 = arith.constant 0 : i32
    %get3A_82 = arith.index_cast %get3A_81 : i32 to index
    %get3A_83 = arith.constant 96 : index
    %get3A_84 = tpu.vector_load %arg8[%get3A_82, %get3A_83] {strides = array<i32>} : memref<3x128xi32, #tpu.memory_space<vmem>>, vector<1x16xi32>,
    %get3A_85 = vector.shape_cast %get3A_84 : vector<1x16xi32> to vector<16xi32>
    %add3A_86 = vector.broadcast %mul3A_4 : i32 to vector<16xi32>
    %add3A_87 = arith.addi %get3A_85, %add3A_86 : vector<16xi32>
    %swap3A_88 = arith.constant 0 : i32
    %swap3A_89 = arith.index_cast %swap3A_88 : i32 to index
    %swap3A_90 = arith.constant 96 : index
    %swap3A_91 = tpu.vector_load %arg9[%swap3A_89, %swap3A_90] {strides = array<i32>} : memref<3x128xi32, #tpu.memory_space<vmem>>, vector<1x16xi32>,
    %swap3A_92 = vector.shape_cast %swap3A_91 : vector<1x16xi32> to vector<16xi32>
    %swap3A_93 = vector.shape_cast %add3A_87 : vector<16xi32> to vector<1x16xi32>
    tpu.vector_store %arg9[%swap3A_89, %swap3A_90], %swap3A_93 {strides = array<i32>} : memref<3x128xi32, #tpu.memory_space<vmem>>, vector<1x16xi32>,
    %get3A_94 = arith.constant 0 : i32
    %get3A_95 = arith.index_cast %get3A_94 : i32 to index
    %get3A_96 = arith.constant 112 : index
    %get3A_97 = tpu.vector_load %arg8[%get3A_95, %get3A_96] {strides = array<i32>} : memref<3x128xi32, #tpu.memory_space<vmem>>, vector<1x16xi32>,
    %get3A_98 = vector.shape_cast %get3A_97 : vector<1x16xi32> to vector<16xi32>
    %add3A_99 = vector.broadcast %mul3A_4 : i32 to vector<16xi32>
    %add3A_100 = arith.addi %get3A_98, %add3A_99 : vector<16xi32>
    %swap3A_101 = arith.constant 0 : i32
    %swap3A_102 = arith.index_cast %swap3A_101 : i32 to index
    %swap3A_103 = arith.constant 112 : index
    %swap3A_104 = tpu.vector_load %arg9[%swap3A_102, %swap3A_103] {strides = array<i32>} : memref<3x128xi32, #tpu.memory_space<vmem>>, vector<1x16xi32>,
    %swap3A_105 = vector.shape_cast %swap3A_104 : vector<1x16xi32> to vector<16xi32>
    %swap3A_106 = vector.shape_cast %add3A_100 : vector<16xi32> to vector<1x16xi32>
    tpu.vector_store %arg9[%swap3A_102, %swap3A_103], %swap3A_106 {strides = array<i32>} : memref<3x128xi32, #tpu.memory_space<vmem>>, vector<1x16xi32>,
    %get3A_107 = arith.constant 1 : i32
    %get3A_108 = arith.index_cast %get3A_107 : i32 to index
    %get3A_109 = arith.constant 0 : index
    %get3A_110 = tpu.vector_load %arg8[%get3A_108, %get3A_109] {strides = array<i32>} : memref<3x128xi32, #tpu.memory_space<vmem>>, vector<1x16xi32>,
    %get3A_111 = vector.shape_cast %get3A_110 : vector<1x16xi32> to vector<16xi32>
    %add3A_112 = vector.broadcast %mul3A_4 : i32 to vector<16xi32>
    %add3A_113 = arith.addi %get3A_111, %add3A_112 : vector<16xi32>
    %swap3A_114 = arith.constant 1 : i32
    %swap3A_115 = arith.index_cast %swap3A_114 : i32 to index
    %swap3A_116 = arith.constant 0 : index
    %swap3A_117 = tpu.vector_load %arg9[%swap3A_115, %swap3A_116] {strides = array<i32>} : memref<3x128xi32, #tpu.memory_space<vmem>>, vector<1x16xi32>,
    %swap3A_118 = vector.shape_cast %swap3A_117 : vector<1x16xi32> to vector<16xi32>
    %swap3A_119 = vector.shape_cast %add3A_113 : vector<16xi32> to vector<1x16xi32>
    tpu.vector_store %arg9[%swap3A_115, %swap3A_116], %swap3A_119 {strides = array<i32>} : memref<3x128xi32, #tpu.memory_space<vmem>>, vector<1x16xi32>,
    %get3A_120 = arith.constant 1 : i32
    %get3A_121 = arith.index_cast %get3A_120 : i32 to index
    %get3A_122 = arith.constant 16 : index
    %get3A_123 = tpu.vector_load %arg8[%get3A_121, %get3A_122] {strides = array<i32>} : memref<3x128xi32, #tpu.memory_space<vmem>>, vector<1x16xi32>,
    %get3A_124 = vector.shape_cast %get3A_123 : vector<1x16xi32> to vector<16xi32>
    %add3A_125 = vector.broadcast %mul3A_4 : i32 to vector<16xi32>
    %add3A_126 = arith.addi %get3A_124, %add3A_125 : vector<16xi32>
    %swap3A_127 = arith.constant 1 : i32
    %swap3A_128 = arith.index_cast %swap3A_127 : i32 to index
    %swap3A_129 = arith.constant 16 : index
    %swap3A_130 = tpu.vector_load %arg9[%swap3A_128, %swap3A_129] {strides = array<i32>} : memref<3x128xi32, #tpu.memory_space<vmem>>, vector<1x16xi32>,
    %swap3A_131 = vector.shape_cast %swap3A_130 : vector<1x16xi32> to vector<16xi32>
    %swap3A_132 = vector.shape_cast %add3A_126 : vector<16xi32> to vector<1x16xi32>
    tpu.vector_store %arg9[%swap3A_128, %swap3A_129], %swap3A_132 {strides = array<i32>} : memref<3x128xi32, #tpu.memory_space<vmem>>, vector<1x16xi32>,
    %get3A_133 = arith.constant 1 : i32
    %get3A_134 = arith.index_cast %get3A_133 : i32 to index
    %get3A_135 = arith.constant 32 : index
    %get3A_136 = tpu.vector_load %arg8[%get3A_134, %get3A_135] {strides = array<i32>} : memref<3x128xi32, #tpu.memory_space<vmem>>, vector<1x16xi32>,
    %get3A_137 = vector.shape_cast %get3A_136 : vector<1x16xi32> to vector<16xi32>
    %add3A_138 = vector.broadcast %mul3A_4 : i32 to vector<16xi32>
    %add3A_139 = arith.addi %get3A_137, %add3A_138 : vector<16xi32>
    %swap3A_140 = arith.constant 1 : i32
    %swap3A_141 = arith.index_cast %swap3A_140 : i32 to index
    %swap3A_142 = arith.constant 32 : index
    %swap3A_143 = tpu.vector_load %arg9[%swap3A_141, %swap3A_142] {strides = array<i32>} : memref<3x128xi32, #tpu.memory_space<vmem>>, vector<1x16xi32>,
    %swap3A_144 = vector.shape_cast %swap3A_143 : vector<1x16xi32> to vector<16xi32>
    %swap3A_145 = vector.shape_cast %add3A_139 : vector<16xi32> to vector<1x16xi32>
    tpu.vector_store %arg9[%swap3A_141, %swap3A_142], %swap3A_145 {strides = array<i32>} : memref<3x128xi32, #tpu.memory_space<vmem>>, vector<1x16xi32>,
    %get3A_146 = arith.constant 1 : i32
    %get3A_147 = arith.index_cast %get3A_146 : i32 to index
    %get3A_148 = arith.constant 48 : index
    %get3A_149 = tpu.vector_load %arg8[%get3A_147, %get3A_148] {strides = array<i32>} : memref<3x128xi32, #tpu.memory_space<vmem>>, vector<1x16xi32>,
    %get3A_150 = vector.shape_cast %get3A_149 : vector<1x16xi32> to vector<16xi32>
    %add3A_151 = vector.broadcast %mul3A_4 : i32 to vector<16xi32>
    %add3A_152 = arith.addi %get3A_150, %add3A_151 : vector<16xi32>
    %swap3A_153 = arith.constant 1 : i32
    %swap3A_154 = arith.index_cast %swap3A_153 : i32 to index
    %swap3A_155 = arith.constant 48 : index
    %swap3A_156 = tpu.vector_load %arg9[%swap3A_154, %swap3A_155] {strides = array<i32>} : memref<3x128xi32, #tpu.memory_space<vmem>>, vector<1x16xi32>,
    %swap3A_157 = vector.shape_cast %swap3A_156 : vector<1x16xi32> to vector<16xi32>
    %swap3A_158 = vector.shape_cast %add3A_152 : vector<16xi32> to vector<1x16xi32>
    tpu.vector_store %arg9[%swap3A_154, %swap3A_155], %swap3A_158 {strides = array<i32>} : memref<3x128xi32, #tpu.memory_space<vmem>>, vector<1x16xi32>,
    %get3A_159 = arith.constant 1 : i32
    %get3A_160 = arith.index_cast %get3A_159 : i32 to index
    %get3A_161 = arith.constant 64 : index
    %get3A_162 = tpu.vector_load %arg8[%get3A_160, %get3A_161] {strides = array<i32>} : memref<3x128xi32, #tpu.memory_space<vmem>>, vector<1x16xi32>,
    %get3A_163 = vector.shape_cast %get3A_162 : vector<1x16xi32> to vector<16xi32>
    %add3A_164 = vector.broadcast %mul3A_4 : i32 to vector<16xi32>
    %add3A_165 = arith.addi %get3A_163, %add3A_164 : vector<16xi32>
    %swap3A_166 = arith.constant 1 : i32
    %swap3A_167 = arith.index_cast %swap3A_166 : i32 to index
    %swap3A_168 = arith.constant 64 : index
    %swap3A_169 = tpu.vector_load %arg9[%swap3A_167, %swap3A_168] {strides = array<i32>} : memref<3x128xi32, #tpu.memory_space<vmem>>, vector<1x16xi32>,
    %swap3A_170 = vector.shape_cast %swap3A_169 : vector<1x16xi32> to vector<16xi32>
    %swap3A_171 = vector.shape_cast %add3A_165 : vector<16xi32> to vector<1x16xi32>
    tpu.vector_store %arg9[%swap3A_167, %swap3A_168], %swap3A_171 {strides = array<i32>} : memref<3x128xi32, #tpu.memory_space<vmem>>, vector<1x16xi32>,
    %get3A_172 = arith.constant 1 : i32
    %get3A_173 = arith.index_cast %get3A_172 : i32 to index
    %get3A_174 = arith.constant 80 : index
    %get3A_175 = tpu.vector_load %arg8[%get3A_173, %get3A_174] {strides = array<i32>} : memref<3x128xi32, #tpu.memory_space<vmem>>, vector<1x16xi32>,
    %get3A_176 = vector.shape_cast %get3A_175 : vector<1x16xi32> to vector<16xi32>
    %add3A_177 = vector.broadcast %mul3A_4 : i32 to vector<16xi32>
    %add3A_178 = arith.addi %get3A_176, %add3A_177 : vector<16xi32>
    %swap3A_179 = arith.constant 1 : i32
    %swap3A_180 = arith.index_cast %swap3A_179 : i32 to index
    %swap3A_181 = arith.constant 80 : index
    %swap3A_182 = tpu.vector_load %arg9[%swap3A_180, %swap3A_181] {strides = array<i32>} : memref<3x128xi32, #tpu.memory_space<vmem>>, vector<1x16xi32>,
    %swap3A_183 = vector.shape_cast %swap3A_182 : vector<1x16xi32> to vector<16xi32>
    %swap3A_184 = vector.shape_cast %add3A_178 : vector<16xi32> to vector<1x16xi32>
    tpu.vector_store %arg9[%swap3A_180, %swap3A_181], %swap3A_184 {strides = array<i32>} : memref<3x128xi32, #tpu.memory_space<vmem>>, vector<1x16xi32>,
    %get3A_185 = arith.constant 1 : i32
    %get3A_186 = arith.index_cast %get3A_185 : i32 to index
    %get3A_187 = arith.constant 96 : index
    %get3A_188 = tpu.vector_load %arg8[%get3A_186, %get3A_187] {strides = array<i32>} : memref<3x128xi32, #tpu.memory_space<vmem>>, vector<1x16xi32>,
    %get3A_189 = vector.shape_cast %get3A_188 : vector<1x16xi32> to vector<16xi32>
    %add3A_190 = vector.broadcast %mul3A_4 : i32 to vector<16xi32>
    %add3A_191 = arith.addi %get3A_189, %add3A_190 : vector<16xi32>
    %swap3A_192 = arith.constant 1 : i32
    %swap3A_193 = arith.index_cast %swap3A_192 : i32 to index
    %swap3A_194 = arith.constant 96 : index
    %swap3A_195 = tpu.vector_load %arg9[%swap3A_193, %swap3A_194] {strides = array<i32>} : memref<3x128xi32, #tpu.memory_space<vmem>>, vector<1x16xi32>,
    %swap3A_196 = vector.shape_cast %swap3A_195 : vector<1x16xi32> to vector<16xi32>
    %swap3A_197 = vector.shape_cast %add3A_191 : vector<16xi32> to vector<1x16xi32>
    tpu.vector_store %arg9[%swap3A_193, %swap3A_194], %swap3A_197 {strides = array<i32>} : memref<3x128xi32, #tpu.memory_space<vmem>>, vector<1x16xi32>,
    %get3A_198 = arith.constant 1 : i32
    %get3A_199 = arith.index_cast %get3A_198 : i32 to index
    %get3A_200 = arith.constant 112 : index
    %get3A_201 = tpu.vector_load %arg8[%get3A_199, %get3A_200] {strides = array<i32>} : memref<3x128xi32, #tpu.memory_space<vmem>>, vector<1x16xi32>,
    %get3A_202 = vector.shape_cast %get3A_201 : vector<1x16xi32> to vector<16xi32>
    %add3A_203 = vector.broadcast %mul3A_4 : i32 to vector<16xi32>
    %add3A_204 = arith.addi %get3A_202, %add3A_203 : vector<16xi32>
    %swap3A_205 = arith.constant 1 : i32
    %swap3A_206 = arith.index_cast %swap3A_205 : i32 to index
    %swap3A_207 = arith.constant 112 : index
    %swap3A_208 = tpu.vector_load %arg9[%swap3A_206, %swap3A_207] {strides = array<i32>} : memref<3x128xi32, #tpu.memory_space<vmem>>, vector<1x16xi32>,
    %swap3A_209 = vector.shape_cast %swap3A_208 : vector<1x16xi32> to vector<16xi32>
    %swap3A_210 = vector.shape_cast %add3A_204 : vector<16xi32> to vector<1x16xi32>
    tpu.vector_store %arg9[%swap3A_206, %swap3A_207], %swap3A_210 {strides = array<i32>} : memref<3x128xi32, #tpu.memory_space<vmem>>, vector<1x16xi32>,
    %get3A_211 = arith.constant 2 : i32
    %get3A_212 = arith.index_cast %get3A_211 : i32 to index
    %get3A_213 = arith.constant 0 : index
    %get3A_214 = tpu.vector_load %arg8[%get3A_212, %get3A_213] {strides = array<i32>} : memref<3x128xi32, #tpu.memory_space<vmem>>, vector<1x16xi32>,
    %get3A_215 = vector.shape_cast %get3A_214 : vector<1x16xi32> to vector<16xi32>
    %add3A_216 = vector.broadcast %mul3A_4 : i32 to vector<16xi32>
    %add3A_217 = arith.addi %get3A_215, %add3A_216 : vector<16xi32>
    %swap3A_218 = arith.constant 2 : i32
    %swap3A_219 = arith.index_cast %swap3A_218 : i32 to index
    %swap3A_220 = arith.constant 0 : index
    %swap3A_221 = tpu.vector_load %arg9[%swap3A_219, %swap3A_220] {strides = array<i32>} : memref<3x128xi32, #tpu.memory_space<vmem>>, vector<1x16xi32>,
    %swap3A_222 = vector.shape_cast %swap3A_221 : vector<1x16xi32> to vector<16xi32>
    %swap3A_223 = vector.shape_cast %add3A_217 : vector<16xi32> to vector<1x16xi32>
    tpu.vector_store %arg9[%swap3A_219, %swap3A_220], %swap3A_223 {strides = array<i32>} : memref<3x128xi32, #tpu.memory_space<vmem>>, vector<1x16xi32>,
    %get3A_224 = arith.constant 2 : i32
    %get3A_225 = arith.index_cast %get3A_224 : i32 to index
    %get3A_226 = arith.constant 16 : index
    %get3A_227 = tpu.vector_load %arg8[%get3A_225, %get3A_226] {strides = array<i32>} : memref<3x128xi32, #tpu.memory_space<vmem>>, vector<1x16xi32>,
    %get3A_228 = vector.shape_cast %get3A_227 : vector<1x16xi32> to vector<16xi32>
    %add3A_229 = vector.broadcast %mul3A_4 : i32 to vector<16xi32>
    %add3A_230 = arith.addi %get3A_228, %add3A_229 : vector<16xi32>
    %swap3A_231 = arith.constant 2 : i32
    %swap3A_232 = arith.index_cast %swap3A_231 : i32 to index
    %swap3A_233 = arith.constant 16 : index
    %swap3A_234 = tpu.vector_load %arg9[%swap3A_232, %swap3A_233] {strides = array<i32>} : memref<3x128xi32, #tpu.memory_space<vmem>>, vector<1x16xi32>,
    %swap3A_235 = vector.shape_cast %swap3A_234 : vector<1x16xi32> to vector<16xi32>
    %swap3A_236 = vector.shape_cast %add3A_230 : vector<16xi32> to vector<1x16xi32>
    tpu.vector_store %arg9[%swap3A_232, %swap3A_233], %swap3A_236 {strides = array<i32>} : memref<3x128xi32, #tpu.memory_space<vmem>>, vector<1x16xi32>,
    %get3A_237 = arith.constant 2 : i32
    %get3A_238 = arith.index_cast %get3A_237 : i32 to index
    %get3A_239 = arith.constant 32 : index
    %get3A_240 = tpu.vector_load %arg8[%get3A_238, %get3A_239] {strides = array<i32>} : memref<3x128xi32, #tpu.memory_space<vmem>>, vector<1x16xi32>,
    %get3A_241 = vector.shape_cast %get3A_240 : vector<1x16xi32> to vector<16xi32>
    %add3A_242 = vector.broadcast %mul3A_4 : i32 to vector<16xi32>
    %add3A_243 = arith.addi %get3A_241, %add3A_242 : vector<16xi32>
    %swap3A_244 = arith.constant 2 : i32
    %swap3A_245 = arith.index_cast %swap3A_244 : i32 to index
    %swap3A_246 = arith.constant 32 : index
    %swap3A_247 = tpu.vector_load %arg9[%swap3A_245, %swap3A_246] {strides = array<i32>} : memref<3x128xi32, #tpu.memory_space<vmem>>, vector<1x16xi32>,
    %swap3A_248 = vector.shape_cast %swap3A_247 : vector<1x16xi32> to vector<16xi32>
    %swap3A_249 = vector.shape_cast %add3A_243 : vector<16xi32> to vector<1x16xi32>
    tpu.vector_store %arg9[%swap3A_245, %swap3A_246], %swap3A_249 {strides = array<i32>} : memref<3x128xi32, #tpu.memory_space<vmem>>, vector<1x16xi32>,
    %get3A_250 = arith.constant 2 : i32
    %get3A_251 = arith.index_cast %get3A_250 : i32 to index
    %get3A_252 = arith.constant 48 : index
    %get3A_253 = tpu.vector_load %arg8[%get3A_251, %get3A_252] {strides = array<i32>} : memref<3x128xi32, #tpu.memory_space<vmem>>, vector<1x16xi32>,
    %get3A_254 = vector.shape_cast %get3A_253 : vector<1x16xi32> to vector<16xi32>
    %add3A_255 = vector.broadcast %mul3A_4 : i32 to vector<16xi32>
    %add3A_256 = arith.addi %get3A_254, %add3A_255 : vector<16xi32>
    %swap3A_257 = arith.constant 2 : i32
    %swap3A_258 = arith.index_cast %swap3A_257 : i32 to index
    %swap3A_259 = arith.constant 48 : index
    %swap3A_260 = tpu.vector_load %arg9[%swap3A_258, %swap3A_259] {strides = array<i32>} : memref<3x128xi32, #tpu.memory_space<vmem>>, vector<1x16xi32>,
    %swap3A_261 = vector.shape_cast %swap3A_260 : vector<1x16xi32> to vector<16xi32>
    %swap3A_262 = vector.shape_cast %add3A_256 : vector<16xi32> to vector<1x16xi32>
    tpu.vector_store %arg9[%swap3A_258, %swap3A_259], %swap3A_262 {strides = array<i32>} : memref<3x128xi32, #tpu.memory_space<vmem>>, vector<1x16xi32>,
    %get3A_263 = arith.constant 2 : i32
    %get3A_264 = arith.index_cast %get3A_263 : i32 to index
    %get3A_265 = arith.constant 64 : index
    %get3A_266 = tpu.vector_load %arg8[%get3A_264, %get3A_265] {strides = array<i32>} : memref<3x128xi32, #tpu.memory_space<vmem>>, vector<1x16xi32>,
    %get3A_267 = vector.shape_cast %get3A_266 : vector<1x16xi32> to vector<16xi32>
    %add3A_268 = vector.broadcast %mul3A_4 : i32 to vector<16xi32>
    %add3A_269 = arith.addi %get3A_267, %add3A_268 : vector<16xi32>
    %swap3A_270 = arith.constant 2 : i32
    %swap3A_271 = arith.index_cast %swap3A_270 : i32 to index
    %swap3A_272 = arith.constant 64 : index
    %swap3A_273 = tpu.vector_load %arg9[%swap3A_271, %swap3A_272] {strides = array<i32>} : memref<3x128xi32, #tpu.memory_space<vmem>>, vector<1x16xi32>,
    %swap3A_274 = vector.shape_cast %swap3A_273 : vector<1x16xi32> to vector<16xi32>
    %swap3A_275 = vector.shape_cast %add3A_269 : vector<16xi32> to vector<1x16xi32>
    tpu.vector_store %arg9[%swap3A_271, %swap3A_272], %swap3A_275 {strides = array<i32>} : memref<3x128xi32, #tpu.memory_space<vmem>>, vector<1x16xi32>,
    %get3A_276 = arith.constant 2 : i32
    %get3A_277 = arith.index_cast %get3A_276 : i32 to index
    %get3A_278 = arith.constant 80 : index
    %get3A_279 = tpu.vector_load %arg8[%get3A_277, %get3A_278] {strides = array<i32>} : memref<3x128xi32, #tpu.memory_space<vmem>>, vector<1x16xi32>,
    %get3A_280 = vector.shape_cast %get3A_279 : vector<1x16xi32> to vector<16xi32>
    %add3A_281 = vector.broadcast %mul3A_4 : i32 to vector<16xi32>
    %add3A_282 = arith.addi %get3A_280, %add3A_281 : vector<16xi32>
    %swap3A_283 = arith.constant 2 : i32
    %swap3A_284 = arith.index_cast %swap3A_283 : i32 to index
    %swap3A_285 = arith.constant 80 : index
    %swap3A_286 = tpu.vector_load %arg9[%swap3A_284, %swap3A_285] {strides = array<i32>} : memref<3x128xi32, #tpu.memory_space<vmem>>, vector<1x16xi32>,
    %swap3A_287 = vector.shape_cast %swap3A_286 : vector<1x16xi32> to vector<16xi32>
    %swap3A_288 = vector.shape_cast %add3A_282 : vector<16xi32> to vector<1x16xi32>
    tpu.vector_store %arg9[%swap3A_284, %swap3A_285], %swap3A_288 {strides = array<i32>} : memref<3x128xi32, #tpu.memory_space<vmem>>, vector<1x16xi32>,
    %get3A_289 = arith.constant 2 : i32
    %get3A_290 = arith.index_cast %get3A_289 : i32 to index
    %get3A_291 = arith.constant 96 : index
    %get3A_292 = tpu.vector_load %arg8[%get3A_290, %get3A_291] {strides = array<i32>} : memref<3x128xi32, #tpu.memory_space<vmem>>, vector<1x16xi32>,
    %get3A_293 = vector.shape_cast %get3A_292 : vector<1x16xi32> to vector<16xi32>
    %add3A_294 = vector.broadcast %mul3A_4 : i32 to vector<16xi32>
    %add3A_295 = arith.addi %get3A_293, %add3A_294 : vector<16xi32>
    %swap3A_296 = arith.constant 2 : i32
    %swap3A_297 = arith.index_cast %swap3A_296 : i32 to index
    %swap3A_298 = arith.constant 96 : index
    %swap3A_299 = tpu.vector_load %arg9[%swap3A_297, %swap3A_298] {strides = array<i32>} : memref<3x128xi32, #tpu.memory_space<vmem>>, vector<1x16xi32>,
    %swap3A_300 = vector.shape_cast %swap3A_299 : vector<1x16xi32> to vector<16xi32>
    %swap3A_301 = vector.shape_cast %add3A_295 : vector<16xi32> to vector<1x16xi32>
    tpu.vector_store %arg9[%swap3A_297, %swap3A_298], %swap3A_301 {strides = array<i32>} : memref<3x128xi32, #tpu.memory_space<vmem>>, vector<1x16xi32>,
    %get3A_302 = arith.constant 2 : i32
    %get3A_303 = arith.index_cast %get3A_302 : i32 to index
    %get3A_304 = arith.constant 112 : index
    %get3A_305 = tpu.vector_load %arg8[%get3A_303, %get3A_304] {strides = array<i32>} : memref<3x128xi32, #tpu.memory_space<vmem>>, vector<1x16xi32>,
    %get3A_306 = vector.shape_cast %get3A_305 : vector<1x16xi32> to vector<16xi32>
    %add3A_307 = vector.broadcast %mul3A_4 : i32 to vector<16xi32>
    %add3A_308 = arith.addi %get3A_306, %add3A_307 : vector<16xi32>
    %swap3A_309 = arith.constant 2 : i32
    %swap3A_310 = arith.index_cast %swap3A_309 : i32 to index
    %swap3A_311 = arith.constant 112 : index
    %swap3A_312 = tpu.vector_load %arg9[%swap3A_310, %swap3A_311] {strides = array<i32>} : memref<3x128xi32, #tpu.memory_space<vmem>>, vector<1x16xi32>,
    %swap3A_313 = vector.shape_cast %swap3A_312 : vector<1x16xi32> to vector<16xi32>
    %swap3A_314 = vector.shape_cast %add3A_308 : vector<16xi32> to vector<1x16xi32>
    tpu.vector_store %arg9[%swap3A_310, %swap3A_311], %swap3A_314 {strides = array<i32>} : memref<3x128xi32, #tpu.memory_space<vmem>>, vector<1x16xi32>,
    %dma_start3A = arith.constant 0 : i32
    %dma_start3A_315 = arith.constant 0 : i32
    %dma_start3A_316 = tpu.memref_slice %arg7[%dma_start3A, %dma_start3A_315] : memref<50x128xi32, #tpu.memory_space<vmem>> -> memref<1x128xi32, #tpu.memory_space<vmem>>
    %dma_start3A_317 = tpu.memref_squeeze %dma_start3A_316 : memref<1x128xi32, #tpu.memory_space<vmem>> -> memref<128xi32, #tpu.memory_space<vmem>>
    %dma_start3A_318 = arith.constant 0 : i32
    %dma_start3A_319 = arith.constant 0 : i32
    %dma_start3A_320 = tpu.memref_slice %arg4[%dma_start3A_318, %dma_start3A_319] : memref<100000x128xf32, #tpu.memory_space<hbm>> -> memref<100000x128xf32, #tpu.memory_space<hbm>>
    tpu.enqueue_indirect_dma source(%dma_start3A_320 : memref<100000x128xf32, #tpu.memory_space<hbm>>) target(%arg10 : memref<128x128xf32, #tpu.memory_space<vmem>>) offsets(%dma_start3A_317 : memref<128xi32, #tpu.memory_space<vmem>>) semaphore(%arg14 : memref<!tpu.dma_semaphore, #tpu.memory_space<semaphore_mem>>)
    %add3A_321 = arith.constant 0 : i32
    %add3A_322 = arith.addi %add3A_321, %mul3A_2 : i32
    %add3A_323 = arith.constant 0 : i32
    %add3A_324 = arith.addi %mul3A_4, %add3A_323 : i32
    %dma_start3A_325 = arith.constant 0 : i32
    %dma_start3A_326 = tpu.memref_slice %arg13[%add3A_324, %dma_start3A_325] : memref<6144x128xf32, #tpu.memory_space<vmem_shared>> -> memref<128x128xf32, #tpu.memory_space<vmem_shared>>
    %dma_start3A_327 = arith.constant 0 : i32
    %dma_start3A_328 = tpu.memref_slice %arg2[%add3A_322, %dma_start3A_327] : memref<204800x128xf32, #tpu.memory_space<hbm>> -> memref<128x128xf32, #tpu.memory_space<hbm>>
    tpu.enqueue_dma source(%dma_start3A_328 : memref<128x128xf32, #tpu.memory_space<hbm>>) target(%dma_start3A_326 : memref<128x128xf32, #tpu.memory_space<vmem_shared>>) target_semaphore(%arg17 : memref<!tpu.dma_semaphore, #tpu.memory_space<semaphore_mem>>)
    %dma_start3A_329 = arith.constant 1 : i32
    %dma_start3A_330 = arith.constant 0 : i32
    %dma_start3A_331 = tpu.memref_slice %arg7[%dma_start3A_329, %dma_start3A_330] : memref<50x128xi32, #tpu.memory_space<vmem>> -> memref<1x128xi32, #tpu.memory_space<vmem>>
    %dma_start3A_332 = tpu.memref_squeeze %dma_start3A_331 : memref<1x128xi32, #tpu.memory_space<vmem>> -> memref<128xi32, #tpu.memory_space<vmem>>
    %dma_start3A_333 = arith.constant 0 : i32
    %dma_start3A_334 = arith.constant 0 : i32
    %dma_start3A_335 = tpu.memref_slice %arg4[%dma_start3A_333, %dma_start3A_334] : memref<100000x128xf32, #tpu.memory_space<hbm>> -> memref<100000x128xf32, #tpu.memory_space<hbm>>
    tpu.enqueue_indirect_dma source(%dma_start3A_335 : memref<100000x128xf32, #tpu.memory_space<hbm>>) target(%arg11 : memref<128x128xf32, #tpu.memory_space<vmem>>) offsets(%dma_start3A_332 : memref<128xi32, #tpu.memory_space<vmem>>) semaphore(%arg15 : memref<!tpu.dma_semaphore, #tpu.memory_space<semaphore_mem>>)
    %add3A_336 = arith.constant 4096 : i32
    %add3A_337 = arith.addi %add3A_336, %mul3A_2 : i32
    %add3A_338 = arith.constant 128 : i32
    %add3A_339 = arith.addi %mul3A_4, %add3A_338 : i32
    %dma_start3A_340 = arith.constant 0 : i32
    %dma_start3A_341 = tpu.memref_slice %arg13[%add3A_339, %dma_start3A_340] : memref<6144x128xf32, #tpu.memory_space<vmem_shared>> -> memref<128x128xf32, #tpu.memory_space<vmem_shared>>
    %dma_start3A_342 = arith.constant 0 : i32
    %dma_start3A_343 = tpu.memref_slice %arg2[%add3A_337, %dma_start3A_342] : memref<204800x128xf32, #tpu.memory_space<hbm>> -> memref<128x128xf32, #tpu.memory_space<hbm>>
    tpu.enqueue_dma source(%dma_start3A_343 : memref<128x128xf32, #tpu.memory_space<hbm>>) target(%dma_start3A_341 : memref<128x128xf32, #tpu.memory_space<vmem_shared>>) target_semaphore(%arg18 : memref<!tpu.dma_semaphore, #tpu.memory_space<semaphore_mem>>)
    %dma_start3A_344 = arith.constant 2 : i32
    %dma_start3A_345 = arith.constant 0 : i32
    %dma_start3A_346 = tpu.memref_slice %arg7[%dma_start3A_344, %dma_start3A_345] : memref<50x128xi32, #tpu.memory_space<vmem>> -> memref<1x128xi32, #tpu.memory_space<vmem>>
    %dma_start3A_347 = tpu.memref_squeeze %dma_start3A_346 : memref<1x128xi32, #tpu.memory_space<vmem>> -> memref<128xi32, #tpu.memory_space<vmem>>
    %dma_start3A_348 = arith.constant 0 : i32
    %dma_start3A_349 = arith.constant 0 : i32
    %dma_start3A_350 = tpu.memref_slice %arg4[%dma_start3A_348, %dma_start3A_349] : memref<100000x128xf32, #tpu.memory_space<hbm>> -> memref<100000x128xf32, #tpu.memory_space<hbm>>
    tpu.enqueue_indirect_dma source(%dma_start3A_350 : memref<100000x128xf32, #tpu.memory_space<hbm>>) target(%arg12 : memref<128x128xf32, #tpu.memory_space<vmem>>) offsets(%dma_start3A_347 : memref<128xi32, #tpu.memory_space<vmem>>) semaphore(%arg16 : memref<!tpu.dma_semaphore, #tpu.memory_space<semaphore_mem>>)
    %add3A_351 = arith.constant 8192 : i32
    %add3A_352 = arith.addi %add3A_351, %mul3A_2 : i32
    %add3A_353 = arith.constant 256 : i32
    %add3A_354 = arith.addi %mul3A_4, %add3A_353 : i32
    %dma_start3A_355 = arith.constant 0 : i32
    %dma_start3A_356 = tpu.memref_slice %arg13[%add3A_354, %dma_start3A_355] : memref<6144x128xf32, #tpu.memory_space<vmem_shared>> -> memref<128x128xf32, #tpu.memory_space<vmem_shared>>
    %dma_start3A_357 = arith.constant 0 : i32
    %dma_start3A_358 = tpu.memref_slice %arg2[%add3A_352, %dma_start3A_357] : memref<204800x128xf32, #tpu.memory_space<hbm>> -> memref<128x128xf32, #tpu.memory_space<hbm>>
    tpu.enqueue_dma source(%dma_start3A_358 : memref<128x128xf32, #tpu.memory_space<hbm>>) target(%dma_start3A_356 : memref<128x128xf32, #tpu.memory_space<vmem_shared>>) target_semaphore(%arg19 : memref<!tpu.dma_semaphore, #tpu.memory_space<semaphore_mem>>)
    %dma_wait3A = arith.constant 0 : i32
    %dma_wait3A_359 = arith.constant 0 : i32
    %dma_wait3A_360 = tpu.memref_slice %arg7[%dma_wait3A, %dma_wait3A_359] : memref<50x128xi32, #tpu.memory_space<vmem>> -> memref<1x128xi32, #tpu.memory_space<vmem>>
    %dma_wait3A_361 = tpu.memref_squeeze %dma_wait3A_360 : memref<1x128xi32, #tpu.memory_space<vmem>> -> memref<128xi32, #tpu.memory_space<vmem>>
    %dma_wait3A_362 = arith.constant 0 : i32
    %dma_wait3A_363 = arith.constant 0 : i32
    %dma_wait3A_364 = tpu.memref_slice %arg4[%dma_wait3A_362, %dma_wait3A_363] : memref<100000x128xf32, #tpu.memory_space<hbm>> -> memref<100000x128xf32, #tpu.memory_space<hbm>>
    tpu.wait_indirect_dma semaphore(%arg14 : memref<!tpu.dma_semaphore, #tpu.memory_space<semaphore_mem>>) src(%dma_wait3A_364 : memref<100000x128xf32, #tpu.memory_space<hbm>>) dst(%arg10 : memref<128x128xf32, #tpu.memory_space<vmem>>)
    %dma_wait3A_365 = arith.constant 0 : i32
    %dma_wait3A_366 = tpu.memref_slice %arg13[%add3A_324, %dma_wait3A_365] : memref<6144x128xf32, #tpu.memory_space<vmem_shared>> -> memref<128x128xf32, #tpu.memory_space<vmem_shared>>
    %dma_wait3A_367 = arith.constant 0 : i32
    %dma_wait3A_368 = tpu.memref_slice %arg2[%add3A_322, %dma_wait3A_367] : memref<204800x128xf32, #tpu.memory_space<hbm>> -> memref<128x128xf32, #tpu.memory_space<hbm>>
    tpu.wait_dma2 semaphore(%arg17 : memref<!tpu.dma_semaphore, #tpu.memory_space<semaphore_mem>>) src(%dma_wait3A_368 : memref<128x128xf32, #tpu.memory_space<hbm>>) dst(%dma_wait3A_366 : memref<128x128xf32, #tpu.memory_space<vmem_shared>>)
    %dma_start3A_369 = arith.constant 0 : i32
    %dma_start3A_370 = arith.constant 0 : i32
    %dma_start3A_371 = tpu.memref_slice %arg9[%dma_start3A_369, %dma_start3A_370] : memref<3x128xi32, #tpu.memory_space<vmem>> -> memref<1x128xi32, #tpu.memory_space<vmem>>
    %dma_start3A_372 = tpu.memref_squeeze %dma_start3A_371 : memref<1x128xi32, #tpu.memory_space<vmem>> -> memref<128xi32, #tpu.memory_space<vmem>>
    %dma_start3A_373 = arith.constant 0 : i32
    %dma_start3A_374 = arith.constant 0 : i32
    %dma_start3A_375 = tpu.memref_slice %arg13[%dma_start3A_373, %dma_start3A_374] : memref<6144x128xf32, #tpu.memory_space<vmem_shared>> -> memref<6144x128xf32, #tpu.memory_space<vmem_shared>>
    tpu.enqueue_indirect_dma source(%arg10 : memref<128x128xf32, #tpu.memory_space<vmem>>) target(%dma_start3A_375 : memref<6144x128xf32, #tpu.memory_space<vmem_shared>>) offsets(%dma_start3A_372 : memref<128xi32, #tpu.memory_space<vmem>>) semaphore(%arg20 : memref<!tpu.dma_semaphore, #tpu.memory_space<semaphore_mem>>) {add = true}
    %dma_wait3A_376 = arith.constant 1 : i32
    %dma_wait3A_377 = arith.constant 0 : i32
    %dma_wait3A_378 = tpu.memref_slice %arg7[%dma_wait3A_376, %dma_wait3A_377] : memref<50x128xi32, #tpu.memory_space<vmem>> -> memref<1x128xi32, #tpu.memory_space<vmem>>
    %dma_wait3A_379 = tpu.memref_squeeze %dma_wait3A_378 : memref<1x128xi32, #tpu.memory_space<vmem>> -> memref<128xi32, #tpu.memory_space<vmem>>
    %dma_wait3A_380 = arith.constant 0 : i32
    %dma_wait3A_381 = arith.constant 0 : i32
    %dma_wait3A_382 = tpu.memref_slice %arg4[%dma_wait3A_380, %dma_wait3A_381] : memref<100000x128xf32, #tpu.memory_space<hbm>> -> memref<100000x128xf32, #tpu.memory_space<hbm>>
    tpu.wait_indirect_dma semaphore(%arg15 : memref<!tpu.dma_semaphore, #tpu.memory_space<semaphore_mem>>) src(%dma_wait3A_382 : memref<100000x128xf32, #tpu.memory_space<hbm>>) dst(%arg11 : memref<128x128xf32, #tpu.memory_space<vmem>>)
    %dma_wait3A_383 = arith.constant 0 : i32
    %dma_wait3A_384 = tpu.memref_slice %arg13[%add3A_339, %dma_wait3A_383] : memref<6144x128xf32, #tpu.memory_space<vmem_shared>> -> memref<128x128xf32, #tpu.memory_space<vmem_shared>>
    %dma_wait3A_385 = arith.constant 0 : i32
    %dma_wait3A_386 = tpu.memref_slice %arg2[%add3A_337, %dma_wait3A_385] : memref<204800x128xf32, #tpu.memory_space<hbm>> -> memref<128x128xf32, #tpu.memory_space<hbm>>
    tpu.wait_dma2 semaphore(%arg18 : memref<!tpu.dma_semaphore, #tpu.memory_space<semaphore_mem>>) src(%dma_wait3A_386 : memref<128x128xf32, #tpu.memory_space<hbm>>) dst(%dma_wait3A_384 : memref<128x128xf32, #tpu.memory_space<vmem_shared>>)
    %dma_start3A_387 = arith.constant 1 : i32
    %dma_start3A_388 = arith.constant 0 : i32
    %dma_start3A_389 = tpu.memref_slice %arg9[%dma_start3A_387, %dma_start3A_388] : memref<3x128xi32, #tpu.memory_space<vmem>> -> memref<1x128xi32, #tpu.memory_space<vmem>>
    %dma_start3A_390 = tpu.memref_squeeze %dma_start3A_389 : memref<1x128xi32, #tpu.memory_space<vmem>> -> memref<128xi32, #tpu.memory_space<vmem>>
    %dma_start3A_391 = arith.constant 0 : i32
    %dma_start3A_392 = arith.constant 0 : i32
    %dma_start3A_393 = tpu.memref_slice %arg13[%dma_start3A_391, %dma_start3A_392] : memref<6144x128xf32, #tpu.memory_space<vmem_shared>> -> memref<6144x128xf32, #tpu.memory_space<vmem_shared>>
    tpu.enqueue_indirect_dma source(%arg11 : memref<128x128xf32, #tpu.memory_space<vmem>>) target(%dma_start3A_393 : memref<6144x128xf32, #tpu.memory_space<vmem_shared>>) offsets(%dma_start3A_390 : memref<128xi32, #tpu.memory_space<vmem>>) semaphore(%arg21 : memref<!tpu.dma_semaphore, #tpu.memory_space<semaphore_mem>>) {add = true}
    %dma_wait3A_394 = arith.constant 0 : i32
    %dma_wait3A_395 = arith.constant 0 : i32
    %dma_wait3A_396 = tpu.memref_slice %arg9[%dma_wait3A_394, %dma_wait3A_395] : memref<3x128xi32, #tpu.memory_space<vmem>> -> memref<1x128xi32, #tpu.memory_space<vmem>>
    %dma_wait3A_397 = tpu.memref_squeeze %dma_wait3A_396 : memref<1x128xi32, #tpu.memory_space<vmem>> -> memref<128xi32, #tpu.memory_space<vmem>>
    %dma_wait3A_398 = arith.constant 0 : i32
    %dma_wait3A_399 = arith.constant 0 : i32
    %dma_wait3A_400 = tpu.memref_slice %arg13[%dma_wait3A_398, %dma_wait3A_399] : memref<6144x128xf32, #tpu.memory_space<vmem_shared>> -> memref<6144x128xf32, #tpu.memory_space<vmem_shared>>
    tpu.wait_indirect_dma semaphore(%arg20 : memref<!tpu.dma_semaphore, #tpu.memory_space<semaphore_mem>>) src(%arg10 : memref<128x128xf32, #tpu.memory_space<vmem>>) dst(%dma_wait3A_400 : memref<6144x128xf32, #tpu.memory_space<vmem_shared>>)
    %add3A_401 = arith.constant 0 : i32
    %add3A_402 = arith.addi %mul3A_4, %add3A_401 : i32
    %add3A_403 = arith.constant 0 : i32
    %add3A_404 = arith.addi %add3A_403, %mul3A_2 : i32
    %dma_start3A_405 = arith.constant 0 : i32
    %dma_start3A_406 = tpu.memref_slice %arg6[%add3A_404, %dma_start3A_405] : memref<204800x128xf32, #tpu.memory_space<hbm>> -> memref<128x128xf32, #tpu.memory_space<hbm>>
    %dma_start3A_407 = arith.constant 0 : i32
    %dma_start3A_408 = tpu.memref_slice %arg13[%add3A_402, %dma_start3A_407] : memref<6144x128xf32, #tpu.memory_space<vmem_shared>> -> memref<128x128xf32, #tpu.memory_space<vmem_shared>>
    tpu.enqueue_dma source(%dma_start3A_408 : memref<128x128xf32, #tpu.memory_space<vmem_shared>>) target(%dma_start3A_406 : memref<128x128xf32, #tpu.memory_space<hbm>>) target_semaphore(%arg23 : memref<!tpu.dma_semaphore, #tpu.memory_space<semaphore_mem>>)
    %dma_start3A_409 = arith.constant 3 : i32
    %dma_start3A_410 = arith.constant 0 : i32
    %dma_start3A_411 = tpu.memref_slice %arg7[%dma_start3A_409, %dma_start3A_410] : memref<50x128xi32, #tpu.memory_space<vmem>> -> memref<1x128xi32, #tpu.memory_space<vmem>>
    %dma_start3A_412 = tpu.memref_squeeze %dma_start3A_411 : memref<1x128xi32, #tpu.memory_space<vmem>> -> memref<128xi32, #tpu.memory_space<vmem>>
    %dma_start3A_413 = arith.constant 0 : i32
    %dma_start3A_414 = arith.constant 0 : i32
    %dma_start3A_415 = tpu.memref_slice %arg4[%dma_start3A_413, %dma_start3A_414] : memref<100000x128xf32, #tpu.memory_space<hbm>> -> memref<100000x128xf32, #tpu.memory_space<hbm>>
    tpu.enqueue_indirect_dma source(%dma_start3A_415 : memref<100000x128xf32, #tpu.memory_space<hbm>>) target(%arg10 : memref<128x128xf32, #tpu.memory_space<vmem>>) offsets(%dma_start3A_412 : memref<128xi32, #tpu.memory_space<vmem>>) semaphore(%arg14 : memref<!tpu.dma_semaphore, #tpu.memory_space<semaphore_mem>>)
    %dma_wait3A_416 = arith.constant 2 : i32
    %dma_wait3A_417 = arith.constant 0 : i32
    %dma_wait3A_418 = tpu.memref_slice %arg7[%dma_wait3A_416, %dma_wait3A_417] : memref<50x128xi32, #tpu.memory_space<vmem>> -> memref<1x128xi32, #tpu.memory_space<vmem>>
    %dma_wait3A_419 = tpu.memref_squeeze %dma_wait3A_418 : memref<1x128xi32, #tpu.memory_space<vmem>> -> memref<128xi32, #tpu.memory_space<vmem>>
    %dma_wait3A_420 = arith.constant 0 : i32
    %dma_wait3A_421 = arith.constant 0 : i32
    %dma_wait3A_422 = tpu.memref_slice %arg4[%dma_wait3A_420, %dma_wait3A_421] : memref<100000x128xf32, #tpu.memory_space<hbm>> -> memref<100000x128xf32, #tpu.memory_space<hbm>>
    tpu.wait_indirect_dma semaphore(%arg16 : memref<!tpu.dma_semaphore, #tpu.memory_space<semaphore_mem>>) src(%dma_wait3A_422 : memref<100000x128xf32, #tpu.memory_space<hbm>>) dst(%arg12 : memref<128x128xf32, #tpu.memory_space<vmem>>)
    %dma_wait3A_423 = arith.constant 0 : i32
    %dma_wait3A_424 = tpu.memref_slice %arg13[%add3A_354, %dma_wait3A_423] : memref<6144x128xf32, #tpu.memory_space<vmem_shared>> -> memref<128x128xf32, #tpu.memory_space<vmem_shared>>
    %dma_wait3A_425 = arith.constant 0 : i32
    %dma_wait3A_426 = tpu.memref_slice %arg2[%add3A_352, %dma_wait3A_425] : memref<204800x128xf32, #tpu.memory_space<hbm>> -> memref<128x128xf32, #tpu.memory_space<hbm>>
    tpu.wait_dma2 semaphore(%arg19 : memref<!tpu.dma_semaphore, #tpu.memory_space<semaphore_mem>>) src(%dma_wait3A_426 : memref<128x128xf32, #tpu.memory_space<hbm>>) dst(%dma_wait3A_424 : memref<128x128xf32, #tpu.memory_space<vmem_shared>>)
    %dma_start3A_427 = arith.constant 2 : i32
    %dma_start3A_428 = arith.constant 0 : i32
    %dma_start3A_429 = tpu.memref_slice %arg9[%dma_start3A_427, %dma_start3A_428] : memref<3x128xi32, #tpu.memory_space<vmem>> -> memref<1x128xi32, #tpu.memory_space<vmem>>
    %dma_start3A_430 = tpu.memref_squeeze %dma_start3A_429 : memref<1x128xi32, #tpu.memory_space<vmem>> -> memref<128xi32, #tpu.memory_space<vmem>>
    %dma_start3A_431 = arith.constant 0 : i32
    %dma_start3A_432 = arith.constant 0 : i32
    %dma_start3A_433 = tpu.memref_slice %arg13[%dma_start3A_431, %dma_start3A_432] : memref<6144x128xf32, #tpu.memory_space<vmem_shared>> -> memref<6144x128xf32, #tpu.memory_space<vmem_shared>>
    tpu.enqueue_indirect_dma source(%arg12 : memref<128x128xf32, #tpu.memory_space<vmem>>) target(%dma_start3A_433 : memref<6144x128xf32, #tpu.memory_space<vmem_shared>>) offsets(%dma_start3A_430 : memref<128xi32, #tpu.memory_space<vmem>>) semaphore(%arg22 : memref<!tpu.dma_semaphore, #tpu.memory_space<semaphore_mem>>) {add = true}
    %dma_wait3A_434 = arith.constant 1 : i32
    %dma_wait3A_435 = arith.constant 0 : i32
    %dma_wait3A_436 = tpu.memref_slice %arg9[%dma_wait3A_434, %dma_wait3A_435] : memref<3x128xi32, #tpu.memory_space<vmem>> -> memref<1x128xi32, #tpu.memory_space<vmem>>
    %dma_wait3A_437 = tpu.memref_squeeze %dma_wait3A_436 : memref<1x128xi32, #tpu.memory_space<vmem>> -> memref<128xi32, #tpu.memory_space<vmem>>
    %dma_wait3A_438 = arith.constant 0 : i32
    %dma_wait3A_439 = arith.constant 0 : i32
    %dma_wait3A_440 = tpu.memref_slice %arg13[%dma_wait3A_438, %dma_wait3A_439] : memref<6144x128xf32, #tpu.memory_space<vmem_shared>> -> memref<6144x128xf32, #tpu.memory_space<vmem_shared>>
    tpu.wait_indirect_dma semaphore(%arg21 : memref<!tpu.dma_semaphore, #tpu.memory_space<semaphore_mem>>) src(%arg11 : memref<128x128xf32, #tpu.memory_space<vmem>>) dst(%dma_wait3A_440 : memref<6144x128xf32, #tpu.memory_space<vmem_shared>>)
    %add3A_441 = arith.constant 128 : i32
    %add3A_442 = arith.addi %mul3A_4, %add3A_441 : i32
    %add3A_443 = arith.constant 4096 : i32
    %add3A_444 = arith.addi %add3A_443, %mul3A_2 : i32
    %dma_start3A_445 = arith.constant 0 : i32
    %dma_start3A_446 = tpu.memref_slice %arg6[%add3A_444, %dma_start3A_445] : memref<204800x128xf32, #tpu.memory_space<hbm>> -> memref<128x128xf32, #tpu.memory_space<hbm>>
    %dma_start3A_447 = arith.constant 0 : i32
    %dma_start3A_448 = tpu.memref_slice %arg13[%add3A_442, %dma_start3A_447] : memref<6144x128xf32, #tpu.memory_space<vmem_shared>> -> memref<128x128xf32, #tpu.memory_space<vmem_shared>>
    tpu.enqueue_dma source(%dma_start3A_448 : memref<128x128xf32, #tpu.memory_space<vmem_shared>>) target(%dma_start3A_446 : memref<128x128xf32, #tpu.memory_space<hbm>>) target_semaphore(%arg24 : memref<!tpu.dma_semaphore, #tpu.memory_space<semaphore_mem>>)
    %dma_start3A_449 = arith.constant 4 : i32
    %dma_start3A_450 = arith.constant 0 : i32
    %dma_start3A_451 = tpu.memref_slice %arg7[%dma_start3A_449, %dma_start3A_450] : memref<50x128xi32, #tpu.memory_space<vmem>> -> memref<1x128xi32, #tpu.memory_space<vmem>>
    %dma_start3A_452 = tpu.memref_squeeze %dma_start3A_451 : memref<1x128xi32, #tpu.memory_space<vmem>> -> memref<128xi32, #tpu.memory_space<vmem>>
    %dma_start3A_453 = arith.constant 0 : i32
    %dma_start3A_454 = arith.constant 0 : i32
    %dma_start3A_455 = tpu.memref_slice %arg4[%dma_start3A_453, %dma_start3A_454] : memref<100000x128xf32, #tpu.memory_space<hbm>> -> memref<100000x128xf32, #tpu.memory_space<hbm>>
    tpu.enqueue_indirect_dma source(%dma_start3A_455 : memref<100000x128xf32, #tpu.memory_space<hbm>>) target(%arg11 : memref<128x128xf32, #tpu.memory_space<vmem>>) offsets(%dma_start3A_452 : memref<128xi32, #tpu.memory_space<vmem>>) semaphore(%arg15 : memref<!tpu.dma_semaphore, #tpu.memory_space<semaphore_mem>>)
    %dma_wait3A_456 = arith.constant 0 : i32
    %dma_wait3A_457 = tpu.memref_slice %arg6[%add3A_404, %dma_wait3A_456] : memref<204800x128xf32, #tpu.memory_space<hbm>> -> memref<128x128xf32, #tpu.memory_space<hbm>>
    %dma_wait3A_458 = arith.constant 0 : i32
    %dma_wait3A_459 = tpu.memref_slice %arg13[%add3A_402, %dma_wait3A_458] : memref<6144x128xf32, #tpu.memory_space<vmem_shared>> -> memref<128x128xf32, #tpu.memory_space<vmem_shared>>
    tpu.wait_dma2 semaphore(%arg23 : memref<!tpu.dma_semaphore, #tpu.memory_space<semaphore_mem>>) src(%dma_wait3A_459 : memref<128x128xf32, #tpu.memory_space<vmem_shared>>) dst(%dma_wait3A_457 : memref<128x128xf32, #tpu.memory_space<hbm>>)
    %add3A_460 = arith.constant 12288 : i32
    %add3A_461 = arith.addi %add3A_460, %mul3A_2 : i32
    %add3A_462 = arith.constant 0 : i32
    %add3A_463 = arith.addi %mul3A_4, %add3A_462 : i32
    %dma_start3A_464 = arith.constant 0 : i32
    %dma_start3A_465 = tpu.memref_slice %arg13[%add3A_463, %dma_start3A_464] : memref<6144x128xf32, #tpu.memory_space<vmem_shared>> -> memref<128x128xf32, #tpu.memory_space<vmem_shared>>
    %dma_start3A_466 = arith.constant 0 : i32
    %dma_start3A_467 = tpu.memref_slice %arg2[%add3A_461, %dma_start3A_466] : memref<204800x128xf32, #tpu.memory_space<hbm>> -> memref<128x128xf32, #tpu.memory_space<hbm>>
    tpu.enqueue_dma source(%dma_start3A_467 : memref<128x128xf32, #tpu.memory_space<hbm>>) target(%dma_start3A_465 : memref<128x128xf32, #tpu.memory_space<vmem_shared>>) target_semaphore(%arg17 : memref<!tpu.dma_semaphore, #tpu.memory_space<semaphore_mem>>)
    %dma_wait3A_468 = arith.constant 3 : i32
    %dma_wait3A_469 = arith.constant 0 : i32
    %dma_wait3A_470 = tpu.memref_slice %arg7[%dma_wait3A_468, %dma_wait3A_469] : memref<50x128xi32, #tpu.memory_space<vmem>> -> memref<1x128xi32, #tpu.memory_space<vmem>>
    %dma_wait3A_471 = tpu.memref_squeeze %dma_wait3A_470 : memref<1x128xi32, #tpu.memory_space<vmem>> -> memref<128xi32, #tpu.memory_space<vmem>>
    %dma_wait3A_472 = arith.constant 0 : i32
    %dma_wait3A_473 = arith.constant 0 : i32
    %dma_wait3A_474 = tpu.memref_slice %arg4[%dma_wait3A_472, %dma_wait3A_473] : memref<100000x128xf32, #tpu.memory_space<hbm>> -> memref<100000x128xf32, #tpu.memory_space<hbm>>
    tpu.wait_indirect_dma semaphore(%arg14 : memref<!tpu.dma_semaphore, #tpu.memory_space<semaphore_mem>>) src(%dma_wait3A_474 : memref<100000x128xf32, #tpu.memory_space<hbm>>) dst(%arg10 : memref<128x128xf32, #tpu.memory_space<vmem>>)
    %dma_wait3A_475 = arith.constant 0 : i32
    %dma_wait3A_476 = tpu.memref_slice %arg13[%add3A_463, %dma_wait3A_475] : memref<6144x128xf32, #tpu.memory_space<vmem_shared>> -> memref<128x128xf32, #tpu.memory_space<vmem_shared>>
    %dma_wait3A_477 = arith.constant 0 : i32
    %dma_wait3A_478 = tpu.memref_slice %arg2[%add3A_461, %dma_wait3A_477] : memref<204800x128xf32, #tpu.memory_space<hbm>> -> memref<128x128xf32, #tpu.memory_space<hbm>>
    tpu.wait_dma2 semaphore(%arg17 : memref<!tpu.dma_semaphore, #tpu.memory_space<semaphore_mem>>) src(%dma_wait3A_478 : memref<128x128xf32, #tpu.memory_space<hbm>>) dst(%dma_wait3A_476 : memref<128x128xf32, #tpu.memory_space<vmem_shared>>)
    %dma_start3A_479 = arith.constant 0 : i32
    %dma_start3A_480 = arith.constant 0 : i32
    %dma_start3A_481 = tpu.memref_slice %arg9[%dma_start3A_479, %dma_start3A_480] : memref<3x128xi32, #tpu.memory_space<vmem>> -> memref<1x128xi32, #tpu.memory_space<vmem>>
    %dma_start3A_482 = tpu.memref_squeeze %dma_start3A_481 : memref<1x128xi32, #tpu.memory_space<vmem>> -> memref<128xi32, #tpu.memory_space<vmem>>
    %dma_start3A_483 = arith.constant 0 : i32
    %dma_start3A_484 = arith.constant 0 : i32
    %dma_start3A_485 = tpu.memref_slice %arg13[%dma_start3A_483, %dma_start3A_484] : memref<6144x128xf32, #tpu.memory_space<vmem_shared>> -> memref<6144x128xf32, #tpu.memory_space<vmem_shared>>
    tpu.enqueue_indirect_dma source(%arg10 : memref<128x128xf32, #tpu.memory_space<vmem>>) target(%dma_start3A_485 : memref<6144x128xf32, #tpu.memory_space<vmem_shared>>) offsets(%dma_start3A_482 : memref<128xi32, #tpu.memory_space<vmem>>) semaphore(%arg20 : memref<!tpu.dma_semaphore, #tpu.memory_space<semaphore_mem>>) {add = true}
    %dma_wait3A_486 = arith.constant 2 : i32
    %dma_wait3A_487 = arith.constant 0 : i32
    %dma_wait3A_488 = tpu.memref_slice %arg9[%dma_wait3A_486, %dma_wait3A_487] : memref<3x128xi32, #tpu.memory_space<vmem>> -> memref<1x128xi32, #tpu.memory_space<vmem>>
    %dma_wait3A_489 = tpu.memref_squeeze %dma_wait3A_488 : memref<1x128xi32, #tpu.memory_space<vmem>> -> memref<128xi32, #tpu.memory_space<vmem>>
    %dma_wait3A_490 = arith.constant 0 : i32
    %dma_wait3A_491 = arith.constant 0 : i32
    %dma_wait3A_492 = tpu.memref_slice %arg13[%dma_wait3A_490, %dma_wait3A_491] : memref<6144x128xf32, #tpu.memory_space<vmem_shared>> -> memref<6144x128xf32, #tpu.memory_space<vmem_shared>>
    tpu.wait_indirect_dma semaphore(%arg22 : memref<!tpu.dma_semaphore, #tpu.memory_space<semaphore_mem>>) src(%arg12 : memref<128x128xf32, #tpu.memory_space<vmem>>) dst(%dma_wait3A_492 : memref<6144x128xf32, #tpu.memory_space<vmem_shared>>)
    %add3A_493 = arith.constant 256 : i32
    %add3A_494 = arith.addi %mul3A_4, %add3A_493 : i32
    %add3A_495 = arith.constant 8192 : i32
    %add3A_496 = arith.addi %add3A_495, %mul3A_2 : i32
    %dma_start3A_497 = arith.constant 0 : i32
    %dma_start3A_498 = tpu.memref_slice %arg6[%add3A_496, %dma_start3A_497] : memref<204800x128xf32, #tpu.memory_space<hbm>> -> memref<128x128xf32, #tpu.memory_space<hbm>>
    %dma_start3A_499 = arith.constant 0 : i32
    %dma_start3A_500 = tpu.memref_slice %arg13[%add3A_494, %dma_start3A_499] : memref<6144x128xf32, #tpu.memory_space<vmem_shared>> -> memref<128x128xf32, #tpu.memory_space<vmem_shared>>
    tpu.enqueue_dma source(%dma_start3A_500 : memref<128x128xf32, #tpu.memory_space<vmem_shared>>) target(%dma_start3A_498 : memref<128x128xf32, #tpu.memory_space<hbm>>) target_semaphore(%arg25 : memref<!tpu.dma_semaphore, #tpu.memory_space<semaphore_mem>>)
    %dma_start3A_501 = arith.constant 5 : i32
    %dma_start3A_502 = arith.constant 0 : i32
    %dma_start3A_503 = tpu.memref_slice %arg7[%dma_start3A_501, %dma_start3A_502] : memref<50x128xi32, #tpu.memory_space<vmem>> -> memref<1x128xi32, #tpu.memory_space<vmem>>
    %dma_start3A_504 = tpu.memref_squeeze %dma_start3A_503 : memref<1x128xi32, #tpu.memory_space<vmem>> -> memref<128xi32, #tpu.memory_space<vmem>>
    %dma_start3A_505 = arith.constant 0 : i32
    %dma_start3A_506 = arith.constant 0 : i32
    %dma_start3A_507 = tpu.memref_slice %arg4[%dma_start3A_505, %dma_start3A_506] : memref<100000x128xf32, #tpu.memory_space<hbm>> -> memref<100000x128xf32, #tpu.memory_space<hbm>>
    tpu.enqueue_indirect_dma source(%dma_start3A_507 : memref<100000x128xf32, #tpu.memory_space<hbm>>) target(%arg12 : memref<128x128xf32, #tpu.memory_space<vmem>>) offsets(%dma_start3A_504 : memref<128xi32, #tpu.memory_space<vmem>>) semaphore(%arg16 : memref<!tpu.dma_semaphore, #tpu.memory_space<semaphore_mem>>)
    %dma_wait3A_508 = arith.constant 0 : i32
    %dma_wait3A_509 = tpu.memref_slice %arg6[%add3A_444, %dma_wait3A_508] : memref<204800x128xf32, #tpu.memory_space<hbm>> -> memref<128x128xf32, #tpu.memory_space<hbm>>
    %dma_wait3A_510 = arith.constant 0 : i32
    %dma_wait3A_511 = tpu.memref_slice %arg13[%add3A_442, %dma_wait3A_510] : memref<6144x128xf32, #tpu.memory_space<vmem_shared>> -> memref<128x128xf32, #tpu.memory_space<vmem_shared>>
    tpu.wait_dma2 semaphore(%arg24 : memref<!tpu.dma_semaphore, #tpu.memory_space<semaphore_mem>>) src(%dma_wait3A_511 : memref<128x128xf32, #tpu.memory_space<vmem_shared>>) dst(%dma_wait3A_509 : memref<128x128xf32, #tpu.memory_space<hbm>>)
    %add3A_512 = arith.constant 16384 : i32
    %add3A_513 = arith.addi %add3A_512, %mul3A_2 : i32
    %add3A_514 = arith.constant 128 : i32
    %add3A_515 = arith.addi %mul3A_4, %add3A_514 : i32
    %dma_start3A_516 = arith.constant 0 : i32
    %dma_start3A_517 = tpu.memref_slice %arg13[%add3A_515, %dma_start3A_516] : memref<6144x128xf32, #tpu.memory_space<vmem_shared>> -> memref<128x128xf32, #tpu.memory_space<vmem_shared>>
    %dma_start3A_518 = arith.constant 0 : i32
    %dma_start3A_519 = tpu.memref_slice %arg2[%add3A_513, %dma_start3A_518] : memref<204800x128xf32, #tpu.memory_space<hbm>> -> memref<128x128xf32, #tpu.memory_space<hbm>>
    tpu.enqueue_dma source(%dma_start3A_519 : memref<128x128xf32, #tpu.memory_space<hbm>>) target(%dma_start3A_517 : memref<128x128xf32, #tpu.memory_space<vmem_shared>>) target_semaphore(%arg18 : memref<!tpu.dma_semaphore, #tpu.memory_space<semaphore_mem>>)
    %dma_wait3A_520 = arith.constant 4 : i32
    %dma_wait3A_521 = arith.constant 0 : i32
    %dma_wait3A_522 = tpu.memref_slice %arg7[%dma_wait3A_520, %dma_wait3A_521] : memref<50x128xi32, #tpu.memory_space<vmem>> -> memref<1x128xi32, #tpu.memory_space<vmem>>
    %dma_wait3A_523 = tpu.memref_squeeze %dma_wait3A_522 : memref<1x128xi32, #tpu.memory_space<vmem>> -> memref<128xi32, #tpu.memory_space<vmem>>
    %dma_wait3A_524 = arith.constant 0 : i32
    %dma_wait3A_525 = arith.constant 0 : i32
    %dma_wait3A_526 = tpu.memref_slice %arg4[%dma_wait3A_524, %dma_wait3A_525] : memref<100000x128xf32, #tpu.memory_space<hbm>> -> memref<100000x128xf32, #tpu.memory_space<hbm>>
    tpu.wait_indirect_dma semaphore(%arg15 : memref<!tpu.dma_semaphore, #tpu.memory_space<semaphore_mem>>) src(%dma_wait3A_526 : memref<100000x128xf32, #tpu.memory_space<hbm>>) dst(%arg11 : memref<128x128xf32, #tpu.memory_space<vmem>>)
    %dma_wait3A_527 = arith.constant 0 : i32
    %dma_wait3A_528 = tpu.memref_slice %arg13[%add3A_515, %dma_wait3A_527] : memref<6144x128xf32, #tpu.memory_space<vmem_shared>> -> memref<128x128xf32, #tpu.memory_space<vmem_shared>>
    %dma_wait3A_529 = arith.constant 0 : i32
    %dma_wait3A_530 = tpu.memref_slice %arg2[%add3A_513, %dma_wait3A_529] : memref<204800x128xf32, #tpu.memory_space<hbm>> -> memref<128x128xf32, #tpu.memory_space<hbm>>
    tpu.wait_dma2 semaphore(%arg18 : memref<!tpu.dma_semaphore, #tpu.memory_space<semaphore_mem>>) src(%dma_wait3A_530 : memref<128x128xf32, #tpu.memory_space<hbm>>) dst(%dma_wait3A_528 : memref<128x128xf32, #tpu.memory_space<vmem_shared>>)
    %dma_start3A_531 = arith.constant 1 : i32
    %dma_start3A_532 = arith.constant 0 : i32
    %dma_start3A_533 = tpu.memref_slice %arg9[%dma_start3A_531, %dma_start3A_532] : memref<3x128xi32, #tpu.memory_space<vmem>> -> memref<1x128xi32, #tpu.memory_space<vmem>>
    %dma_start3A_534 = tpu.memref_squeeze %dma_start3A_533 : memref<1x128xi32, #tpu.memory_space<vmem>> -> memref<128xi32, #tpu.memory_space<vmem>>
    %dma_start3A_535 = arith.constant 0 : i32
    %dma_start3A_536 = arith.constant 0 : i32
    %dma_start3A_537 = tpu.memref_slice %arg13[%dma_start3A_535, %dma_start3A_536] : memref<6144x128xf32, #tpu.memory_space<vmem_shared>> -> memref<6144x128xf32, #tpu.memory_space<vmem_shared>>
    tpu.enqueue_indirect_dma source(%arg11 : memref<128x128xf32, #tpu.memory_space<vmem>>) target(%dma_start3A_537 : memref<6144x128xf32, #tpu.memory_space<vmem_shared>>) offsets(%dma_start3A_534 : memref<128xi32, #tpu.memory_space<vmem>>) semaphore(%arg21 : memref<!tpu.dma_semaphore, #tpu.memory_space<semaphore_mem>>) {add = true}
    %dma_wait3A_538 = arith.constant 0 : i32
    %dma_wait3A_539 = arith.constant 0 : i32
    %dma_wait3A_540 = tpu.memref_slice %arg9[%dma_wait3A_538, %dma_wait3A_539] : memref<3x128xi32, #tpu.memory_space<vmem>> -> memref<1x128xi32, #tpu.memory_space<vmem>>
    %dma_wait3A_541 = tpu.memref_squeeze %dma_wait3A_540 : memref<1x128xi32, #tpu.memory_space<vmem>> -> memref<128xi32, #tpu.memory_space<vmem>>
    %dma_wait3A_542 = arith.constant 0 : i32
    %dma_wait3A_543 = arith.constant 0 : i32
    %dma_wait3A_544 = tpu.memref_slice %arg13[%dma_wait3A_542, %dma_wait3A_543] : memref<6144x128xf32, #tpu.memory_space<vmem_shared>> -> memref<6144x128xf32, #tpu.memory_space<vmem_shared>>
    tpu.wait_indirect_dma semaphore(%arg20 : memref<!tpu.dma_semaphore, #tpu.memory_space<semaphore_mem>>) src(%arg10 : memref<128x128xf32, #tpu.memory_space<vmem>>) dst(%dma_wait3A_544 : memref<6144x128xf32, #tpu.memory_space<vmem_shared>>)
    %add3A_545 = arith.constant 0 : i32
    %add3A_546 = arith.addi %mul3A_4, %add3A_545 : i32
    %add3A_547 = arith.constant 12288 : i32
    %add3A_548 = arith.addi %add3A_547, %mul3A_2 : i32
    %dma_start3A_549 = arith.constant 0 : i32
    %dma_start3A_550 = tpu.memref_slice %arg6[%add3A_548, %dma_start3A_549] : memref<204800x128xf32, #tpu.memory_space<hbm>> -> memref<128x128xf32, #tpu.memory_space<hbm>>
    %dma_start3A_551 = arith.constant 0 : i32
    %dma_start3A_552 = tpu.memref_slice %arg13[%add3A_546, %dma_start3A_551] : memref<6144x128xf32, #tpu.memory_space<vmem_shared>> -> memref<128x128xf32, #tpu.memory_space<vmem_shared>>
    tpu.enqueue_dma source(%dma_start3A_552 : memref<128x128xf32, #tpu.memory_space<vmem_shared>>) target(%dma_start3A_550 : memref<128x128xf32, #tpu.memory_space<hbm>>) target_semaphore(%arg23 : memref<!tpu.dma_semaphore, #tpu.memory_space<semaphore_mem>>)
    %dma_start3A_553 = arith.constant 6 : i32
    %dma_start3A_554 = arith.constant 0 : i32
    %dma_start3A_555 = tpu.memref_slice %arg7[%dma_start3A_553, %dma_start3A_554] : memref<50x128xi32, #tpu.memory_space<vmem>> -> memref<1x128xi32, #tpu.memory_space<vmem>>
    %dma_start3A_556 = tpu.memref_squeeze %dma_start3A_555 : memref<1x128xi32, #tpu.memory_space<vmem>> -> memref<128xi32, #tpu.memory_space<vmem>>
    %dma_start3A_557 = arith.constant 0 : i32
    %dma_start3A_558 = arith.constant 0 : i32
    %dma_start3A_559 = tpu.memref_slice %arg4[%dma_start3A_557, %dma_start3A_558] : memref<100000x128xf32, #tpu.memory_space<hbm>> -> memref<100000x128xf32, #tpu.memory_space<hbm>>
    tpu.enqueue_indirect_dma source(%dma_start3A_559 : memref<100000x128xf32, #tpu.memory_space<hbm>>) target(%arg10 : memref<128x128xf32, #tpu.memory_space<vmem>>) offsets(%dma_start3A_556 : memref<128xi32, #tpu.memory_space<vmem>>) semaphore(%arg14 : memref<!tpu.dma_semaphore, #tpu.memory_space<semaphore_mem>>)
    %dma_wait3A_560 = arith.constant 0 : i32
    %dma_wait3A_561 = tpu.memref_slice %arg6[%add3A_496, %dma_wait3A_560] : memref<204800x128xf32, #tpu.memory_space<hbm>> -> memref<128x128xf32, #tpu.memory_space<hbm>>
    %dma_wait3A_562 = arith.constant 0 : i32
    %dma_wait3A_563 = tpu.memref_slice %arg13[%add3A_494, %dma_wait3A_562] : memref<6144x128xf32, #tpu.memory_space<vmem_shared>> -> memref<128x128xf32, #tpu.memory_space<vmem_shared>>
    tpu.wait_dma2 semaphore(%arg25 : memref<!tpu.dma_semaphore, #tpu.memory_space<semaphore_mem>>) src(%dma_wait3A_563 : memref<128x128xf32, #tpu.memory_space<vmem_shared>>) dst(%dma_wait3A_561 : memref<128x128xf32, #tpu.memory_space<hbm>>)
    %add3A_564 = arith.constant 20480 : i32
    %add3A_565 = arith.addi %add3A_564, %mul3A_2 : i32
    %add3A_566 = arith.constant 256 : i32
    %add3A_567 = arith.addi %mul3A_4, %add3A_566 : i32
    %dma_start3A_568 = arith.constant 0 : i32
    %dma_start3A_569 = tpu.memref_slice %arg13[%add3A_567, %dma_start3A_568] : memref<6144x128xf32, #tpu.memory_space<vmem_shared>> -> memref<128x128xf32, #tpu.memory_space<vmem_shared>>
    %dma_start3A_570 = arith.constant 0 : i32
    %dma_start3A_571 = tpu.memref_slice %arg2[%add3A_565, %dma_start3A_570] : memref<204800x128xf32, #tpu.memory_space<hbm>> -> memref<128x128xf32, #tpu.memory_space<hbm>>
    tpu.enqueue_dma source(%dma_start3A_571 : memref<128x128xf32, #tpu.memory_space<hbm>>) target(%dma_start3A_569 : memref<128x128xf32, #tpu.memory_space<vmem_shared>>) target_semaphore(%arg19 : memref<!tpu.dma_semaphore, #tpu.memory_space<semaphore_mem>>)
    %dma_wait3A_572 = arith.constant 5 : i32
    %dma_wait3A_573 = arith.constant 0 : i32
    %dma_wait3A_574 = tpu.memref_slice %arg7[%dma_wait3A_572, %dma_wait3A_573] : memref<50x128xi32, #tpu.memory_space<vmem>> -> memref<1x128xi32, #tpu.memory_space<vmem>>
    %dma_wait3A_575 = tpu.memref_squeeze %dma_wait3A_574 : memref<1x128xi32, #tpu.memory_space<vmem>> -> memref<128xi32, #tpu.memory_space<vmem>>
    %dma_wait3A_576 = arith.constant 0 : i32
    %dma_wait3A_577 = arith.constant 0 : i32
    %dma_wait3A_578 = tpu.memref_slice %arg4[%dma_wait3A_576, %dma_wait3A_577] : memref<100000x128xf32, #tpu.memory_space<hbm>> -> memref<100000x128xf32, #tpu.memory_space<hbm>>
    tpu.wait_indirect_dma semaphore(%arg16 : memref<!tpu.dma_semaphore, #tpu.memory_space<semaphore_mem>>) src(%dma_wait3A_578 : memref<100000x128xf32, #tpu.memory_space<hbm>>) dst(%arg12 : memref<128x128xf32, #tpu.memory_space<vmem>>)
    %dma_wait3A_579 = arith.constant 0 : i32
    %dma_wait3A_580 = tpu.memref_slice %arg13[%add3A_567, %dma_wait3A_579] : memref<6144x128xf32, #tpu.memory_space<vmem_shared>> -> memref<128x128xf32, #tpu.memory_space<vmem_shared>>
    %dma_wait3A_581 = arith.constant 0 : i32
    %dma_wait3A_582 = tpu.memref_slice %arg2[%add3A_565, %dma_wait3A_581] : memref<204800x128xf32, #tpu.memory_space<hbm>> -> memref<128x128xf32, #tpu.memory_space<hbm>>
    tpu.wait_dma2 semaphore(%arg19 : memref<!tpu.dma_semaphore, #tpu.memory_space<semaphore_mem>>) src(%dma_wait3A_582 : memref<128x128xf32, #tpu.memory_space<hbm>>) dst(%dma_wait3A_580 : memref<128x128xf32, #tpu.memory_space<vmem_shared>>)
    %dma_start3A_583 = arith.constant 2 : i32
    %dma_start3A_584 = arith.constant 0 : i32
    %dma_start3A_585 = tpu.memref_slice %arg9[%dma_start3A_583, %dma_start3A_584] : memref<3x128xi32, #tpu.memory_space<vmem>> -> memref<1x128xi32, #tpu.memory_space<vmem>>
    %dma_start3A_586 = tpu.memref_squeeze %dma_start3A_585 : memref<1x128xi32, #tpu.memory_space<vmem>> -> memref<128xi32, #tpu.memory_space<vmem>>
    %dma_start3A_587 = arith.constant 0 : i32
    %dma_start3A_588 = arith.constant 0 : i32
    %dma_start3A_589 = tpu.memref_slice %arg13[%dma_start3A_587, %dma_start3A_588] : memref<6144x128xf32, #tpu.memory_space<vmem_shared>> -> memref<6144x128xf32, #tpu.memory_space<vmem_shared>>
    tpu.enqueue_indirect_dma source(%arg12 : memref<128x128xf32, #tpu.memory_space<vmem>>) target(%dma_start3A_589 : memref<6144x128xf32, #tpu.memory_space<vmem_shared>>) offsets(%dma_start3A_586 : memref<128xi32, #tpu.memory_space<vmem>>) semaphore(%arg22 : memref<!tpu.dma_semaphore, #tpu.memory_space<semaphore_mem>>) {add = true}
    %dma_wait3A_590 = arith.constant 1 : i32
    %dma_wait3A_591 = arith.constant 0 : i32
    %dma_wait3A_592 = tpu.memref_slice %arg9[%dma_wait3A_590, %dma_wait3A_591] : memref<3x128xi32, #tpu.memory_space<vmem>> -> memref<1x128xi32, #tpu.memory_space<vmem>>
    %dma_wait3A_593 = tpu.memref_squeeze %dma_wait3A_592 : memref<1x128xi32, #tpu.memory_space<vmem>> -> memref<128xi32, #tpu.memory_space<vmem>>
    %dma_wait3A_594 = arith.constant 0 : i32
    %dma_wait3A_595 = arith.constant 0 : i32
    %dma_wait3A_596 = tpu.memref_slice %arg13[%dma_wait3A_594, %dma_wait3A_595] : memref<6144x128xf32, #tpu.memory_space<vmem_shared>> -> memref<6144x128xf32, #tpu.memory_space<vmem_shared>>
    tpu.wait_indirect_dma semaphore(%arg21 : memref<!tpu.dma_semaphore, #tpu.memory_space<semaphore_mem>>) src(%arg11 : memref<128x128xf32, #tpu.memory_space<vmem>>) dst(%dma_wait3A_596 : memref<6144x128xf32, #tpu.memory_space<vmem_shared>>)
    %add3A_597 = arith.constant 128 : i32
    %add3A_598 = arith.addi %mul3A_4, %add3A_597 : i32
    %add3A_599 = arith.constant 16384 : i32
    %add3A_600 = arith.addi %add3A_599, %mul3A_2 : i32
    %dma_start3A_601 = arith.constant 0 : i32
    %dma_start3A_602 = tpu.memref_slice %arg6[%add3A_600, %dma_start3A_601] : memref<204800x128xf32, #tpu.memory_space<hbm>> -> memref<128x128xf32, #tpu.memory_space<hbm>>
    %dma_start3A_603 = arith.constant 0 : i32
    %dma_start3A_604 = tpu.memref_slice %arg13[%add3A_598, %dma_start3A_603] : memref<6144x128xf32, #tpu.memory_space<vmem_shared>> -> memref<128x128xf32, #tpu.memory_space<vmem_shared>>
    tpu.enqueue_dma source(%dma_start3A_604 : memref<128x128xf32, #tpu.memory_space<vmem_shared>>) target(%dma_start3A_602 : memref<128x128xf32, #tpu.memory_space<hbm>>) target_semaphore(%arg24 : memref<!tpu.dma_semaphore, #tpu.memory_space<semaphore_mem>>)
    %dma_start3A_605 = arith.constant 7 : i32
    %dma_start3A_606 = arith.constant 0 : i32
    %dma_start3A_607 = tpu.memref_slice %arg7[%dma_start3A_605, %dma_start3A_606] : memref<50x128xi32, #tpu.memory_space<vmem>> -> memref<1x128xi32, #tpu.memory_space<vmem>>
    %dma_start3A_608 = tpu.memref_squeeze %dma_start3A_607 : memref<1x128xi32, #tpu.memory_space<vmem>> -> memref<128xi32, #tpu.memory_space<vmem>>
    %dma_start3A_609 = arith.constant 0 : i32
    %dma_start3A_610 = arith.constant 0 : i32
    %dma_start3A_611 = tpu.memref_slice %arg4[%dma_start3A_609, %dma_start3A_610] : memref<100000x128xf32, #tpu.memory_space<hbm>> -> memref<100000x128xf32, #tpu.memory_space<hbm>>
    tpu.enqueue_indirect_dma source(%dma_start3A_611 : memref<100000x128xf32, #tpu.memory_space<hbm>>) target(%arg11 : memref<128x128xf32, #tpu.memory_space<vmem>>) offsets(%dma_start3A_608 : memref<128xi32, #tpu.memory_space<vmem>>) semaphore(%arg15 : memref<!tpu.dma_semaphore, #tpu.memory_space<semaphore_mem>>)
    %dma_wait3A_612 = arith.constant 0 : i32
    %dma_wait3A_613 = tpu.memref_slice %arg6[%add3A_548, %dma_wait3A_612] : memref<204800x128xf32, #tpu.memory_space<hbm>> -> memref<128x128xf32, #tpu.memory_space<hbm>>
    %dma_wait3A_614 = arith.constant 0 : i32
    %dma_wait3A_615 = tpu.memref_slice %arg13[%add3A_546, %dma_wait3A_614] : memref<6144x128xf32, #tpu.memory_space<vmem_shared>> -> memref<128x128xf32, #tpu.memory_space<vmem_shared>>
    tpu.wait_dma2 semaphore(%arg23 : memref<!tpu.dma_semaphore, #tpu.memory_space<semaphore_mem>>) src(%dma_wait3A_615 : memref<128x128xf32, #tpu.memory_space<vmem_shared>>) dst(%dma_wait3A_613 : memref<128x128xf32, #tpu.memory_space<hbm>>)
    %add3A_616 = arith.constant 24576 : i32
    %add3A_617 = arith.addi %add3A_616, %mul3A_2 : i32
    %add3A_618 = arith.constant 0 : i32
    %add3A_619 = arith.addi %mul3A_4, %add3A_618 : i32
    %dma_start3A_620 = arith.constant 0 : i32
    %dma_start3A_621 = tpu.memref_slice %arg13[%add3A_619, %dma_start3A_620] : memref<6144x128xf32, #tpu.memory_space<vmem_shared>> -> memref<128x128xf32, #tpu.memory_space<vmem_shared>>
    %dma_start3A_622 = arith.constant 0 : i32
    %dma_start3A_623 = tpu.memref_slice %arg2[%add3A_617, %dma_start3A_622] : memref<204800x128xf32, #tpu.memory_space<hbm>> -> memref<128x128xf32, #tpu.memory_space<hbm>>
    tpu.enqueue_dma source(%dma_start3A_623 : memref<128x128xf32, #tpu.memory_space<hbm>>) target(%dma_start3A_621 : memref<128x128xf32, #tpu.memory_space<vmem_shared>>) target_semaphore(%arg17 : memref<!tpu.dma_semaphore, #tpu.memory_space<semaphore_mem>>)
    %dma_wait3A_624 = arith.constant 6 : i32
    %dma_wait3A_625 = arith.constant 0 : i32
    %dma_wait3A_626 = tpu.memref_slice %arg7[%dma_wait3A_624, %dma_wait3A_625] : memref<50x128xi32, #tpu.memory_space<vmem>> -> memref<1x128xi32, #tpu.memory_space<vmem>>
    %dma_wait3A_627 = tpu.memref_squeeze %dma_wait3A_626 : memref<1x128xi32, #tpu.memory_space<vmem>> -> memref<128xi32, #tpu.memory_space<vmem>>
    %dma_wait3A_628 = arith.constant 0 : i32
    %dma_wait3A_629 = arith.constant 0 : i32
    %dma_wait3A_630 = tpu.memref_slice %arg4[%dma_wait3A_628, %dma_wait3A_629] : memref<100000x128xf32, #tpu.memory_space<hbm>> -> memref<100000x128xf32, #tpu.memory_space<hbm>>
    tpu.wait_indirect_dma semaphore(%arg14 : memref<!tpu.dma_semaphore, #tpu.memory_space<semaphore_mem>>) src(%dma_wait3A_630 : memref<100000x128xf32, #tpu.memory_space<hbm>>) dst(%arg10 : memref<128x128xf32, #tpu.memory_space<vmem>>)
    %dma_wait3A_631 = arith.constant 0 : i32
    %dma_wait3A_632 = tpu.memref_slice %arg13[%add3A_619, %dma_wait3A_631] : memref<6144x128xf32, #tpu.memory_space<vmem_shared>> -> memref<128x128xf32, #tpu.memory_space<vmem_shared>>
    %dma_wait3A_633 = arith.constant 0 : i32
    %dma_wait3A_634 = tpu.memref_slice %arg2[%add3A_617, %dma_wait3A_633] : memref<204800x128xf32, #tpu.memory_space<hbm>> -> memref<128x128xf32, #tpu.memory_space<hbm>>
    tpu.wait_dma2 semaphore(%arg17 : memref<!tpu.dma_semaphore, #tpu.memory_space<semaphore_mem>>) src(%dma_wait3A_634 : memref<128x128xf32, #tpu.memory_space<hbm>>) dst(%dma_wait3A_632 : memref<128x128xf32, #tpu.memory_space<vmem_shared>>)
    %dma_start3A_635 = arith.constant 0 : i32
    %dma_start3A_636 = arith.constant 0 : i32
    %dma_start3A_637 = tpu.memref_slice %arg9[%dma_start3A_635, %dma_start3A_636] : memref<3x128xi32, #tpu.memory_space<vmem>> -> memref<1x128xi32, #tpu.memory_space<vmem>>
    %dma_start3A_638 = tpu.memref_squeeze %dma_start3A_637 : memref<1x128xi32, #tpu.memory_space<vmem>> -> memref<128xi32, #tpu.memory_space<vmem>>
    %dma_start3A_639 = arith.constant 0 : i32
    %dma_start3A_640 = arith.constant 0 : i32
    %dma_start3A_641 = tpu.memref_slice %arg13[%dma_start3A_639, %dma_start3A_640] : memref<6144x128xf32, #tpu.memory_space<vmem_shared>> -> memref<6144x128xf32, #tpu.memory_space<vmem_shared>>
    tpu.enqueue_indirect_dma source(%arg10 : memref<128x128xf32, #tpu.memory_space<vmem>>) target(%dma_start3A_641 : memref<6144x128xf32, #tpu.memory_space<vmem_shared>>) offsets(%dma_start3A_638 : memref<128xi32, #tpu.memory_space<vmem>>) semaphore(%arg20 : memref<!tpu.dma_semaphore, #tpu.memory_space<semaphore_mem>>) {add = true}
    %dma_wait3A_642 = arith.constant 2 : i32
    %dma_wait3A_643 = arith.constant 0 : i32
    %dma_wait3A_644 = tpu.memref_slice %arg9[%dma_wait3A_642, %dma_wait3A_643] : memref<3x128xi32, #tpu.memory_space<vmem>> -> memref<1x128xi32, #tpu.memory_space<vmem>>
    %dma_wait3A_645 = tpu.memref_squeeze %dma_wait3A_644 : memref<1x128xi32, #tpu.memory_space<vmem>> -> memref<128xi32, #tpu.memory_space<vmem>>
    %dma_wait3A_646 = arith.constant 0 : i32
    %dma_wait3A_647 = arith.constant 0 : i32
    %dma_wait3A_648 = tpu.memref_slice %arg13[%dma_wait3A_646, %dma_wait3A_647] : memref<6144x128xf32, #tpu.memory_space<vmem_shared>> -> memref<6144x128xf32, #tpu.memory_space<vmem_shared>>
    tpu.wait_indirect_dma semaphore(%arg22 : memref<!tpu.dma_semaphore, #tpu.memory_space<semaphore_mem>>) src(%arg12 : memref<128x128xf32, #tpu.memory_space<vmem>>) dst(%dma_wait3A_648 : memref<6144x128xf32, #tpu.memory_space<vmem_shared>>)
    %add3A_649 = arith.constant 256 : i32
    %add3A_650 = arith.addi %mul3A_4, %add3A_649 : i32
    %add3A_651 = arith.constant 20480 : i32
    %add3A_652 = arith.addi %add3A_651, %mul3A_2 : i32
    %dma_start3A_653 = arith.constant 0 : i32
    %dma_start3A_654 = tpu.memref_slice %arg6[%add3A_652, %dma_start3A_653] : memref<204800x128xf32, #tpu.memory_space<hbm>> -> memref<128x128xf32, #tpu.memory_space<hbm>>
    %dma_start3A_655 = arith.constant 0 : i32
    %dma_start3A_656 = tpu.memref_slice %arg13[%add3A_650, %dma_start3A_655] : memref<6144x128xf32, #tpu.memory_space<vmem_shared>> -> memref<128x128xf32, #tpu.memory_space<vmem_shared>>
    tpu.enqueue_dma source(%dma_start3A_656 : memref<128x128xf32, #tpu.memory_space<vmem_shared>>) target(%dma_start3A_654 : memref<128x128xf32, #tpu.memory_space<hbm>>) target_semaphore(%arg25 : memref<!tpu.dma_semaphore, #tpu.memory_space<semaphore_mem>>)
    %dma_start3A_657 = arith.constant 8 : i32
    %dma_start3A_658 = arith.constant 0 : i32
    %dma_start3A_659 = tpu.memref_slice %arg7[%dma_start3A_657, %dma_start3A_658] : memref<50x128xi32, #tpu.memory_space<vmem>> -> memref<1x128xi32, #tpu.memory_space<vmem>>
    %dma_start3A_660 = tpu.memref_squeeze %dma_start3A_659 : memref<1x128xi32, #tpu.memory_space<vmem>> -> memref<128xi32, #tpu.memory_space<vmem>>
    %dma_start3A_661 = arith.constant 0 : i32
    %dma_start3A_662 = arith.constant 0 : i32
    %dma_start3A_663 = tpu.memref_slice %arg4[%dma_start3A_661, %dma_start3A_662] : memref<100000x128xf32, #tpu.memory_space<hbm>> -> memref<100000x128xf32, #tpu.memory_space<hbm>>
    tpu.enqueue_indirect_dma source(%dma_start3A_663 : memref<100000x128xf32, #tpu.memory_space<hbm>>) target(%arg12 : memref<128x128xf32, #tpu.memory_space<vmem>>) offsets(%dma_start3A_660 : memref<128xi32, #tpu.memory_space<vmem>>) semaphore(%arg16 : memref<!tpu.dma_semaphore, #tpu.memory_space<semaphore_mem>>)
    %dma_wait3A_664 = arith.constant 0 : i32
    %dma_wait3A_665 = tpu.memref_slice %arg6[%add3A_600, %dma_wait3A_664] : memref<204800x128xf32, #tpu.memory_space<hbm>> -> memref<128x128xf32, #tpu.memory_space<hbm>>
    %dma_wait3A_666 = arith.constant 0 : i32
    %dma_wait3A_667 = tpu.memref_slice %arg13[%add3A_598, %dma_wait3A_666] : memref<6144x128xf32, #tpu.memory_space<vmem_shared>> -> memref<128x128xf32, #tpu.memory_space<vmem_shared>>
    tpu.wait_dma2 semaphore(%arg24 : memref<!tpu.dma_semaphore, #tpu.memory_space<semaphore_mem>>) src(%dma_wait3A_667 : memref<128x128xf32, #tpu.memory_space<vmem_shared>>) dst(%dma_wait3A_665 : memref<128x128xf32, #tpu.memory_space<hbm>>)
    %add3A_668 = arith.constant 28672 : i32
    %add3A_669 = arith.addi %add3A_668, %mul3A_2 : i32
    %add3A_670 = arith.constant 128 : i32
    %add3A_671 = arith.addi %mul3A_4, %add3A_670 : i32
    %dma_start3A_672 = arith.constant 0 : i32
    %dma_start3A_673 = tpu.memref_slice %arg13[%add3A_671, %dma_start3A_672] : memref<6144x128xf32, #tpu.memory_space<vmem_shared>> -> memref<128x128xf32, #tpu.memory_space<vmem_shared>>
    %dma_start3A_674 = arith.constant 0 : i32
    %dma_start3A_675 = tpu.memref_slice %arg2[%add3A_669, %dma_start3A_674] : memref<204800x128xf32, #tpu.memory_space<hbm>> -> memref<128x128xf32, #tpu.memory_space<hbm>>
    tpu.enqueue_dma source(%dma_start3A_675 : memref<128x128xf32, #tpu.memory_space<hbm>>) target(%dma_start3A_673 : memref<128x128xf32, #tpu.memory_space<vmem_shared>>) target_semaphore(%arg18 : memref<!tpu.dma_semaphore, #tpu.memory_space<semaphore_mem>>)
    %dma_wait3A_676 = arith.constant 7 : i32
    %dma_wait3A_677 = arith.constant 0 : i32
    %dma_wait3A_678 = tpu.memref_slice %arg7[%dma_wait3A_676, %dma_wait3A_677] : memref<50x128xi32, #tpu.memory_space<vmem>> -> memref<1x128xi32, #tpu.memory_space<vmem>>
    %dma_wait3A_679 = tpu.memref_squeeze %dma_wait3A_678 : memref<1x128xi32, #tpu.memory_space<vmem>> -> memref<128xi32, #tpu.memory_space<vmem>>
    %dma_wait3A_680 = arith.constant 0 : i32
    %dma_wait3A_681 = arith.constant 0 : i32
    %dma_wait3A_682 = tpu.memref_slice %arg4[%dma_wait3A_680, %dma_wait3A_681] : memref<100000x128xf32, #tpu.memory_space<hbm>> -> memref<100000x128xf32, #tpu.memory_space<hbm>>
    tpu.wait_indirect_dma semaphore(%arg15 : memref<!tpu.dma_semaphore, #tpu.memory_space<semaphore_mem>>) src(%dma_wait3A_682 : memref<100000x128xf32, #tpu.memory_space<hbm>>) dst(%arg11 : memref<128x128xf32, #tpu.memory_space<vmem>>)
    %dma_wait3A_683 = arith.constant 0 : i32
    %dma_wait3A_684 = tpu.memref_slice %arg13[%add3A_671, %dma_wait3A_683] : memref<6144x128xf32, #tpu.memory_space<vmem_shared>> -> memref<128x128xf32, #tpu.memory_space<vmem_shared>>
    %dma_wait3A_685 = arith.constant 0 : i32
    %dma_wait3A_686 = tpu.memref_slice %arg2[%add3A_669, %dma_wait3A_685] : memref<204800x128xf32, #tpu.memory_space<hbm>> -> memref<128x128xf32, #tpu.memory_space<hbm>>
    tpu.wait_dma2 semaphore(%arg18 : memref<!tpu.dma_semaphore, #tpu.memory_space<semaphore_mem>>) src(%dma_wait3A_686 : memref<128x128xf32, #tpu.memory_space<hbm>>) dst(%dma_wait3A_684 : memref<128x128xf32, #tpu.memory_space<vmem_shared>>)
    %dma_start3A_687 = arith.constant 1 : i32
    %dma_start3A_688 = arith.constant 0 : i32
    %dma_start3A_689 = tpu.memref_slice %arg9[%dma_start3A_687, %dma_start3A_688] : memref<3x128xi32, #tpu.memory_space<vmem>> -> memref<1x128xi32, #tpu.memory_space<vmem>>
    %dma_start3A_690 = tpu.memref_squeeze %dma_start3A_689 : memref<1x128xi32, #tpu.memory_space<vmem>> -> memref<128xi32, #tpu.memory_space<vmem>>
    %dma_start3A_691 = arith.constant 0 : i32
    %dma_start3A_692 = arith.constant 0 : i32
    %dma_start3A_693 = tpu.memref_slice %arg13[%dma_start3A_691, %dma_start3A_692] : memref<6144x128xf32, #tpu.memory_space<vmem_shared>> -> memref<6144x128xf32, #tpu.memory_space<vmem_shared>>
    tpu.enqueue_indirect_dma source(%arg11 : memref<128x128xf32, #tpu.memory_space<vmem>>) target(%dma_start3A_693 : memref<6144x128xf32, #tpu.memory_space<vmem_shared>>) offsets(%dma_start3A_690 : memref<128xi32, #tpu.memory_space<vmem>>) semaphore(%arg21 : memref<!tpu.dma_semaphore, #tpu.memory_space<semaphore_mem>>) {add = true}
    %dma_wait3A_694 = arith.constant 0 : i32
    %dma_wait3A_695 = arith.constant 0 : i32
    %dma_wait3A_696 = tpu.memref_slice %arg9[%dma_wait3A_694, %dma_wait3A_695] : memref<3x128xi32, #tpu.memory_space<vmem>> -> memref<1x128xi32, #tpu.memory_space<vmem>>
    %dma_wait3A_697 = tpu.memref_squeeze %dma_wait3A_696 : memref<1x128xi32, #tpu.memory_space<vmem>> -> memref<128xi32, #tpu.memory_space<vmem>>
    %dma_wait3A_698 = arith.constant 0 : i32
    %dma_wait3A_699 = arith.constant 0 : i32
    %dma_wait3A_700 = tpu.memref_slice %arg13[%dma_wait3A_698, %dma_wait3A_699] : memref<6144x128xf32, #tpu.memory_space<vmem_shared>> -> memref<6144x128xf32, #tpu.memory_space<vmem_shared>>
    tpu.wait_indirect_dma semaphore(%arg20 : memref<!tpu.dma_semaphore, #tpu.memory_space<semaphore_mem>>) src(%arg10 : memref<128x128xf32, #tpu.memory_space<vmem>>) dst(%dma_wait3A_700 : memref<6144x128xf32, #tpu.memory_space<vmem_shared>>)
    %add3A_701 = arith.constant 0 : i32
    %add3A_702 = arith.addi %mul3A_4, %add3A_701 : i32
    %add3A_703 = arith.constant 24576 : i32
    %add3A_704 = arith.addi %add3A_703, %mul3A_2 : i32
    %dma_start3A_705 = arith.constant 0 : i32
    %dma_start3A_706 = tpu.memref_slice %arg6[%add3A_704, %dma_start3A_705] : memref<204800x128xf32, #tpu.memory_space<hbm>> -> memref<128x128xf32, #tpu.memory_space<hbm>>
    %dma_start3A_707 = arith.constant 0 : i32
    %dma_start3A_708 = tpu.memref_slice %arg13[%add3A_702, %dma_start3A_707] : memref<6144x128xf32, #tpu.memory_space<vmem_shared>> -> memref<128x128xf32, #tpu.memory_space<vmem_shared>>
    tpu.enqueue_dma source(%dma_start3A_708 : memref<128x128xf32, #tpu.memory_space<vmem_shared>>) target(%dma_start3A_706 : memref<128x128xf32, #tpu.memory_space<hbm>>) target_semaphore(%arg23 : memref<!tpu.dma_semaphore, #tpu.memory_space<semaphore_mem>>)
    %dma_start3A_709 = arith.constant 9 : i32
    %dma_start3A_710 = arith.constant 0 : i32
    %dma_start3A_711 = tpu.memref_slice %arg7[%dma_start3A_709, %dma_start3A_710] : memref<50x128xi32, #tpu.memory_space<vmem>> -> memref<1x128xi32, #tpu.memory_space<vmem>>
    %dma_start3A_712 = tpu.memref_squeeze %dma_start3A_711 : memref<1x128xi32, #tpu.memory_space<vmem>> -> memref<128xi32, #tpu.memory_space<vmem>>
    %dma_start3A_713 = arith.constant 0 : i32
    %dma_start3A_714 = arith.constant 0 : i32
    %dma_start3A_715 = tpu.memref_slice %arg4[%dma_start3A_713, %dma_start3A_714] : memref<100000x128xf32, #tpu.memory_space<hbm>> -> memref<100000x128xf32, #tpu.memory_space<hbm>>
    tpu.enqueue_indirect_dma source(%dma_start3A_715 : memref<100000x128xf32, #tpu.memory_space<hbm>>) target(%arg10 : memref<128x128xf32, #tpu.memory_space<vmem>>) offsets(%dma_start3A_712 : memref<128xi32, #tpu.memory_space<vmem>>) semaphore(%arg14 : memref<!tpu.dma_semaphore, #tpu.memory_space<semaphore_mem>>)
    %dma_wait3A_716 = arith.constant 0 : i32
    %dma_wait3A_717 = tpu.memref_slice %arg6[%add3A_652, %dma_wait3A_716] : memref<204800x128xf32, #tpu.memory_space<hbm>> -> memref<128x128xf32, #tpu.memory_space<hbm>>
    %dma_wait3A_718 = arith.constant 0 : i32
    %dma_wait3A_719 = tpu.memref_slice %arg13[%add3A_650, %dma_wait3A_718] : memref<6144x128xf32, #tpu.memory_space<vmem_shared>> -> memref<128x128xf32, #tpu.memory_space<vmem_shared>>
    tpu.wait_dma2 semaphore(%arg25 : memref<!tpu.dma_semaphore, #tpu.memory_space<semaphore_mem>>) src(%dma_wait3A_719 : memref<128x128xf32, #tpu.memory_space<vmem_shared>>) dst(%dma_wait3A_717 : memref<128x128xf32, #tpu.memory_space<hbm>>)
    %add3A_720 = arith.constant 32768 : i32
    %add3A_721 = arith.addi %add3A_720, %mul3A_2 : i32
    %add3A_722 = arith.constant 256 : i32
    %add3A_723 = arith.addi %mul3A_4, %add3A_722 : i32
    %dma_start3A_724 = arith.constant 0 : i32
    %dma_start3A_725 = tpu.memref_slice %arg13[%add3A_723, %dma_start3A_724] : memref<6144x128xf32, #tpu.memory_space<vmem_shared>> -> memref<128x128xf32, #tpu.memory_space<vmem_shared>>
    %dma_start3A_726 = arith.constant 0 : i32
    %dma_start3A_727 = tpu.memref_slice %arg2[%add3A_721, %dma_start3A_726] : memref<204800x128xf32, #tpu.memory_space<hbm>> -> memref<128x128xf32, #tpu.memory_space<hbm>>
    tpu.enqueue_dma source(%dma_start3A_727 : memref<128x128xf32, #tpu.memory_space<hbm>>) target(%dma_start3A_725 : memref<128x128xf32, #tpu.memory_space<vmem_shared>>) target_semaphore(%arg19 : memref<!tpu.dma_semaphore, #tpu.memory_space<semaphore_mem>>)
    %dma_wait3A_728 = arith.constant 8 : i32
    %dma_wait3A_729 = arith.constant 0 : i32
    %dma_wait3A_730 = tpu.memref_slice %arg7[%dma_wait3A_728, %dma_wait3A_729] : memref<50x128xi32, #tpu.memory_space<vmem>> -> memref<1x128xi32, #tpu.memory_space<vmem>>
    %dma_wait3A_731 = tpu.memref_squeeze %dma_wait3A_730 : memref<1x128xi32, #tpu.memory_space<vmem>> -> memref<128xi32, #tpu.memory_space<vmem>>
    %dma_wait3A_732 = arith.constant 0 : i32
    %dma_wait3A_733 = arith.constant 0 : i32
    %dma_wait3A_734 = tpu.memref_slice %arg4[%dma_wait3A_732, %dma_wait3A_733] : memref<100000x128xf32, #tpu.memory_space<hbm>> -> memref<100000x128xf32, #tpu.memory_space<hbm>>
    tpu.wait_indirect_dma semaphore(%arg16 : memref<!tpu.dma_semaphore, #tpu.memory_space<semaphore_mem>>) src(%dma_wait3A_734 : memref<100000x128xf32, #tpu.memory_space<hbm>>) dst(%arg12 : memref<128x128xf32, #tpu.memory_space<vmem>>)
    %dma_wait3A_735 = arith.constant 0 : i32
    %dma_wait3A_736 = tpu.memref_slice %arg13[%add3A_723, %dma_wait3A_735] : memref<6144x128xf32, #tpu.memory_space<vmem_shared>> -> memref<128x128xf32, #tpu.memory_space<vmem_shared>>
    %dma_wait3A_737 = arith.constant 0 : i32
    %dma_wait3A_738 = tpu.memref_slice %arg2[%add3A_721, %dma_wait3A_737] : memref<204800x128xf32, #tpu.memory_space<hbm>> -> memref<128x128xf32, #tpu.memory_space<hbm>>
    tpu.wait_dma2 semaphore(%arg19 : memref<!tpu.dma_semaphore, #tpu.memory_space<semaphore_mem>>) src(%dma_wait3A_738 : memref<128x128xf32, #tpu.memory_space<hbm>>) dst(%dma_wait3A_736 : memref<128x128xf32, #tpu.memory_space<vmem_shared>>)
    %dma_start3A_739 = arith.constant 2 : i32
    %dma_start3A_740 = arith.constant 0 : i32
    %dma_start3A_741 = tpu.memref_slice %arg9[%dma_start3A_739, %dma_start3A_740] : memref<3x128xi32, #tpu.memory_space<vmem>> -> memref<1x128xi32, #tpu.memory_space<vmem>>
    %dma_start3A_742 = tpu.memref_squeeze %dma_start3A_741 : memref<1x128xi32, #tpu.memory_space<vmem>> -> memref<128xi32, #tpu.memory_space<vmem>>
    %dma_start3A_743 = arith.constant 0 : i32
    %dma_start3A_744 = arith.constant 0 : i32
    %dma_start3A_745 = tpu.memref_slice %arg13[%dma_start3A_743, %dma_start3A_744] : memref<6144x128xf32, #tpu.memory_space<vmem_shared>> -> memref<6144x128xf32, #tpu.memory_space<vmem_shared>>
    tpu.enqueue_indirect_dma source(%arg12 : memref<128x128xf32, #tpu.memory_space<vmem>>) target(%dma_start3A_745 : memref<6144x128xf32, #tpu.memory_space<vmem_shared>>) offsets(%dma_start3A_742 : memref<128xi32, #tpu.memory_space<vmem>>) semaphore(%arg22 : memref<!tpu.dma_semaphore, #tpu.memory_space<semaphore_mem>>) {add = true}
    %dma_wait3A_746 = arith.constant 1 : i32
    %dma_wait3A_747 = arith.constant 0 : i32
    %dma_wait3A_748 = tpu.memref_slice %arg9[%dma_wait3A_746, %dma_wait3A_747] : memref<3x128xi32, #tpu.memory_space<vmem>> -> memref<1x128xi32, #tpu.memory_space<vmem>>
    %dma_wait3A_749 = tpu.memref_squeeze %dma_wait3A_748 : memref<1x128xi32, #tpu.memory_space<vmem>> -> memref<128xi32, #tpu.memory_space<vmem>>
    %dma_wait3A_750 = arith.constant 0 : i32
    %dma_wait3A_751 = arith.constant 0 : i32
    %dma_wait3A_752 = tpu.memref_slice %arg13[%dma_wait3A_750, %dma_wait3A_751] : memref<6144x128xf32, #tpu.memory_space<vmem_shared>> -> memref<6144x128xf32, #tpu.memory_space<vmem_shared>>
    tpu.wait_indirect_dma semaphore(%arg21 : memref<!tpu.dma_semaphore, #tpu.memory_space<semaphore_mem>>) src(%arg11 : memref<128x128xf32, #tpu.memory_space<vmem>>) dst(%dma_wait3A_752 : memref<6144x128xf32, #tpu.memory_space<vmem_shared>>)
    %add3A_753 = arith.constant 128 : i32
    %add3A_754 = arith.addi %mul3A_4, %add3A_753 : i32
    %add3A_755 = arith.constant 28672 : i32
    %add3A_756 = arith.addi %add3A_755, %mul3A_2 : i32
    %dma_start3A_757 = arith.constant 0 : i32
    %dma_start3A_758 = tpu.memref_slice %arg6[%add3A_756, %dma_start3A_757] : memref<204800x128xf32, #tpu.memory_space<hbm>> -> memref<128x128xf32, #tpu.memory_space<hbm>>
    %dma_start3A_759 = arith.constant 0 : i32
    %dma_start3A_760 = tpu.memref_slice %arg13[%add3A_754, %dma_start3A_759] : memref<6144x128xf32, #tpu.memory_space<vmem_shared>> -> memref<128x128xf32, #tpu.memory_space<vmem_shared>>
    tpu.enqueue_dma source(%dma_start3A_760 : memref<128x128xf32, #tpu.memory_space<vmem_shared>>) target(%dma_start3A_758 : memref<128x128xf32, #tpu.memory_space<hbm>>) target_semaphore(%arg24 : memref<!tpu.dma_semaphore, #tpu.memory_space<semaphore_mem>>)
    %dma_start3A_761 = arith.constant 10 : i32
    %dma_start3A_762 = arith.constant 0 : i32
    %dma_start3A_763 = tpu.memref_slice %arg7[%dma_start3A_761, %dma_start3A_762] : memref<50x128xi32, #tpu.memory_space<vmem>> -> memref<1x128xi32, #tpu.memory_space<vmem>>
    %dma_start3A_764 = tpu.memref_squeeze %dma_start3A_763 : memref<1x128xi32, #tpu.memory_space<vmem>> -> memref<128xi32, #tpu.memory_space<vmem>>
    %dma_start3A_765 = arith.constant 0 : i32
    %dma_start3A_766 = arith.constant 0 : i32
    %dma_start3A_767 = tpu.memref_slice %arg4[%dma_start3A_765, %dma_start3A_766] : memref<100000x128xf32, #tpu.memory_space<hbm>> -> memref<100000x128xf32, #tpu.memory_space<hbm>>
    tpu.enqueue_indirect_dma source(%dma_start3A_767 : memref<100000x128xf32, #tpu.memory_space<hbm>>) target(%arg11 : memref<128x128xf32, #tpu.memory_space<vmem>>) offsets(%dma_start3A_764 : memref<128xi32, #tpu.memory_space<vmem>>) semaphore(%arg15 : memref<!tpu.dma_semaphore, #tpu.memory_space<semaphore_mem>>)
    %dma_wait3A_768 = arith.constant 0 : i32
    %dma_wait3A_769 = tpu.memref_slice %arg6[%add3A_704, %dma_wait3A_768] : memref<204800x128xf32, #tpu.memory_space<hbm>> -> memref<128x128xf32, #tpu.memory_space<hbm>>
    %dma_wait3A_770 = arith.constant 0 : i32
    %dma_wait3A_771 = tpu.memref_slice %arg13[%add3A_702, %dma_wait3A_770] : memref<6144x128xf32, #tpu.memory_space<vmem_shared>> -> memref<128x128xf32, #tpu.memory_space<vmem_shared>>
    tpu.wait_dma2 semaphore(%arg23 : memref<!tpu.dma_semaphore, #tpu.memory_space<semaphore_mem>>) src(%dma_wait3A_771 : memref<128x128xf32, #tpu.memory_space<vmem_shared>>) dst(%dma_wait3A_769 : memref<128x128xf32, #tpu.memory_space<hbm>>)
    %add3A_772 = arith.constant 36864 : i32
    %add3A_773 = arith.addi %add3A_772, %mul3A_2 : i32
    %add3A_774 = arith.constant 0 : i32
    %add3A_775 = arith.addi %mul3A_4, %add3A_774 : i32
    %dma_start3A_776 = arith.constant 0 : i32
    %dma_start3A_777 = tpu.memref_slice %arg13[%add3A_775, %dma_start3A_776] : memref<6144x128xf32, #tpu.memory_space<vmem_shared>> -> memref<128x128xf32, #tpu.memory_space<vmem_shared>>
    %dma_start3A_778 = arith.constant 0 : i32
    %dma_start3A_779 = tpu.memref_slice %arg2[%add3A_773, %dma_start3A_778] : memref<204800x128xf32, #tpu.memory_space<hbm>> -> memref<128x128xf32, #tpu.memory_space<hbm>>
    tpu.enqueue_dma source(%dma_start3A_779 : memref<128x128xf32, #tpu.memory_space<hbm>>) target(%dma_start3A_777 : memref<128x128xf32, #tpu.memory_space<vmem_shared>>) target_semaphore(%arg17 : memref<!tpu.dma_semaphore, #tpu.memory_space<semaphore_mem>>)
    %dma_wait3A_780 = arith.constant 9 : i32
    %dma_wait3A_781 = arith.constant 0 : i32
    %dma_wait3A_782 = tpu.memref_slice %arg7[%dma_wait3A_780, %dma_wait3A_781] : memref<50x128xi32, #tpu.memory_space<vmem>> -> memref<1x128xi32, #tpu.memory_space<vmem>>
    %dma_wait3A_783 = tpu.memref_squeeze %dma_wait3A_782 : memref<1x128xi32, #tpu.memory_space<vmem>> -> memref<128xi32, #tpu.memory_space<vmem>>
    %dma_wait3A_784 = arith.constant 0 : i32
    %dma_wait3A_785 = arith.constant 0 : i32
    %dma_wait3A_786 = tpu.memref_slice %arg4[%dma_wait3A_784, %dma_wait3A_785] : memref<100000x128xf32, #tpu.memory_space<hbm>> -> memref<100000x128xf32, #tpu.memory_space<hbm>>
    tpu.wait_indirect_dma semaphore(%arg14 : memref<!tpu.dma_semaphore, #tpu.memory_space<semaphore_mem>>) src(%dma_wait3A_786 : memref<100000x128xf32, #tpu.memory_space<hbm>>) dst(%arg10 : memref<128x128xf32, #tpu.memory_space<vmem>>)
    %dma_wait3A_787 = arith.constant 0 : i32
    %dma_wait3A_788 = tpu.memref_slice %arg13[%add3A_775, %dma_wait3A_787] : memref<6144x128xf32, #tpu.memory_space<vmem_shared>> -> memref<128x128xf32, #tpu.memory_space<vmem_shared>>
    %dma_wait3A_789 = arith.constant 0 : i32
    %dma_wait3A_790 = tpu.memref_slice %arg2[%add3A_773, %dma_wait3A_789] : memref<204800x128xf32, #tpu.memory_space<hbm>> -> memref<128x128xf32, #tpu.memory_space<hbm>>
    tpu.wait_dma2 semaphore(%arg17 : memref<!tpu.dma_semaphore, #tpu.memory_space<semaphore_mem>>) src(%dma_wait3A_790 : memref<128x128xf32, #tpu.memory_space<hbm>>) dst(%dma_wait3A_788 : memref<128x128xf32, #tpu.memory_space<vmem_shared>>)
    %dma_start3A_791 = arith.constant 0 : i32
    %dma_start3A_792 = arith.constant 0 : i32
    %dma_start3A_793 = tpu.memref_slice %arg9[%dma_start3A_791, %dma_start3A_792] : memref<3x128xi32, #tpu.memory_space<vmem>> -> memref<1x128xi32, #tpu.memory_space<vmem>>
    %dma_start3A_794 = tpu.memref_squeeze %dma_start3A_793 : memref<1x128xi32, #tpu.memory_space<vmem>> -> memref<128xi32, #tpu.memory_space<vmem>>
    %dma_start3A_795 = arith.constant 0 : i32
    %dma_start3A_796 = arith.constant 0 : i32
    %dma_start3A_797 = tpu.memref_slice %arg13[%dma_start3A_795, %dma_start3A_796] : memref<6144x128xf32, #tpu.memory_space<vmem_shared>> -> memref<6144x128xf32, #tpu.memory_space<vmem_shared>>
    tpu.enqueue_indirect_dma source(%arg10 : memref<128x128xf32, #tpu.memory_space<vmem>>) target(%dma_start3A_797 : memref<6144x128xf32, #tpu.memory_space<vmem_shared>>) offsets(%dma_start3A_794 : memref<128xi32, #tpu.memory_space<vmem>>) semaphore(%arg20 : memref<!tpu.dma_semaphore, #tpu.memory_space<semaphore_mem>>) {add = true}
    %dma_wait3A_798 = arith.constant 2 : i32
    %dma_wait3A_799 = arith.constant 0 : i32
    %dma_wait3A_800 = tpu.memref_slice %arg9[%dma_wait3A_798, %dma_wait3A_799] : memref<3x128xi32, #tpu.memory_space<vmem>> -> memref<1x128xi32, #tpu.memory_space<vmem>>
    %dma_wait3A_801 = tpu.memref_squeeze %dma_wait3A_800 : memref<1x128xi32, #tpu.memory_space<vmem>> -> memref<128xi32, #tpu.memory_space<vmem>>
    %dma_wait3A_802 = arith.constant 0 : i32
    %dma_wait3A_803 = arith.constant 0 : i32
    %dma_wait3A_804 = tpu.memref_slice %arg13[%dma_wait3A_802, %dma_wait3A_803] : memref<6144x128xf32, #tpu.memory_space<vmem_shared>> -> memref<6144x128xf32, #tpu.memory_space<vmem_shared>>
    tpu.wait_indirect_dma semaphore(%arg22 : memref<!tpu.dma_semaphore, #tpu.memory_space<semaphore_mem>>) src(%arg12 : memref<128x128xf32, #tpu.memory_space<vmem>>) dst(%dma_wait3A_804 : memref<6144x128xf32, #tpu.memory_space<vmem_shared>>)
    %add3A_805 = arith.constant 256 : i32
    %add3A_806 = arith.addi %mul3A_4, %add3A_805 : i32
    %add3A_807 = arith.constant 32768 : i32
    %add3A_808 = arith.addi %add3A_807, %mul3A_2 : i32
    %dma_start3A_809 = arith.constant 0 : i32
    %dma_start3A_810 = tpu.memref_slice %arg6[%add3A_808, %dma_start3A_809] : memref<204800x128xf32, #tpu.memory_space<hbm>> -> memref<128x128xf32, #tpu.memory_space<hbm>>
    %dma_start3A_811 = arith.constant 0 : i32
    %dma_start3A_812 = tpu.memref_slice %arg13[%add3A_806, %dma_start3A_811] : memref<6144x128xf32, #tpu.memory_space<vmem_shared>> -> memref<128x128xf32, #tpu.memory_space<vmem_shared>>
    tpu.enqueue_dma source(%dma_start3A_812 : memref<128x128xf32, #tpu.memory_space<vmem_shared>>) target(%dma_start3A_810 : memref<128x128xf32, #tpu.memory_space<hbm>>) target_semaphore(%arg25 : memref<!tpu.dma_semaphore, #tpu.memory_space<semaphore_mem>>)
    %dma_start3A_813 = arith.constant 11 : i32
    %dma_start3A_814 = arith.constant 0 : i32
    %dma_start3A_815 = tpu.memref_slice %arg7[%dma_start3A_813, %dma_start3A_814] : memref<50x128xi32, #tpu.memory_space<vmem>> -> memref<1x128xi32, #tpu.memory_space<vmem>>
    %dma_start3A_816 = tpu.memref_squeeze %dma_start3A_815 : memref<1x128xi32, #tpu.memory_space<vmem>> -> memref<128xi32, #tpu.memory_space<vmem>>
    %dma_start3A_817 = arith.constant 0 : i32
    %dma_start3A_818 = arith.constant 0 : i32
    %dma_start3A_819 = tpu.memref_slice %arg4[%dma_start3A_817, %dma_start3A_818] : memref<100000x128xf32, #tpu.memory_space<hbm>> -> memref<100000x128xf32, #tpu.memory_space<hbm>>
    tpu.enqueue_indirect_dma source(%dma_start3A_819 : memref<100000x128xf32, #tpu.memory_space<hbm>>) target(%arg12 : memref<128x128xf32, #tpu.memory_space<vmem>>) offsets(%dma_start3A_816 : memref<128xi32, #tpu.memory_space<vmem>>) semaphore(%arg16 : memref<!tpu.dma_semaphore, #tpu.memory_space<semaphore_mem>>)
    %dma_wait3A_820 = arith.constant 0 : i32
    %dma_wait3A_821 = tpu.memref_slice %arg6[%add3A_756, %dma_wait3A_820] : memref<204800x128xf32, #tpu.memory_space<hbm>> -> memref<128x128xf32, #tpu.memory_space<hbm>>
    %dma_wait3A_822 = arith.constant 0 : i32
    %dma_wait3A_823 = tpu.memref_slice %arg13[%add3A_754, %dma_wait3A_822] : memref<6144x128xf32, #tpu.memory_space<vmem_shared>> -> memref<128x128xf32, #tpu.memory_space<vmem_shared>>
    tpu.wait_dma2 semaphore(%arg24 : memref<!tpu.dma_semaphore, #tpu.memory_space<semaphore_mem>>) src(%dma_wait3A_823 : memref<128x128xf32, #tpu.memory_space<vmem_shared>>) dst(%dma_wait3A_821 : memref<128x128xf32, #tpu.memory_space<hbm>>)
    %add3A_824 = arith.constant 40960 : i32
    %add3A_825 = arith.addi %add3A_824, %mul3A_2 : i32
    %add3A_826 = arith.constant 128 : i32
    %add3A_827 = arith.addi %mul3A_4, %add3A_826 : i32
    %dma_start3A_828 = arith.constant 0 : i32
    %dma_start3A_829 = tpu.memref_slice %arg13[%add3A_827, %dma_start3A_828] : memref<6144x128xf32, #tpu.memory_space<vmem_shared>> -> memref<128x128xf32, #tpu.memory_space<vmem_shared>>
    %dma_start3A_830 = arith.constant 0 : i32
    %dma_start3A_831 = tpu.memref_slice %arg2[%add3A_825, %dma_start3A_830] : memref<204800x128xf32, #tpu.memory_space<hbm>> -> memref<128x128xf32, #tpu.memory_space<hbm>>
    tpu.enqueue_dma source(%dma_start3A_831 : memref<128x128xf32, #tpu.memory_space<hbm>>) target(%dma_start3A_829 : memref<128x128xf32, #tpu.memory_space<vmem_shared>>) target_semaphore(%arg18 : memref<!tpu.dma_semaphore, #tpu.memory_space<semaphore_mem>>)
    %dma_wait3A_832 = arith.constant 10 : i32
    %dma_wait3A_833 = arith.constant 0 : i32
    %dma_wait3A_834 = tpu.memref_slice %arg7[%dma_wait3A_832, %dma_wait3A_833] : memref<50x128xi32, #tpu.memory_space<vmem>> -> memref<1x128xi32, #tpu.memory_space<vmem>>
    %dma_wait3A_835 = tpu.memref_squeeze %dma_wait3A_834 : memref<1x128xi32, #tpu.memory_space<vmem>> -> memref<128xi32, #tpu.memory_space<vmem>>
    %dma_wait3A_836 = arith.constant 0 : i32
    %dma_wait3A_837 = arith.constant 0 : i32
    %dma_wait3A_838 = tpu.memref_slice %arg4[%dma_wait3A_836, %dma_wait3A_837] : memref<100000x128xf32, #tpu.memory_space<hbm>> -> memref<100000x128xf32, #tpu.memory_space<hbm>>
    tpu.wait_indirect_dma semaphore(%arg15 : memref<!tpu.dma_semaphore, #tpu.memory_space<semaphore_mem>>) src(%dma_wait3A_838 : memref<100000x128xf32, #tpu.memory_space<hbm>>) dst(%arg11 : memref<128x128xf32, #tpu.memory_space<vmem>>)
    %dma_wait3A_839 = arith.constant 0 : i32
    %dma_wait3A_840 = tpu.memref_slice %arg13[%add3A_827, %dma_wait3A_839] : memref<6144x128xf32, #tpu.memory_space<vmem_shared>> -> memref<128x128xf32, #tpu.memory_space<vmem_shared>>
    %dma_wait3A_841 = arith.constant 0 : i32
    %dma_wait3A_842 = tpu.memref_slice %arg2[%add3A_825, %dma_wait3A_841] : memref<204800x128xf32, #tpu.memory_space<hbm>> -> memref<128x128xf32, #tpu.memory_space<hbm>>
    tpu.wait_dma2 semaphore(%arg18 : memref<!tpu.dma_semaphore, #tpu.memory_space<semaphore_mem>>) src(%dma_wait3A_842 : memref<128x128xf32, #tpu.memory_space<hbm>>) dst(%dma_wait3A_840 : memref<128x128xf32, #tpu.memory_space<vmem_shared>>)
    %dma_start3A_843 = arith.constant 1 : i32
    %dma_start3A_844 = arith.constant 0 : i32
    %dma_start3A_845 = tpu.memref_slice %arg9[%dma_start3A_843, %dma_start3A_844] : memref<3x128xi32, #tpu.memory_space<vmem>> -> memref<1x128xi32, #tpu.memory_space<vmem>>
    %dma_start3A_846 = tpu.memref_squeeze %dma_start3A_845 : memref<1x128xi32, #tpu.memory_space<vmem>> -> memref<128xi32, #tpu.memory_space<vmem>>
    %dma_start3A_847 = arith.constant 0 : i32
    %dma_start3A_848 = arith.constant 0 : i32
    %dma_start3A_849 = tpu.memref_slice %arg13[%dma_start3A_847, %dma_start3A_848] : memref<6144x128xf32, #tpu.memory_space<vmem_shared>> -> memref<6144x128xf32, #tpu.memory_space<vmem_shared>>
    tpu.enqueue_indirect_dma source(%arg11 : memref<128x128xf32, #tpu.memory_space<vmem>>) target(%dma_start3A_849 : memref<6144x128xf32, #tpu.memory_space<vmem_shared>>) offsets(%dma_start3A_846 : memref<128xi32, #tpu.memory_space<vmem>>) semaphore(%arg21 : memref<!tpu.dma_semaphore, #tpu.memory_space<semaphore_mem>>) {add = true}
    %dma_wait3A_850 = arith.constant 0 : i32
    %dma_wait3A_851 = arith.constant 0 : i32
    %dma_wait3A_852 = tpu.memref_slice %arg9[%dma_wait3A_850, %dma_wait3A_851] : memref<3x128xi32, #tpu.memory_space<vmem>> -> memref<1x128xi32, #tpu.memory_space<vmem>>
    %dma_wait3A_853 = tpu.memref_squeeze %dma_wait3A_852 : memref<1x128xi32, #tpu.memory_space<vmem>> -> memref<128xi32, #tpu.memory_space<vmem>>
    %dma_wait3A_854 = arith.constant 0 : i32
    %dma_wait3A_855 = arith.constant 0 : i32
    %dma_wait3A_856 = tpu.memref_slice %arg13[%dma_wait3A_854, %dma_wait3A_855] : memref<6144x128xf32, #tpu.memory_space<vmem_shared>> -> memref<6144x128xf32, #tpu.memory_space<vmem_shared>>
    tpu.wait_indirect_dma semaphore(%arg20 : memref<!tpu.dma_semaphore, #tpu.memory_space<semaphore_mem>>) src(%arg10 : memref<128x128xf32, #tpu.memory_space<vmem>>) dst(%dma_wait3A_856 : memref<6144x128xf32, #tpu.memory_space<vmem_shared>>)
    %add3A_857 = arith.constant 0 : i32
    %add3A_858 = arith.addi %mul3A_4, %add3A_857 : i32
    %add3A_859 = arith.constant 36864 : i32
    %add3A_860 = arith.addi %add3A_859, %mul3A_2 : i32
    %dma_start3A_861 = arith.constant 0 : i32
    %dma_start3A_862 = tpu.memref_slice %arg6[%add3A_860, %dma_start3A_861] : memref<204800x128xf32, #tpu.memory_space<hbm>> -> memref<128x128xf32, #tpu.memory_space<hbm>>
    %dma_start3A_863 = arith.constant 0 : i32
    %dma_start3A_864 = tpu.memref_slice %arg13[%add3A_858, %dma_start3A_863] : memref<6144x128xf32, #tpu.memory_space<vmem_shared>> -> memref<128x128xf32, #tpu.memory_space<vmem_shared>>
    tpu.enqueue_dma source(%dma_start3A_864 : memref<128x128xf32, #tpu.memory_space<vmem_shared>>) target(%dma_start3A_862 : memref<128x128xf32, #tpu.memory_space<hbm>>) target_semaphore(%arg23 : memref<!tpu.dma_semaphore, #tpu.memory_space<semaphore_mem>>)
    %dma_start3A_865 = arith.constant 12 : i32
    %dma_start3A_866 = arith.constant 0 : i32
    %dma_start3A_867 = tpu.memref_slice %arg7[%dma_start3A_865, %dma_start3A_866] : memref<50x128xi32, #tpu.memory_space<vmem>> -> memref<1x128xi32, #tpu.memory_space<vmem>>
    %dma_start3A_868 = tpu.memref_squeeze %dma_start3A_867 : memref<1x128xi32, #tpu.memory_space<vmem>> -> memref<128xi32, #tpu.memory_space<vmem>>
    %dma_start3A_869 = arith.constant 0 : i32
    %dma_start3A_870 = arith.constant 0 : i32
    %dma_start3A_871 = tpu.memref_slice %arg4[%dma_start3A_869, %dma_start3A_870] : memref<100000x128xf32, #tpu.memory_space<hbm>> -> memref<100000x128xf32, #tpu.memory_space<hbm>>
    tpu.enqueue_indirect_dma source(%dma_start3A_871 : memref<100000x128xf32, #tpu.memory_space<hbm>>) target(%arg10 : memref<128x128xf32, #tpu.memory_space<vmem>>) offsets(%dma_start3A_868 : memref<128xi32, #tpu.memory_space<vmem>>) semaphore(%arg14 : memref<!tpu.dma_semaphore, #tpu.memory_space<semaphore_mem>>)
    %dma_wait3A_872 = arith.constant 0 : i32
    %dma_wait3A_873 = tpu.memref_slice %arg6[%add3A_808, %dma_wait3A_872] : memref<204800x128xf32, #tpu.memory_space<hbm>> -> memref<128x128xf32, #tpu.memory_space<hbm>>
    %dma_wait3A_874 = arith.constant 0 : i32
    %dma_wait3A_875 = tpu.memref_slice %arg13[%add3A_806, %dma_wait3A_874] : memref<6144x128xf32, #tpu.memory_space<vmem_shared>> -> memref<128x128xf32, #tpu.memory_space<vmem_shared>>
    tpu.wait_dma2 semaphore(%arg25 : memref<!tpu.dma_semaphore, #tpu.memory_space<semaphore_mem>>) src(%dma_wait3A_875 : memref<128x128xf32, #tpu.memory_space<vmem_shared>>) dst(%dma_wait3A_873 : memref<128x128xf32, #tpu.memory_space<hbm>>)
    %add3A_876 = arith.constant 45056 : i32
    %add3A_877 = arith.addi %add3A_876, %mul3A_2 : i32
    %add3A_878 = arith.constant 256 : i32
    %add3A_879 = arith.addi %mul3A_4, %add3A_878 : i32
    %dma_start3A_880 = arith.constant 0 : i32
    %dma_start3A_881 = tpu.memref_slice %arg13[%add3A_879, %dma_start3A_880] : memref<6144x128xf32, #tpu.memory_space<vmem_shared>> -> memref<128x128xf32, #tpu.memory_space<vmem_shared>>
    %dma_start3A_882 = arith.constant 0 : i32
    %dma_start3A_883 = tpu.memref_slice %arg2[%add3A_877, %dma_start3A_882] : memref<204800x128xf32, #tpu.memory_space<hbm>> -> memref<128x128xf32, #tpu.memory_space<hbm>>
    tpu.enqueue_dma source(%dma_start3A_883 : memref<128x128xf32, #tpu.memory_space<hbm>>) target(%dma_start3A_881 : memref<128x128xf32, #tpu.memory_space<vmem_shared>>) target_semaphore(%arg19 : memref<!tpu.dma_semaphore, #tpu.memory_space<semaphore_mem>>)
    %dma_wait3A_884 = arith.constant 11 : i32
    %dma_wait3A_885 = arith.constant 0 : i32
    %dma_wait3A_886 = tpu.memref_slice %arg7[%dma_wait3A_884, %dma_wait3A_885] : memref<50x128xi32, #tpu.memory_space<vmem>> -> memref<1x128xi32, #tpu.memory_space<vmem>>
    %dma_wait3A_887 = tpu.memref_squeeze %dma_wait3A_886 : memref<1x128xi32, #tpu.memory_space<vmem>> -> memref<128xi32, #tpu.memory_space<vmem>>
    %dma_wait3A_888 = arith.constant 0 : i32
    %dma_wait3A_889 = arith.constant 0 : i32
    %dma_wait3A_890 = tpu.memref_slice %arg4[%dma_wait3A_888, %dma_wait3A_889] : memref<100000x128xf32, #tpu.memory_space<hbm>> -> memref<100000x128xf32, #tpu.memory_space<hbm>>
    tpu.wait_indirect_dma semaphore(%arg16 : memref<!tpu.dma_semaphore, #tpu.memory_space<semaphore_mem>>) src(%dma_wait3A_890 : memref<100000x128xf32, #tpu.memory_space<hbm>>) dst(%arg12 : memref<128x128xf32, #tpu.memory_space<vmem>>)
    %dma_wait3A_891 = arith.constant 0 : i32
    %dma_wait3A_892 = tpu.memref_slice %arg13[%add3A_879, %dma_wait3A_891] : memref<6144x128xf32, #tpu.memory_space<vmem_shared>> -> memref<128x128xf32, #tpu.memory_space<vmem_shared>>
    %dma_wait3A_893 = arith.constant 0 : i32
    %dma_wait3A_894 = tpu.memref_slice %arg2[%add3A_877, %dma_wait3A_893] : memref<204800x128xf32, #tpu.memory_space<hbm>> -> memref<128x128xf32, #tpu.memory_space<hbm>>
    tpu.wait_dma2 semaphore(%arg19 : memref<!tpu.dma_semaphore, #tpu.memory_space<semaphore_mem>>) src(%dma_wait3A_894 : memref<128x128xf32, #tpu.memory_space<hbm>>) dst(%dma_wait3A_892 : memref<128x128xf32, #tpu.memory_space<vmem_shared>>)
    %dma_start3A_895 = arith.constant 2 : i32
    %dma_start3A_896 = arith.constant 0 : i32
    %dma_start3A_897 = tpu.memref_slice %arg9[%dma_start3A_895, %dma_start3A_896] : memref<3x128xi32, #tpu.memory_space<vmem>> -> memref<1x128xi32, #tpu.memory_space<vmem>>
    %dma_start3A_898 = tpu.memref_squeeze %dma_start3A_897 : memref<1x128xi32, #tpu.memory_space<vmem>> -> memref<128xi32, #tpu.memory_space<vmem>>
    %dma_start3A_899 = arith.constant 0 : i32
    %dma_start3A_900 = arith.constant 0 : i32
    %dma_start3A_901 = tpu.memref_slice %arg13[%dma_start3A_899, %dma_start3A_900] : memref<6144x128xf32, #tpu.memory_space<vmem_shared>> -> memref<6144x128xf32, #tpu.memory_space<vmem_shared>>
    tpu.enqueue_indirect_dma source(%arg12 : memref<128x128xf32, #tpu.memory_space<vmem>>) target(%dma_start3A_901 : memref<6144x128xf32, #tpu.memory_space<vmem_shared>>) offsets(%dma_start3A_898 : memref<128xi32, #tpu.memory_space<vmem>>) semaphore(%arg22 : memref<!tpu.dma_semaphore, #tpu.memory_space<semaphore_mem>>) {add = true}
    %dma_wait3A_902 = arith.constant 1 : i32
    %dma_wait3A_903 = arith.constant 0 : i32
    %dma_wait3A_904 = tpu.memref_slice %arg9[%dma_wait3A_902, %dma_wait3A_903] : memref<3x128xi32, #tpu.memory_space<vmem>> -> memref<1x128xi32, #tpu.memory_space<vmem>>
    %dma_wait3A_905 = tpu.memref_squeeze %dma_wait3A_904 : memref<1x128xi32, #tpu.memory_space<vmem>> -> memref<128xi32, #tpu.memory_space<vmem>>
    %dma_wait3A_906 = arith.constant 0 : i32
    %dma_wait3A_907 = arith.constant 0 : i32
    %dma_wait3A_908 = tpu.memref_slice %arg13[%dma_wait3A_906, %dma_wait3A_907] : memref<6144x128xf32, #tpu.memory_space<vmem_shared>> -> memref<6144x128xf32, #tpu.memory_space<vmem_shared>>
    tpu.wait_indirect_dma semaphore(%arg21 : memref<!tpu.dma_semaphore, #tpu.memory_space<semaphore_mem>>) src(%arg11 : memref<128x128xf32, #tpu.memory_space<vmem>>) dst(%dma_wait3A_908 : memref<6144x128xf32, #tpu.memory_space<vmem_shared>>)
    %add3A_909 = arith.constant 128 : i32
    %add3A_910 = arith.addi %mul3A_4, %add3A_909 : i32
    %add3A_911 = arith.constant 40960 : i32
    %add3A_912 = arith.addi %add3A_911, %mul3A_2 : i32
    %dma_start3A_913 = arith.constant 0 : i32
    %dma_start3A_914 = tpu.memref_slice %arg6[%add3A_912, %dma_start3A_913] : memref<204800x128xf32, #tpu.memory_space<hbm>> -> memref<128x128xf32, #tpu.memory_space<hbm>>
    %dma_start3A_915 = arith.constant 0 : i32
    %dma_start3A_916 = tpu.memref_slice %arg13[%add3A_910, %dma_start3A_915] : memref<6144x128xf32, #tpu.memory_space<vmem_shared>> -> memref<128x128xf32, #tpu.memory_space<vmem_shared>>
    tpu.enqueue_dma source(%dma_start3A_916 : memref<128x128xf32, #tpu.memory_space<vmem_shared>>) target(%dma_start3A_914 : memref<128x128xf32, #tpu.memory_space<hbm>>) target_semaphore(%arg24 : memref<!tpu.dma_semaphore, #tpu.memory_space<semaphore_mem>>)
    %dma_start3A_917 = arith.constant 13 : i32
    %dma_start3A_918 = arith.constant 0 : i32
    %dma_start3A_919 = tpu.memref_slice %arg7[%dma_start3A_917, %dma_start3A_918] : memref<50x128xi32, #tpu.memory_space<vmem>> -> memref<1x128xi32, #tpu.memory_space<vmem>>
    %dma_start3A_920 = tpu.memref_squeeze %dma_start3A_919 : memref<1x128xi32, #tpu.memory_space<vmem>> -> memref<128xi32, #tpu.memory_space<vmem>>
    %dma_start3A_921 = arith.constant 0 : i32
    %dma_start3A_922 = arith.constant 0 : i32
    %dma_start3A_923 = tpu.memref_slice %arg4[%dma_start3A_921, %dma_start3A_922] : memref<100000x128xf32, #tpu.memory_space<hbm>> -> memref<100000x128xf32, #tpu.memory_space<hbm>>
    tpu.enqueue_indirect_dma source(%dma_start3A_923 : memref<100000x128xf32, #tpu.memory_space<hbm>>) target(%arg11 : memref<128x128xf32, #tpu.memory_space<vmem>>) offsets(%dma_start3A_920 : memref<128xi32, #tpu.memory_space<vmem>>) semaphore(%arg15 : memref<!tpu.dma_semaphore, #tpu.memory_space<semaphore_mem>>)
    %dma_wait3A_924 = arith.constant 0 : i32
    %dma_wait3A_925 = tpu.memref_slice %arg6[%add3A_860, %dma_wait3A_924] : memref<204800x128xf32, #tpu.memory_space<hbm>> -> memref<128x128xf32, #tpu.memory_space<hbm>>
    %dma_wait3A_926 = arith.constant 0 : i32
    %dma_wait3A_927 = tpu.memref_slice %arg13[%add3A_858, %dma_wait3A_926] : memref<6144x128xf32, #tpu.memory_space<vmem_shared>> -> memref<128x128xf32, #tpu.memory_space<vmem_shared>>
    tpu.wait_dma2 semaphore(%arg23 : memref<!tpu.dma_semaphore, #tpu.memory_space<semaphore_mem>>) src(%dma_wait3A_927 : memref<128x128xf32, #tpu.memory_space<vmem_shared>>) dst(%dma_wait3A_925 : memref<128x128xf32, #tpu.memory_space<hbm>>)
    %add3A_928 = arith.constant 49152 : i32
    %add3A_929 = arith.addi %add3A_928, %mul3A_2 : i32
    %add3A_930 = arith.constant 0 : i32
    %add3A_931 = arith.addi %mul3A_4, %add3A_930 : i32
    %dma_start3A_932 = arith.constant 0 : i32
    %dma_start3A_933 = tpu.memref_slice %arg13[%add3A_931, %dma_start3A_932] : memref<6144x128xf32, #tpu.memory_space<vmem_shared>> -> memref<128x128xf32, #tpu.memory_space<vmem_shared>>
    %dma_start3A_934 = arith.constant 0 : i32
    %dma_start3A_935 = tpu.memref_slice %arg2[%add3A_929, %dma_start3A_934] : memref<204800x128xf32, #tpu.memory_space<hbm>> -> memref<128x128xf32, #tpu.memory_space<hbm>>
    tpu.enqueue_dma source(%dma_start3A_935 : memref<128x128xf32, #tpu.memory_space<hbm>>) target(%dma_start3A_933 : memref<128x128xf32, #tpu.memory_space<vmem_shared>>) target_semaphore(%arg17 : memref<!tpu.dma_semaphore, #tpu.memory_space<semaphore_mem>>)
    %dma_wait3A_936 = arith.constant 12 : i32
    %dma_wait3A_937 = arith.constant 0 : i32
    %dma_wait3A_938 = tpu.memref_slice %arg7[%dma_wait3A_936, %dma_wait3A_937] : memref<50x128xi32, #tpu.memory_space<vmem>> -> memref<1x128xi32, #tpu.memory_space<vmem>>
    %dma_wait3A_939 = tpu.memref_squeeze %dma_wait3A_938 : memref<1x128xi32, #tpu.memory_space<vmem>> -> memref<128xi32, #tpu.memory_space<vmem>>
    %dma_wait3A_940 = arith.constant 0 : i32
    %dma_wait3A_941 = arith.constant 0 : i32
    %dma_wait3A_942 = tpu.memref_slice %arg4[%dma_wait3A_940, %dma_wait3A_941] : memref<100000x128xf32, #tpu.memory_space<hbm>> -> memref<100000x128xf32, #tpu.memory_space<hbm>>
    tpu.wait_indirect_dma semaphore(%arg14 : memref<!tpu.dma_semaphore, #tpu.memory_space<semaphore_mem>>) src(%dma_wait3A_942 : memref<100000x128xf32, #tpu.memory_space<hbm>>) dst(%arg10 : memref<128x128xf32, #tpu.memory_space<vmem>>)
    %dma_wait3A_943 = arith.constant 0 : i32
    %dma_wait3A_944 = tpu.memref_slice %arg13[%add3A_931, %dma_wait3A_943] : memref<6144x128xf32, #tpu.memory_space<vmem_shared>> -> memref<128x128xf32, #tpu.memory_space<vmem_shared>>
    %dma_wait3A_945 = arith.constant 0 : i32
    %dma_wait3A_946 = tpu.memref_slice %arg2[%add3A_929, %dma_wait3A_945] : memref<204800x128xf32, #tpu.memory_space<hbm>> -> memref<128x128xf32, #tpu.memory_space<hbm>>
    tpu.wait_dma2 semaphore(%arg17 : memref<!tpu.dma_semaphore, #tpu.memory_space<semaphore_mem>>) src(%dma_wait3A_946 : memref<128x128xf32, #tpu.memory_space<hbm>>) dst(%dma_wait3A_944 : memref<128x128xf32, #tpu.memory_space<vmem_shared>>)
    %dma_start3A_947 = arith.constant 0 : i32
    %dma_start3A_948 = arith.constant 0 : i32
    %dma_start3A_949 = tpu.memref_slice %arg9[%dma_start3A_947, %dma_start3A_948] : memref<3x128xi32, #tpu.memory_space<vmem>> -> memref<1x128xi32, #tpu.memory_space<vmem>>
    %dma_start3A_950 = tpu.memref_squeeze %dma_start3A_949 : memref<1x128xi32, #tpu.memory_space<vmem>> -> memref<128xi32, #tpu.memory_space<vmem>>
    %dma_start3A_951 = arith.constant 0 : i32
    %dma_start3A_952 = arith.constant 0 : i32
    %dma_start3A_953 = tpu.memref_slice %arg13[%dma_start3A_951, %dma_start3A_952] : memref<6144x128xf32, #tpu.memory_space<vmem_shared>> -> memref<6144x128xf32, #tpu.memory_space<vmem_shared>>
    tpu.enqueue_indirect_dma source(%arg10 : memref<128x128xf32, #tpu.memory_space<vmem>>) target(%dma_start3A_953 : memref<6144x128xf32, #tpu.memory_space<vmem_shared>>) offsets(%dma_start3A_950 : memref<128xi32, #tpu.memory_space<vmem>>) semaphore(%arg20 : memref<!tpu.dma_semaphore, #tpu.memory_space<semaphore_mem>>) {add = true}
    %dma_wait3A_954 = arith.constant 2 : i32
    %dma_wait3A_955 = arith.constant 0 : i32
    %dma_wait3A_956 = tpu.memref_slice %arg9[%dma_wait3A_954, %dma_wait3A_955] : memref<3x128xi32, #tpu.memory_space<vmem>> -> memref<1x128xi32, #tpu.memory_space<vmem>>
    %dma_wait3A_957 = tpu.memref_squeeze %dma_wait3A_956 : memref<1x128xi32, #tpu.memory_space<vmem>> -> memref<128xi32, #tpu.memory_space<vmem>>
    %dma_wait3A_958 = arith.constant 0 : i32
    %dma_wait3A_959 = arith.constant 0 : i32
    %dma_wait3A_960 = tpu.memref_slice %arg13[%dma_wait3A_958, %dma_wait3A_959] : memref<6144x128xf32, #tpu.memory_space<vmem_shared>> -> memref<6144x128xf32, #tpu.memory_space<vmem_shared>>
    tpu.wait_indirect_dma semaphore(%arg22 : memref<!tpu.dma_semaphore, #tpu.memory_space<semaphore_mem>>) src(%arg12 : memref<128x128xf32, #tpu.memory_space<vmem>>) dst(%dma_wait3A_960 : memref<6144x128xf32, #tpu.memory_space<vmem_shared>>)
    %add3A_961 = arith.constant 256 : i32
    %add3A_962 = arith.addi %mul3A_4, %add3A_961 : i32
    %add3A_963 = arith.constant 45056 : i32
    %add3A_964 = arith.addi %add3A_963, %mul3A_2 : i32
    %dma_start3A_965 = arith.constant 0 : i32
    %dma_start3A_966 = tpu.memref_slice %arg6[%add3A_964, %dma_start3A_965] : memref<204800x128xf32, #tpu.memory_space<hbm>> -> memref<128x128xf32, #tpu.memory_space<hbm>>
    %dma_start3A_967 = arith.constant 0 : i32
    %dma_start3A_968 = tpu.memref_slice %arg13[%add3A_962, %dma_start3A_967] : memref<6144x128xf32, #tpu.memory_space<vmem_shared>> -> memref<128x128xf32, #tpu.memory_space<vmem_shared>>
    tpu.enqueue_dma source(%dma_start3A_968 : memref<128x128xf32, #tpu.memory_space<vmem_shared>>) target(%dma_start3A_966 : memref<128x128xf32, #tpu.memory_space<hbm>>) target_semaphore(%arg25 : memref<!tpu.dma_semaphore, #tpu.memory_space<semaphore_mem>>)
    %dma_start3A_969 = arith.constant 14 : i32
    %dma_start3A_970 = arith.constant 0 : i32
    %dma_start3A_971 = tpu.memref_slice %arg7[%dma_start3A_969, %dma_start3A_970] : memref<50x128xi32, #tpu.memory_space<vmem>> -> memref<1x128xi32, #tpu.memory_space<vmem>>
    %dma_start3A_972 = tpu.memref_squeeze %dma_start3A_971 : memref<1x128xi32, #tpu.memory_space<vmem>> -> memref<128xi32, #tpu.memory_space<vmem>>
    %dma_start3A_973 = arith.constant 0 : i32
    %dma_start3A_974 = arith.constant 0 : i32
    %dma_start3A_975 = tpu.memref_slice %arg4[%dma_start3A_973, %dma_start3A_974] : memref<100000x128xf32, #tpu.memory_space<hbm>> -> memref<100000x128xf32, #tpu.memory_space<hbm>>
    tpu.enqueue_indirect_dma source(%dma_start3A_975 : memref<100000x128xf32, #tpu.memory_space<hbm>>) target(%arg12 : memref<128x128xf32, #tpu.memory_space<vmem>>) offsets(%dma_start3A_972 : memref<128xi32, #tpu.memory_space<vmem>>) semaphore(%arg16 : memref<!tpu.dma_semaphore, #tpu.memory_space<semaphore_mem>>)
    %dma_wait3A_976 = arith.constant 0 : i32
    %dma_wait3A_977 = tpu.memref_slice %arg6[%add3A_912, %dma_wait3A_976] : memref<204800x128xf32, #tpu.memory_space<hbm>> -> memref<128x128xf32, #tpu.memory_space<hbm>>
    %dma_wait3A_978 = arith.constant 0 : i32
    %dma_wait3A_979 = tpu.memref_slice %arg13[%add3A_910, %dma_wait3A_978] : memref<6144x128xf32, #tpu.memory_space<vmem_shared>> -> memref<128x128xf32, #tpu.memory_space<vmem_shared>>
    tpu.wait_dma2 semaphore(%arg24 : memref<!tpu.dma_semaphore, #tpu.memory_space<semaphore_mem>>) src(%dma_wait3A_979 : memref<128x128xf32, #tpu.memory_space<vmem_shared>>) dst(%dma_wait3A_977 : memref<128x128xf32, #tpu.memory_space<hbm>>)
    %add3A_980 = arith.constant 53248 : i32
    %add3A_981 = arith.addi %add3A_980, %mul3A_2 : i32
    %add3A_982 = arith.constant 128 : i32
    %add3A_983 = arith.addi %mul3A_4, %add3A_982 : i32
    %dma_start3A_984 = arith.constant 0 : i32
    %dma_start3A_985 = tpu.memref_slice %arg13[%add3A_983, %dma_start3A_984] : memref<6144x128xf32, #tpu.memory_space<vmem_shared>> -> memref<128x128xf32, #tpu.memory_space<vmem_shared>>
    %dma_start3A_986 = arith.constant 0 : i32
    %dma_start3A_987 = tpu.memref_slice %arg2[%add3A_981, %dma_start3A_986] : memref<204800x128xf32, #tpu.memory_space<hbm>> -> memref<128x128xf32, #tpu.memory_space<hbm>>
    tpu.enqueue_dma source(%dma_start3A_987 : memref<128x128xf32, #tpu.memory_space<hbm>>) target(%dma_start3A_985 : memref<128x128xf32, #tpu.memory_space<vmem_shared>>) target_semaphore(%arg18 : memref<!tpu.dma_semaphore, #tpu.memory_space<semaphore_mem>>)
    %dma_wait3A_988 = arith.constant 13 : i32
    %dma_wait3A_989 = arith.constant 0 : i32
    %dma_wait3A_990 = tpu.memref_slice %arg7[%dma_wait3A_988, %dma_wait3A_989] : memref<50x128xi32, #tpu.memory_space<vmem>> -> memref<1x128xi32, #tpu.memory_space<vmem>>
    %dma_wait3A_991 = tpu.memref_squeeze %dma_wait3A_990 : memref<1x128xi32, #tpu.memory_space<vmem>> -> memref<128xi32, #tpu.memory_space<vmem>>
    %dma_wait3A_992 = arith.constant 0 : i32
    %dma_wait3A_993 = arith.constant 0 : i32
    %dma_wait3A_994 = tpu.memref_slice %arg4[%dma_wait3A_992, %dma_wait3A_993] : memref<100000x128xf32, #tpu.memory_space<hbm>> -> memref<100000x128xf32, #tpu.memory_space<hbm>>
    tpu.wait_indirect_dma semaphore(%arg15 : memref<!tpu.dma_semaphore, #tpu.memory_space<semaphore_mem>>) src(%dma_wait3A_994 : memref<100000x128xf32, #tpu.memory_space<hbm>>) dst(%arg11 : memref<128x128xf32, #tpu.memory_space<vmem>>)
    %dma_wait3A_995 = arith.constant 0 : i32
    %dma_wait3A_996 = tpu.memref_slice %arg13[%add3A_983, %dma_wait3A_995] : memref<6144x128xf32, #tpu.memory_space<vmem_shared>> -> memref<128x128xf32, #tpu.memory_space<vmem_shared>>
    %dma_wait3A_997 = arith.constant 0 : i32
    %dma_wait3A_998 = tpu.memref_slice %arg2[%add3A_981, %dma_wait3A_997] : memref<204800x128xf32, #tpu.memory_space<hbm>> -> memref<128x128xf32, #tpu.memory_space<hbm>>
    tpu.wait_dma2 semaphore(%arg18 : memref<!tpu.dma_semaphore, #tpu.memory_space<semaphore_mem>>) src(%dma_wait3A_998 : memref<128x128xf32, #tpu.memory_space<hbm>>) dst(%dma_wait3A_996 : memref<128x128xf32, #tpu.memory_space<vmem_shared>>)
    %dma_start3A_999 = arith.constant 1 : i32
    %dma_start3A_1000 = arith.constant 0 : i32
    %dma_start3A_1001 = tpu.memref_slice %arg9[%dma_start3A_999, %dma_start3A_1000] : memref<3x128xi32, #tpu.memory_space<vmem>> -> memref<1x128xi32, #tpu.memory_space<vmem>>
    %dma_start3A_1002 = tpu.memref_squeeze %dma_start3A_1001 : memref<1x128xi32, #tpu.memory_space<vmem>> -> memref<128xi32, #tpu.memory_space<vmem>>
    %dma_start3A_1003 = arith.constant 0 : i32
    %dma_start3A_1004 = arith.constant 0 : i32
    %dma_start3A_1005 = tpu.memref_slice %arg13[%dma_start3A_1003, %dma_start3A_1004] : memref<6144x128xf32, #tpu.memory_space<vmem_shared>> -> memref<6144x128xf32, #tpu.memory_space<vmem_shared>>
    tpu.enqueue_indirect_dma source(%arg11 : memref<128x128xf32, #tpu.memory_space<vmem>>) target(%dma_start3A_1005 : memref<6144x128xf32, #tpu.memory_space<vmem_shared>>) offsets(%dma_start3A_1002 : memref<128xi32, #tpu.memory_space<vmem>>) semaphore(%arg21 : memref<!tpu.dma_semaphore, #tpu.memory_space<semaphore_mem>>) {add = true}
    %dma_wait3A_1006 = arith.constant 0 : i32
    %dma_wait3A_1007 = arith.constant 0 : i32
    %dma_wait3A_1008 = tpu.memref_slice %arg9[%dma_wait3A_1006, %dma_wait3A_1007] : memref<3x128xi32, #tpu.memory_space<vmem>> -> memref<1x128xi32, #tpu.memory_space<vmem>>
    %dma_wait3A_1009 = tpu.memref_squeeze %dma_wait3A_1008 : memref<1x128xi32, #tpu.memory_space<vmem>> -> memref<128xi32, #tpu.memory_space<vmem>>
    %dma_wait3A_1010 = arith.constant 0 : i32
    %dma_wait3A_1011 = arith.constant 0 : i32
    %dma_wait3A_1012 = tpu.memref_slice %arg13[%dma_wait3A_1010, %dma_wait3A_1011] : memref<6144x128xf32, #tpu.memory_space<vmem_shared>> -> memref<6144x128xf32, #tpu.memory_space<vmem_shared>>
    tpu.wait_indirect_dma semaphore(%arg20 : memref<!tpu.dma_semaphore, #tpu.memory_space<semaphore_mem>>) src(%arg10 : memref<128x128xf32, #tpu.memory_space<vmem>>) dst(%dma_wait3A_1012 : memref<6144x128xf32, #tpu.memory_space<vmem_shared>>)
    %add3A_1013 = arith.constant 0 : i32
    %add3A_1014 = arith.addi %mul3A_4, %add3A_1013 : i32
    %add3A_1015 = arith.constant 49152 : i32
    %add3A_1016 = arith.addi %add3A_1015, %mul3A_2 : i32
    %dma_start3A_1017 = arith.constant 0 : i32
    %dma_start3A_1018 = tpu.memref_slice %arg6[%add3A_1016, %dma_start3A_1017] : memref<204800x128xf32, #tpu.memory_space<hbm>> -> memref<128x128xf32, #tpu.memory_space<hbm>>
    %dma_start3A_1019 = arith.constant 0 : i32
    %dma_start3A_1020 = tpu.memref_slice %arg13[%add3A_1014, %dma_start3A_1019] : memref<6144x128xf32, #tpu.memory_space<vmem_shared>> -> memref<128x128xf32, #tpu.memory_space<vmem_shared>>
    tpu.enqueue_dma source(%dma_start3A_1020 : memref<128x128xf32, #tpu.memory_space<vmem_shared>>) target(%dma_start3A_1018 : memref<128x128xf32, #tpu.memory_space<hbm>>) target_semaphore(%arg23 : memref<!tpu.dma_semaphore, #tpu.memory_space<semaphore_mem>>)
    %dma_start3A_1021 = arith.constant 15 : i32
    %dma_start3A_1022 = arith.constant 0 : i32
    %dma_start3A_1023 = tpu.memref_slice %arg7[%dma_start3A_1021, %dma_start3A_1022] : memref<50x128xi32, #tpu.memory_space<vmem>> -> memref<1x128xi32, #tpu.memory_space<vmem>>
    %dma_start3A_1024 = tpu.memref_squeeze %dma_start3A_1023 : memref<1x128xi32, #tpu.memory_space<vmem>> -> memref<128xi32, #tpu.memory_space<vmem>>
    %dma_start3A_1025 = arith.constant 0 : i32
    %dma_start3A_1026 = arith.constant 0 : i32
    %dma_start3A_1027 = tpu.memref_slice %arg4[%dma_start3A_1025, %dma_start3A_1026] : memref<100000x128xf32, #tpu.memory_space<hbm>> -> memref<100000x128xf32, #tpu.memory_space<hbm>>
    tpu.enqueue_indirect_dma source(%dma_start3A_1027 : memref<100000x128xf32, #tpu.memory_space<hbm>>) target(%arg10 : memref<128x128xf32, #tpu.memory_space<vmem>>) offsets(%dma_start3A_1024 : memref<128xi32, #tpu.memory_space<vmem>>) semaphore(%arg14 : memref<!tpu.dma_semaphore, #tpu.memory_space<semaphore_mem>>)
    %dma_wait3A_1028 = arith.constant 0 : i32
    %dma_wait3A_1029 = tpu.memref_slice %arg6[%add3A_964, %dma_wait3A_1028] : memref<204800x128xf32, #tpu.memory_space<hbm>> -> memref<128x128xf32, #tpu.memory_space<hbm>>
    %dma_wait3A_1030 = arith.constant 0 : i32
    %dma_wait3A_1031 = tpu.memref_slice %arg13[%add3A_962, %dma_wait3A_1030] : memref<6144x128xf32, #tpu.memory_space<vmem_shared>> -> memref<128x128xf32, #tpu.memory_space<vmem_shared>>
    tpu.wait_dma2 semaphore(%arg25 : memref<!tpu.dma_semaphore, #tpu.memory_space<semaphore_mem>>) src(%dma_wait3A_1031 : memref<128x128xf32, #tpu.memory_space<vmem_shared>>) dst(%dma_wait3A_1029 : memref<128x128xf32, #tpu.memory_space<hbm>>)
    %add3A_1032 = arith.constant 57344 : i32
    %add3A_1033 = arith.addi %add3A_1032, %mul3A_2 : i32
    %add3A_1034 = arith.constant 256 : i32
    %add3A_1035 = arith.addi %mul3A_4, %add3A_1034 : i32
    %dma_start3A_1036 = arith.constant 0 : i32
    %dma_start3A_1037 = tpu.memref_slice %arg13[%add3A_1035, %dma_start3A_1036] : memref<6144x128xf32, #tpu.memory_space<vmem_shared>> -> memref<128x128xf32, #tpu.memory_space<vmem_shared>>
    %dma_start3A_1038 = arith.constant 0 : i32
    %dma_start3A_1039 = tpu.memref_slice %arg2[%add3A_1033, %dma_start3A_1038] : memref<204800x128xf32, #tpu.memory_space<hbm>> -> memref<128x128xf32, #tpu.memory_space<hbm>>
    tpu.enqueue_dma source(%dma_start3A_1039 : memref<128x128xf32, #tpu.memory_space<hbm>>) target(%dma_start3A_1037 : memref<128x128xf32, #tpu.memory_space<vmem_shared>>) target_semaphore(%arg19 : memref<!tpu.dma_semaphore, #tpu.memory_space<semaphore_mem>>)
    %dma_wait3A_1040 = arith.constant 14 : i32
    %dma_wait3A_1041 = arith.constant 0 : i32
    %dma_wait3A_1042 = tpu.memref_slice %arg7[%dma_wait3A_1040, %dma_wait3A_1041] : memref<50x128xi32, #tpu.memory_space<vmem>> -> memref<1x128xi32, #tpu.memory_space<vmem>>
    %dma_wait3A_1043 = tpu.memref_squeeze %dma_wait3A_1042 : memref<1x128xi32, #tpu.memory_space<vmem>> -> memref<128xi32, #tpu.memory_space<vmem>>
    %dma_wait3A_1044 = arith.constant 0 : i32
    %dma_wait3A_1045 = arith.constant 0 : i32
    %dma_wait3A_1046 = tpu.memref_slice %arg4[%dma_wait3A_1044, %dma_wait3A_1045] : memref<100000x128xf32, #tpu.memory_space<hbm>> -> memref<100000x128xf32, #tpu.memory_space<hbm>>
    tpu.wait_indirect_dma semaphore(%arg16 : memref<!tpu.dma_semaphore, #tpu.memory_space<semaphore_mem>>) src(%dma_wait3A_1046 : memref<100000x128xf32, #tpu.memory_space<hbm>>) dst(%arg12 : memref<128x128xf32, #tpu.memory_space<vmem>>)
    %dma_wait3A_1047 = arith.constant 0 : i32
    %dma_wait3A_1048 = tpu.memref_slice %arg13[%add3A_1035, %dma_wait3A_1047] : memref<6144x128xf32, #tpu.memory_space<vmem_shared>> -> memref<128x128xf32, #tpu.memory_space<vmem_shared>>
    %dma_wait3A_1049 = arith.constant 0 : i32
    %dma_wait3A_1050 = tpu.memref_slice %arg2[%add3A_1033, %dma_wait3A_1049] : memref<204800x128xf32, #tpu.memory_space<hbm>> -> memref<128x128xf32, #tpu.memory_space<hbm>>
    tpu.wait_dma2 semaphore(%arg19 : memref<!tpu.dma_semaphore, #tpu.memory_space<semaphore_mem>>) src(%dma_wait3A_1050 : memref<128x128xf32, #tpu.memory_space<hbm>>) dst(%dma_wait3A_1048 : memref<128x128xf32, #tpu.memory_space<vmem_shared>>)
    %dma_start3A_1051 = arith.constant 2 : i32
    %dma_start3A_1052 = arith.constant 0 : i32
    %dma_start3A_1053 = tpu.memref_slice %arg9[%dma_start3A_1051, %dma_start3A_1052] : memref<3x128xi32, #tpu.memory_space<vmem>> -> memref<1x128xi32, #tpu.memory_space<vmem>>
    %dma_start3A_1054 = tpu.memref_squeeze %dma_start3A_1053 : memref<1x128xi32, #tpu.memory_space<vmem>> -> memref<128xi32, #tpu.memory_space<vmem>>
    %dma_start3A_1055 = arith.constant 0 : i32
    %dma_start3A_1056 = arith.constant 0 : i32
    %dma_start3A_1057 = tpu.memref_slice %arg13[%dma_start3A_1055, %dma_start3A_1056] : memref<6144x128xf32, #tpu.memory_space<vmem_shared>> -> memref<6144x128xf32, #tpu.memory_space<vmem_shared>>
    tpu.enqueue_indirect_dma source(%arg12 : memref<128x128xf32, #tpu.memory_space<vmem>>) target(%dma_start3A_1057 : memref<6144x128xf32, #tpu.memory_space<vmem_shared>>) offsets(%dma_start3A_1054 : memref<128xi32, #tpu.memory_space<vmem>>) semaphore(%arg22 : memref<!tpu.dma_semaphore, #tpu.memory_space<semaphore_mem>>) {add = true}
    %dma_wait3A_1058 = arith.constant 1 : i32
    %dma_wait3A_1059 = arith.constant 0 : i32
    %dma_wait3A_1060 = tpu.memref_slice %arg9[%dma_wait3A_1058, %dma_wait3A_1059] : memref<3x128xi32, #tpu.memory_space<vmem>> -> memref<1x128xi32, #tpu.memory_space<vmem>>
    %dma_wait3A_1061 = tpu.memref_squeeze %dma_wait3A_1060 : memref<1x128xi32, #tpu.memory_space<vmem>> -> memref<128xi32, #tpu.memory_space<vmem>>
    %dma_wait3A_1062 = arith.constant 0 : i32
    %dma_wait3A_1063 = arith.constant 0 : i32
    %dma_wait3A_1064 = tpu.memref_slice %arg13[%dma_wait3A_1062, %dma_wait3A_1063] : memref<6144x128xf32, #tpu.memory_space<vmem_shared>> -> memref<6144x128xf32, #tpu.memory_space<vmem_shared>>
    tpu.wait_indirect_dma semaphore(%arg21 : memref<!tpu.dma_semaphore, #tpu.memory_space<semaphore_mem>>) src(%arg11 : memref<128x128xf32, #tpu.memory_space<vmem>>) dst(%dma_wait3A_1064 : memref<6144x128xf32, #tpu.memory_space<vmem_shared>>)
    %add3A_1065 = arith.constant 128 : i32
    %add3A_1066 = arith.addi %mul3A_4, %add3A_1065 : i32
    %add3A_1067 = arith.constant 53248 : i32
    %add3A_1068 = arith.addi %add3A_1067, %mul3A_2 : i32
    %dma_start3A_1069 = arith.constant 0 : i32
    %dma_start3A_1070 = tpu.memref_slice %arg6[%add3A_1068, %dma_start3A_1069] : memref<204800x128xf32, #tpu.memory_space<hbm>> -> memref<128x128xf32, #tpu.memory_space<hbm>>
    %dma_start3A_1071 = arith.constant 0 : i32
    %dma_start3A_1072 = tpu.memref_slice %arg13[%add3A_1066, %dma_start3A_1071] : memref<6144x128xf32, #tpu.memory_space<vmem_shared>> -> memref<128x128xf32, #tpu.memory_space<vmem_shared>>
    tpu.enqueue_dma source(%dma_start3A_1072 : memref<128x128xf32, #tpu.memory_space<vmem_shared>>) target(%dma_start3A_1070 : memref<128x128xf32, #tpu.memory_space<hbm>>) target_semaphore(%arg24 : memref<!tpu.dma_semaphore, #tpu.memory_space<semaphore_mem>>)
    %dma_start3A_1073 = arith.constant 16 : i32
    %dma_start3A_1074 = arith.constant 0 : i32
    %dma_start3A_1075 = tpu.memref_slice %arg7[%dma_start3A_1073, %dma_start3A_1074] : memref<50x128xi32, #tpu.memory_space<vmem>> -> memref<1x128xi32, #tpu.memory_space<vmem>>
    %dma_start3A_1076 = tpu.memref_squeeze %dma_start3A_1075 : memref<1x128xi32, #tpu.memory_space<vmem>> -> memref<128xi32, #tpu.memory_space<vmem>>
    %dma_start3A_1077 = arith.constant 0 : i32
    %dma_start3A_1078 = arith.constant 0 : i32
    %dma_start3A_1079 = tpu.memref_slice %arg4[%dma_start3A_1077, %dma_start3A_1078] : memref<100000x128xf32, #tpu.memory_space<hbm>> -> memref<100000x128xf32, #tpu.memory_space<hbm>>
    tpu.enqueue_indirect_dma source(%dma_start3A_1079 : memref<100000x128xf32, #tpu.memory_space<hbm>>) target(%arg11 : memref<128x128xf32, #tpu.memory_space<vmem>>) offsets(%dma_start3A_1076 : memref<128xi32, #tpu.memory_space<vmem>>) semaphore(%arg15 : memref<!tpu.dma_semaphore, #tpu.memory_space<semaphore_mem>>)
    %dma_wait3A_1080 = arith.constant 0 : i32
    %dma_wait3A_1081 = tpu.memref_slice %arg6[%add3A_1016, %dma_wait3A_1080] : memref<204800x128xf32, #tpu.memory_space<hbm>> -> memref<128x128xf32, #tpu.memory_space<hbm>>
    %dma_wait3A_1082 = arith.constant 0 : i32
    %dma_wait3A_1083 = tpu.memref_slice %arg13[%add3A_1014, %dma_wait3A_1082] : memref<6144x128xf32, #tpu.memory_space<vmem_shared>> -> memref<128x128xf32, #tpu.memory_space<vmem_shared>>
    tpu.wait_dma2 semaphore(%arg23 : memref<!tpu.dma_semaphore, #tpu.memory_space<semaphore_mem>>) src(%dma_wait3A_1083 : memref<128x128xf32, #tpu.memory_space<vmem_shared>>) dst(%dma_wait3A_1081 : memref<128x128xf32, #tpu.memory_space<hbm>>)
    %add3A_1084 = arith.constant 61440 : i32
    %add3A_1085 = arith.addi %add3A_1084, %mul3A_2 : i32
    %add3A_1086 = arith.constant 0 : i32
    %add3A_1087 = arith.addi %mul3A_4, %add3A_1086 : i32
    %dma_start3A_1088 = arith.constant 0 : i32
    %dma_start3A_1089 = tpu.memref_slice %arg13[%add3A_1087, %dma_start3A_1088] : memref<6144x128xf32, #tpu.memory_space<vmem_shared>> -> memref<128x128xf32, #tpu.memory_space<vmem_shared>>
    %dma_start3A_1090 = arith.constant 0 : i32
    %dma_start3A_1091 = tpu.memref_slice %arg2[%add3A_1085, %dma_start3A_1090] : memref<204800x128xf32, #tpu.memory_space<hbm>> -> memref<128x128xf32, #tpu.memory_space<hbm>>
    tpu.enqueue_dma source(%dma_start3A_1091 : memref<128x128xf32, #tpu.memory_space<hbm>>) target(%dma_start3A_1089 : memref<128x128xf32, #tpu.memory_space<vmem_shared>>) target_semaphore(%arg17 : memref<!tpu.dma_semaphore, #tpu.memory_space<semaphore_mem>>)
    %dma_wait3A_1092 = arith.constant 15 : i32
    %dma_wait3A_1093 = arith.constant 0 : i32
    %dma_wait3A_1094 = tpu.memref_slice %arg7[%dma_wait3A_1092, %dma_wait3A_1093] : memref<50x128xi32, #tpu.memory_space<vmem>> -> memref<1x128xi32, #tpu.memory_space<vmem>>
    %dma_wait3A_1095 = tpu.memref_squeeze %dma_wait3A_1094 : memref<1x128xi32, #tpu.memory_space<vmem>> -> memref<128xi32, #tpu.memory_space<vmem>>
    %dma_wait3A_1096 = arith.constant 0 : i32
    %dma_wait3A_1097 = arith.constant 0 : i32
    %dma_wait3A_1098 = tpu.memref_slice %arg4[%dma_wait3A_1096, %dma_wait3A_1097] : memref<100000x128xf32, #tpu.memory_space<hbm>> -> memref<100000x128xf32, #tpu.memory_space<hbm>>
    tpu.wait_indirect_dma semaphore(%arg14 : memref<!tpu.dma_semaphore, #tpu.memory_space<semaphore_mem>>) src(%dma_wait3A_1098 : memref<100000x128xf32, #tpu.memory_space<hbm>>) dst(%arg10 : memref<128x128xf32, #tpu.memory_space<vmem>>)
    %dma_wait3A_1099 = arith.constant 0 : i32
    %dma_wait3A_1100 = tpu.memref_slice %arg13[%add3A_1087, %dma_wait3A_1099] : memref<6144x128xf32, #tpu.memory_space<vmem_shared>> -> memref<128x128xf32, #tpu.memory_space<vmem_shared>>
    %dma_wait3A_1101 = arith.constant 0 : i32
    %dma_wait3A_1102 = tpu.memref_slice %arg2[%add3A_1085, %dma_wait3A_1101] : memref<204800x128xf32, #tpu.memory_space<hbm>> -> memref<128x128xf32, #tpu.memory_space<hbm>>
    tpu.wait_dma2 semaphore(%arg17 : memref<!tpu.dma_semaphore, #tpu.memory_space<semaphore_mem>>) src(%dma_wait3A_1102 : memref<128x128xf32, #tpu.memory_space<hbm>>) dst(%dma_wait3A_1100 : memref<128x128xf32, #tpu.memory_space<vmem_shared>>)
    %dma_start3A_1103 = arith.constant 0 : i32
    %dma_start3A_1104 = arith.constant 0 : i32
    %dma_start3A_1105 = tpu.memref_slice %arg9[%dma_start3A_1103, %dma_start3A_1104] : memref<3x128xi32, #tpu.memory_space<vmem>> -> memref<1x128xi32, #tpu.memory_space<vmem>>
    %dma_start3A_1106 = tpu.memref_squeeze %dma_start3A_1105 : memref<1x128xi32, #tpu.memory_space<vmem>> -> memref<128xi32, #tpu.memory_space<vmem>>
    %dma_start3A_1107 = arith.constant 0 : i32
    %dma_start3A_1108 = arith.constant 0 : i32
    %dma_start3A_1109 = tpu.memref_slice %arg13[%dma_start3A_1107, %dma_start3A_1108] : memref<6144x128xf32, #tpu.memory_space<vmem_shared>> -> memref<6144x128xf32, #tpu.memory_space<vmem_shared>>
    tpu.enqueue_indirect_dma source(%arg10 : memref<128x128xf32, #tpu.memory_space<vmem>>) target(%dma_start3A_1109 : memref<6144x128xf32, #tpu.memory_space<vmem_shared>>) offsets(%dma_start3A_1106 : memref<128xi32, #tpu.memory_space<vmem>>) semaphore(%arg20 : memref<!tpu.dma_semaphore, #tpu.memory_space<semaphore_mem>>) {add = true}
    %dma_wait3A_1110 = arith.constant 2 : i32
    %dma_wait3A_1111 = arith.constant 0 : i32
    %dma_wait3A_1112 = tpu.memref_slice %arg9[%dma_wait3A_1110, %dma_wait3A_1111] : memref<3x128xi32, #tpu.memory_space<vmem>> -> memref<1x128xi32, #tpu.memory_space<vmem>>
    %dma_wait3A_1113 = tpu.memref_squeeze %dma_wait3A_1112 : memref<1x128xi32, #tpu.memory_space<vmem>> -> memref<128xi32, #tpu.memory_space<vmem>>
    %dma_wait3A_1114 = arith.constant 0 : i32
    %dma_wait3A_1115 = arith.constant 0 : i32
    %dma_wait3A_1116 = tpu.memref_slice %arg13[%dma_wait3A_1114, %dma_wait3A_1115] : memref<6144x128xf32, #tpu.memory_space<vmem_shared>> -> memref<6144x128xf32, #tpu.memory_space<vmem_shared>>
    tpu.wait_indirect_dma semaphore(%arg22 : memref<!tpu.dma_semaphore, #tpu.memory_space<semaphore_mem>>) src(%arg12 : memref<128x128xf32, #tpu.memory_space<vmem>>) dst(%dma_wait3A_1116 : memref<6144x128xf32, #tpu.memory_space<vmem_shared>>)
    %add3A_1117 = arith.constant 256 : i32
    %add3A_1118 = arith.addi %mul3A_4, %add3A_1117 : i32
    %add3A_1119 = arith.constant 57344 : i32
    %add3A_1120 = arith.addi %add3A_1119, %mul3A_2 : i32
    %dma_start3A_1121 = arith.constant 0 : i32
    %dma_start3A_1122 = tpu.memref_slice %arg6[%add3A_1120, %dma_start3A_1121] : memref<204800x128xf32, #tpu.memory_space<hbm>> -> memref<128x128xf32, #tpu.memory_space<hbm>>
    %dma_start3A_1123 = arith.constant 0 : i32
    %dma_start3A_1124 = tpu.memref_slice %arg13[%add3A_1118, %dma_start3A_1123] : memref<6144x128xf32, #tpu.memory_space<vmem_shared>> -> memref<128x128xf32, #tpu.memory_space<vmem_shared>>
    tpu.enqueue_dma source(%dma_start3A_1124 : memref<128x128xf32, #tpu.memory_space<vmem_shared>>) target(%dma_start3A_1122 : memref<128x128xf32, #tpu.memory_space<hbm>>) target_semaphore(%arg25 : memref<!tpu.dma_semaphore, #tpu.memory_space<semaphore_mem>>)
    %dma_start3A_1125 = arith.constant 17 : i32
    %dma_start3A_1126 = arith.constant 0 : i32
    %dma_start3A_1127 = tpu.memref_slice %arg7[%dma_start3A_1125, %dma_start3A_1126] : memref<50x128xi32, #tpu.memory_space<vmem>> -> memref<1x128xi32, #tpu.memory_space<vmem>>
    %dma_start3A_1128 = tpu.memref_squeeze %dma_start3A_1127 : memref<1x128xi32, #tpu.memory_space<vmem>> -> memref<128xi32, #tpu.memory_space<vmem>>
    %dma_start3A_1129 = arith.constant 0 : i32
    %dma_start3A_1130 = arith.constant 0 : i32
    %dma_start3A_1131 = tpu.memref_slice %arg4[%dma_start3A_1129, %dma_start3A_1130] : memref<100000x128xf32, #tpu.memory_space<hbm>> -> memref<100000x128xf32, #tpu.memory_space<hbm>>
    tpu.enqueue_indirect_dma source(%dma_start3A_1131 : memref<100000x128xf32, #tpu.memory_space<hbm>>) target(%arg12 : memref<128x128xf32, #tpu.memory_space<vmem>>) offsets(%dma_start3A_1128 : memref<128xi32, #tpu.memory_space<vmem>>) semaphore(%arg16 : memref<!tpu.dma_semaphore, #tpu.memory_space<semaphore_mem>>)
    %dma_wait3A_1132 = arith.constant 0 : i32
    %dma_wait3A_1133 = tpu.memref_slice %arg6[%add3A_1068, %dma_wait3A_1132] : memref<204800x128xf32, #tpu.memory_space<hbm>> -> memref<128x128xf32, #tpu.memory_space<hbm>>
    %dma_wait3A_1134 = arith.constant 0 : i32
    %dma_wait3A_1135 = tpu.memref_slice %arg13[%add3A_1066, %dma_wait3A_1134] : memref<6144x128xf32, #tpu.memory_space<vmem_shared>> -> memref<128x128xf32, #tpu.memory_space<vmem_shared>>
    tpu.wait_dma2 semaphore(%arg24 : memref<!tpu.dma_semaphore, #tpu.memory_space<semaphore_mem>>) src(%dma_wait3A_1135 : memref<128x128xf32, #tpu.memory_space<vmem_shared>>) dst(%dma_wait3A_1133 : memref<128x128xf32, #tpu.memory_space<hbm>>)
    %add3A_1136 = arith.constant 65536 : i32
    %add3A_1137 = arith.addi %add3A_1136, %mul3A_2 : i32
    %add3A_1138 = arith.constant 128 : i32
    %add3A_1139 = arith.addi %mul3A_4, %add3A_1138 : i32
    %dma_start3A_1140 = arith.constant 0 : i32
    %dma_start3A_1141 = tpu.memref_slice %arg13[%add3A_1139, %dma_start3A_1140] : memref<6144x128xf32, #tpu.memory_space<vmem_shared>> -> memref<128x128xf32, #tpu.memory_space<vmem_shared>>
    %dma_start3A_1142 = arith.constant 0 : i32
    %dma_start3A_1143 = tpu.memref_slice %arg2[%add3A_1137, %dma_start3A_1142] : memref<204800x128xf32, #tpu.memory_space<hbm>> -> memref<128x128xf32, #tpu.memory_space<hbm>>
    tpu.enqueue_dma source(%dma_start3A_1143 : memref<128x128xf32, #tpu.memory_space<hbm>>) target(%dma_start3A_1141 : memref<128x128xf32, #tpu.memory_space<vmem_shared>>) target_semaphore(%arg18 : memref<!tpu.dma_semaphore, #tpu.memory_space<semaphore_mem>>)
    %dma_wait3A_1144 = arith.constant 16 : i32
    %dma_wait3A_1145 = arith.constant 0 : i32
    %dma_wait3A_1146 = tpu.memref_slice %arg7[%dma_wait3A_1144, %dma_wait3A_1145] : memref<50x128xi32, #tpu.memory_space<vmem>> -> memref<1x128xi32, #tpu.memory_space<vmem>>
    %dma_wait3A_1147 = tpu.memref_squeeze %dma_wait3A_1146 : memref<1x128xi32, #tpu.memory_space<vmem>> -> memref<128xi32, #tpu.memory_space<vmem>>
    %dma_wait3A_1148 = arith.constant 0 : i32
    %dma_wait3A_1149 = arith.constant 0 : i32
    %dma_wait3A_1150 = tpu.memref_slice %arg4[%dma_wait3A_1148, %dma_wait3A_1149] : memref<100000x128xf32, #tpu.memory_space<hbm>> -> memref<100000x128xf32, #tpu.memory_space<hbm>>
    tpu.wait_indirect_dma semaphore(%arg15 : memref<!tpu.dma_semaphore, #tpu.memory_space<semaphore_mem>>) src(%dma_wait3A_1150 : memref<100000x128xf32, #tpu.memory_space<hbm>>) dst(%arg11 : memref<128x128xf32, #tpu.memory_space<vmem>>)
    %dma_wait3A_1151 = arith.constant 0 : i32
    %dma_wait3A_1152 = tpu.memref_slice %arg13[%add3A_1139, %dma_wait3A_1151] : memref<6144x128xf32, #tpu.memory_space<vmem_shared>> -> memref<128x128xf32, #tpu.memory_space<vmem_shared>>
    %dma_wait3A_1153 = arith.constant 0 : i32
    %dma_wait3A_1154 = tpu.memref_slice %arg2[%add3A_1137, %dma_wait3A_1153] : memref<204800x128xf32, #tpu.memory_space<hbm>> -> memref<128x128xf32, #tpu.memory_space<hbm>>
    tpu.wait_dma2 semaphore(%arg18 : memref<!tpu.dma_semaphore, #tpu.memory_space<semaphore_mem>>) src(%dma_wait3A_1154 : memref<128x128xf32, #tpu.memory_space<hbm>>) dst(%dma_wait3A_1152 : memref<128x128xf32, #tpu.memory_space<vmem_shared>>)
    %dma_start3A_1155 = arith.constant 1 : i32
    %dma_start3A_1156 = arith.constant 0 : i32
    %dma_start3A_1157 = tpu.memref_slice %arg9[%dma_start3A_1155, %dma_start3A_1156] : memref<3x128xi32, #tpu.memory_space<vmem>> -> memref<1x128xi32, #tpu.memory_space<vmem>>
    %dma_start3A_1158 = tpu.memref_squeeze %dma_start3A_1157 : memref<1x128xi32, #tpu.memory_space<vmem>> -> memref<128xi32, #tpu.memory_space<vmem>>
    %dma_start3A_1159 = arith.constant 0 : i32
    %dma_start3A_1160 = arith.constant 0 : i32
    %dma_start3A_1161 = tpu.memref_slice %arg13[%dma_start3A_1159, %dma_start3A_1160] : memref<6144x128xf32, #tpu.memory_space<vmem_shared>> -> memref<6144x128xf32, #tpu.memory_space<vmem_shared>>
    tpu.enqueue_indirect_dma source(%arg11 : memref<128x128xf32, #tpu.memory_space<vmem>>) target(%dma_start3A_1161 : memref<6144x128xf32, #tpu.memory_space<vmem_shared>>) offsets(%dma_start3A_1158 : memref<128xi32, #tpu.memory_space<vmem>>) semaphore(%arg21 : memref<!tpu.dma_semaphore, #tpu.memory_space<semaphore_mem>>) {add = true}
    %dma_wait3A_1162 = arith.constant 0 : i32
    %dma_wait3A_1163 = arith.constant 0 : i32
    %dma_wait3A_1164 = tpu.memref_slice %arg9[%dma_wait3A_1162, %dma_wait3A_1163] : memref<3x128xi32, #tpu.memory_space<vmem>> -> memref<1x128xi32, #tpu.memory_space<vmem>>
    %dma_wait3A_1165 = tpu.memref_squeeze %dma_wait3A_1164 : memref<1x128xi32, #tpu.memory_space<vmem>> -> memref<128xi32, #tpu.memory_space<vmem>>
    %dma_wait3A_1166 = arith.constant 0 : i32
    %dma_wait3A_1167 = arith.constant 0 : i32
    %dma_wait3A_1168 = tpu.memref_slice %arg13[%dma_wait3A_1166, %dma_wait3A_1167] : memref<6144x128xf32, #tpu.memory_space<vmem_shared>> -> memref<6144x128xf32, #tpu.memory_space<vmem_shared>>
    tpu.wait_indirect_dma semaphore(%arg20 : memref<!tpu.dma_semaphore, #tpu.memory_space<semaphore_mem>>) src(%arg10 : memref<128x128xf32, #tpu.memory_space<vmem>>) dst(%dma_wait3A_1168 : memref<6144x128xf32, #tpu.memory_space<vmem_shared>>)
    %add3A_1169 = arith.constant 0 : i32
    %add3A_1170 = arith.addi %mul3A_4, %add3A_1169 : i32
    %add3A_1171 = arith.constant 61440 : i32
    %add3A_1172 = arith.addi %add3A_1171, %mul3A_2 : i32
    %dma_start3A_1173 = arith.constant 0 : i32
    %dma_start3A_1174 = tpu.memref_slice %arg6[%add3A_1172, %dma_start3A_1173] : memref<204800x128xf32, #tpu.memory_space<hbm>> -> memref<128x128xf32, #tpu.memory_space<hbm>>
    %dma_start3A_1175 = arith.constant 0 : i32
    %dma_start3A_1176 = tpu.memref_slice %arg13[%add3A_1170, %dma_start3A_1175] : memref<6144x128xf32, #tpu.memory_space<vmem_shared>> -> memref<128x128xf32, #tpu.memory_space<vmem_shared>>
    tpu.enqueue_dma source(%dma_start3A_1176 : memref<128x128xf32, #tpu.memory_space<vmem_shared>>) target(%dma_start3A_1174 : memref<128x128xf32, #tpu.memory_space<hbm>>) target_semaphore(%arg23 : memref<!tpu.dma_semaphore, #tpu.memory_space<semaphore_mem>>)
    %dma_start3A_1177 = arith.constant 18 : i32
    %dma_start3A_1178 = arith.constant 0 : i32
    %dma_start3A_1179 = tpu.memref_slice %arg7[%dma_start3A_1177, %dma_start3A_1178] : memref<50x128xi32, #tpu.memory_space<vmem>> -> memref<1x128xi32, #tpu.memory_space<vmem>>
    %dma_start3A_1180 = tpu.memref_squeeze %dma_start3A_1179 : memref<1x128xi32, #tpu.memory_space<vmem>> -> memref<128xi32, #tpu.memory_space<vmem>>
    %dma_start3A_1181 = arith.constant 0 : i32
    %dma_start3A_1182 = arith.constant 0 : i32
    %dma_start3A_1183 = tpu.memref_slice %arg4[%dma_start3A_1181, %dma_start3A_1182] : memref<100000x128xf32, #tpu.memory_space<hbm>> -> memref<100000x128xf32, #tpu.memory_space<hbm>>
    tpu.enqueue_indirect_dma source(%dma_start3A_1183 : memref<100000x128xf32, #tpu.memory_space<hbm>>) target(%arg10 : memref<128x128xf32, #tpu.memory_space<vmem>>) offsets(%dma_start3A_1180 : memref<128xi32, #tpu.memory_space<vmem>>) semaphore(%arg14 : memref<!tpu.dma_semaphore, #tpu.memory_space<semaphore_mem>>)
    %dma_wait3A_1184 = arith.constant 0 : i32
    %dma_wait3A_1185 = tpu.memref_slice %arg6[%add3A_1120, %dma_wait3A_1184] : memref<204800x128xf32, #tpu.memory_space<hbm>> -> memref<128x128xf32, #tpu.memory_space<hbm>>
    %dma_wait3A_1186 = arith.constant 0 : i32
    %dma_wait3A_1187 = tpu.memref_slice %arg13[%add3A_1118, %dma_wait3A_1186] : memref<6144x128xf32, #tpu.memory_space<vmem_shared>> -> memref<128x128xf32, #tpu.memory_space<vmem_shared>>
    tpu.wait_dma2 semaphore(%arg25 : memref<!tpu.dma_semaphore, #tpu.memory_space<semaphore_mem>>) src(%dma_wait3A_1187 : memref<128x128xf32, #tpu.memory_space<vmem_shared>>) dst(%dma_wait3A_1185 : memref<128x128xf32, #tpu.memory_space<hbm>>)
    %add3A_1188 = arith.constant 69632 : i32
    %add3A_1189 = arith.addi %add3A_1188, %mul3A_2 : i32
    %add3A_1190 = arith.constant 256 : i32
    %add3A_1191 = arith.addi %mul3A_4, %add3A_1190 : i32
    %dma_start3A_1192 = arith.constant 0 : i32
    %dma_start3A_1193 = tpu.memref_slice %arg13[%add3A_1191, %dma_start3A_1192] : memref<6144x128xf32, #tpu.memory_space<vmem_shared>> -> memref<128x128xf32, #tpu.memory_space<vmem_shared>>
    %dma_start3A_1194 = arith.constant 0 : i32
    %dma_start3A_1195 = tpu.memref_slice %arg2[%add3A_1189, %dma_start3A_1194] : memref<204800x128xf32, #tpu.memory_space<hbm>> -> memref<128x128xf32, #tpu.memory_space<hbm>>
    tpu.enqueue_dma source(%dma_start3A_1195 : memref<128x128xf32, #tpu.memory_space<hbm>>) target(%dma_start3A_1193 : memref<128x128xf32, #tpu.memory_space<vmem_shared>>) target_semaphore(%arg19 : memref<!tpu.dma_semaphore, #tpu.memory_space<semaphore_mem>>)
    %dma_wait3A_1196 = arith.constant 17 : i32
    %dma_wait3A_1197 = arith.constant 0 : i32
    %dma_wait3A_1198 = tpu.memref_slice %arg7[%dma_wait3A_1196, %dma_wait3A_1197] : memref<50x128xi32, #tpu.memory_space<vmem>> -> memref<1x128xi32, #tpu.memory_space<vmem>>
    %dma_wait3A_1199 = tpu.memref_squeeze %dma_wait3A_1198 : memref<1x128xi32, #tpu.memory_space<vmem>> -> memref<128xi32, #tpu.memory_space<vmem>>
    %dma_wait3A_1200 = arith.constant 0 : i32
    %dma_wait3A_1201 = arith.constant 0 : i32
    %dma_wait3A_1202 = tpu.memref_slice %arg4[%dma_wait3A_1200, %dma_wait3A_1201] : memref<100000x128xf32, #tpu.memory_space<hbm>> -> memref<100000x128xf32, #tpu.memory_space<hbm>>
    tpu.wait_indirect_dma semaphore(%arg16 : memref<!tpu.dma_semaphore, #tpu.memory_space<semaphore_mem>>) src(%dma_wait3A_1202 : memref<100000x128xf32, #tpu.memory_space<hbm>>) dst(%arg12 : memref<128x128xf32, #tpu.memory_space<vmem>>)
    %dma_wait3A_1203 = arith.constant 0 : i32
    %dma_wait3A_1204 = tpu.memref_slice %arg13[%add3A_1191, %dma_wait3A_1203] : memref<6144x128xf32, #tpu.memory_space<vmem_shared>> -> memref<128x128xf32, #tpu.memory_space<vmem_shared>>
    %dma_wait3A_1205 = arith.constant 0 : i32
    %dma_wait3A_1206 = tpu.memref_slice %arg2[%add3A_1189, %dma_wait3A_1205] : memref<204800x128xf32, #tpu.memory_space<hbm>> -> memref<128x128xf32, #tpu.memory_space<hbm>>
    tpu.wait_dma2 semaphore(%arg19 : memref<!tpu.dma_semaphore, #tpu.memory_space<semaphore_mem>>) src(%dma_wait3A_1206 : memref<128x128xf32, #tpu.memory_space<hbm>>) dst(%dma_wait3A_1204 : memref<128x128xf32, #tpu.memory_space<vmem_shared>>)
    %dma_start3A_1207 = arith.constant 2 : i32
    %dma_start3A_1208 = arith.constant 0 : i32
    %dma_start3A_1209 = tpu.memref_slice %arg9[%dma_start3A_1207, %dma_start3A_1208] : memref<3x128xi32, #tpu.memory_space<vmem>> -> memref<1x128xi32, #tpu.memory_space<vmem>>
    %dma_start3A_1210 = tpu.memref_squeeze %dma_start3A_1209 : memref<1x128xi32, #tpu.memory_space<vmem>> -> memref<128xi32, #tpu.memory_space<vmem>>
    %dma_start3A_1211 = arith.constant 0 : i32
    %dma_start3A_1212 = arith.constant 0 : i32
    %dma_start3A_1213 = tpu.memref_slice %arg13[%dma_start3A_1211, %dma_start3A_1212] : memref<6144x128xf32, #tpu.memory_space<vmem_shared>> -> memref<6144x128xf32, #tpu.memory_space<vmem_shared>>
    tpu.enqueue_indirect_dma source(%arg12 : memref<128x128xf32, #tpu.memory_space<vmem>>) target(%dma_start3A_1213 : memref<6144x128xf32, #tpu.memory_space<vmem_shared>>) offsets(%dma_start3A_1210 : memref<128xi32, #tpu.memory_space<vmem>>) semaphore(%arg22 : memref<!tpu.dma_semaphore, #tpu.memory_space<semaphore_mem>>) {add = true}
    %dma_wait3A_1214 = arith.constant 1 : i32
    %dma_wait3A_1215 = arith.constant 0 : i32
    %dma_wait3A_1216 = tpu.memref_slice %arg9[%dma_wait3A_1214, %dma_wait3A_1215] : memref<3x128xi32, #tpu.memory_space<vmem>> -> memref<1x128xi32, #tpu.memory_space<vmem>>
    %dma_wait3A_1217 = tpu.memref_squeeze %dma_wait3A_1216 : memref<1x128xi32, #tpu.memory_space<vmem>> -> memref<128xi32, #tpu.memory_space<vmem>>
    %dma_wait3A_1218 = arith.constant 0 : i32
    %dma_wait3A_1219 = arith.constant 0 : i32
    %dma_wait3A_1220 = tpu.memref_slice %arg13[%dma_wait3A_1218, %dma_wait3A_1219] : memref<6144x128xf32, #tpu.memory_space<vmem_shared>> -> memref<6144x128xf32, #tpu.memory_space<vmem_shared>>
    tpu.wait_indirect_dma semaphore(%arg21 : memref<!tpu.dma_semaphore, #tpu.memory_space<semaphore_mem>>) src(%arg11 : memref<128x128xf32, #tpu.memory_space<vmem>>) dst(%dma_wait3A_1220 : memref<6144x128xf32, #tpu.memory_space<vmem_shared>>)
    %add3A_1221 = arith.constant 128 : i32
    %add3A_1222 = arith.addi %mul3A_4, %add3A_1221 : i32
    %add3A_1223 = arith.constant 65536 : i32
    %add3A_1224 = arith.addi %add3A_1223, %mul3A_2 : i32
    %dma_start3A_1225 = arith.constant 0 : i32
    %dma_start3A_1226 = tpu.memref_slice %arg6[%add3A_1224, %dma_start3A_1225] : memref<204800x128xf32, #tpu.memory_space<hbm>> -> memref<128x128xf32, #tpu.memory_space<hbm>>
    %dma_start3A_1227 = arith.constant 0 : i32
    %dma_start3A_1228 = tpu.memref_slice %arg13[%add3A_1222, %dma_start3A_1227] : memref<6144x128xf32, #tpu.memory_space<vmem_shared>> -> memref<128x128xf32, #tpu.memory_space<vmem_shared>>
    tpu.enqueue_dma source(%dma_start3A_1228 : memref<128x128xf32, #tpu.memory_space<vmem_shared>>) target(%dma_start3A_1226 : memref<128x128xf32, #tpu.memory_space<hbm>>) target_semaphore(%arg24 : memref<!tpu.dma_semaphore, #tpu.memory_space<semaphore_mem>>)
    %dma_start3A_1229 = arith.constant 19 : i32
    %dma_start3A_1230 = arith.constant 0 : i32
    %dma_start3A_1231 = tpu.memref_slice %arg7[%dma_start3A_1229, %dma_start3A_1230] : memref<50x128xi32, #tpu.memory_space<vmem>> -> memref<1x128xi32, #tpu.memory_space<vmem>>
    %dma_start3A_1232 = tpu.memref_squeeze %dma_start3A_1231 : memref<1x128xi32, #tpu.memory_space<vmem>> -> memref<128xi32, #tpu.memory_space<vmem>>
    %dma_start3A_1233 = arith.constant 0 : i32
    %dma_start3A_1234 = arith.constant 0 : i32
    %dma_start3A_1235 = tpu.memref_slice %arg4[%dma_start3A_1233, %dma_start3A_1234] : memref<100000x128xf32, #tpu.memory_space<hbm>> -> memref<100000x128xf32, #tpu.memory_space<hbm>>
    tpu.enqueue_indirect_dma source(%dma_start3A_1235 : memref<100000x128xf32, #tpu.memory_space<hbm>>) target(%arg11 : memref<128x128xf32, #tpu.memory_space<vmem>>) offsets(%dma_start3A_1232 : memref<128xi32, #tpu.memory_space<vmem>>) semaphore(%arg15 : memref<!tpu.dma_semaphore, #tpu.memory_space<semaphore_mem>>)
    %dma_wait3A_1236 = arith.constant 0 : i32
    %dma_wait3A_1237 = tpu.memref_slice %arg6[%add3A_1172, %dma_wait3A_1236] : memref<204800x128xf32, #tpu.memory_space<hbm>> -> memref<128x128xf32, #tpu.memory_space<hbm>>
    %dma_wait3A_1238 = arith.constant 0 : i32
    %dma_wait3A_1239 = tpu.memref_slice %arg13[%add3A_1170, %dma_wait3A_1238] : memref<6144x128xf32, #tpu.memory_space<vmem_shared>> -> memref<128x128xf32, #tpu.memory_space<vmem_shared>>
    tpu.wait_dma2 semaphore(%arg23 : memref<!tpu.dma_semaphore, #tpu.memory_space<semaphore_mem>>) src(%dma_wait3A_1239 : memref<128x128xf32, #tpu.memory_space<vmem_shared>>) dst(%dma_wait3A_1237 : memref<128x128xf32, #tpu.memory_space<hbm>>)
    %add3A_1240 = arith.constant 73728 : i32
    %add3A_1241 = arith.addi %add3A_1240, %mul3A_2 : i32
    %add3A_1242 = arith.constant 0 : i32
    %add3A_1243 = arith.addi %mul3A_4, %add3A_1242 : i32
    %dma_start3A_1244 = arith.constant 0 : i32
    %dma_start3A_1245 = tpu.memref_slice %arg13[%add3A_1243, %dma_start3A_1244] : memref<6144x128xf32, #tpu.memory_space<vmem_shared>> -> memref<128x128xf32, #tpu.memory_space<vmem_shared>>
    %dma_start3A_1246 = arith.constant 0 : i32
    %dma_start3A_1247 = tpu.memref_slice %arg2[%add3A_1241, %dma_start3A_1246] : memref<204800x128xf32, #tpu.memory_space<hbm>> -> memref<128x128xf32, #tpu.memory_space<hbm>>
    tpu.enqueue_dma source(%dma_start3A_1247 : memref<128x128xf32, #tpu.memory_space<hbm>>) target(%dma_start3A_1245 : memref<128x128xf32, #tpu.memory_space<vmem_shared>>) target_semaphore(%arg17 : memref<!tpu.dma_semaphore, #tpu.memory_space<semaphore_mem>>)
    %dma_wait3A_1248 = arith.constant 18 : i32
    %dma_wait3A_1249 = arith.constant 0 : i32
    %dma_wait3A_1250 = tpu.memref_slice %arg7[%dma_wait3A_1248, %dma_wait3A_1249] : memref<50x128xi32, #tpu.memory_space<vmem>> -> memref<1x128xi32, #tpu.memory_space<vmem>>
    %dma_wait3A_1251 = tpu.memref_squeeze %dma_wait3A_1250 : memref<1x128xi32, #tpu.memory_space<vmem>> -> memref<128xi32, #tpu.memory_space<vmem>>
    %dma_wait3A_1252 = arith.constant 0 : i32
    %dma_wait3A_1253 = arith.constant 0 : i32
    %dma_wait3A_1254 = tpu.memref_slice %arg4[%dma_wait3A_1252, %dma_wait3A_1253] : memref<100000x128xf32, #tpu.memory_space<hbm>> -> memref<100000x128xf32, #tpu.memory_space<hbm>>
    tpu.wait_indirect_dma semaphore(%arg14 : memref<!tpu.dma_semaphore, #tpu.memory_space<semaphore_mem>>) src(%dma_wait3A_1254 : memref<100000x128xf32, #tpu.memory_space<hbm>>) dst(%arg10 : memref<128x128xf32, #tpu.memory_space<vmem>>)
    %dma_wait3A_1255 = arith.constant 0 : i32
    %dma_wait3A_1256 = tpu.memref_slice %arg13[%add3A_1243, %dma_wait3A_1255] : memref<6144x128xf32, #tpu.memory_space<vmem_shared>> -> memref<128x128xf32, #tpu.memory_space<vmem_shared>>
    %dma_wait3A_1257 = arith.constant 0 : i32
    %dma_wait3A_1258 = tpu.memref_slice %arg2[%add3A_1241, %dma_wait3A_1257] : memref<204800x128xf32, #tpu.memory_space<hbm>> -> memref<128x128xf32, #tpu.memory_space<hbm>>
    tpu.wait_dma2 semaphore(%arg17 : memref<!tpu.dma_semaphore, #tpu.memory_space<semaphore_mem>>) src(%dma_wait3A_1258 : memref<128x128xf32, #tpu.memory_space<hbm>>) dst(%dma_wait3A_1256 : memref<128x128xf32, #tpu.memory_space<vmem_shared>>)
    %dma_start3A_1259 = arith.constant 0 : i32
    %dma_start3A_1260 = arith.constant 0 : i32
    %dma_start3A_1261 = tpu.memref_slice %arg9[%dma_start3A_1259, %dma_start3A_1260] : memref<3x128xi32, #tpu.memory_space<vmem>> -> memref<1x128xi32, #tpu.memory_space<vmem>>
    %dma_start3A_1262 = tpu.memref_squeeze %dma_start3A_1261 : memref<1x128xi32, #tpu.memory_space<vmem>> -> memref<128xi32, #tpu.memory_space<vmem>>
    %dma_start3A_1263 = arith.constant 0 : i32
    %dma_start3A_1264 = arith.constant 0 : i32
    %dma_start3A_1265 = tpu.memref_slice %arg13[%dma_start3A_1263, %dma_start3A_1264] : memref<6144x128xf32, #tpu.memory_space<vmem_shared>> -> memref<6144x128xf32, #tpu.memory_space<vmem_shared>>
    tpu.enqueue_indirect_dma source(%arg10 : memref<128x128xf32, #tpu.memory_space<vmem>>) target(%dma_start3A_1265 : memref<6144x128xf32, #tpu.memory_space<vmem_shared>>) offsets(%dma_start3A_1262 : memref<128xi32, #tpu.memory_space<vmem>>) semaphore(%arg20 : memref<!tpu.dma_semaphore, #tpu.memory_space<semaphore_mem>>) {add = true}
    %dma_wait3A_1266 = arith.constant 2 : i32
    %dma_wait3A_1267 = arith.constant 0 : i32
    %dma_wait3A_1268 = tpu.memref_slice %arg9[%dma_wait3A_1266, %dma_wait3A_1267] : memref<3x128xi32, #tpu.memory_space<vmem>> -> memref<1x128xi32, #tpu.memory_space<vmem>>
    %dma_wait3A_1269 = tpu.memref_squeeze %dma_wait3A_1268 : memref<1x128xi32, #tpu.memory_space<vmem>> -> memref<128xi32, #tpu.memory_space<vmem>>
    %dma_wait3A_1270 = arith.constant 0 : i32
    %dma_wait3A_1271 = arith.constant 0 : i32
    %dma_wait3A_1272 = tpu.memref_slice %arg13[%dma_wait3A_1270, %dma_wait3A_1271] : memref<6144x128xf32, #tpu.memory_space<vmem_shared>> -> memref<6144x128xf32, #tpu.memory_space<vmem_shared>>
    tpu.wait_indirect_dma semaphore(%arg22 : memref<!tpu.dma_semaphore, #tpu.memory_space<semaphore_mem>>) src(%arg12 : memref<128x128xf32, #tpu.memory_space<vmem>>) dst(%dma_wait3A_1272 : memref<6144x128xf32, #tpu.memory_space<vmem_shared>>)
    %add3A_1273 = arith.constant 256 : i32
    %add3A_1274 = arith.addi %mul3A_4, %add3A_1273 : i32
    %add3A_1275 = arith.constant 69632 : i32
    %add3A_1276 = arith.addi %add3A_1275, %mul3A_2 : i32
    %dma_start3A_1277 = arith.constant 0 : i32
    %dma_start3A_1278 = tpu.memref_slice %arg6[%add3A_1276, %dma_start3A_1277] : memref<204800x128xf32, #tpu.memory_space<hbm>> -> memref<128x128xf32, #tpu.memory_space<hbm>>
    %dma_start3A_1279 = arith.constant 0 : i32
    %dma_start3A_1280 = tpu.memref_slice %arg13[%add3A_1274, %dma_start3A_1279] : memref<6144x128xf32, #tpu.memory_space<vmem_shared>> -> memref<128x128xf32, #tpu.memory_space<vmem_shared>>
    tpu.enqueue_dma source(%dma_start3A_1280 : memref<128x128xf32, #tpu.memory_space<vmem_shared>>) target(%dma_start3A_1278 : memref<128x128xf32, #tpu.memory_space<hbm>>) target_semaphore(%arg25 : memref<!tpu.dma_semaphore, #tpu.memory_space<semaphore_mem>>)
    %dma_start3A_1281 = arith.constant 20 : i32
    %dma_start3A_1282 = arith.constant 0 : i32
    %dma_start3A_1283 = tpu.memref_slice %arg7[%dma_start3A_1281, %dma_start3A_1282] : memref<50x128xi32, #tpu.memory_space<vmem>> -> memref<1x128xi32, #tpu.memory_space<vmem>>
    %dma_start3A_1284 = tpu.memref_squeeze %dma_start3A_1283 : memref<1x128xi32, #tpu.memory_space<vmem>> -> memref<128xi32, #tpu.memory_space<vmem>>
    %dma_start3A_1285 = arith.constant 0 : i32
    %dma_start3A_1286 = arith.constant 0 : i32
    %dma_start3A_1287 = tpu.memref_slice %arg4[%dma_start3A_1285, %dma_start3A_1286] : memref<100000x128xf32, #tpu.memory_space<hbm>> -> memref<100000x128xf32, #tpu.memory_space<hbm>>
    tpu.enqueue_indirect_dma source(%dma_start3A_1287 : memref<100000x128xf32, #tpu.memory_space<hbm>>) target(%arg12 : memref<128x128xf32, #tpu.memory_space<vmem>>) offsets(%dma_start3A_1284 : memref<128xi32, #tpu.memory_space<vmem>>) semaphore(%arg16 : memref<!tpu.dma_semaphore, #tpu.memory_space<semaphore_mem>>)
    %dma_wait3A_1288 = arith.constant 0 : i32
    %dma_wait3A_1289 = tpu.memref_slice %arg6[%add3A_1224, %dma_wait3A_1288] : memref<204800x128xf32, #tpu.memory_space<hbm>> -> memref<128x128xf32, #tpu.memory_space<hbm>>
    %dma_wait3A_1290 = arith.constant 0 : i32
    %dma_wait3A_1291 = tpu.memref_slice %arg13[%add3A_1222, %dma_wait3A_1290] : memref<6144x128xf32, #tpu.memory_space<vmem_shared>> -> memref<128x128xf32, #tpu.memory_space<vmem_shared>>
    tpu.wait_dma2 semaphore(%arg24 : memref<!tpu.dma_semaphore, #tpu.memory_space<semaphore_mem>>) src(%dma_wait3A_1291 : memref<128x128xf32, #tpu.memory_space<vmem_shared>>) dst(%dma_wait3A_1289 : memref<128x128xf32, #tpu.memory_space<hbm>>)
    %add3A_1292 = arith.constant 77824 : i32
    %add3A_1293 = arith.addi %add3A_1292, %mul3A_2 : i32
    %add3A_1294 = arith.constant 128 : i32
    %add3A_1295 = arith.addi %mul3A_4, %add3A_1294 : i32
    %dma_start3A_1296 = arith.constant 0 : i32
    %dma_start3A_1297 = tpu.memref_slice %arg13[%add3A_1295, %dma_start3A_1296] : memref<6144x128xf32, #tpu.memory_space<vmem_shared>> -> memref<128x128xf32, #tpu.memory_space<vmem_shared>>
    %dma_start3A_1298 = arith.constant 0 : i32
    %dma_start3A_1299 = tpu.memref_slice %arg2[%add3A_1293, %dma_start3A_1298] : memref<204800x128xf32, #tpu.memory_space<hbm>> -> memref<128x128xf32, #tpu.memory_space<hbm>>
    tpu.enqueue_dma source(%dma_start3A_1299 : memref<128x128xf32, #tpu.memory_space<hbm>>) target(%dma_start3A_1297 : memref<128x128xf32, #tpu.memory_space<vmem_shared>>) target_semaphore(%arg18 : memref<!tpu.dma_semaphore, #tpu.memory_space<semaphore_mem>>)
    %dma_wait3A_1300 = arith.constant 19 : i32
    %dma_wait3A_1301 = arith.constant 0 : i32
    %dma_wait3A_1302 = tpu.memref_slice %arg7[%dma_wait3A_1300, %dma_wait3A_1301] : memref<50x128xi32, #tpu.memory_space<vmem>> -> memref<1x128xi32, #tpu.memory_space<vmem>>
    %dma_wait3A_1303 = tpu.memref_squeeze %dma_wait3A_1302 : memref<1x128xi32, #tpu.memory_space<vmem>> -> memref<128xi32, #tpu.memory_space<vmem>>
    %dma_wait3A_1304 = arith.constant 0 : i32
    %dma_wait3A_1305 = arith.constant 0 : i32
    %dma_wait3A_1306 = tpu.memref_slice %arg4[%dma_wait3A_1304, %dma_wait3A_1305] : memref<100000x128xf32, #tpu.memory_space<hbm>> -> memref<100000x128xf32, #tpu.memory_space<hbm>>
    tpu.wait_indirect_dma semaphore(%arg15 : memref<!tpu.dma_semaphore, #tpu.memory_space<semaphore_mem>>) src(%dma_wait3A_1306 : memref<100000x128xf32, #tpu.memory_space<hbm>>) dst(%arg11 : memref<128x128xf32, #tpu.memory_space<vmem>>)
    %dma_wait3A_1307 = arith.constant 0 : i32
    %dma_wait3A_1308 = tpu.memref_slice %arg13[%add3A_1295, %dma_wait3A_1307] : memref<6144x128xf32, #tpu.memory_space<vmem_shared>> -> memref<128x128xf32, #tpu.memory_space<vmem_shared>>
    %dma_wait3A_1309 = arith.constant 0 : i32
    %dma_wait3A_1310 = tpu.memref_slice %arg2[%add3A_1293, %dma_wait3A_1309] : memref<204800x128xf32, #tpu.memory_space<hbm>> -> memref<128x128xf32, #tpu.memory_space<hbm>>
    tpu.wait_dma2 semaphore(%arg18 : memref<!tpu.dma_semaphore, #tpu.memory_space<semaphore_mem>>) src(%dma_wait3A_1310 : memref<128x128xf32, #tpu.memory_space<hbm>>) dst(%dma_wait3A_1308 : memref<128x128xf32, #tpu.memory_space<vmem_shared>>)
    %dma_start3A_1311 = arith.constant 1 : i32
    %dma_start3A_1312 = arith.constant 0 : i32
    %dma_start3A_1313 = tpu.memref_slice %arg9[%dma_start3A_1311, %dma_start3A_1312] : memref<3x128xi32, #tpu.memory_space<vmem>> -> memref<1x128xi32, #tpu.memory_space<vmem>>
    %dma_start3A_1314 = tpu.memref_squeeze %dma_start3A_1313 : memref<1x128xi32, #tpu.memory_space<vmem>> -> memref<128xi32, #tpu.memory_space<vmem>>
    %dma_start3A_1315 = arith.constant 0 : i32
    %dma_start3A_1316 = arith.constant 0 : i32
    %dma_start3A_1317 = tpu.memref_slice %arg13[%dma_start3A_1315, %dma_start3A_1316] : memref<6144x128xf32, #tpu.memory_space<vmem_shared>> -> memref<6144x128xf32, #tpu.memory_space<vmem_shared>>
    tpu.enqueue_indirect_dma source(%arg11 : memref<128x128xf32, #tpu.memory_space<vmem>>) target(%dma_start3A_1317 : memref<6144x128xf32, #tpu.memory_space<vmem_shared>>) offsets(%dma_start3A_1314 : memref<128xi32, #tpu.memory_space<vmem>>) semaphore(%arg21 : memref<!tpu.dma_semaphore, #tpu.memory_space<semaphore_mem>>) {add = true}
    %dma_wait3A_1318 = arith.constant 0 : i32
    %dma_wait3A_1319 = arith.constant 0 : i32
    %dma_wait3A_1320 = tpu.memref_slice %arg9[%dma_wait3A_1318, %dma_wait3A_1319] : memref<3x128xi32, #tpu.memory_space<vmem>> -> memref<1x128xi32, #tpu.memory_space<vmem>>
    %dma_wait3A_1321 = tpu.memref_squeeze %dma_wait3A_1320 : memref<1x128xi32, #tpu.memory_space<vmem>> -> memref<128xi32, #tpu.memory_space<vmem>>
    %dma_wait3A_1322 = arith.constant 0 : i32
    %dma_wait3A_1323 = arith.constant 0 : i32
    %dma_wait3A_1324 = tpu.memref_slice %arg13[%dma_wait3A_1322, %dma_wait3A_1323] : memref<6144x128xf32, #tpu.memory_space<vmem_shared>> -> memref<6144x128xf32, #tpu.memory_space<vmem_shared>>
    tpu.wait_indirect_dma semaphore(%arg20 : memref<!tpu.dma_semaphore, #tpu.memory_space<semaphore_mem>>) src(%arg10 : memref<128x128xf32, #tpu.memory_space<vmem>>) dst(%dma_wait3A_1324 : memref<6144x128xf32, #tpu.memory_space<vmem_shared>>)
    %add3A_1325 = arith.constant 0 : i32
    %add3A_1326 = arith.addi %mul3A_4, %add3A_1325 : i32
    %add3A_1327 = arith.constant 73728 : i32
    %add3A_1328 = arith.addi %add3A_1327, %mul3A_2 : i32
    %dma_start3A_1329 = arith.constant 0 : i32
    %dma_start3A_1330 = tpu.memref_slice %arg6[%add3A_1328, %dma_start3A_1329] : memref<204800x128xf32, #tpu.memory_space<hbm>> -> memref<128x128xf32, #tpu.memory_space<hbm>>
    %dma_start3A_1331 = arith.constant 0 : i32
    %dma_start3A_1332 = tpu.memref_slice %arg13[%add3A_1326, %dma_start3A_1331] : memref<6144x128xf32, #tpu.memory_space<vmem_shared>> -> memref<128x128xf32, #tpu.memory_space<vmem_shared>>
    tpu.enqueue_dma source(%dma_start3A_1332 : memref<128x128xf32, #tpu.memory_space<vmem_shared>>) target(%dma_start3A_1330 : memref<128x128xf32, #tpu.memory_space<hbm>>) target_semaphore(%arg23 : memref<!tpu.dma_semaphore, #tpu.memory_space<semaphore_mem>>)
    %dma_start3A_1333 = arith.constant 21 : i32
    %dma_start3A_1334 = arith.constant 0 : i32
    %dma_start3A_1335 = tpu.memref_slice %arg7[%dma_start3A_1333, %dma_start3A_1334] : memref<50x128xi32, #tpu.memory_space<vmem>> -> memref<1x128xi32, #tpu.memory_space<vmem>>
    %dma_start3A_1336 = tpu.memref_squeeze %dma_start3A_1335 : memref<1x128xi32, #tpu.memory_space<vmem>> -> memref<128xi32, #tpu.memory_space<vmem>>
    %dma_start3A_1337 = arith.constant 0 : i32
    %dma_start3A_1338 = arith.constant 0 : i32
    %dma_start3A_1339 = tpu.memref_slice %arg4[%dma_start3A_1337, %dma_start3A_1338] : memref<100000x128xf32, #tpu.memory_space<hbm>> -> memref<100000x128xf32, #tpu.memory_space<hbm>>
    tpu.enqueue_indirect_dma source(%dma_start3A_1339 : memref<100000x128xf32, #tpu.memory_space<hbm>>) target(%arg10 : memref<128x128xf32, #tpu.memory_space<vmem>>) offsets(%dma_start3A_1336 : memref<128xi32, #tpu.memory_space<vmem>>) semaphore(%arg14 : memref<!tpu.dma_semaphore, #tpu.memory_space<semaphore_mem>>)
    %dma_wait3A_1340 = arith.constant 0 : i32
    %dma_wait3A_1341 = tpu.memref_slice %arg6[%add3A_1276, %dma_wait3A_1340] : memref<204800x128xf32, #tpu.memory_space<hbm>> -> memref<128x128xf32, #tpu.memory_space<hbm>>
    %dma_wait3A_1342 = arith.constant 0 : i32
    %dma_wait3A_1343 = tpu.memref_slice %arg13[%add3A_1274, %dma_wait3A_1342] : memref<6144x128xf32, #tpu.memory_space<vmem_shared>> -> memref<128x128xf32, #tpu.memory_space<vmem_shared>>
    tpu.wait_dma2 semaphore(%arg25 : memref<!tpu.dma_semaphore, #tpu.memory_space<semaphore_mem>>) src(%dma_wait3A_1343 : memref<128x128xf32, #tpu.memory_space<vmem_shared>>) dst(%dma_wait3A_1341 : memref<128x128xf32, #tpu.memory_space<hbm>>)
    %add3A_1344 = arith.constant 81920 : i32
    %add3A_1345 = arith.addi %add3A_1344, %mul3A_2 : i32
    %add3A_1346 = arith.constant 256 : i32
    %add3A_1347 = arith.addi %mul3A_4, %add3A_1346 : i32
    %dma_start3A_1348 = arith.constant 0 : i32
    %dma_start3A_1349 = tpu.memref_slice %arg13[%add3A_1347, %dma_start3A_1348] : memref<6144x128xf32, #tpu.memory_space<vmem_shared>> -> memref<128x128xf32, #tpu.memory_space<vmem_shared>>
    %dma_start3A_1350 = arith.constant 0 : i32
    %dma_start3A_1351 = tpu.memref_slice %arg2[%add3A_1345, %dma_start3A_1350] : memref<204800x128xf32, #tpu.memory_space<hbm>> -> memref<128x128xf32, #tpu.memory_space<hbm>>
    tpu.enqueue_dma source(%dma_start3A_1351 : memref<128x128xf32, #tpu.memory_space<hbm>>) target(%dma_start3A_1349 : memref<128x128xf32, #tpu.memory_space<vmem_shared>>) target_semaphore(%arg19 : memref<!tpu.dma_semaphore, #tpu.memory_space<semaphore_mem>>)
    %dma_wait3A_1352 = arith.constant 20 : i32
    %dma_wait3A_1353 = arith.constant 0 : i32
    %dma_wait3A_1354 = tpu.memref_slice %arg7[%dma_wait3A_1352, %dma_wait3A_1353] : memref<50x128xi32, #tpu.memory_space<vmem>> -> memref<1x128xi32, #tpu.memory_space<vmem>>
    %dma_wait3A_1355 = tpu.memref_squeeze %dma_wait3A_1354 : memref<1x128xi32, #tpu.memory_space<vmem>> -> memref<128xi32, #tpu.memory_space<vmem>>
    %dma_wait3A_1356 = arith.constant 0 : i32
    %dma_wait3A_1357 = arith.constant 0 : i32
    %dma_wait3A_1358 = tpu.memref_slice %arg4[%dma_wait3A_1356, %dma_wait3A_1357] : memref<100000x128xf32, #tpu.memory_space<hbm>> -> memref<100000x128xf32, #tpu.memory_space<hbm>>
    tpu.wait_indirect_dma semaphore(%arg16 : memref<!tpu.dma_semaphore, #tpu.memory_space<semaphore_mem>>) src(%dma_wait3A_1358 : memref<100000x128xf32, #tpu.memory_space<hbm>>) dst(%arg12 : memref<128x128xf32, #tpu.memory_space<vmem>>)
    %dma_wait3A_1359 = arith.constant 0 : i32
    %dma_wait3A_1360 = tpu.memref_slice %arg13[%add3A_1347, %dma_wait3A_1359] : memref<6144x128xf32, #tpu.memory_space<vmem_shared>> -> memref<128x128xf32, #tpu.memory_space<vmem_shared>>
    %dma_wait3A_1361 = arith.constant 0 : i32
    %dma_wait3A_1362 = tpu.memref_slice %arg2[%add3A_1345, %dma_wait3A_1361] : memref<204800x128xf32, #tpu.memory_space<hbm>> -> memref<128x128xf32, #tpu.memory_space<hbm>>
    tpu.wait_dma2 semaphore(%arg19 : memref<!tpu.dma_semaphore, #tpu.memory_space<semaphore_mem>>) src(%dma_wait3A_1362 : memref<128x128xf32, #tpu.memory_space<hbm>>) dst(%dma_wait3A_1360 : memref<128x128xf32, #tpu.memory_space<vmem_shared>>)
    %dma_start3A_1363 = arith.constant 2 : i32
    %dma_start3A_1364 = arith.constant 0 : i32
    %dma_start3A_1365 = tpu.memref_slice %arg9[%dma_start3A_1363, %dma_start3A_1364] : memref<3x128xi32, #tpu.memory_space<vmem>> -> memref<1x128xi32, #tpu.memory_space<vmem>>
    %dma_start3A_1366 = tpu.memref_squeeze %dma_start3A_1365 : memref<1x128xi32, #tpu.memory_space<vmem>> -> memref<128xi32, #tpu.memory_space<vmem>>
    %dma_start3A_1367 = arith.constant 0 : i32
    %dma_start3A_1368 = arith.constant 0 : i32
    %dma_start3A_1369 = tpu.memref_slice %arg13[%dma_start3A_1367, %dma_start3A_1368] : memref<6144x128xf32, #tpu.memory_space<vmem_shared>> -> memref<6144x128xf32, #tpu.memory_space<vmem_shared>>
    tpu.enqueue_indirect_dma source(%arg12 : memref<128x128xf32, #tpu.memory_space<vmem>>) target(%dma_start3A_1369 : memref<6144x128xf32, #tpu.memory_space<vmem_shared>>) offsets(%dma_start3A_1366 : memref<128xi32, #tpu.memory_space<vmem>>) semaphore(%arg22 : memref<!tpu.dma_semaphore, #tpu.memory_space<semaphore_mem>>) {add = true}
    %dma_wait3A_1370 = arith.constant 1 : i32
    %dma_wait3A_1371 = arith.constant 0 : i32
    %dma_wait3A_1372 = tpu.memref_slice %arg9[%dma_wait3A_1370, %dma_wait3A_1371] : memref<3x128xi32, #tpu.memory_space<vmem>> -> memref<1x128xi32, #tpu.memory_space<vmem>>
    %dma_wait3A_1373 = tpu.memref_squeeze %dma_wait3A_1372 : memref<1x128xi32, #tpu.memory_space<vmem>> -> memref<128xi32, #tpu.memory_space<vmem>>
    %dma_wait3A_1374 = arith.constant 0 : i32
    %dma_wait3A_1375 = arith.constant 0 : i32
    %dma_wait3A_1376 = tpu.memref_slice %arg13[%dma_wait3A_1374, %dma_wait3A_1375] : memref<6144x128xf32, #tpu.memory_space<vmem_shared>> -> memref<6144x128xf32, #tpu.memory_space<vmem_shared>>
    tpu.wait_indirect_dma semaphore(%arg21 : memref<!tpu.dma_semaphore, #tpu.memory_space<semaphore_mem>>) src(%arg11 : memref<128x128xf32, #tpu.memory_space<vmem>>) dst(%dma_wait3A_1376 : memref<6144x128xf32, #tpu.memory_space<vmem_shared>>)
    %add3A_1377 = arith.constant 128 : i32
    %add3A_1378 = arith.addi %mul3A_4, %add3A_1377 : i32
    %add3A_1379 = arith.constant 77824 : i32
    %add3A_1380 = arith.addi %add3A_1379, %mul3A_2 : i32
    %dma_start3A_1381 = arith.constant 0 : i32
    %dma_start3A_1382 = tpu.memref_slice %arg6[%add3A_1380, %dma_start3A_1381] : memref<204800x128xf32, #tpu.memory_space<hbm>> -> memref<128x128xf32, #tpu.memory_space<hbm>>
    %dma_start3A_1383 = arith.constant 0 : i32
    %dma_start3A_1384 = tpu.memref_slice %arg13[%add3A_1378, %dma_start3A_1383] : memref<6144x128xf32, #tpu.memory_space<vmem_shared>> -> memref<128x128xf32, #tpu.memory_space<vmem_shared>>
    tpu.enqueue_dma source(%dma_start3A_1384 : memref<128x128xf32, #tpu.memory_space<vmem_shared>>) target(%dma_start3A_1382 : memref<128x128xf32, #tpu.memory_space<hbm>>) target_semaphore(%arg24 : memref<!tpu.dma_semaphore, #tpu.memory_space<semaphore_mem>>)
    %dma_start3A_1385 = arith.constant 22 : i32
    %dma_start3A_1386 = arith.constant 0 : i32
    %dma_start3A_1387 = tpu.memref_slice %arg7[%dma_start3A_1385, %dma_start3A_1386] : memref<50x128xi32, #tpu.memory_space<vmem>> -> memref<1x128xi32, #tpu.memory_space<vmem>>
    %dma_start3A_1388 = tpu.memref_squeeze %dma_start3A_1387 : memref<1x128xi32, #tpu.memory_space<vmem>> -> memref<128xi32, #tpu.memory_space<vmem>>
    %dma_start3A_1389 = arith.constant 0 : i32
    %dma_start3A_1390 = arith.constant 0 : i32
    %dma_start3A_1391 = tpu.memref_slice %arg4[%dma_start3A_1389, %dma_start3A_1390] : memref<100000x128xf32, #tpu.memory_space<hbm>> -> memref<100000x128xf32, #tpu.memory_space<hbm>>
    tpu.enqueue_indirect_dma source(%dma_start3A_1391 : memref<100000x128xf32, #tpu.memory_space<hbm>>) target(%arg11 : memref<128x128xf32, #tpu.memory_space<vmem>>) offsets(%dma_start3A_1388 : memref<128xi32, #tpu.memory_space<vmem>>) semaphore(%arg15 : memref<!tpu.dma_semaphore, #tpu.memory_space<semaphore_mem>>)
    %dma_wait3A_1392 = arith.constant 0 : i32
    %dma_wait3A_1393 = tpu.memref_slice %arg6[%add3A_1328, %dma_wait3A_1392] : memref<204800x128xf32, #tpu.memory_space<hbm>> -> memref<128x128xf32, #tpu.memory_space<hbm>>
    %dma_wait3A_1394 = arith.constant 0 : i32
    %dma_wait3A_1395 = tpu.memref_slice %arg13[%add3A_1326, %dma_wait3A_1394] : memref<6144x128xf32, #tpu.memory_space<vmem_shared>> -> memref<128x128xf32, #tpu.memory_space<vmem_shared>>
    tpu.wait_dma2 semaphore(%arg23 : memref<!tpu.dma_semaphore, #tpu.memory_space<semaphore_mem>>) src(%dma_wait3A_1395 : memref<128x128xf32, #tpu.memory_space<vmem_shared>>) dst(%dma_wait3A_1393 : memref<128x128xf32, #tpu.memory_space<hbm>>)
    %add3A_1396 = arith.constant 86016 : i32
    %add3A_1397 = arith.addi %add3A_1396, %mul3A_2 : i32
    %add3A_1398 = arith.constant 0 : i32
    %add3A_1399 = arith.addi %mul3A_4, %add3A_1398 : i32
    %dma_start3A_1400 = arith.constant 0 : i32
    %dma_start3A_1401 = tpu.memref_slice %arg13[%add3A_1399, %dma_start3A_1400] : memref<6144x128xf32, #tpu.memory_space<vmem_shared>> -> memref<128x128xf32, #tpu.memory_space<vmem_shared>>
    %dma_start3A_1402 = arith.constant 0 : i32
    %dma_start3A_1403 = tpu.memref_slice %arg2[%add3A_1397, %dma_start3A_1402] : memref<204800x128xf32, #tpu.memory_space<hbm>> -> memref<128x128xf32, #tpu.memory_space<hbm>>
    tpu.enqueue_dma source(%dma_start3A_1403 : memref<128x128xf32, #tpu.memory_space<hbm>>) target(%dma_start3A_1401 : memref<128x128xf32, #tpu.memory_space<vmem_shared>>) target_semaphore(%arg17 : memref<!tpu.dma_semaphore, #tpu.memory_space<semaphore_mem>>)
    %dma_wait3A_1404 = arith.constant 21 : i32
    %dma_wait3A_1405 = arith.constant 0 : i32
    %dma_wait3A_1406 = tpu.memref_slice %arg7[%dma_wait3A_1404, %dma_wait3A_1405] : memref<50x128xi32, #tpu.memory_space<vmem>> -> memref<1x128xi32, #tpu.memory_space<vmem>>
    %dma_wait3A_1407 = tpu.memref_squeeze %dma_wait3A_1406 : memref<1x128xi32, #tpu.memory_space<vmem>> -> memref<128xi32, #tpu.memory_space<vmem>>
    %dma_wait3A_1408 = arith.constant 0 : i32
    %dma_wait3A_1409 = arith.constant 0 : i32
    %dma_wait3A_1410 = tpu.memref_slice %arg4[%dma_wait3A_1408, %dma_wait3A_1409] : memref<100000x128xf32, #tpu.memory_space<hbm>> -> memref<100000x128xf32, #tpu.memory_space<hbm>>
    tpu.wait_indirect_dma semaphore(%arg14 : memref<!tpu.dma_semaphore, #tpu.memory_space<semaphore_mem>>) src(%dma_wait3A_1410 : memref<100000x128xf32, #tpu.memory_space<hbm>>) dst(%arg10 : memref<128x128xf32, #tpu.memory_space<vmem>>)
    %dma_wait3A_1411 = arith.constant 0 : i32
    %dma_wait3A_1412 = tpu.memref_slice %arg13[%add3A_1399, %dma_wait3A_1411] : memref<6144x128xf32, #tpu.memory_space<vmem_shared>> -> memref<128x128xf32, #tpu.memory_space<vmem_shared>>
    %dma_wait3A_1413 = arith.constant 0 : i32
    %dma_wait3A_1414 = tpu.memref_slice %arg2[%add3A_1397, %dma_wait3A_1413] : memref<204800x128xf32, #tpu.memory_space<hbm>> -> memref<128x128xf32, #tpu.memory_space<hbm>>
    tpu.wait_dma2 semaphore(%arg17 : memref<!tpu.dma_semaphore, #tpu.memory_space<semaphore_mem>>) src(%dma_wait3A_1414 : memref<128x128xf32, #tpu.memory_space<hbm>>) dst(%dma_wait3A_1412 : memref<128x128xf32, #tpu.memory_space<vmem_shared>>)
    %dma_start3A_1415 = arith.constant 0 : i32
    %dma_start3A_1416 = arith.constant 0 : i32
    %dma_start3A_1417 = tpu.memref_slice %arg9[%dma_start3A_1415, %dma_start3A_1416] : memref<3x128xi32, #tpu.memory_space<vmem>> -> memref<1x128xi32, #tpu.memory_space<vmem>>
    %dma_start3A_1418 = tpu.memref_squeeze %dma_start3A_1417 : memref<1x128xi32, #tpu.memory_space<vmem>> -> memref<128xi32, #tpu.memory_space<vmem>>
    %dma_start3A_1419 = arith.constant 0 : i32
    %dma_start3A_1420 = arith.constant 0 : i32
    %dma_start3A_1421 = tpu.memref_slice %arg13[%dma_start3A_1419, %dma_start3A_1420] : memref<6144x128xf32, #tpu.memory_space<vmem_shared>> -> memref<6144x128xf32, #tpu.memory_space<vmem_shared>>
    tpu.enqueue_indirect_dma source(%arg10 : memref<128x128xf32, #tpu.memory_space<vmem>>) target(%dma_start3A_1421 : memref<6144x128xf32, #tpu.memory_space<vmem_shared>>) offsets(%dma_start3A_1418 : memref<128xi32, #tpu.memory_space<vmem>>) semaphore(%arg20 : memref<!tpu.dma_semaphore, #tpu.memory_space<semaphore_mem>>) {add = true}
    %dma_wait3A_1422 = arith.constant 2 : i32
    %dma_wait3A_1423 = arith.constant 0 : i32
    %dma_wait3A_1424 = tpu.memref_slice %arg9[%dma_wait3A_1422, %dma_wait3A_1423] : memref<3x128xi32, #tpu.memory_space<vmem>> -> memref<1x128xi32, #tpu.memory_space<vmem>>
    %dma_wait3A_1425 = tpu.memref_squeeze %dma_wait3A_1424 : memref<1x128xi32, #tpu.memory_space<vmem>> -> memref<128xi32, #tpu.memory_space<vmem>>
    %dma_wait3A_1426 = arith.constant 0 : i32
    %dma_wait3A_1427 = arith.constant 0 : i32
    %dma_wait3A_1428 = tpu.memref_slice %arg13[%dma_wait3A_1426, %dma_wait3A_1427] : memref<6144x128xf32, #tpu.memory_space<vmem_shared>> -> memref<6144x128xf32, #tpu.memory_space<vmem_shared>>
    tpu.wait_indirect_dma semaphore(%arg22 : memref<!tpu.dma_semaphore, #tpu.memory_space<semaphore_mem>>) src(%arg12 : memref<128x128xf32, #tpu.memory_space<vmem>>) dst(%dma_wait3A_1428 : memref<6144x128xf32, #tpu.memory_space<vmem_shared>>)
    %add3A_1429 = arith.constant 256 : i32
    %add3A_1430 = arith.addi %mul3A_4, %add3A_1429 : i32
    %add3A_1431 = arith.constant 81920 : i32
    %add3A_1432 = arith.addi %add3A_1431, %mul3A_2 : i32
    %dma_start3A_1433 = arith.constant 0 : i32
    %dma_start3A_1434 = tpu.memref_slice %arg6[%add3A_1432, %dma_start3A_1433] : memref<204800x128xf32, #tpu.memory_space<hbm>> -> memref<128x128xf32, #tpu.memory_space<hbm>>
    %dma_start3A_1435 = arith.constant 0 : i32
    %dma_start3A_1436 = tpu.memref_slice %arg13[%add3A_1430, %dma_start3A_1435] : memref<6144x128xf32, #tpu.memory_space<vmem_shared>> -> memref<128x128xf32, #tpu.memory_space<vmem_shared>>
    tpu.enqueue_dma source(%dma_start3A_1436 : memref<128x128xf32, #tpu.memory_space<vmem_shared>>) target(%dma_start3A_1434 : memref<128x128xf32, #tpu.memory_space<hbm>>) target_semaphore(%arg25 : memref<!tpu.dma_semaphore, #tpu.memory_space<semaphore_mem>>)
    %dma_start3A_1437 = arith.constant 23 : i32
    %dma_start3A_1438 = arith.constant 0 : i32
    %dma_start3A_1439 = tpu.memref_slice %arg7[%dma_start3A_1437, %dma_start3A_1438] : memref<50x128xi32, #tpu.memory_space<vmem>> -> memref<1x128xi32, #tpu.memory_space<vmem>>
    %dma_start3A_1440 = tpu.memref_squeeze %dma_start3A_1439 : memref<1x128xi32, #tpu.memory_space<vmem>> -> memref<128xi32, #tpu.memory_space<vmem>>
    %dma_start3A_1441 = arith.constant 0 : i32
    %dma_start3A_1442 = arith.constant 0 : i32
    %dma_start3A_1443 = tpu.memref_slice %arg4[%dma_start3A_1441, %dma_start3A_1442] : memref<100000x128xf32, #tpu.memory_space<hbm>> -> memref<100000x128xf32, #tpu.memory_space<hbm>>
    tpu.enqueue_indirect_dma source(%dma_start3A_1443 : memref<100000x128xf32, #tpu.memory_space<hbm>>) target(%arg12 : memref<128x128xf32, #tpu.memory_space<vmem>>) offsets(%dma_start3A_1440 : memref<128xi32, #tpu.memory_space<vmem>>) semaphore(%arg16 : memref<!tpu.dma_semaphore, #tpu.memory_space<semaphore_mem>>)
    %dma_wait3A_1444 = arith.constant 0 : i32
    %dma_wait3A_1445 = tpu.memref_slice %arg6[%add3A_1380, %dma_wait3A_1444] : memref<204800x128xf32, #tpu.memory_space<hbm>> -> memref<128x128xf32, #tpu.memory_space<hbm>>
    %dma_wait3A_1446 = arith.constant 0 : i32
    %dma_wait3A_1447 = tpu.memref_slice %arg13[%add3A_1378, %dma_wait3A_1446] : memref<6144x128xf32, #tpu.memory_space<vmem_shared>> -> memref<128x128xf32, #tpu.memory_space<vmem_shared>>
    tpu.wait_dma2 semaphore(%arg24 : memref<!tpu.dma_semaphore, #tpu.memory_space<semaphore_mem>>) src(%dma_wait3A_1447 : memref<128x128xf32, #tpu.memory_space<vmem_shared>>) dst(%dma_wait3A_1445 : memref<128x128xf32, #tpu.memory_space<hbm>>)
    %add3A_1448 = arith.constant 90112 : i32
    %add3A_1449 = arith.addi %add3A_1448, %mul3A_2 : i32
    %add3A_1450 = arith.constant 128 : i32
    %add3A_1451 = arith.addi %mul3A_4, %add3A_1450 : i32
    %dma_start3A_1452 = arith.constant 0 : i32
    %dma_start3A_1453 = tpu.memref_slice %arg13[%add3A_1451, %dma_start3A_1452] : memref<6144x128xf32, #tpu.memory_space<vmem_shared>> -> memref<128x128xf32, #tpu.memory_space<vmem_shared>>
    %dma_start3A_1454 = arith.constant 0 : i32
    %dma_start3A_1455 = tpu.memref_slice %arg2[%add3A_1449, %dma_start3A_1454] : memref<204800x128xf32, #tpu.memory_space<hbm>> -> memref<128x128xf32, #tpu.memory_space<hbm>>
    tpu.enqueue_dma source(%dma_start3A_1455 : memref<128x128xf32, #tpu.memory_space<hbm>>) target(%dma_start3A_1453 : memref<128x128xf32, #tpu.memory_space<vmem_shared>>) target_semaphore(%arg18 : memref<!tpu.dma_semaphore, #tpu.memory_space<semaphore_mem>>)
    %dma_wait3A_1456 = arith.constant 22 : i32
    %dma_wait3A_1457 = arith.constant 0 : i32
    %dma_wait3A_1458 = tpu.memref_slice %arg7[%dma_wait3A_1456, %dma_wait3A_1457] : memref<50x128xi32, #tpu.memory_space<vmem>> -> memref<1x128xi32, #tpu.memory_space<vmem>>
    %dma_wait3A_1459 = tpu.memref_squeeze %dma_wait3A_1458 : memref<1x128xi32, #tpu.memory_space<vmem>> -> memref<128xi32, #tpu.memory_space<vmem>>
    %dma_wait3A_1460 = arith.constant 0 : i32
    %dma_wait3A_1461 = arith.constant 0 : i32
    %dma_wait3A_1462 = tpu.memref_slice %arg4[%dma_wait3A_1460, %dma_wait3A_1461] : memref<100000x128xf32, #tpu.memory_space<hbm>> -> memref<100000x128xf32, #tpu.memory_space<hbm>>
    tpu.wait_indirect_dma semaphore(%arg15 : memref<!tpu.dma_semaphore, #tpu.memory_space<semaphore_mem>>) src(%dma_wait3A_1462 : memref<100000x128xf32, #tpu.memory_space<hbm>>) dst(%arg11 : memref<128x128xf32, #tpu.memory_space<vmem>>)
    %dma_wait3A_1463 = arith.constant 0 : i32
    %dma_wait3A_1464 = tpu.memref_slice %arg13[%add3A_1451, %dma_wait3A_1463] : memref<6144x128xf32, #tpu.memory_space<vmem_shared>> -> memref<128x128xf32, #tpu.memory_space<vmem_shared>>
    %dma_wait3A_1465 = arith.constant 0 : i32
    %dma_wait3A_1466 = tpu.memref_slice %arg2[%add3A_1449, %dma_wait3A_1465] : memref<204800x128xf32, #tpu.memory_space<hbm>> -> memref<128x128xf32, #tpu.memory_space<hbm>>
    tpu.wait_dma2 semaphore(%arg18 : memref<!tpu.dma_semaphore, #tpu.memory_space<semaphore_mem>>) src(%dma_wait3A_1466 : memref<128x128xf32, #tpu.memory_space<hbm>>) dst(%dma_wait3A_1464 : memref<128x128xf32, #tpu.memory_space<vmem_shared>>)
    %dma_start3A_1467 = arith.constant 1 : i32
    %dma_start3A_1468 = arith.constant 0 : i32
    %dma_start3A_1469 = tpu.memref_slice %arg9[%dma_start3A_1467, %dma_start3A_1468] : memref<3x128xi32, #tpu.memory_space<vmem>> -> memref<1x128xi32, #tpu.memory_space<vmem>>
    %dma_start3A_1470 = tpu.memref_squeeze %dma_start3A_1469 : memref<1x128xi32, #tpu.memory_space<vmem>> -> memref<128xi32, #tpu.memory_space<vmem>>
    %dma_start3A_1471 = arith.constant 0 : i32
    %dma_start3A_1472 = arith.constant 0 : i32
    %dma_start3A_1473 = tpu.memref_slice %arg13[%dma_start3A_1471, %dma_start3A_1472] : memref<6144x128xf32, #tpu.memory_space<vmem_shared>> -> memref<6144x128xf32, #tpu.memory_space<vmem_shared>>
    tpu.enqueue_indirect_dma source(%arg11 : memref<128x128xf32, #tpu.memory_space<vmem>>) target(%dma_start3A_1473 : memref<6144x128xf32, #tpu.memory_space<vmem_shared>>) offsets(%dma_start3A_1470 : memref<128xi32, #tpu.memory_space<vmem>>) semaphore(%arg21 : memref<!tpu.dma_semaphore, #tpu.memory_space<semaphore_mem>>) {add = true}
    %dma_wait3A_1474 = arith.constant 0 : i32
    %dma_wait3A_1475 = arith.constant 0 : i32
    %dma_wait3A_1476 = tpu.memref_slice %arg9[%dma_wait3A_1474, %dma_wait3A_1475] : memref<3x128xi32, #tpu.memory_space<vmem>> -> memref<1x128xi32, #tpu.memory_space<vmem>>
    %dma_wait3A_1477 = tpu.memref_squeeze %dma_wait3A_1476 : memref<1x128xi32, #tpu.memory_space<vmem>> -> memref<128xi32, #tpu.memory_space<vmem>>
    %dma_wait3A_1478 = arith.constant 0 : i32
    %dma_wait3A_1479 = arith.constant 0 : i32
    %dma_wait3A_1480 = tpu.memref_slice %arg13[%dma_wait3A_1478, %dma_wait3A_1479] : memref<6144x128xf32, #tpu.memory_space<vmem_shared>> -> memref<6144x128xf32, #tpu.memory_space<vmem_shared>>
    tpu.wait_indirect_dma semaphore(%arg20 : memref<!tpu.dma_semaphore, #tpu.memory_space<semaphore_mem>>) src(%arg10 : memref<128x128xf32, #tpu.memory_space<vmem>>) dst(%dma_wait3A_1480 : memref<6144x128xf32, #tpu.memory_space<vmem_shared>>)
    %add3A_1481 = arith.constant 0 : i32
    %add3A_1482 = arith.addi %mul3A_4, %add3A_1481 : i32
    %add3A_1483 = arith.constant 86016 : i32
    %add3A_1484 = arith.addi %add3A_1483, %mul3A_2 : i32
    %dma_start3A_1485 = arith.constant 0 : i32
    %dma_start3A_1486 = tpu.memref_slice %arg6[%add3A_1484, %dma_start3A_1485] : memref<204800x128xf32, #tpu.memory_space<hbm>> -> memref<128x128xf32, #tpu.memory_space<hbm>>
    %dma_start3A_1487 = arith.constant 0 : i32
    %dma_start3A_1488 = tpu.memref_slice %arg13[%add3A_1482, %dma_start3A_1487] : memref<6144x128xf32, #tpu.memory_space<vmem_shared>> -> memref<128x128xf32, #tpu.memory_space<vmem_shared>>
    tpu.enqueue_dma source(%dma_start3A_1488 : memref<128x128xf32, #tpu.memory_space<vmem_shared>>) target(%dma_start3A_1486 : memref<128x128xf32, #tpu.memory_space<hbm>>) target_semaphore(%arg23 : memref<!tpu.dma_semaphore, #tpu.memory_space<semaphore_mem>>)
    %dma_start3A_1489 = arith.constant 24 : i32
    %dma_start3A_1490 = arith.constant 0 : i32
    %dma_start3A_1491 = tpu.memref_slice %arg7[%dma_start3A_1489, %dma_start3A_1490] : memref<50x128xi32, #tpu.memory_space<vmem>> -> memref<1x128xi32, #tpu.memory_space<vmem>>
    %dma_start3A_1492 = tpu.memref_squeeze %dma_start3A_1491 : memref<1x128xi32, #tpu.memory_space<vmem>> -> memref<128xi32, #tpu.memory_space<vmem>>
    %dma_start3A_1493 = arith.constant 0 : i32
    %dma_start3A_1494 = arith.constant 0 : i32
    %dma_start3A_1495 = tpu.memref_slice %arg4[%dma_start3A_1493, %dma_start3A_1494] : memref<100000x128xf32, #tpu.memory_space<hbm>> -> memref<100000x128xf32, #tpu.memory_space<hbm>>
    tpu.enqueue_indirect_dma source(%dma_start3A_1495 : memref<100000x128xf32, #tpu.memory_space<hbm>>) target(%arg10 : memref<128x128xf32, #tpu.memory_space<vmem>>) offsets(%dma_start3A_1492 : memref<128xi32, #tpu.memory_space<vmem>>) semaphore(%arg14 : memref<!tpu.dma_semaphore, #tpu.memory_space<semaphore_mem>>)
    %dma_wait3A_1496 = arith.constant 0 : i32
    %dma_wait3A_1497 = tpu.memref_slice %arg6[%add3A_1432, %dma_wait3A_1496] : memref<204800x128xf32, #tpu.memory_space<hbm>> -> memref<128x128xf32, #tpu.memory_space<hbm>>
    %dma_wait3A_1498 = arith.constant 0 : i32
    %dma_wait3A_1499 = tpu.memref_slice %arg13[%add3A_1430, %dma_wait3A_1498] : memref<6144x128xf32, #tpu.memory_space<vmem_shared>> -> memref<128x128xf32, #tpu.memory_space<vmem_shared>>
    tpu.wait_dma2 semaphore(%arg25 : memref<!tpu.dma_semaphore, #tpu.memory_space<semaphore_mem>>) src(%dma_wait3A_1499 : memref<128x128xf32, #tpu.memory_space<vmem_shared>>) dst(%dma_wait3A_1497 : memref<128x128xf32, #tpu.memory_space<hbm>>)
    %add3A_1500 = arith.constant 94208 : i32
    %add3A_1501 = arith.addi %add3A_1500, %mul3A_2 : i32
    %add3A_1502 = arith.constant 256 : i32
    %add3A_1503 = arith.addi %mul3A_4, %add3A_1502 : i32
    %dma_start3A_1504 = arith.constant 0 : i32
    %dma_start3A_1505 = tpu.memref_slice %arg13[%add3A_1503, %dma_start3A_1504] : memref<6144x128xf32, #tpu.memory_space<vmem_shared>> -> memref<128x128xf32, #tpu.memory_space<vmem_shared>>
    %dma_start3A_1506 = arith.constant 0 : i32
    %dma_start3A_1507 = tpu.memref_slice %arg2[%add3A_1501, %dma_start3A_1506] : memref<204800x128xf32, #tpu.memory_space<hbm>> -> memref<128x128xf32, #tpu.memory_space<hbm>>
    tpu.enqueue_dma source(%dma_start3A_1507 : memref<128x128xf32, #tpu.memory_space<hbm>>) target(%dma_start3A_1505 : memref<128x128xf32, #tpu.memory_space<vmem_shared>>) target_semaphore(%arg19 : memref<!tpu.dma_semaphore, #tpu.memory_space<semaphore_mem>>)
    %dma_wait3A_1508 = arith.constant 23 : i32
    %dma_wait3A_1509 = arith.constant 0 : i32
    %dma_wait3A_1510 = tpu.memref_slice %arg7[%dma_wait3A_1508, %dma_wait3A_1509] : memref<50x128xi32, #tpu.memory_space<vmem>> -> memref<1x128xi32, #tpu.memory_space<vmem>>
    %dma_wait3A_1511 = tpu.memref_squeeze %dma_wait3A_1510 : memref<1x128xi32, #tpu.memory_space<vmem>> -> memref<128xi32, #tpu.memory_space<vmem>>
    %dma_wait3A_1512 = arith.constant 0 : i32
    %dma_wait3A_1513 = arith.constant 0 : i32
    %dma_wait3A_1514 = tpu.memref_slice %arg4[%dma_wait3A_1512, %dma_wait3A_1513] : memref<100000x128xf32, #tpu.memory_space<hbm>> -> memref<100000x128xf32, #tpu.memory_space<hbm>>
    tpu.wait_indirect_dma semaphore(%arg16 : memref<!tpu.dma_semaphore, #tpu.memory_space<semaphore_mem>>) src(%dma_wait3A_1514 : memref<100000x128xf32, #tpu.memory_space<hbm>>) dst(%arg12 : memref<128x128xf32, #tpu.memory_space<vmem>>)
    %dma_wait3A_1515 = arith.constant 0 : i32
    %dma_wait3A_1516 = tpu.memref_slice %arg13[%add3A_1503, %dma_wait3A_1515] : memref<6144x128xf32, #tpu.memory_space<vmem_shared>> -> memref<128x128xf32, #tpu.memory_space<vmem_shared>>
    %dma_wait3A_1517 = arith.constant 0 : i32
    %dma_wait3A_1518 = tpu.memref_slice %arg2[%add3A_1501, %dma_wait3A_1517] : memref<204800x128xf32, #tpu.memory_space<hbm>> -> memref<128x128xf32, #tpu.memory_space<hbm>>
    tpu.wait_dma2 semaphore(%arg19 : memref<!tpu.dma_semaphore, #tpu.memory_space<semaphore_mem>>) src(%dma_wait3A_1518 : memref<128x128xf32, #tpu.memory_space<hbm>>) dst(%dma_wait3A_1516 : memref<128x128xf32, #tpu.memory_space<vmem_shared>>)
    %dma_start3A_1519 = arith.constant 2 : i32
    %dma_start3A_1520 = arith.constant 0 : i32
    %dma_start3A_1521 = tpu.memref_slice %arg9[%dma_start3A_1519, %dma_start3A_1520] : memref<3x128xi32, #tpu.memory_space<vmem>> -> memref<1x128xi32, #tpu.memory_space<vmem>>
    %dma_start3A_1522 = tpu.memref_squeeze %dma_start3A_1521 : memref<1x128xi32, #tpu.memory_space<vmem>> -> memref<128xi32, #tpu.memory_space<vmem>>
    %dma_start3A_1523 = arith.constant 0 : i32
    %dma_start3A_1524 = arith.constant 0 : i32
    %dma_start3A_1525 = tpu.memref_slice %arg13[%dma_start3A_1523, %dma_start3A_1524] : memref<6144x128xf32, #tpu.memory_space<vmem_shared>> -> memref<6144x128xf32, #tpu.memory_space<vmem_shared>>
    tpu.enqueue_indirect_dma source(%arg12 : memref<128x128xf32, #tpu.memory_space<vmem>>) target(%dma_start3A_1525 : memref<6144x128xf32, #tpu.memory_space<vmem_shared>>) offsets(%dma_start3A_1522 : memref<128xi32, #tpu.memory_space<vmem>>) semaphore(%arg22 : memref<!tpu.dma_semaphore, #tpu.memory_space<semaphore_mem>>) {add = true}
    %dma_wait3A_1526 = arith.constant 1 : i32
    %dma_wait3A_1527 = arith.constant 0 : i32
    %dma_wait3A_1528 = tpu.memref_slice %arg9[%dma_wait3A_1526, %dma_wait3A_1527] : memref<3x128xi32, #tpu.memory_space<vmem>> -> memref<1x128xi32, #tpu.memory_space<vmem>>
    %dma_wait3A_1529 = tpu.memref_squeeze %dma_wait3A_1528 : memref<1x128xi32, #tpu.memory_space<vmem>> -> memref<128xi32, #tpu.memory_space<vmem>>
    %dma_wait3A_1530 = arith.constant 0 : i32
    %dma_wait3A_1531 = arith.constant 0 : i32
    %dma_wait3A_1532 = tpu.memref_slice %arg13[%dma_wait3A_1530, %dma_wait3A_1531] : memref<6144x128xf32, #tpu.memory_space<vmem_shared>> -> memref<6144x128xf32, #tpu.memory_space<vmem_shared>>
    tpu.wait_indirect_dma semaphore(%arg21 : memref<!tpu.dma_semaphore, #tpu.memory_space<semaphore_mem>>) src(%arg11 : memref<128x128xf32, #tpu.memory_space<vmem>>) dst(%dma_wait3A_1532 : memref<6144x128xf32, #tpu.memory_space<vmem_shared>>)
    %add3A_1533 = arith.constant 128 : i32
    %add3A_1534 = arith.addi %mul3A_4, %add3A_1533 : i32
    %add3A_1535 = arith.constant 90112 : i32
    %add3A_1536 = arith.addi %add3A_1535, %mul3A_2 : i32
    %dma_start3A_1537 = arith.constant 0 : i32
    %dma_start3A_1538 = tpu.memref_slice %arg6[%add3A_1536, %dma_start3A_1537] : memref<204800x128xf32, #tpu.memory_space<hbm>> -> memref<128x128xf32, #tpu.memory_space<hbm>>
    %dma_start3A_1539 = arith.constant 0 : i32
    %dma_start3A_1540 = tpu.memref_slice %arg13[%add3A_1534, %dma_start3A_1539] : memref<6144x128xf32, #tpu.memory_space<vmem_shared>> -> memref<128x128xf32, #tpu.memory_space<vmem_shared>>
    tpu.enqueue_dma source(%dma_start3A_1540 : memref<128x128xf32, #tpu.memory_space<vmem_shared>>) target(%dma_start3A_1538 : memref<128x128xf32, #tpu.memory_space<hbm>>) target_semaphore(%arg24 : memref<!tpu.dma_semaphore, #tpu.memory_space<semaphore_mem>>)
    %dma_start3A_1541 = arith.constant 25 : i32
    %dma_start3A_1542 = arith.constant 0 : i32
    %dma_start3A_1543 = tpu.memref_slice %arg7[%dma_start3A_1541, %dma_start3A_1542] : memref<50x128xi32, #tpu.memory_space<vmem>> -> memref<1x128xi32, #tpu.memory_space<vmem>>
    %dma_start3A_1544 = tpu.memref_squeeze %dma_start3A_1543 : memref<1x128xi32, #tpu.memory_space<vmem>> -> memref<128xi32, #tpu.memory_space<vmem>>
    %dma_start3A_1545 = arith.constant 0 : i32
    %dma_start3A_1546 = arith.constant 0 : i32
    %dma_start3A_1547 = tpu.memref_slice %arg4[%dma_start3A_1545, %dma_start3A_1546] : memref<100000x128xf32, #tpu.memory_space<hbm>> -> memref<100000x128xf32, #tpu.memory_space<hbm>>
    tpu.enqueue_indirect_dma source(%dma_start3A_1547 : memref<100000x128xf32, #tpu.memory_space<hbm>>) target(%arg11 : memref<128x128xf32, #tpu.memory_space<vmem>>) offsets(%dma_start3A_1544 : memref<128xi32, #tpu.memory_space<vmem>>) semaphore(%arg15 : memref<!tpu.dma_semaphore, #tpu.memory_space<semaphore_mem>>)
    %dma_wait3A_1548 = arith.constant 0 : i32
    %dma_wait3A_1549 = tpu.memref_slice %arg6[%add3A_1484, %dma_wait3A_1548] : memref<204800x128xf32, #tpu.memory_space<hbm>> -> memref<128x128xf32, #tpu.memory_space<hbm>>
    %dma_wait3A_1550 = arith.constant 0 : i32
    %dma_wait3A_1551 = tpu.memref_slice %arg13[%add3A_1482, %dma_wait3A_1550] : memref<6144x128xf32, #tpu.memory_space<vmem_shared>> -> memref<128x128xf32, #tpu.memory_space<vmem_shared>>
    tpu.wait_dma2 semaphore(%arg23 : memref<!tpu.dma_semaphore, #tpu.memory_space<semaphore_mem>>) src(%dma_wait3A_1551 : memref<128x128xf32, #tpu.memory_space<vmem_shared>>) dst(%dma_wait3A_1549 : memref<128x128xf32, #tpu.memory_space<hbm>>)
    %add3A_1552 = arith.constant 98304 : i32
    %add3A_1553 = arith.addi %add3A_1552, %mul3A_2 : i32
    %add3A_1554 = arith.constant 0 : i32
    %add3A_1555 = arith.addi %mul3A_4, %add3A_1554 : i32
    %dma_start3A_1556 = arith.constant 0 : i32
    %dma_start3A_1557 = tpu.memref_slice %arg13[%add3A_1555, %dma_start3A_1556] : memref<6144x128xf32, #tpu.memory_space<vmem_shared>> -> memref<128x128xf32, #tpu.memory_space<vmem_shared>>
    %dma_start3A_1558 = arith.constant 0 : i32
    %dma_start3A_1559 = tpu.memref_slice %arg2[%add3A_1553, %dma_start3A_1558] : memref<204800x128xf32, #tpu.memory_space<hbm>> -> memref<128x128xf32, #tpu.memory_space<hbm>>
    tpu.enqueue_dma source(%dma_start3A_1559 : memref<128x128xf32, #tpu.memory_space<hbm>>) target(%dma_start3A_1557 : memref<128x128xf32, #tpu.memory_space<vmem_shared>>) target_semaphore(%arg17 : memref<!tpu.dma_semaphore, #tpu.memory_space<semaphore_mem>>)
    %dma_wait3A_1560 = arith.constant 24 : i32
    %dma_wait3A_1561 = arith.constant 0 : i32
    %dma_wait3A_1562 = tpu.memref_slice %arg7[%dma_wait3A_1560, %dma_wait3A_1561] : memref<50x128xi32, #tpu.memory_space<vmem>> -> memref<1x128xi32, #tpu.memory_space<vmem>>
    %dma_wait3A_1563 = tpu.memref_squeeze %dma_wait3A_1562 : memref<1x128xi32, #tpu.memory_space<vmem>> -> memref<128xi32, #tpu.memory_space<vmem>>
    %dma_wait3A_1564 = arith.constant 0 : i32
    %dma_wait3A_1565 = arith.constant 0 : i32
    %dma_wait3A_1566 = tpu.memref_slice %arg4[%dma_wait3A_1564, %dma_wait3A_1565] : memref<100000x128xf32, #tpu.memory_space<hbm>> -> memref<100000x128xf32, #tpu.memory_space<hbm>>
    tpu.wait_indirect_dma semaphore(%arg14 : memref<!tpu.dma_semaphore, #tpu.memory_space<semaphore_mem>>) src(%dma_wait3A_1566 : memref<100000x128xf32, #tpu.memory_space<hbm>>) dst(%arg10 : memref<128x128xf32, #tpu.memory_space<vmem>>)
    %dma_wait3A_1567 = arith.constant 0 : i32
    %dma_wait3A_1568 = tpu.memref_slice %arg13[%add3A_1555, %dma_wait3A_1567] : memref<6144x128xf32, #tpu.memory_space<vmem_shared>> -> memref<128x128xf32, #tpu.memory_space<vmem_shared>>
    %dma_wait3A_1569 = arith.constant 0 : i32
    %dma_wait3A_1570 = tpu.memref_slice %arg2[%add3A_1553, %dma_wait3A_1569] : memref<204800x128xf32, #tpu.memory_space<hbm>> -> memref<128x128xf32, #tpu.memory_space<hbm>>
    tpu.wait_dma2 semaphore(%arg17 : memref<!tpu.dma_semaphore, #tpu.memory_space<semaphore_mem>>) src(%dma_wait3A_1570 : memref<128x128xf32, #tpu.memory_space<hbm>>) dst(%dma_wait3A_1568 : memref<128x128xf32, #tpu.memory_space<vmem_shared>>)
    %dma_start3A_1571 = arith.constant 0 : i32
    %dma_start3A_1572 = arith.constant 0 : i32
    %dma_start3A_1573 = tpu.memref_slice %arg9[%dma_start3A_1571, %dma_start3A_1572] : memref<3x128xi32, #tpu.memory_space<vmem>> -> memref<1x128xi32, #tpu.memory_space<vmem>>
    %dma_start3A_1574 = tpu.memref_squeeze %dma_start3A_1573 : memref<1x128xi32, #tpu.memory_space<vmem>> -> memref<128xi32, #tpu.memory_space<vmem>>
    %dma_start3A_1575 = arith.constant 0 : i32
    %dma_start3A_1576 = arith.constant 0 : i32
    %dma_start3A_1577 = tpu.memref_slice %arg13[%dma_start3A_1575, %dma_start3A_1576] : memref<6144x128xf32, #tpu.memory_space<vmem_shared>> -> memref<6144x128xf32, #tpu.memory_space<vmem_shared>>
    tpu.enqueue_indirect_dma source(%arg10 : memref<128x128xf32, #tpu.memory_space<vmem>>) target(%dma_start3A_1577 : memref<6144x128xf32, #tpu.memory_space<vmem_shared>>) offsets(%dma_start3A_1574 : memref<128xi32, #tpu.memory_space<vmem>>) semaphore(%arg20 : memref<!tpu.dma_semaphore, #tpu.memory_space<semaphore_mem>>) {add = true}
    %dma_wait3A_1578 = arith.constant 2 : i32
    %dma_wait3A_1579 = arith.constant 0 : i32
    %dma_wait3A_1580 = tpu.memref_slice %arg9[%dma_wait3A_1578, %dma_wait3A_1579] : memref<3x128xi32, #tpu.memory_space<vmem>> -> memref<1x128xi32, #tpu.memory_space<vmem>>
    %dma_wait3A_1581 = tpu.memref_squeeze %dma_wait3A_1580 : memref<1x128xi32, #tpu.memory_space<vmem>> -> memref<128xi32, #tpu.memory_space<vmem>>
    %dma_wait3A_1582 = arith.constant 0 : i32
    %dma_wait3A_1583 = arith.constant 0 : i32
    %dma_wait3A_1584 = tpu.memref_slice %arg13[%dma_wait3A_1582, %dma_wait3A_1583] : memref<6144x128xf32, #tpu.memory_space<vmem_shared>> -> memref<6144x128xf32, #tpu.memory_space<vmem_shared>>
    tpu.wait_indirect_dma semaphore(%arg22 : memref<!tpu.dma_semaphore, #tpu.memory_space<semaphore_mem>>) src(%arg12 : memref<128x128xf32, #tpu.memory_space<vmem>>) dst(%dma_wait3A_1584 : memref<6144x128xf32, #tpu.memory_space<vmem_shared>>)
    %add3A_1585 = arith.constant 256 : i32
    %add3A_1586 = arith.addi %mul3A_4, %add3A_1585 : i32
    %add3A_1587 = arith.constant 94208 : i32
    %add3A_1588 = arith.addi %add3A_1587, %mul3A_2 : i32
    %dma_start3A_1589 = arith.constant 0 : i32
    %dma_start3A_1590 = tpu.memref_slice %arg6[%add3A_1588, %dma_start3A_1589] : memref<204800x128xf32, #tpu.memory_space<hbm>> -> memref<128x128xf32, #tpu.memory_space<hbm>>
    %dma_start3A_1591 = arith.constant 0 : i32
    %dma_start3A_1592 = tpu.memref_slice %arg13[%add3A_1586, %dma_start3A_1591] : memref<6144x128xf32, #tpu.memory_space<vmem_shared>> -> memref<128x128xf32, #tpu.memory_space<vmem_shared>>
    tpu.enqueue_dma source(%dma_start3A_1592 : memref<128x128xf32, #tpu.memory_space<vmem_shared>>) target(%dma_start3A_1590 : memref<128x128xf32, #tpu.memory_space<hbm>>) target_semaphore(%arg25 : memref<!tpu.dma_semaphore, #tpu.memory_space<semaphore_mem>>)
    %dma_start3A_1593 = arith.constant 26 : i32
    %dma_start3A_1594 = arith.constant 0 : i32
    %dma_start3A_1595 = tpu.memref_slice %arg7[%dma_start3A_1593, %dma_start3A_1594] : memref<50x128xi32, #tpu.memory_space<vmem>> -> memref<1x128xi32, #tpu.memory_space<vmem>>
    %dma_start3A_1596 = tpu.memref_squeeze %dma_start3A_1595 : memref<1x128xi32, #tpu.memory_space<vmem>> -> memref<128xi32, #tpu.memory_space<vmem>>
    %dma_start3A_1597 = arith.constant 0 : i32
    %dma_start3A_1598 = arith.constant 0 : i32
    %dma_start3A_1599 = tpu.memref_slice %arg4[%dma_start3A_1597, %dma_start3A_1598] : memref<100000x128xf32, #tpu.memory_space<hbm>> -> memref<100000x128xf32, #tpu.memory_space<hbm>>
    tpu.enqueue_indirect_dma source(%dma_start3A_1599 : memref<100000x128xf32, #tpu.memory_space<hbm>>) target(%arg12 : memref<128x128xf32, #tpu.memory_space<vmem>>) offsets(%dma_start3A_1596 : memref<128xi32, #tpu.memory_space<vmem>>) semaphore(%arg16 : memref<!tpu.dma_semaphore, #tpu.memory_space<semaphore_mem>>)
    %dma_wait3A_1600 = arith.constant 0 : i32
    %dma_wait3A_1601 = tpu.memref_slice %arg6[%add3A_1536, %dma_wait3A_1600] : memref<204800x128xf32, #tpu.memory_space<hbm>> -> memref<128x128xf32, #tpu.memory_space<hbm>>
    %dma_wait3A_1602 = arith.constant 0 : i32
    %dma_wait3A_1603 = tpu.memref_slice %arg13[%add3A_1534, %dma_wait3A_1602] : memref<6144x128xf32, #tpu.memory_space<vmem_shared>> -> memref<128x128xf32, #tpu.memory_space<vmem_shared>>
    tpu.wait_dma2 semaphore(%arg24 : memref<!tpu.dma_semaphore, #tpu.memory_space<semaphore_mem>>) src(%dma_wait3A_1603 : memref<128x128xf32, #tpu.memory_space<vmem_shared>>) dst(%dma_wait3A_1601 : memref<128x128xf32, #tpu.memory_space<hbm>>)
    %add3A_1604 = arith.constant 102400 : i32
    %add3A_1605 = arith.addi %add3A_1604, %mul3A_2 : i32
    %add3A_1606 = arith.constant 128 : i32
    %add3A_1607 = arith.addi %mul3A_4, %add3A_1606 : i32
    %dma_start3A_1608 = arith.constant 0 : i32
    %dma_start3A_1609 = tpu.memref_slice %arg13[%add3A_1607, %dma_start3A_1608] : memref<6144x128xf32, #tpu.memory_space<vmem_shared>> -> memref<128x128xf32, #tpu.memory_space<vmem_shared>>
    %dma_start3A_1610 = arith.constant 0 : i32
    %dma_start3A_1611 = tpu.memref_slice %arg2[%add3A_1605, %dma_start3A_1610] : memref<204800x128xf32, #tpu.memory_space<hbm>> -> memref<128x128xf32, #tpu.memory_space<hbm>>
    tpu.enqueue_dma source(%dma_start3A_1611 : memref<128x128xf32, #tpu.memory_space<hbm>>) target(%dma_start3A_1609 : memref<128x128xf32, #tpu.memory_space<vmem_shared>>) target_semaphore(%arg18 : memref<!tpu.dma_semaphore, #tpu.memory_space<semaphore_mem>>)
    %dma_wait3A_1612 = arith.constant 25 : i32
    %dma_wait3A_1613 = arith.constant 0 : i32
    %dma_wait3A_1614 = tpu.memref_slice %arg7[%dma_wait3A_1612, %dma_wait3A_1613] : memref<50x128xi32, #tpu.memory_space<vmem>> -> memref<1x128xi32, #tpu.memory_space<vmem>>
    %dma_wait3A_1615 = tpu.memref_squeeze %dma_wait3A_1614 : memref<1x128xi32, #tpu.memory_space<vmem>> -> memref<128xi32, #tpu.memory_space<vmem>>
    %dma_wait3A_1616 = arith.constant 0 : i32
    %dma_wait3A_1617 = arith.constant 0 : i32
    %dma_wait3A_1618 = tpu.memref_slice %arg4[%dma_wait3A_1616, %dma_wait3A_1617] : memref<100000x128xf32, #tpu.memory_space<hbm>> -> memref<100000x128xf32, #tpu.memory_space<hbm>>
    tpu.wait_indirect_dma semaphore(%arg15 : memref<!tpu.dma_semaphore, #tpu.memory_space<semaphore_mem>>) src(%dma_wait3A_1618 : memref<100000x128xf32, #tpu.memory_space<hbm>>) dst(%arg11 : memref<128x128xf32, #tpu.memory_space<vmem>>)
    %dma_wait3A_1619 = arith.constant 0 : i32
    %dma_wait3A_1620 = tpu.memref_slice %arg13[%add3A_1607, %dma_wait3A_1619] : memref<6144x128xf32, #tpu.memory_space<vmem_shared>> -> memref<128x128xf32, #tpu.memory_space<vmem_shared>>
    %dma_wait3A_1621 = arith.constant 0 : i32
    %dma_wait3A_1622 = tpu.memref_slice %arg2[%add3A_1605, %dma_wait3A_1621] : memref<204800x128xf32, #tpu.memory_space<hbm>> -> memref<128x128xf32, #tpu.memory_space<hbm>>
    tpu.wait_dma2 semaphore(%arg18 : memref<!tpu.dma_semaphore, #tpu.memory_space<semaphore_mem>>) src(%dma_wait3A_1622 : memref<128x128xf32, #tpu.memory_space<hbm>>) dst(%dma_wait3A_1620 : memref<128x128xf32, #tpu.memory_space<vmem_shared>>)
    %dma_start3A_1623 = arith.constant 1 : i32
    %dma_start3A_1624 = arith.constant 0 : i32
    %dma_start3A_1625 = tpu.memref_slice %arg9[%dma_start3A_1623, %dma_start3A_1624] : memref<3x128xi32, #tpu.memory_space<vmem>> -> memref<1x128xi32, #tpu.memory_space<vmem>>
    %dma_start3A_1626 = tpu.memref_squeeze %dma_start3A_1625 : memref<1x128xi32, #tpu.memory_space<vmem>> -> memref<128xi32, #tpu.memory_space<vmem>>
    %dma_start3A_1627 = arith.constant 0 : i32
    %dma_start3A_1628 = arith.constant 0 : i32
    %dma_start3A_1629 = tpu.memref_slice %arg13[%dma_start3A_1627, %dma_start3A_1628] : memref<6144x128xf32, #tpu.memory_space<vmem_shared>> -> memref<6144x128xf32, #tpu.memory_space<vmem_shared>>
    tpu.enqueue_indirect_dma source(%arg11 : memref<128x128xf32, #tpu.memory_space<vmem>>) target(%dma_start3A_1629 : memref<6144x128xf32, #tpu.memory_space<vmem_shared>>) offsets(%dma_start3A_1626 : memref<128xi32, #tpu.memory_space<vmem>>) semaphore(%arg21 : memref<!tpu.dma_semaphore, #tpu.memory_space<semaphore_mem>>) {add = true}
    %dma_wait3A_1630 = arith.constant 0 : i32
    %dma_wait3A_1631 = arith.constant 0 : i32
    %dma_wait3A_1632 = tpu.memref_slice %arg9[%dma_wait3A_1630, %dma_wait3A_1631] : memref<3x128xi32, #tpu.memory_space<vmem>> -> memref<1x128xi32, #tpu.memory_space<vmem>>
    %dma_wait3A_1633 = tpu.memref_squeeze %dma_wait3A_1632 : memref<1x128xi32, #tpu.memory_space<vmem>> -> memref<128xi32, #tpu.memory_space<vmem>>
    %dma_wait3A_1634 = arith.constant 0 : i32
    %dma_wait3A_1635 = arith.constant 0 : i32
    %dma_wait3A_1636 = tpu.memref_slice %arg13[%dma_wait3A_1634, %dma_wait3A_1635] : memref<6144x128xf32, #tpu.memory_space<vmem_shared>> -> memref<6144x128xf32, #tpu.memory_space<vmem_shared>>
    tpu.wait_indirect_dma semaphore(%arg20 : memref<!tpu.dma_semaphore, #tpu.memory_space<semaphore_mem>>) src(%arg10 : memref<128x128xf32, #tpu.memory_space<vmem>>) dst(%dma_wait3A_1636 : memref<6144x128xf32, #tpu.memory_space<vmem_shared>>)
    %add3A_1637 = arith.constant 0 : i32
    %add3A_1638 = arith.addi %mul3A_4, %add3A_1637 : i32
    %add3A_1639 = arith.constant 98304 : i32
    %add3A_1640 = arith.addi %add3A_1639, %mul3A_2 : i32
    %dma_start3A_1641 = arith.constant 0 : i32
    %dma_start3A_1642 = tpu.memref_slice %arg6[%add3A_1640, %dma_start3A_1641] : memref<204800x128xf32, #tpu.memory_space<hbm>> -> memref<128x128xf32, #tpu.memory_space<hbm>>
    %dma_start3A_1643 = arith.constant 0 : i32
    %dma_start3A_1644 = tpu.memref_slice %arg13[%add3A_1638, %dma_start3A_1643] : memref<6144x128xf32, #tpu.memory_space<vmem_shared>> -> memref<128x128xf32, #tpu.memory_space<vmem_shared>>
    tpu.enqueue_dma source(%dma_start3A_1644 : memref<128x128xf32, #tpu.memory_space<vmem_shared>>) target(%dma_start3A_1642 : memref<128x128xf32, #tpu.memory_space<hbm>>) target_semaphore(%arg23 : memref<!tpu.dma_semaphore, #tpu.memory_space<semaphore_mem>>)
    %dma_start3A_1645 = arith.constant 27 : i32
    %dma_start3A_1646 = arith.constant 0 : i32
    %dma_start3A_1647 = tpu.memref_slice %arg7[%dma_start3A_1645, %dma_start3A_1646] : memref<50x128xi32, #tpu.memory_space<vmem>> -> memref<1x128xi32, #tpu.memory_space<vmem>>
    %dma_start3A_1648 = tpu.memref_squeeze %dma_start3A_1647 : memref<1x128xi32, #tpu.memory_space<vmem>> -> memref<128xi32, #tpu.memory_space<vmem>>
    %dma_start3A_1649 = arith.constant 0 : i32
    %dma_start3A_1650 = arith.constant 0 : i32
    %dma_start3A_1651 = tpu.memref_slice %arg4[%dma_start3A_1649, %dma_start3A_1650] : memref<100000x128xf32, #tpu.memory_space<hbm>> -> memref<100000x128xf32, #tpu.memory_space<hbm>>
    tpu.enqueue_indirect_dma source(%dma_start3A_1651 : memref<100000x128xf32, #tpu.memory_space<hbm>>) target(%arg10 : memref<128x128xf32, #tpu.memory_space<vmem>>) offsets(%dma_start3A_1648 : memref<128xi32, #tpu.memory_space<vmem>>) semaphore(%arg14 : memref<!tpu.dma_semaphore, #tpu.memory_space<semaphore_mem>>)
    %dma_wait3A_1652 = arith.constant 0 : i32
    %dma_wait3A_1653 = tpu.memref_slice %arg6[%add3A_1588, %dma_wait3A_1652] : memref<204800x128xf32, #tpu.memory_space<hbm>> -> memref<128x128xf32, #tpu.memory_space<hbm>>
    %dma_wait3A_1654 = arith.constant 0 : i32
    %dma_wait3A_1655 = tpu.memref_slice %arg13[%add3A_1586, %dma_wait3A_1654] : memref<6144x128xf32, #tpu.memory_space<vmem_shared>> -> memref<128x128xf32, #tpu.memory_space<vmem_shared>>
    tpu.wait_dma2 semaphore(%arg25 : memref<!tpu.dma_semaphore, #tpu.memory_space<semaphore_mem>>) src(%dma_wait3A_1655 : memref<128x128xf32, #tpu.memory_space<vmem_shared>>) dst(%dma_wait3A_1653 : memref<128x128xf32, #tpu.memory_space<hbm>>)
    %add3A_1656 = arith.constant 106496 : i32
    %add3A_1657 = arith.addi %add3A_1656, %mul3A_2 : i32
    %add3A_1658 = arith.constant 256 : i32
    %add3A_1659 = arith.addi %mul3A_4, %add3A_1658 : i32
    %dma_start3A_1660 = arith.constant 0 : i32
    %dma_start3A_1661 = tpu.memref_slice %arg13[%add3A_1659, %dma_start3A_1660] : memref<6144x128xf32, #tpu.memory_space<vmem_shared>> -> memref<128x128xf32, #tpu.memory_space<vmem_shared>>
    %dma_start3A_1662 = arith.constant 0 : i32
    %dma_start3A_1663 = tpu.memref_slice %arg2[%add3A_1657, %dma_start3A_1662] : memref<204800x128xf32, #tpu.memory_space<hbm>> -> memref<128x128xf32, #tpu.memory_space<hbm>>
    tpu.enqueue_dma source(%dma_start3A_1663 : memref<128x128xf32, #tpu.memory_space<hbm>>) target(%dma_start3A_1661 : memref<128x128xf32, #tpu.memory_space<vmem_shared>>) target_semaphore(%arg19 : memref<!tpu.dma_semaphore, #tpu.memory_space<semaphore_mem>>)
    %dma_wait3A_1664 = arith.constant 26 : i32
    %dma_wait3A_1665 = arith.constant 0 : i32
    %dma_wait3A_1666 = tpu.memref_slice %arg7[%dma_wait3A_1664, %dma_wait3A_1665] : memref<50x128xi32, #tpu.memory_space<vmem>> -> memref<1x128xi32, #tpu.memory_space<vmem>>
    %dma_wait3A_1667 = tpu.memref_squeeze %dma_wait3A_1666 : memref<1x128xi32, #tpu.memory_space<vmem>> -> memref<128xi32, #tpu.memory_space<vmem>>
    %dma_wait3A_1668 = arith.constant 0 : i32
    %dma_wait3A_1669 = arith.constant 0 : i32
    %dma_wait3A_1670 = tpu.memref_slice %arg4[%dma_wait3A_1668, %dma_wait3A_1669] : memref<100000x128xf32, #tpu.memory_space<hbm>> -> memref<100000x128xf32, #tpu.memory_space<hbm>>
    tpu.wait_indirect_dma semaphore(%arg16 : memref<!tpu.dma_semaphore, #tpu.memory_space<semaphore_mem>>) src(%dma_wait3A_1670 : memref<100000x128xf32, #tpu.memory_space<hbm>>) dst(%arg12 : memref<128x128xf32, #tpu.memory_space<vmem>>)
    %dma_wait3A_1671 = arith.constant 0 : i32
    %dma_wait3A_1672 = tpu.memref_slice %arg13[%add3A_1659, %dma_wait3A_1671] : memref<6144x128xf32, #tpu.memory_space<vmem_shared>> -> memref<128x128xf32, #tpu.memory_space<vmem_shared>>
    %dma_wait3A_1673 = arith.constant 0 : i32
    %dma_wait3A_1674 = tpu.memref_slice %arg2[%add3A_1657, %dma_wait3A_1673] : memref<204800x128xf32, #tpu.memory_space<hbm>> -> memref<128x128xf32, #tpu.memory_space<hbm>>
    tpu.wait_dma2 semaphore(%arg19 : memref<!tpu.dma_semaphore, #tpu.memory_space<semaphore_mem>>) src(%dma_wait3A_1674 : memref<128x128xf32, #tpu.memory_space<hbm>>) dst(%dma_wait3A_1672 : memref<128x128xf32, #tpu.memory_space<vmem_shared>>)
    %dma_start3A_1675 = arith.constant 2 : i32
    %dma_start3A_1676 = arith.constant 0 : i32
    %dma_start3A_1677 = tpu.memref_slice %arg9[%dma_start3A_1675, %dma_start3A_1676] : memref<3x128xi32, #tpu.memory_space<vmem>> -> memref<1x128xi32, #tpu.memory_space<vmem>>
    %dma_start3A_1678 = tpu.memref_squeeze %dma_start3A_1677 : memref<1x128xi32, #tpu.memory_space<vmem>> -> memref<128xi32, #tpu.memory_space<vmem>>
    %dma_start3A_1679 = arith.constant 0 : i32
    %dma_start3A_1680 = arith.constant 0 : i32
    %dma_start3A_1681 = tpu.memref_slice %arg13[%dma_start3A_1679, %dma_start3A_1680] : memref<6144x128xf32, #tpu.memory_space<vmem_shared>> -> memref<6144x128xf32, #tpu.memory_space<vmem_shared>>
    tpu.enqueue_indirect_dma source(%arg12 : memref<128x128xf32, #tpu.memory_space<vmem>>) target(%dma_start3A_1681 : memref<6144x128xf32, #tpu.memory_space<vmem_shared>>) offsets(%dma_start3A_1678 : memref<128xi32, #tpu.memory_space<vmem>>) semaphore(%arg22 : memref<!tpu.dma_semaphore, #tpu.memory_space<semaphore_mem>>) {add = true}
    %dma_wait3A_1682 = arith.constant 1 : i32
    %dma_wait3A_1683 = arith.constant 0 : i32
    %dma_wait3A_1684 = tpu.memref_slice %arg9[%dma_wait3A_1682, %dma_wait3A_1683] : memref<3x128xi32, #tpu.memory_space<vmem>> -> memref<1x128xi32, #tpu.memory_space<vmem>>
    %dma_wait3A_1685 = tpu.memref_squeeze %dma_wait3A_1684 : memref<1x128xi32, #tpu.memory_space<vmem>> -> memref<128xi32, #tpu.memory_space<vmem>>
    %dma_wait3A_1686 = arith.constant 0 : i32
    %dma_wait3A_1687 = arith.constant 0 : i32
    %dma_wait3A_1688 = tpu.memref_slice %arg13[%dma_wait3A_1686, %dma_wait3A_1687] : memref<6144x128xf32, #tpu.memory_space<vmem_shared>> -> memref<6144x128xf32, #tpu.memory_space<vmem_shared>>
    tpu.wait_indirect_dma semaphore(%arg21 : memref<!tpu.dma_semaphore, #tpu.memory_space<semaphore_mem>>) src(%arg11 : memref<128x128xf32, #tpu.memory_space<vmem>>) dst(%dma_wait3A_1688 : memref<6144x128xf32, #tpu.memory_space<vmem_shared>>)
    %add3A_1689 = arith.constant 128 : i32
    %add3A_1690 = arith.addi %mul3A_4, %add3A_1689 : i32
    %add3A_1691 = arith.constant 102400 : i32
    %add3A_1692 = arith.addi %add3A_1691, %mul3A_2 : i32
    %dma_start3A_1693 = arith.constant 0 : i32
    %dma_start3A_1694 = tpu.memref_slice %arg6[%add3A_1692, %dma_start3A_1693] : memref<204800x128xf32, #tpu.memory_space<hbm>> -> memref<128x128xf32, #tpu.memory_space<hbm>>
    %dma_start3A_1695 = arith.constant 0 : i32
    %dma_start3A_1696 = tpu.memref_slice %arg13[%add3A_1690, %dma_start3A_1695] : memref<6144x128xf32, #tpu.memory_space<vmem_shared>> -> memref<128x128xf32, #tpu.memory_space<vmem_shared>>
    tpu.enqueue_dma source(%dma_start3A_1696 : memref<128x128xf32, #tpu.memory_space<vmem_shared>>) target(%dma_start3A_1694 : memref<128x128xf32, #tpu.memory_space<hbm>>) target_semaphore(%arg24 : memref<!tpu.dma_semaphore, #tpu.memory_space<semaphore_mem>>)
    %dma_start3A_1697 = arith.constant 28 : i32
    %dma_start3A_1698 = arith.constant 0 : i32
    %dma_start3A_1699 = tpu.memref_slice %arg7[%dma_start3A_1697, %dma_start3A_1698] : memref<50x128xi32, #tpu.memory_space<vmem>> -> memref<1x128xi32, #tpu.memory_space<vmem>>
    %dma_start3A_1700 = tpu.memref_squeeze %dma_start3A_1699 : memref<1x128xi32, #tpu.memory_space<vmem>> -> memref<128xi32, #tpu.memory_space<vmem>>
    %dma_start3A_1701 = arith.constant 0 : i32
    %dma_start3A_1702 = arith.constant 0 : i32
    %dma_start3A_1703 = tpu.memref_slice %arg4[%dma_start3A_1701, %dma_start3A_1702] : memref<100000x128xf32, #tpu.memory_space<hbm>> -> memref<100000x128xf32, #tpu.memory_space<hbm>>
    tpu.enqueue_indirect_dma source(%dma_start3A_1703 : memref<100000x128xf32, #tpu.memory_space<hbm>>) target(%arg11 : memref<128x128xf32, #tpu.memory_space<vmem>>) offsets(%dma_start3A_1700 : memref<128xi32, #tpu.memory_space<vmem>>) semaphore(%arg15 : memref<!tpu.dma_semaphore, #tpu.memory_space<semaphore_mem>>)
    %dma_wait3A_1704 = arith.constant 0 : i32
    %dma_wait3A_1705 = tpu.memref_slice %arg6[%add3A_1640, %dma_wait3A_1704] : memref<204800x128xf32, #tpu.memory_space<hbm>> -> memref<128x128xf32, #tpu.memory_space<hbm>>
    %dma_wait3A_1706 = arith.constant 0 : i32
    %dma_wait3A_1707 = tpu.memref_slice %arg13[%add3A_1638, %dma_wait3A_1706] : memref<6144x128xf32, #tpu.memory_space<vmem_shared>> -> memref<128x128xf32, #tpu.memory_space<vmem_shared>>
    tpu.wait_dma2 semaphore(%arg23 : memref<!tpu.dma_semaphore, #tpu.memory_space<semaphore_mem>>) src(%dma_wait3A_1707 : memref<128x128xf32, #tpu.memory_space<vmem_shared>>) dst(%dma_wait3A_1705 : memref<128x128xf32, #tpu.memory_space<hbm>>)
    %add3A_1708 = arith.constant 110592 : i32
    %add3A_1709 = arith.addi %add3A_1708, %mul3A_2 : i32
    %add3A_1710 = arith.constant 0 : i32
    %add3A_1711 = arith.addi %mul3A_4, %add3A_1710 : i32
    %dma_start3A_1712 = arith.constant 0 : i32
    %dma_start3A_1713 = tpu.memref_slice %arg13[%add3A_1711, %dma_start3A_1712] : memref<6144x128xf32, #tpu.memory_space<vmem_shared>> -> memref<128x128xf32, #tpu.memory_space<vmem_shared>>
    %dma_start3A_1714 = arith.constant 0 : i32
    %dma_start3A_1715 = tpu.memref_slice %arg2[%add3A_1709, %dma_start3A_1714] : memref<204800x128xf32, #tpu.memory_space<hbm>> -> memref<128x128xf32, #tpu.memory_space<hbm>>
    tpu.enqueue_dma source(%dma_start3A_1715 : memref<128x128xf32, #tpu.memory_space<hbm>>) target(%dma_start3A_1713 : memref<128x128xf32, #tpu.memory_space<vmem_shared>>) target_semaphore(%arg17 : memref<!tpu.dma_semaphore, #tpu.memory_space<semaphore_mem>>)
    %dma_wait3A_1716 = arith.constant 27 : i32
    %dma_wait3A_1717 = arith.constant 0 : i32
    %dma_wait3A_1718 = tpu.memref_slice %arg7[%dma_wait3A_1716, %dma_wait3A_1717] : memref<50x128xi32, #tpu.memory_space<vmem>> -> memref<1x128xi32, #tpu.memory_space<vmem>>
    %dma_wait3A_1719 = tpu.memref_squeeze %dma_wait3A_1718 : memref<1x128xi32, #tpu.memory_space<vmem>> -> memref<128xi32, #tpu.memory_space<vmem>>
    %dma_wait3A_1720 = arith.constant 0 : i32
    %dma_wait3A_1721 = arith.constant 0 : i32
    %dma_wait3A_1722 = tpu.memref_slice %arg4[%dma_wait3A_1720, %dma_wait3A_1721] : memref<100000x128xf32, #tpu.memory_space<hbm>> -> memref<100000x128xf32, #tpu.memory_space<hbm>>
    tpu.wait_indirect_dma semaphore(%arg14 : memref<!tpu.dma_semaphore, #tpu.memory_space<semaphore_mem>>) src(%dma_wait3A_1722 : memref<100000x128xf32, #tpu.memory_space<hbm>>) dst(%arg10 : memref<128x128xf32, #tpu.memory_space<vmem>>)
    %dma_wait3A_1723 = arith.constant 0 : i32
    %dma_wait3A_1724 = tpu.memref_slice %arg13[%add3A_1711, %dma_wait3A_1723] : memref<6144x128xf32, #tpu.memory_space<vmem_shared>> -> memref<128x128xf32, #tpu.memory_space<vmem_shared>>
    %dma_wait3A_1725 = arith.constant 0 : i32
    %dma_wait3A_1726 = tpu.memref_slice %arg2[%add3A_1709, %dma_wait3A_1725] : memref<204800x128xf32, #tpu.memory_space<hbm>> -> memref<128x128xf32, #tpu.memory_space<hbm>>
    tpu.wait_dma2 semaphore(%arg17 : memref<!tpu.dma_semaphore, #tpu.memory_space<semaphore_mem>>) src(%dma_wait3A_1726 : memref<128x128xf32, #tpu.memory_space<hbm>>) dst(%dma_wait3A_1724 : memref<128x128xf32, #tpu.memory_space<vmem_shared>>)
    %dma_start3A_1727 = arith.constant 0 : i32
    %dma_start3A_1728 = arith.constant 0 : i32
    %dma_start3A_1729 = tpu.memref_slice %arg9[%dma_start3A_1727, %dma_start3A_1728] : memref<3x128xi32, #tpu.memory_space<vmem>> -> memref<1x128xi32, #tpu.memory_space<vmem>>
    %dma_start3A_1730 = tpu.memref_squeeze %dma_start3A_1729 : memref<1x128xi32, #tpu.memory_space<vmem>> -> memref<128xi32, #tpu.memory_space<vmem>>
    %dma_start3A_1731 = arith.constant 0 : i32
    %dma_start3A_1732 = arith.constant 0 : i32
    %dma_start3A_1733 = tpu.memref_slice %arg13[%dma_start3A_1731, %dma_start3A_1732] : memref<6144x128xf32, #tpu.memory_space<vmem_shared>> -> memref<6144x128xf32, #tpu.memory_space<vmem_shared>>
    tpu.enqueue_indirect_dma source(%arg10 : memref<128x128xf32, #tpu.memory_space<vmem>>) target(%dma_start3A_1733 : memref<6144x128xf32, #tpu.memory_space<vmem_shared>>) offsets(%dma_start3A_1730 : memref<128xi32, #tpu.memory_space<vmem>>) semaphore(%arg20 : memref<!tpu.dma_semaphore, #tpu.memory_space<semaphore_mem>>) {add = true}
    %dma_wait3A_1734 = arith.constant 2 : i32
    %dma_wait3A_1735 = arith.constant 0 : i32
    %dma_wait3A_1736 = tpu.memref_slice %arg9[%dma_wait3A_1734, %dma_wait3A_1735] : memref<3x128xi32, #tpu.memory_space<vmem>> -> memref<1x128xi32, #tpu.memory_space<vmem>>
    %dma_wait3A_1737 = tpu.memref_squeeze %dma_wait3A_1736 : memref<1x128xi32, #tpu.memory_space<vmem>> -> memref<128xi32, #tpu.memory_space<vmem>>
    %dma_wait3A_1738 = arith.constant 0 : i32
    %dma_wait3A_1739 = arith.constant 0 : i32
    %dma_wait3A_1740 = tpu.memref_slice %arg13[%dma_wait3A_1738, %dma_wait3A_1739] : memref<6144x128xf32, #tpu.memory_space<vmem_shared>> -> memref<6144x128xf32, #tpu.memory_space<vmem_shared>>
    tpu.wait_indirect_dma semaphore(%arg22 : memref<!tpu.dma_semaphore, #tpu.memory_space<semaphore_mem>>) src(%arg12 : memref<128x128xf32, #tpu.memory_space<vmem>>) dst(%dma_wait3A_1740 : memref<6144x128xf32, #tpu.memory_space<vmem_shared>>)
    %add3A_1741 = arith.constant 256 : i32
    %add3A_1742 = arith.addi %mul3A_4, %add3A_1741 : i32
    %add3A_1743 = arith.constant 106496 : i32
    %add3A_1744 = arith.addi %add3A_1743, %mul3A_2 : i32
    %dma_start3A_1745 = arith.constant 0 : i32
    %dma_start3A_1746 = tpu.memref_slice %arg6[%add3A_1744, %dma_start3A_1745] : memref<204800x128xf32, #tpu.memory_space<hbm>> -> memref<128x128xf32, #tpu.memory_space<hbm>>
    %dma_start3A_1747 = arith.constant 0 : i32
    %dma_start3A_1748 = tpu.memref_slice %arg13[%add3A_1742, %dma_start3A_1747] : memref<6144x128xf32, #tpu.memory_space<vmem_shared>> -> memref<128x128xf32, #tpu.memory_space<vmem_shared>>
    tpu.enqueue_dma source(%dma_start3A_1748 : memref<128x128xf32, #tpu.memory_space<vmem_shared>>) target(%dma_start3A_1746 : memref<128x128xf32, #tpu.memory_space<hbm>>) target_semaphore(%arg25 : memref<!tpu.dma_semaphore, #tpu.memory_space<semaphore_mem>>)
    %dma_start3A_1749 = arith.constant 29 : i32
    %dma_start3A_1750 = arith.constant 0 : i32
    %dma_start3A_1751 = tpu.memref_slice %arg7[%dma_start3A_1749, %dma_start3A_1750] : memref<50x128xi32, #tpu.memory_space<vmem>> -> memref<1x128xi32, #tpu.memory_space<vmem>>
    %dma_start3A_1752 = tpu.memref_squeeze %dma_start3A_1751 : memref<1x128xi32, #tpu.memory_space<vmem>> -> memref<128xi32, #tpu.memory_space<vmem>>
    %dma_start3A_1753 = arith.constant 0 : i32
    %dma_start3A_1754 = arith.constant 0 : i32
    %dma_start3A_1755 = tpu.memref_slice %arg4[%dma_start3A_1753, %dma_start3A_1754] : memref<100000x128xf32, #tpu.memory_space<hbm>> -> memref<100000x128xf32, #tpu.memory_space<hbm>>
    tpu.enqueue_indirect_dma source(%dma_start3A_1755 : memref<100000x128xf32, #tpu.memory_space<hbm>>) target(%arg12 : memref<128x128xf32, #tpu.memory_space<vmem>>) offsets(%dma_start3A_1752 : memref<128xi32, #tpu.memory_space<vmem>>) semaphore(%arg16 : memref<!tpu.dma_semaphore, #tpu.memory_space<semaphore_mem>>)
    %dma_wait3A_1756 = arith.constant 0 : i32
    %dma_wait3A_1757 = tpu.memref_slice %arg6[%add3A_1692, %dma_wait3A_1756] : memref<204800x128xf32, #tpu.memory_space<hbm>> -> memref<128x128xf32, #tpu.memory_space<hbm>>
    %dma_wait3A_1758 = arith.constant 0 : i32
    %dma_wait3A_1759 = tpu.memref_slice %arg13[%add3A_1690, %dma_wait3A_1758] : memref<6144x128xf32, #tpu.memory_space<vmem_shared>> -> memref<128x128xf32, #tpu.memory_space<vmem_shared>>
    tpu.wait_dma2 semaphore(%arg24 : memref<!tpu.dma_semaphore, #tpu.memory_space<semaphore_mem>>) src(%dma_wait3A_1759 : memref<128x128xf32, #tpu.memory_space<vmem_shared>>) dst(%dma_wait3A_1757 : memref<128x128xf32, #tpu.memory_space<hbm>>)
    %add3A_1760 = arith.constant 114688 : i32
    %add3A_1761 = arith.addi %add3A_1760, %mul3A_2 : i32
    %add3A_1762 = arith.constant 128 : i32
    %add3A_1763 = arith.addi %mul3A_4, %add3A_1762 : i32
    %dma_start3A_1764 = arith.constant 0 : i32
    %dma_start3A_1765 = tpu.memref_slice %arg13[%add3A_1763, %dma_start3A_1764] : memref<6144x128xf32, #tpu.memory_space<vmem_shared>> -> memref<128x128xf32, #tpu.memory_space<vmem_shared>>
    %dma_start3A_1766 = arith.constant 0 : i32
    %dma_start3A_1767 = tpu.memref_slice %arg2[%add3A_1761, %dma_start3A_1766] : memref<204800x128xf32, #tpu.memory_space<hbm>> -> memref<128x128xf32, #tpu.memory_space<hbm>>
    tpu.enqueue_dma source(%dma_start3A_1767 : memref<128x128xf32, #tpu.memory_space<hbm>>) target(%dma_start3A_1765 : memref<128x128xf32, #tpu.memory_space<vmem_shared>>) target_semaphore(%arg18 : memref<!tpu.dma_semaphore, #tpu.memory_space<semaphore_mem>>)
    %dma_wait3A_1768 = arith.constant 28 : i32
    %dma_wait3A_1769 = arith.constant 0 : i32
    %dma_wait3A_1770 = tpu.memref_slice %arg7[%dma_wait3A_1768, %dma_wait3A_1769] : memref<50x128xi32, #tpu.memory_space<vmem>> -> memref<1x128xi32, #tpu.memory_space<vmem>>
    %dma_wait3A_1771 = tpu.memref_squeeze %dma_wait3A_1770 : memref<1x128xi32, #tpu.memory_space<vmem>> -> memref<128xi32, #tpu.memory_space<vmem>>
    %dma_wait3A_1772 = arith.constant 0 : i32
    %dma_wait3A_1773 = arith.constant 0 : i32
    %dma_wait3A_1774 = tpu.memref_slice %arg4[%dma_wait3A_1772, %dma_wait3A_1773] : memref<100000x128xf32, #tpu.memory_space<hbm>> -> memref<100000x128xf32, #tpu.memory_space<hbm>>
    tpu.wait_indirect_dma semaphore(%arg15 : memref<!tpu.dma_semaphore, #tpu.memory_space<semaphore_mem>>) src(%dma_wait3A_1774 : memref<100000x128xf32, #tpu.memory_space<hbm>>) dst(%arg11 : memref<128x128xf32, #tpu.memory_space<vmem>>)
    %dma_wait3A_1775 = arith.constant 0 : i32
    %dma_wait3A_1776 = tpu.memref_slice %arg13[%add3A_1763, %dma_wait3A_1775] : memref<6144x128xf32, #tpu.memory_space<vmem_shared>> -> memref<128x128xf32, #tpu.memory_space<vmem_shared>>
    %dma_wait3A_1777 = arith.constant 0 : i32
    %dma_wait3A_1778 = tpu.memref_slice %arg2[%add3A_1761, %dma_wait3A_1777] : memref<204800x128xf32, #tpu.memory_space<hbm>> -> memref<128x128xf32, #tpu.memory_space<hbm>>
    tpu.wait_dma2 semaphore(%arg18 : memref<!tpu.dma_semaphore, #tpu.memory_space<semaphore_mem>>) src(%dma_wait3A_1778 : memref<128x128xf32, #tpu.memory_space<hbm>>) dst(%dma_wait3A_1776 : memref<128x128xf32, #tpu.memory_space<vmem_shared>>)
    %dma_start3A_1779 = arith.constant 1 : i32
    %dma_start3A_1780 = arith.constant 0 : i32
    %dma_start3A_1781 = tpu.memref_slice %arg9[%dma_start3A_1779, %dma_start3A_1780] : memref<3x128xi32, #tpu.memory_space<vmem>> -> memref<1x128xi32, #tpu.memory_space<vmem>>
    %dma_start3A_1782 = tpu.memref_squeeze %dma_start3A_1781 : memref<1x128xi32, #tpu.memory_space<vmem>> -> memref<128xi32, #tpu.memory_space<vmem>>
    %dma_start3A_1783 = arith.constant 0 : i32
    %dma_start3A_1784 = arith.constant 0 : i32
    %dma_start3A_1785 = tpu.memref_slice %arg13[%dma_start3A_1783, %dma_start3A_1784] : memref<6144x128xf32, #tpu.memory_space<vmem_shared>> -> memref<6144x128xf32, #tpu.memory_space<vmem_shared>>
    tpu.enqueue_indirect_dma source(%arg11 : memref<128x128xf32, #tpu.memory_space<vmem>>) target(%dma_start3A_1785 : memref<6144x128xf32, #tpu.memory_space<vmem_shared>>) offsets(%dma_start3A_1782 : memref<128xi32, #tpu.memory_space<vmem>>) semaphore(%arg21 : memref<!tpu.dma_semaphore, #tpu.memory_space<semaphore_mem>>) {add = true}
    %dma_wait3A_1786 = arith.constant 0 : i32
    %dma_wait3A_1787 = arith.constant 0 : i32
    %dma_wait3A_1788 = tpu.memref_slice %arg9[%dma_wait3A_1786, %dma_wait3A_1787] : memref<3x128xi32, #tpu.memory_space<vmem>> -> memref<1x128xi32, #tpu.memory_space<vmem>>
    %dma_wait3A_1789 = tpu.memref_squeeze %dma_wait3A_1788 : memref<1x128xi32, #tpu.memory_space<vmem>> -> memref<128xi32, #tpu.memory_space<vmem>>
    %dma_wait3A_1790 = arith.constant 0 : i32
    %dma_wait3A_1791 = arith.constant 0 : i32
    %dma_wait3A_1792 = tpu.memref_slice %arg13[%dma_wait3A_1790, %dma_wait3A_1791] : memref<6144x128xf32, #tpu.memory_space<vmem_shared>> -> memref<6144x128xf32, #tpu.memory_space<vmem_shared>>
    tpu.wait_indirect_dma semaphore(%arg20 : memref<!tpu.dma_semaphore, #tpu.memory_space<semaphore_mem>>) src(%arg10 : memref<128x128xf32, #tpu.memory_space<vmem>>) dst(%dma_wait3A_1792 : memref<6144x128xf32, #tpu.memory_space<vmem_shared>>)
    %add3A_1793 = arith.constant 0 : i32
    %add3A_1794 = arith.addi %mul3A_4, %add3A_1793 : i32
    %add3A_1795 = arith.constant 110592 : i32
    %add3A_1796 = arith.addi %add3A_1795, %mul3A_2 : i32
    %dma_start3A_1797 = arith.constant 0 : i32
    %dma_start3A_1798 = tpu.memref_slice %arg6[%add3A_1796, %dma_start3A_1797] : memref<204800x128xf32, #tpu.memory_space<hbm>> -> memref<128x128xf32, #tpu.memory_space<hbm>>
    %dma_start3A_1799 = arith.constant 0 : i32
    %dma_start3A_1800 = tpu.memref_slice %arg13[%add3A_1794, %dma_start3A_1799] : memref<6144x128xf32, #tpu.memory_space<vmem_shared>> -> memref<128x128xf32, #tpu.memory_space<vmem_shared>>
    tpu.enqueue_dma source(%dma_start3A_1800 : memref<128x128xf32, #tpu.memory_space<vmem_shared>>) target(%dma_start3A_1798 : memref<128x128xf32, #tpu.memory_space<hbm>>) target_semaphore(%arg23 : memref<!tpu.dma_semaphore, #tpu.memory_space<semaphore_mem>>)
    %dma_start3A_1801 = arith.constant 30 : i32
    %dma_start3A_1802 = arith.constant 0 : i32
    %dma_start3A_1803 = tpu.memref_slice %arg7[%dma_start3A_1801, %dma_start3A_1802] : memref<50x128xi32, #tpu.memory_space<vmem>> -> memref<1x128xi32, #tpu.memory_space<vmem>>
    %dma_start3A_1804 = tpu.memref_squeeze %dma_start3A_1803 : memref<1x128xi32, #tpu.memory_space<vmem>> -> memref<128xi32, #tpu.memory_space<vmem>>
    %dma_start3A_1805 = arith.constant 0 : i32
    %dma_start3A_1806 = arith.constant 0 : i32
    %dma_start3A_1807 = tpu.memref_slice %arg4[%dma_start3A_1805, %dma_start3A_1806] : memref<100000x128xf32, #tpu.memory_space<hbm>> -> memref<100000x128xf32, #tpu.memory_space<hbm>>
    tpu.enqueue_indirect_dma source(%dma_start3A_1807 : memref<100000x128xf32, #tpu.memory_space<hbm>>) target(%arg10 : memref<128x128xf32, #tpu.memory_space<vmem>>) offsets(%dma_start3A_1804 : memref<128xi32, #tpu.memory_space<vmem>>) semaphore(%arg14 : memref<!tpu.dma_semaphore, #tpu.memory_space<semaphore_mem>>)
    %dma_wait3A_1808 = arith.constant 0 : i32
    %dma_wait3A_1809 = tpu.memref_slice %arg6[%add3A_1744, %dma_wait3A_1808] : memref<204800x128xf32, #tpu.memory_space<hbm>> -> memref<128x128xf32, #tpu.memory_space<hbm>>
    %dma_wait3A_1810 = arith.constant 0 : i32
    %dma_wait3A_1811 = tpu.memref_slice %arg13[%add3A_1742, %dma_wait3A_1810] : memref<6144x128xf32, #tpu.memory_space<vmem_shared>> -> memref<128x128xf32, #tpu.memory_space<vmem_shared>>
    tpu.wait_dma2 semaphore(%arg25 : memref<!tpu.dma_semaphore, #tpu.memory_space<semaphore_mem>>) src(%dma_wait3A_1811 : memref<128x128xf32, #tpu.memory_space<vmem_shared>>) dst(%dma_wait3A_1809 : memref<128x128xf32, #tpu.memory_space<hbm>>)
    %add3A_1812 = arith.constant 118784 : i32
    %add3A_1813 = arith.addi %add3A_1812, %mul3A_2 : i32
    %add3A_1814 = arith.constant 256 : i32
    %add3A_1815 = arith.addi %mul3A_4, %add3A_1814 : i32
    %dma_start3A_1816 = arith.constant 0 : i32
    %dma_start3A_1817 = tpu.memref_slice %arg13[%add3A_1815, %dma_start3A_1816] : memref<6144x128xf32, #tpu.memory_space<vmem_shared>> -> memref<128x128xf32, #tpu.memory_space<vmem_shared>>
    %dma_start3A_1818 = arith.constant 0 : i32
    %dma_start3A_1819 = tpu.memref_slice %arg2[%add3A_1813, %dma_start3A_1818] : memref<204800x128xf32, #tpu.memory_space<hbm>> -> memref<128x128xf32, #tpu.memory_space<hbm>>
    tpu.enqueue_dma source(%dma_start3A_1819 : memref<128x128xf32, #tpu.memory_space<hbm>>) target(%dma_start3A_1817 : memref<128x128xf32, #tpu.memory_space<vmem_shared>>) target_semaphore(%arg19 : memref<!tpu.dma_semaphore, #tpu.memory_space<semaphore_mem>>)
    %dma_wait3A_1820 = arith.constant 29 : i32
    %dma_wait3A_1821 = arith.constant 0 : i32
    %dma_wait3A_1822 = tpu.memref_slice %arg7[%dma_wait3A_1820, %dma_wait3A_1821] : memref<50x128xi32, #tpu.memory_space<vmem>> -> memref<1x128xi32, #tpu.memory_space<vmem>>
    %dma_wait3A_1823 = tpu.memref_squeeze %dma_wait3A_1822 : memref<1x128xi32, #tpu.memory_space<vmem>> -> memref<128xi32, #tpu.memory_space<vmem>>
    %dma_wait3A_1824 = arith.constant 0 : i32
    %dma_wait3A_1825 = arith.constant 0 : i32
    %dma_wait3A_1826 = tpu.memref_slice %arg4[%dma_wait3A_1824, %dma_wait3A_1825] : memref<100000x128xf32, #tpu.memory_space<hbm>> -> memref<100000x128xf32, #tpu.memory_space<hbm>>
    tpu.wait_indirect_dma semaphore(%arg16 : memref<!tpu.dma_semaphore, #tpu.memory_space<semaphore_mem>>) src(%dma_wait3A_1826 : memref<100000x128xf32, #tpu.memory_space<hbm>>) dst(%arg12 : memref<128x128xf32, #tpu.memory_space<vmem>>)
    %dma_wait3A_1827 = arith.constant 0 : i32
    %dma_wait3A_1828 = tpu.memref_slice %arg13[%add3A_1815, %dma_wait3A_1827] : memref<6144x128xf32, #tpu.memory_space<vmem_shared>> -> memref<128x128xf32, #tpu.memory_space<vmem_shared>>
    %dma_wait3A_1829 = arith.constant 0 : i32
    %dma_wait3A_1830 = tpu.memref_slice %arg2[%add3A_1813, %dma_wait3A_1829] : memref<204800x128xf32, #tpu.memory_space<hbm>> -> memref<128x128xf32, #tpu.memory_space<hbm>>
    tpu.wait_dma2 semaphore(%arg19 : memref<!tpu.dma_semaphore, #tpu.memory_space<semaphore_mem>>) src(%dma_wait3A_1830 : memref<128x128xf32, #tpu.memory_space<hbm>>) dst(%dma_wait3A_1828 : memref<128x128xf32, #tpu.memory_space<vmem_shared>>)
    %dma_start3A_1831 = arith.constant 2 : i32
    %dma_start3A_1832 = arith.constant 0 : i32
    %dma_start3A_1833 = tpu.memref_slice %arg9[%dma_start3A_1831, %dma_start3A_1832] : memref<3x128xi32, #tpu.memory_space<vmem>> -> memref<1x128xi32, #tpu.memory_space<vmem>>
    %dma_start3A_1834 = tpu.memref_squeeze %dma_start3A_1833 : memref<1x128xi32, #tpu.memory_space<vmem>> -> memref<128xi32, #tpu.memory_space<vmem>>
    %dma_start3A_1835 = arith.constant 0 : i32
    %dma_start3A_1836 = arith.constant 0 : i32
    %dma_start3A_1837 = tpu.memref_slice %arg13[%dma_start3A_1835, %dma_start3A_1836] : memref<6144x128xf32, #tpu.memory_space<vmem_shared>> -> memref<6144x128xf32, #tpu.memory_space<vmem_shared>>
    tpu.enqueue_indirect_dma source(%arg12 : memref<128x128xf32, #tpu.memory_space<vmem>>) target(%dma_start3A_1837 : memref<6144x128xf32, #tpu.memory_space<vmem_shared>>) offsets(%dma_start3A_1834 : memref<128xi32, #tpu.memory_space<vmem>>) semaphore(%arg22 : memref<!tpu.dma_semaphore, #tpu.memory_space<semaphore_mem>>) {add = true}
    %dma_wait3A_1838 = arith.constant 1 : i32
    %dma_wait3A_1839 = arith.constant 0 : i32
    %dma_wait3A_1840 = tpu.memref_slice %arg9[%dma_wait3A_1838, %dma_wait3A_1839] : memref<3x128xi32, #tpu.memory_space<vmem>> -> memref<1x128xi32, #tpu.memory_space<vmem>>
    %dma_wait3A_1841 = tpu.memref_squeeze %dma_wait3A_1840 : memref<1x128xi32, #tpu.memory_space<vmem>> -> memref<128xi32, #tpu.memory_space<vmem>>
    %dma_wait3A_1842 = arith.constant 0 : i32
    %dma_wait3A_1843 = arith.constant 0 : i32
    %dma_wait3A_1844 = tpu.memref_slice %arg13[%dma_wait3A_1842, %dma_wait3A_1843] : memref<6144x128xf32, #tpu.memory_space<vmem_shared>> -> memref<6144x128xf32, #tpu.memory_space<vmem_shared>>
    tpu.wait_indirect_dma semaphore(%arg21 : memref<!tpu.dma_semaphore, #tpu.memory_space<semaphore_mem>>) src(%arg11 : memref<128x128xf32, #tpu.memory_space<vmem>>) dst(%dma_wait3A_1844 : memref<6144x128xf32, #tpu.memory_space<vmem_shared>>)
    %add3A_1845 = arith.constant 128 : i32
    %add3A_1846 = arith.addi %mul3A_4, %add3A_1845 : i32
    %add3A_1847 = arith.constant 114688 : i32
    %add3A_1848 = arith.addi %add3A_1847, %mul3A_2 : i32
    %dma_start3A_1849 = arith.constant 0 : i32
    %dma_start3A_1850 = tpu.memref_slice %arg6[%add3A_1848, %dma_start3A_1849] : memref<204800x128xf32, #tpu.memory_space<hbm>> -> memref<128x128xf32, #tpu.memory_space<hbm>>
    %dma_start3A_1851 = arith.constant 0 : i32
    %dma_start3A_1852 = tpu.memref_slice %arg13[%add3A_1846, %dma_start3A_1851] : memref<6144x128xf32, #tpu.memory_space<vmem_shared>> -> memref<128x128xf32, #tpu.memory_space<vmem_shared>>
    tpu.enqueue_dma source(%dma_start3A_1852 : memref<128x128xf32, #tpu.memory_space<vmem_shared>>) target(%dma_start3A_1850 : memref<128x128xf32, #tpu.memory_space<hbm>>) target_semaphore(%arg24 : memref<!tpu.dma_semaphore, #tpu.memory_space<semaphore_mem>>)
    %dma_start3A_1853 = arith.constant 31 : i32
    %dma_start3A_1854 = arith.constant 0 : i32
    %dma_start3A_1855 = tpu.memref_slice %arg7[%dma_start3A_1853, %dma_start3A_1854] : memref<50x128xi32, #tpu.memory_space<vmem>> -> memref<1x128xi32, #tpu.memory_space<vmem>>
    %dma_start3A_1856 = tpu.memref_squeeze %dma_start3A_1855 : memref<1x128xi32, #tpu.memory_space<vmem>> -> memref<128xi32, #tpu.memory_space<vmem>>
    %dma_start3A_1857 = arith.constant 0 : i32
    %dma_start3A_1858 = arith.constant 0 : i32
    %dma_start3A_1859 = tpu.memref_slice %arg4[%dma_start3A_1857, %dma_start3A_1858] : memref<100000x128xf32, #tpu.memory_space<hbm>> -> memref<100000x128xf32, #tpu.memory_space<hbm>>
    tpu.enqueue_indirect_dma source(%dma_start3A_1859 : memref<100000x128xf32, #tpu.memory_space<hbm>>) target(%arg11 : memref<128x128xf32, #tpu.memory_space<vmem>>) offsets(%dma_start3A_1856 : memref<128xi32, #tpu.memory_space<vmem>>) semaphore(%arg15 : memref<!tpu.dma_semaphore, #tpu.memory_space<semaphore_mem>>)
    %dma_wait3A_1860 = arith.constant 0 : i32
    %dma_wait3A_1861 = tpu.memref_slice %arg6[%add3A_1796, %dma_wait3A_1860] : memref<204800x128xf32, #tpu.memory_space<hbm>> -> memref<128x128xf32, #tpu.memory_space<hbm>>
    %dma_wait3A_1862 = arith.constant 0 : i32
    %dma_wait3A_1863 = tpu.memref_slice %arg13[%add3A_1794, %dma_wait3A_1862] : memref<6144x128xf32, #tpu.memory_space<vmem_shared>> -> memref<128x128xf32, #tpu.memory_space<vmem_shared>>
    tpu.wait_dma2 semaphore(%arg23 : memref<!tpu.dma_semaphore, #tpu.memory_space<semaphore_mem>>) src(%dma_wait3A_1863 : memref<128x128xf32, #tpu.memory_space<vmem_shared>>) dst(%dma_wait3A_1861 : memref<128x128xf32, #tpu.memory_space<hbm>>)
    %add3A_1864 = arith.constant 122880 : i32
    %add3A_1865 = arith.addi %add3A_1864, %mul3A_2 : i32
    %add3A_1866 = arith.constant 0 : i32
    %add3A_1867 = arith.addi %mul3A_4, %add3A_1866 : i32
    %dma_start3A_1868 = arith.constant 0 : i32
    %dma_start3A_1869 = tpu.memref_slice %arg13[%add3A_1867, %dma_start3A_1868] : memref<6144x128xf32, #tpu.memory_space<vmem_shared>> -> memref<128x128xf32, #tpu.memory_space<vmem_shared>>
    %dma_start3A_1870 = arith.constant 0 : i32
    %dma_start3A_1871 = tpu.memref_slice %arg2[%add3A_1865, %dma_start3A_1870] : memref<204800x128xf32, #tpu.memory_space<hbm>> -> memref<128x128xf32, #tpu.memory_space<hbm>>
    tpu.enqueue_dma source(%dma_start3A_1871 : memref<128x128xf32, #tpu.memory_space<hbm>>) target(%dma_start3A_1869 : memref<128x128xf32, #tpu.memory_space<vmem_shared>>) target_semaphore(%arg17 : memref<!tpu.dma_semaphore, #tpu.memory_space<semaphore_mem>>)
    %dma_wait3A_1872 = arith.constant 30 : i32
    %dma_wait3A_1873 = arith.constant 0 : i32
    %dma_wait3A_1874 = tpu.memref_slice %arg7[%dma_wait3A_1872, %dma_wait3A_1873] : memref<50x128xi32, #tpu.memory_space<vmem>> -> memref<1x128xi32, #tpu.memory_space<vmem>>
    %dma_wait3A_1875 = tpu.memref_squeeze %dma_wait3A_1874 : memref<1x128xi32, #tpu.memory_space<vmem>> -> memref<128xi32, #tpu.memory_space<vmem>>
    %dma_wait3A_1876 = arith.constant 0 : i32
    %dma_wait3A_1877 = arith.constant 0 : i32
    %dma_wait3A_1878 = tpu.memref_slice %arg4[%dma_wait3A_1876, %dma_wait3A_1877] : memref<100000x128xf32, #tpu.memory_space<hbm>> -> memref<100000x128xf32, #tpu.memory_space<hbm>>
    tpu.wait_indirect_dma semaphore(%arg14 : memref<!tpu.dma_semaphore, #tpu.memory_space<semaphore_mem>>) src(%dma_wait3A_1878 : memref<100000x128xf32, #tpu.memory_space<hbm>>) dst(%arg10 : memref<128x128xf32, #tpu.memory_space<vmem>>)
    %dma_wait3A_1879 = arith.constant 0 : i32
    %dma_wait3A_1880 = tpu.memref_slice %arg13[%add3A_1867, %dma_wait3A_1879] : memref<6144x128xf32, #tpu.memory_space<vmem_shared>> -> memref<128x128xf32, #tpu.memory_space<vmem_shared>>
    %dma_wait3A_1881 = arith.constant 0 : i32
    %dma_wait3A_1882 = tpu.memref_slice %arg2[%add3A_1865, %dma_wait3A_1881] : memref<204800x128xf32, #tpu.memory_space<hbm>> -> memref<128x128xf32, #tpu.memory_space<hbm>>
    tpu.wait_dma2 semaphore(%arg17 : memref<!tpu.dma_semaphore, #tpu.memory_space<semaphore_mem>>) src(%dma_wait3A_1882 : memref<128x128xf32, #tpu.memory_space<hbm>>) dst(%dma_wait3A_1880 : memref<128x128xf32, #tpu.memory_space<vmem_shared>>)
    %dma_start3A_1883 = arith.constant 0 : i32
    %dma_start3A_1884 = arith.constant 0 : i32
    %dma_start3A_1885 = tpu.memref_slice %arg9[%dma_start3A_1883, %dma_start3A_1884] : memref<3x128xi32, #tpu.memory_space<vmem>> -> memref<1x128xi32, #tpu.memory_space<vmem>>
    %dma_start3A_1886 = tpu.memref_squeeze %dma_start3A_1885 : memref<1x128xi32, #tpu.memory_space<vmem>> -> memref<128xi32, #tpu.memory_space<vmem>>
    %dma_start3A_1887 = arith.constant 0 : i32
    %dma_start3A_1888 = arith.constant 0 : i32
    %dma_start3A_1889 = tpu.memref_slice %arg13[%dma_start3A_1887, %dma_start3A_1888] : memref<6144x128xf32, #tpu.memory_space<vmem_shared>> -> memref<6144x128xf32, #tpu.memory_space<vmem_shared>>
    tpu.enqueue_indirect_dma source(%arg10 : memref<128x128xf32, #tpu.memory_space<vmem>>) target(%dma_start3A_1889 : memref<6144x128xf32, #tpu.memory_space<vmem_shared>>) offsets(%dma_start3A_1886 : memref<128xi32, #tpu.memory_space<vmem>>) semaphore(%arg20 : memref<!tpu.dma_semaphore, #tpu.memory_space<semaphore_mem>>) {add = true}
    %dma_wait3A_1890 = arith.constant 2 : i32
    %dma_wait3A_1891 = arith.constant 0 : i32
    %dma_wait3A_1892 = tpu.memref_slice %arg9[%dma_wait3A_1890, %dma_wait3A_1891] : memref<3x128xi32, #tpu.memory_space<vmem>> -> memref<1x128xi32, #tpu.memory_space<vmem>>
    %dma_wait3A_1893 = tpu.memref_squeeze %dma_wait3A_1892 : memref<1x128xi32, #tpu.memory_space<vmem>> -> memref<128xi32, #tpu.memory_space<vmem>>
    %dma_wait3A_1894 = arith.constant 0 : i32
    %dma_wait3A_1895 = arith.constant 0 : i32
    %dma_wait3A_1896 = tpu.memref_slice %arg13[%dma_wait3A_1894, %dma_wait3A_1895] : memref<6144x128xf32, #tpu.memory_space<vmem_shared>> -> memref<6144x128xf32, #tpu.memory_space<vmem_shared>>
    tpu.wait_indirect_dma semaphore(%arg22 : memref<!tpu.dma_semaphore, #tpu.memory_space<semaphore_mem>>) src(%arg12 : memref<128x128xf32, #tpu.memory_space<vmem>>) dst(%dma_wait3A_1896 : memref<6144x128xf32, #tpu.memory_space<vmem_shared>>)
    %add3A_1897 = arith.constant 256 : i32
    %add3A_1898 = arith.addi %mul3A_4, %add3A_1897 : i32
    %add3A_1899 = arith.constant 118784 : i32
    %add3A_1900 = arith.addi %add3A_1899, %mul3A_2 : i32
    %dma_start3A_1901 = arith.constant 0 : i32
    %dma_start3A_1902 = tpu.memref_slice %arg6[%add3A_1900, %dma_start3A_1901] : memref<204800x128xf32, #tpu.memory_space<hbm>> -> memref<128x128xf32, #tpu.memory_space<hbm>>
    %dma_start3A_1903 = arith.constant 0 : i32
    %dma_start3A_1904 = tpu.memref_slice %arg13[%add3A_1898, %dma_start3A_1903] : memref<6144x128xf32, #tpu.memory_space<vmem_shared>> -> memref<128x128xf32, #tpu.memory_space<vmem_shared>>
    tpu.enqueue_dma source(%dma_start3A_1904 : memref<128x128xf32, #tpu.memory_space<vmem_shared>>) target(%dma_start3A_1902 : memref<128x128xf32, #tpu.memory_space<hbm>>) target_semaphore(%arg25 : memref<!tpu.dma_semaphore, #tpu.memory_space<semaphore_mem>>)
    %dma_start3A_1905 = arith.constant 32 : i32
    %dma_start3A_1906 = arith.constant 0 : i32
    %dma_start3A_1907 = tpu.memref_slice %arg7[%dma_start3A_1905, %dma_start3A_1906] : memref<50x128xi32, #tpu.memory_space<vmem>> -> memref<1x128xi32, #tpu.memory_space<vmem>>
    %dma_start3A_1908 = tpu.memref_squeeze %dma_start3A_1907 : memref<1x128xi32, #tpu.memory_space<vmem>> -> memref<128xi32, #tpu.memory_space<vmem>>
    %dma_start3A_1909 = arith.constant 0 : i32
    %dma_start3A_1910 = arith.constant 0 : i32
    %dma_start3A_1911 = tpu.memref_slice %arg4[%dma_start3A_1909, %dma_start3A_1910] : memref<100000x128xf32, #tpu.memory_space<hbm>> -> memref<100000x128xf32, #tpu.memory_space<hbm>>
    tpu.enqueue_indirect_dma source(%dma_start3A_1911 : memref<100000x128xf32, #tpu.memory_space<hbm>>) target(%arg12 : memref<128x128xf32, #tpu.memory_space<vmem>>) offsets(%dma_start3A_1908 : memref<128xi32, #tpu.memory_space<vmem>>) semaphore(%arg16 : memref<!tpu.dma_semaphore, #tpu.memory_space<semaphore_mem>>)
    %dma_wait3A_1912 = arith.constant 0 : i32
    %dma_wait3A_1913 = tpu.memref_slice %arg6[%add3A_1848, %dma_wait3A_1912] : memref<204800x128xf32, #tpu.memory_space<hbm>> -> memref<128x128xf32, #tpu.memory_space<hbm>>
    %dma_wait3A_1914 = arith.constant 0 : i32
    %dma_wait3A_1915 = tpu.memref_slice %arg13[%add3A_1846, %dma_wait3A_1914] : memref<6144x128xf32, #tpu.memory_space<vmem_shared>> -> memref<128x128xf32, #tpu.memory_space<vmem_shared>>
    tpu.wait_dma2 semaphore(%arg24 : memref<!tpu.dma_semaphore, #tpu.memory_space<semaphore_mem>>) src(%dma_wait3A_1915 : memref<128x128xf32, #tpu.memory_space<vmem_shared>>) dst(%dma_wait3A_1913 : memref<128x128xf32, #tpu.memory_space<hbm>>)
    %add3A_1916 = arith.constant 126976 : i32
    %add3A_1917 = arith.addi %add3A_1916, %mul3A_2 : i32
    %add3A_1918 = arith.constant 128 : i32
    %add3A_1919 = arith.addi %mul3A_4, %add3A_1918 : i32
    %dma_start3A_1920 = arith.constant 0 : i32
    %dma_start3A_1921 = tpu.memref_slice %arg13[%add3A_1919, %dma_start3A_1920] : memref<6144x128xf32, #tpu.memory_space<vmem_shared>> -> memref<128x128xf32, #tpu.memory_space<vmem_shared>>
    %dma_start3A_1922 = arith.constant 0 : i32
    %dma_start3A_1923 = tpu.memref_slice %arg2[%add3A_1917, %dma_start3A_1922] : memref<204800x128xf32, #tpu.memory_space<hbm>> -> memref<128x128xf32, #tpu.memory_space<hbm>>
    tpu.enqueue_dma source(%dma_start3A_1923 : memref<128x128xf32, #tpu.memory_space<hbm>>) target(%dma_start3A_1921 : memref<128x128xf32, #tpu.memory_space<vmem_shared>>) target_semaphore(%arg18 : memref<!tpu.dma_semaphore, #tpu.memory_space<semaphore_mem>>)
    %dma_wait3A_1924 = arith.constant 31 : i32
    %dma_wait3A_1925 = arith.constant 0 : i32
    %dma_wait3A_1926 = tpu.memref_slice %arg7[%dma_wait3A_1924, %dma_wait3A_1925] : memref<50x128xi32, #tpu.memory_space<vmem>> -> memref<1x128xi32, #tpu.memory_space<vmem>>
    %dma_wait3A_1927 = tpu.memref_squeeze %dma_wait3A_1926 : memref<1x128xi32, #tpu.memory_space<vmem>> -> memref<128xi32, #tpu.memory_space<vmem>>
    %dma_wait3A_1928 = arith.constant 0 : i32
    %dma_wait3A_1929 = arith.constant 0 : i32
    %dma_wait3A_1930 = tpu.memref_slice %arg4[%dma_wait3A_1928, %dma_wait3A_1929] : memref<100000x128xf32, #tpu.memory_space<hbm>> -> memref<100000x128xf32, #tpu.memory_space<hbm>>
    tpu.wait_indirect_dma semaphore(%arg15 : memref<!tpu.dma_semaphore, #tpu.memory_space<semaphore_mem>>) src(%dma_wait3A_1930 : memref<100000x128xf32, #tpu.memory_space<hbm>>) dst(%arg11 : memref<128x128xf32, #tpu.memory_space<vmem>>)
    %dma_wait3A_1931 = arith.constant 0 : i32
    %dma_wait3A_1932 = tpu.memref_slice %arg13[%add3A_1919, %dma_wait3A_1931] : memref<6144x128xf32, #tpu.memory_space<vmem_shared>> -> memref<128x128xf32, #tpu.memory_space<vmem_shared>>
    %dma_wait3A_1933 = arith.constant 0 : i32
    %dma_wait3A_1934 = tpu.memref_slice %arg2[%add3A_1917, %dma_wait3A_1933] : memref<204800x128xf32, #tpu.memory_space<hbm>> -> memref<128x128xf32, #tpu.memory_space<hbm>>
    tpu.wait_dma2 semaphore(%arg18 : memref<!tpu.dma_semaphore, #tpu.memory_space<semaphore_mem>>) src(%dma_wait3A_1934 : memref<128x128xf32, #tpu.memory_space<hbm>>) dst(%dma_wait3A_1932 : memref<128x128xf32, #tpu.memory_space<vmem_shared>>)
    %dma_start3A_1935 = arith.constant 1 : i32
    %dma_start3A_1936 = arith.constant 0 : i32
    %dma_start3A_1937 = tpu.memref_slice %arg9[%dma_start3A_1935, %dma_start3A_1936] : memref<3x128xi32, #tpu.memory_space<vmem>> -> memref<1x128xi32, #tpu.memory_space<vmem>>
    %dma_start3A_1938 = tpu.memref_squeeze %dma_start3A_1937 : memref<1x128xi32, #tpu.memory_space<vmem>> -> memref<128xi32, #tpu.memory_space<vmem>>
    %dma_start3A_1939 = arith.constant 0 : i32
    %dma_start3A_1940 = arith.constant 0 : i32
    %dma_start3A_1941 = tpu.memref_slice %arg13[%dma_start3A_1939, %dma_start3A_1940] : memref<6144x128xf32, #tpu.memory_space<vmem_shared>> -> memref<6144x128xf32, #tpu.memory_space<vmem_shared>>
    tpu.enqueue_indirect_dma source(%arg11 : memref<128x128xf32, #tpu.memory_space<vmem>>) target(%dma_start3A_1941 : memref<6144x128xf32, #tpu.memory_space<vmem_shared>>) offsets(%dma_start3A_1938 : memref<128xi32, #tpu.memory_space<vmem>>) semaphore(%arg21 : memref<!tpu.dma_semaphore, #tpu.memory_space<semaphore_mem>>) {add = true}
    %dma_wait3A_1942 = arith.constant 0 : i32
    %dma_wait3A_1943 = arith.constant 0 : i32
    %dma_wait3A_1944 = tpu.memref_slice %arg9[%dma_wait3A_1942, %dma_wait3A_1943] : memref<3x128xi32, #tpu.memory_space<vmem>> -> memref<1x128xi32, #tpu.memory_space<vmem>>
    %dma_wait3A_1945 = tpu.memref_squeeze %dma_wait3A_1944 : memref<1x128xi32, #tpu.memory_space<vmem>> -> memref<128xi32, #tpu.memory_space<vmem>>
    %dma_wait3A_1946 = arith.constant 0 : i32
    %dma_wait3A_1947 = arith.constant 0 : i32
    %dma_wait3A_1948 = tpu.memref_slice %arg13[%dma_wait3A_1946, %dma_wait3A_1947] : memref<6144x128xf32, #tpu.memory_space<vmem_shared>> -> memref<6144x128xf32, #tpu.memory_space<vmem_shared>>
    tpu.wait_indirect_dma semaphore(%arg20 : memref<!tpu.dma_semaphore, #tpu.memory_space<semaphore_mem>>) src(%arg10 : memref<128x128xf32, #tpu.memory_space<vmem>>) dst(%dma_wait3A_1948 : memref<6144x128xf32, #tpu.memory_space<vmem_shared>>)
    %add3A_1949 = arith.constant 0 : i32
    %add3A_1950 = arith.addi %mul3A_4, %add3A_1949 : i32
    %add3A_1951 = arith.constant 122880 : i32
    %add3A_1952 = arith.addi %add3A_1951, %mul3A_2 : i32
    %dma_start3A_1953 = arith.constant 0 : i32
    %dma_start3A_1954 = tpu.memref_slice %arg6[%add3A_1952, %dma_start3A_1953] : memref<204800x128xf32, #tpu.memory_space<hbm>> -> memref<128x128xf32, #tpu.memory_space<hbm>>
    %dma_start3A_1955 = arith.constant 0 : i32
    %dma_start3A_1956 = tpu.memref_slice %arg13[%add3A_1950, %dma_start3A_1955] : memref<6144x128xf32, #tpu.memory_space<vmem_shared>> -> memref<128x128xf32, #tpu.memory_space<vmem_shared>>
    tpu.enqueue_dma source(%dma_start3A_1956 : memref<128x128xf32, #tpu.memory_space<vmem_shared>>) target(%dma_start3A_1954 : memref<128x128xf32, #tpu.memory_space<hbm>>) target_semaphore(%arg23 : memref<!tpu.dma_semaphore, #tpu.memory_space<semaphore_mem>>)
    %dma_start3A_1957 = arith.constant 33 : i32
    %dma_start3A_1958 = arith.constant 0 : i32
    %dma_start3A_1959 = tpu.memref_slice %arg7[%dma_start3A_1957, %dma_start3A_1958] : memref<50x128xi32, #tpu.memory_space<vmem>> -> memref<1x128xi32, #tpu.memory_space<vmem>>
    %dma_start3A_1960 = tpu.memref_squeeze %dma_start3A_1959 : memref<1x128xi32, #tpu.memory_space<vmem>> -> memref<128xi32, #tpu.memory_space<vmem>>
    %dma_start3A_1961 = arith.constant 0 : i32
    %dma_start3A_1962 = arith.constant 0 : i32
    %dma_start3A_1963 = tpu.memref_slice %arg4[%dma_start3A_1961, %dma_start3A_1962] : memref<100000x128xf32, #tpu.memory_space<hbm>> -> memref<100000x128xf32, #tpu.memory_space<hbm>>
    tpu.enqueue_indirect_dma source(%dma_start3A_1963 : memref<100000x128xf32, #tpu.memory_space<hbm>>) target(%arg10 : memref<128x128xf32, #tpu.memory_space<vmem>>) offsets(%dma_start3A_1960 : memref<128xi32, #tpu.memory_space<vmem>>) semaphore(%arg14 : memref<!tpu.dma_semaphore, #tpu.memory_space<semaphore_mem>>)
    %dma_wait3A_1964 = arith.constant 0 : i32
    %dma_wait3A_1965 = tpu.memref_slice %arg6[%add3A_1900, %dma_wait3A_1964] : memref<204800x128xf32, #tpu.memory_space<hbm>> -> memref<128x128xf32, #tpu.memory_space<hbm>>
    %dma_wait3A_1966 = arith.constant 0 : i32
    %dma_wait3A_1967 = tpu.memref_slice %arg13[%add3A_1898, %dma_wait3A_1966] : memref<6144x128xf32, #tpu.memory_space<vmem_shared>> -> memref<128x128xf32, #tpu.memory_space<vmem_shared>>
    tpu.wait_dma2 semaphore(%arg25 : memref<!tpu.dma_semaphore, #tpu.memory_space<semaphore_mem>>) src(%dma_wait3A_1967 : memref<128x128xf32, #tpu.memory_space<vmem_shared>>) dst(%dma_wait3A_1965 : memref<128x128xf32, #tpu.memory_space<hbm>>)
    %add3A_1968 = arith.constant 131072 : i32
    %add3A_1969 = arith.addi %add3A_1968, %mul3A_2 : i32
    %add3A_1970 = arith.constant 256 : i32
    %add3A_1971 = arith.addi %mul3A_4, %add3A_1970 : i32
    %dma_start3A_1972 = arith.constant 0 : i32
    %dma_start3A_1973 = tpu.memref_slice %arg13[%add3A_1971, %dma_start3A_1972] : memref<6144x128xf32, #tpu.memory_space<vmem_shared>> -> memref<128x128xf32, #tpu.memory_space<vmem_shared>>
    %dma_start3A_1974 = arith.constant 0 : i32
    %dma_start3A_1975 = tpu.memref_slice %arg2[%add3A_1969, %dma_start3A_1974] : memref<204800x128xf32, #tpu.memory_space<hbm>> -> memref<128x128xf32, #tpu.memory_space<hbm>>
    tpu.enqueue_dma source(%dma_start3A_1975 : memref<128x128xf32, #tpu.memory_space<hbm>>) target(%dma_start3A_1973 : memref<128x128xf32, #tpu.memory_space<vmem_shared>>) target_semaphore(%arg19 : memref<!tpu.dma_semaphore, #tpu.memory_space<semaphore_mem>>)
    %dma_wait3A_1976 = arith.constant 32 : i32
    %dma_wait3A_1977 = arith.constant 0 : i32
    %dma_wait3A_1978 = tpu.memref_slice %arg7[%dma_wait3A_1976, %dma_wait3A_1977] : memref<50x128xi32, #tpu.memory_space<vmem>> -> memref<1x128xi32, #tpu.memory_space<vmem>>
    %dma_wait3A_1979 = tpu.memref_squeeze %dma_wait3A_1978 : memref<1x128xi32, #tpu.memory_space<vmem>> -> memref<128xi32, #tpu.memory_space<vmem>>
    %dma_wait3A_1980 = arith.constant 0 : i32
    %dma_wait3A_1981 = arith.constant 0 : i32
    %dma_wait3A_1982 = tpu.memref_slice %arg4[%dma_wait3A_1980, %dma_wait3A_1981] : memref<100000x128xf32, #tpu.memory_space<hbm>> -> memref<100000x128xf32, #tpu.memory_space<hbm>>
    tpu.wait_indirect_dma semaphore(%arg16 : memref<!tpu.dma_semaphore, #tpu.memory_space<semaphore_mem>>) src(%dma_wait3A_1982 : memref<100000x128xf32, #tpu.memory_space<hbm>>) dst(%arg12 : memref<128x128xf32, #tpu.memory_space<vmem>>)
    %dma_wait3A_1983 = arith.constant 0 : i32
    %dma_wait3A_1984 = tpu.memref_slice %arg13[%add3A_1971, %dma_wait3A_1983] : memref<6144x128xf32, #tpu.memory_space<vmem_shared>> -> memref<128x128xf32, #tpu.memory_space<vmem_shared>>
    %dma_wait3A_1985 = arith.constant 0 : i32
    %dma_wait3A_1986 = tpu.memref_slice %arg2[%add3A_1969, %dma_wait3A_1985] : memref<204800x128xf32, #tpu.memory_space<hbm>> -> memref<128x128xf32, #tpu.memory_space<hbm>>
    tpu.wait_dma2 semaphore(%arg19 : memref<!tpu.dma_semaphore, #tpu.memory_space<semaphore_mem>>) src(%dma_wait3A_1986 : memref<128x128xf32, #tpu.memory_space<hbm>>) dst(%dma_wait3A_1984 : memref<128x128xf32, #tpu.memory_space<vmem_shared>>)
    %dma_start3A_1987 = arith.constant 2 : i32
    %dma_start3A_1988 = arith.constant 0 : i32
    %dma_start3A_1989 = tpu.memref_slice %arg9[%dma_start3A_1987, %dma_start3A_1988] : memref<3x128xi32, #tpu.memory_space<vmem>> -> memref<1x128xi32, #tpu.memory_space<vmem>>
    %dma_start3A_1990 = tpu.memref_squeeze %dma_start3A_1989 : memref<1x128xi32, #tpu.memory_space<vmem>> -> memref<128xi32, #tpu.memory_space<vmem>>
    %dma_start3A_1991 = arith.constant 0 : i32
    %dma_start3A_1992 = arith.constant 0 : i32
    %dma_start3A_1993 = tpu.memref_slice %arg13[%dma_start3A_1991, %dma_start3A_1992] : memref<6144x128xf32, #tpu.memory_space<vmem_shared>> -> memref<6144x128xf32, #tpu.memory_space<vmem_shared>>
    tpu.enqueue_indirect_dma source(%arg12 : memref<128x128xf32, #tpu.memory_space<vmem>>) target(%dma_start3A_1993 : memref<6144x128xf32, #tpu.memory_space<vmem_shared>>) offsets(%dma_start3A_1990 : memref<128xi32, #tpu.memory_space<vmem>>) semaphore(%arg22 : memref<!tpu.dma_semaphore, #tpu.memory_space<semaphore_mem>>) {add = true}
    %dma_wait3A_1994 = arith.constant 1 : i32
    %dma_wait3A_1995 = arith.constant 0 : i32
    %dma_wait3A_1996 = tpu.memref_slice %arg9[%dma_wait3A_1994, %dma_wait3A_1995] : memref<3x128xi32, #tpu.memory_space<vmem>> -> memref<1x128xi32, #tpu.memory_space<vmem>>
    %dma_wait3A_1997 = tpu.memref_squeeze %dma_wait3A_1996 : memref<1x128xi32, #tpu.memory_space<vmem>> -> memref<128xi32, #tpu.memory_space<vmem>>
    %dma_wait3A_1998 = arith.constant 0 : i32
    %dma_wait3A_1999 = arith.constant 0 : i32
    %dma_wait3A_2000 = tpu.memref_slice %arg13[%dma_wait3A_1998, %dma_wait3A_1999] : memref<6144x128xf32, #tpu.memory_space<vmem_shared>> -> memref<6144x128xf32, #tpu.memory_space<vmem_shared>>
    tpu.wait_indirect_dma semaphore(%arg21 : memref<!tpu.dma_semaphore, #tpu.memory_space<semaphore_mem>>) src(%arg11 : memref<128x128xf32, #tpu.memory_space<vmem>>) dst(%dma_wait3A_2000 : memref<6144x128xf32, #tpu.memory_space<vmem_shared>>)
    %add3A_2001 = arith.constant 128 : i32
    %add3A_2002 = arith.addi %mul3A_4, %add3A_2001 : i32
    %add3A_2003 = arith.constant 126976 : i32
    %add3A_2004 = arith.addi %add3A_2003, %mul3A_2 : i32
    %dma_start3A_2005 = arith.constant 0 : i32
    %dma_start3A_2006 = tpu.memref_slice %arg6[%add3A_2004, %dma_start3A_2005] : memref<204800x128xf32, #tpu.memory_space<hbm>> -> memref<128x128xf32, #tpu.memory_space<hbm>>
    %dma_start3A_2007 = arith.constant 0 : i32
    %dma_start3A_2008 = tpu.memref_slice %arg13[%add3A_2002, %dma_start3A_2007] : memref<6144x128xf32, #tpu.memory_space<vmem_shared>> -> memref<128x128xf32, #tpu.memory_space<vmem_shared>>
    tpu.enqueue_dma source(%dma_start3A_2008 : memref<128x128xf32, #tpu.memory_space<vmem_shared>>) target(%dma_start3A_2006 : memref<128x128xf32, #tpu.memory_space<hbm>>) target_semaphore(%arg24 : memref<!tpu.dma_semaphore, #tpu.memory_space<semaphore_mem>>)
    %dma_start3A_2009 = arith.constant 34 : i32
    %dma_start3A_2010 = arith.constant 0 : i32
    %dma_start3A_2011 = tpu.memref_slice %arg7[%dma_start3A_2009, %dma_start3A_2010] : memref<50x128xi32, #tpu.memory_space<vmem>> -> memref<1x128xi32, #tpu.memory_space<vmem>>
    %dma_start3A_2012 = tpu.memref_squeeze %dma_start3A_2011 : memref<1x128xi32, #tpu.memory_space<vmem>> -> memref<128xi32, #tpu.memory_space<vmem>>
    %dma_start3A_2013 = arith.constant 0 : i32
    %dma_start3A_2014 = arith.constant 0 : i32
    %dma_start3A_2015 = tpu.memref_slice %arg4[%dma_start3A_2013, %dma_start3A_2014] : memref<100000x128xf32, #tpu.memory_space<hbm>> -> memref<100000x128xf32, #tpu.memory_space<hbm>>
    tpu.enqueue_indirect_dma source(%dma_start3A_2015 : memref<100000x128xf32, #tpu.memory_space<hbm>>) target(%arg11 : memref<128x128xf32, #tpu.memory_space<vmem>>) offsets(%dma_start3A_2012 : memref<128xi32, #tpu.memory_space<vmem>>) semaphore(%arg15 : memref<!tpu.dma_semaphore, #tpu.memory_space<semaphore_mem>>)
    %dma_wait3A_2016 = arith.constant 0 : i32
    %dma_wait3A_2017 = tpu.memref_slice %arg6[%add3A_1952, %dma_wait3A_2016] : memref<204800x128xf32, #tpu.memory_space<hbm>> -> memref<128x128xf32, #tpu.memory_space<hbm>>
    %dma_wait3A_2018 = arith.constant 0 : i32
    %dma_wait3A_2019 = tpu.memref_slice %arg13[%add3A_1950, %dma_wait3A_2018] : memref<6144x128xf32, #tpu.memory_space<vmem_shared>> -> memref<128x128xf32, #tpu.memory_space<vmem_shared>>
    tpu.wait_dma2 semaphore(%arg23 : memref<!tpu.dma_semaphore, #tpu.memory_space<semaphore_mem>>) src(%dma_wait3A_2019 : memref<128x128xf32, #tpu.memory_space<vmem_shared>>) dst(%dma_wait3A_2017 : memref<128x128xf32, #tpu.memory_space<hbm>>)
    %add3A_2020 = arith.constant 135168 : i32
    %add3A_2021 = arith.addi %add3A_2020, %mul3A_2 : i32
    %add3A_2022 = arith.constant 0 : i32
    %add3A_2023 = arith.addi %mul3A_4, %add3A_2022 : i32
    %dma_start3A_2024 = arith.constant 0 : i32
    %dma_start3A_2025 = tpu.memref_slice %arg13[%add3A_2023, %dma_start3A_2024] : memref<6144x128xf32, #tpu.memory_space<vmem_shared>> -> memref<128x128xf32, #tpu.memory_space<vmem_shared>>
    %dma_start3A_2026 = arith.constant 0 : i32
    %dma_start3A_2027 = tpu.memref_slice %arg2[%add3A_2021, %dma_start3A_2026] : memref<204800x128xf32, #tpu.memory_space<hbm>> -> memref<128x128xf32, #tpu.memory_space<hbm>>
    tpu.enqueue_dma source(%dma_start3A_2027 : memref<128x128xf32, #tpu.memory_space<hbm>>) target(%dma_start3A_2025 : memref<128x128xf32, #tpu.memory_space<vmem_shared>>) target_semaphore(%arg17 : memref<!tpu.dma_semaphore, #tpu.memory_space<semaphore_mem>>)
    %dma_wait3A_2028 = arith.constant 33 : i32
    %dma_wait3A_2029 = arith.constant 0 : i32
    %dma_wait3A_2030 = tpu.memref_slice %arg7[%dma_wait3A_2028, %dma_wait3A_2029] : memref<50x128xi32, #tpu.memory_space<vmem>> -> memref<1x128xi32, #tpu.memory_space<vmem>>
    %dma_wait3A_2031 = tpu.memref_squeeze %dma_wait3A_2030 : memref<1x128xi32, #tpu.memory_space<vmem>> -> memref<128xi32, #tpu.memory_space<vmem>>
    %dma_wait3A_2032 = arith.constant 0 : i32
    %dma_wait3A_2033 = arith.constant 0 : i32
    %dma_wait3A_2034 = tpu.memref_slice %arg4[%dma_wait3A_2032, %dma_wait3A_2033] : memref<100000x128xf32, #tpu.memory_space<hbm>> -> memref<100000x128xf32, #tpu.memory_space<hbm>>
    tpu.wait_indirect_dma semaphore(%arg14 : memref<!tpu.dma_semaphore, #tpu.memory_space<semaphore_mem>>) src(%dma_wait3A_2034 : memref<100000x128xf32, #tpu.memory_space<hbm>>) dst(%arg10 : memref<128x128xf32, #tpu.memory_space<vmem>>)
    %dma_wait3A_2035 = arith.constant 0 : i32
    %dma_wait3A_2036 = tpu.memref_slice %arg13[%add3A_2023, %dma_wait3A_2035] : memref<6144x128xf32, #tpu.memory_space<vmem_shared>> -> memref<128x128xf32, #tpu.memory_space<vmem_shared>>
    %dma_wait3A_2037 = arith.constant 0 : i32
    %dma_wait3A_2038 = tpu.memref_slice %arg2[%add3A_2021, %dma_wait3A_2037] : memref<204800x128xf32, #tpu.memory_space<hbm>> -> memref<128x128xf32, #tpu.memory_space<hbm>>
    tpu.wait_dma2 semaphore(%arg17 : memref<!tpu.dma_semaphore, #tpu.memory_space<semaphore_mem>>) src(%dma_wait3A_2038 : memref<128x128xf32, #tpu.memory_space<hbm>>) dst(%dma_wait3A_2036 : memref<128x128xf32, #tpu.memory_space<vmem_shared>>)
    %dma_start3A_2039 = arith.constant 0 : i32
    %dma_start3A_2040 = arith.constant 0 : i32
    %dma_start3A_2041 = tpu.memref_slice %arg9[%dma_start3A_2039, %dma_start3A_2040] : memref<3x128xi32, #tpu.memory_space<vmem>> -> memref<1x128xi32, #tpu.memory_space<vmem>>
    %dma_start3A_2042 = tpu.memref_squeeze %dma_start3A_2041 : memref<1x128xi32, #tpu.memory_space<vmem>> -> memref<128xi32, #tpu.memory_space<vmem>>
    %dma_start3A_2043 = arith.constant 0 : i32
    %dma_start3A_2044 = arith.constant 0 : i32
    %dma_start3A_2045 = tpu.memref_slice %arg13[%dma_start3A_2043, %dma_start3A_2044] : memref<6144x128xf32, #tpu.memory_space<vmem_shared>> -> memref<6144x128xf32, #tpu.memory_space<vmem_shared>>
    tpu.enqueue_indirect_dma source(%arg10 : memref<128x128xf32, #tpu.memory_space<vmem>>) target(%dma_start3A_2045 : memref<6144x128xf32, #tpu.memory_space<vmem_shared>>) offsets(%dma_start3A_2042 : memref<128xi32, #tpu.memory_space<vmem>>) semaphore(%arg20 : memref<!tpu.dma_semaphore, #tpu.memory_space<semaphore_mem>>) {add = true}
    %dma_wait3A_2046 = arith.constant 2 : i32
    %dma_wait3A_2047 = arith.constant 0 : i32
    %dma_wait3A_2048 = tpu.memref_slice %arg9[%dma_wait3A_2046, %dma_wait3A_2047] : memref<3x128xi32, #tpu.memory_space<vmem>> -> memref<1x128xi32, #tpu.memory_space<vmem>>
    %dma_wait3A_2049 = tpu.memref_squeeze %dma_wait3A_2048 : memref<1x128xi32, #tpu.memory_space<vmem>> -> memref<128xi32, #tpu.memory_space<vmem>>
    %dma_wait3A_2050 = arith.constant 0 : i32
    %dma_wait3A_2051 = arith.constant 0 : i32
    %dma_wait3A_2052 = tpu.memref_slice %arg13[%dma_wait3A_2050, %dma_wait3A_2051] : memref<6144x128xf32, #tpu.memory_space<vmem_shared>> -> memref<6144x128xf32, #tpu.memory_space<vmem_shared>>
    tpu.wait_indirect_dma semaphore(%arg22 : memref<!tpu.dma_semaphore, #tpu.memory_space<semaphore_mem>>) src(%arg12 : memref<128x128xf32, #tpu.memory_space<vmem>>) dst(%dma_wait3A_2052 : memref<6144x128xf32, #tpu.memory_space<vmem_shared>>)
    %add3A_2053 = arith.constant 256 : i32
    %add3A_2054 = arith.addi %mul3A_4, %add3A_2053 : i32
    %add3A_2055 = arith.constant 131072 : i32
    %add3A_2056 = arith.addi %add3A_2055, %mul3A_2 : i32
    %dma_start3A_2057 = arith.constant 0 : i32
    %dma_start3A_2058 = tpu.memref_slice %arg6[%add3A_2056, %dma_start3A_2057] : memref<204800x128xf32, #tpu.memory_space<hbm>> -> memref<128x128xf32, #tpu.memory_space<hbm>>
    %dma_start3A_2059 = arith.constant 0 : i32
    %dma_start3A_2060 = tpu.memref_slice %arg13[%add3A_2054, %dma_start3A_2059] : memref<6144x128xf32, #tpu.memory_space<vmem_shared>> -> memref<128x128xf32, #tpu.memory_space<vmem_shared>>
    tpu.enqueue_dma source(%dma_start3A_2060 : memref<128x128xf32, #tpu.memory_space<vmem_shared>>) target(%dma_start3A_2058 : memref<128x128xf32, #tpu.memory_space<hbm>>) target_semaphore(%arg25 : memref<!tpu.dma_semaphore, #tpu.memory_space<semaphore_mem>>)
    %dma_start3A_2061 = arith.constant 35 : i32
    %dma_start3A_2062 = arith.constant 0 : i32
    %dma_start3A_2063 = tpu.memref_slice %arg7[%dma_start3A_2061, %dma_start3A_2062] : memref<50x128xi32, #tpu.memory_space<vmem>> -> memref<1x128xi32, #tpu.memory_space<vmem>>
    %dma_start3A_2064 = tpu.memref_squeeze %dma_start3A_2063 : memref<1x128xi32, #tpu.memory_space<vmem>> -> memref<128xi32, #tpu.memory_space<vmem>>
    %dma_start3A_2065 = arith.constant 0 : i32
    %dma_start3A_2066 = arith.constant 0 : i32
    %dma_start3A_2067 = tpu.memref_slice %arg4[%dma_start3A_2065, %dma_start3A_2066] : memref<100000x128xf32, #tpu.memory_space<hbm>> -> memref<100000x128xf32, #tpu.memory_space<hbm>>
    tpu.enqueue_indirect_dma source(%dma_start3A_2067 : memref<100000x128xf32, #tpu.memory_space<hbm>>) target(%arg12 : memref<128x128xf32, #tpu.memory_space<vmem>>) offsets(%dma_start3A_2064 : memref<128xi32, #tpu.memory_space<vmem>>) semaphore(%arg16 : memref<!tpu.dma_semaphore, #tpu.memory_space<semaphore_mem>>)
    %dma_wait3A_2068 = arith.constant 0 : i32
    %dma_wait3A_2069 = tpu.memref_slice %arg6[%add3A_2004, %dma_wait3A_2068] : memref<204800x128xf32, #tpu.memory_space<hbm>> -> memref<128x128xf32, #tpu.memory_space<hbm>>
    %dma_wait3A_2070 = arith.constant 0 : i32
    %dma_wait3A_2071 = tpu.memref_slice %arg13[%add3A_2002, %dma_wait3A_2070] : memref<6144x128xf32, #tpu.memory_space<vmem_shared>> -> memref<128x128xf32, #tpu.memory_space<vmem_shared>>
    tpu.wait_dma2 semaphore(%arg24 : memref<!tpu.dma_semaphore, #tpu.memory_space<semaphore_mem>>) src(%dma_wait3A_2071 : memref<128x128xf32, #tpu.memory_space<vmem_shared>>) dst(%dma_wait3A_2069 : memref<128x128xf32, #tpu.memory_space<hbm>>)
    %add3A_2072 = arith.constant 139264 : i32
    %add3A_2073 = arith.addi %add3A_2072, %mul3A_2 : i32
    %add3A_2074 = arith.constant 128 : i32
    %add3A_2075 = arith.addi %mul3A_4, %add3A_2074 : i32
    %dma_start3A_2076 = arith.constant 0 : i32
    %dma_start3A_2077 = tpu.memref_slice %arg13[%add3A_2075, %dma_start3A_2076] : memref<6144x128xf32, #tpu.memory_space<vmem_shared>> -> memref<128x128xf32, #tpu.memory_space<vmem_shared>>
    %dma_start3A_2078 = arith.constant 0 : i32
    %dma_start3A_2079 = tpu.memref_slice %arg2[%add3A_2073, %dma_start3A_2078] : memref<204800x128xf32, #tpu.memory_space<hbm>> -> memref<128x128xf32, #tpu.memory_space<hbm>>
    tpu.enqueue_dma source(%dma_start3A_2079 : memref<128x128xf32, #tpu.memory_space<hbm>>) target(%dma_start3A_2077 : memref<128x128xf32, #tpu.memory_space<vmem_shared>>) target_semaphore(%arg18 : memref<!tpu.dma_semaphore, #tpu.memory_space<semaphore_mem>>)
    %dma_wait3A_2080 = arith.constant 34 : i32
    %dma_wait3A_2081 = arith.constant 0 : i32
    %dma_wait3A_2082 = tpu.memref_slice %arg7[%dma_wait3A_2080, %dma_wait3A_2081] : memref<50x128xi32, #tpu.memory_space<vmem>> -> memref<1x128xi32, #tpu.memory_space<vmem>>
    %dma_wait3A_2083 = tpu.memref_squeeze %dma_wait3A_2082 : memref<1x128xi32, #tpu.memory_space<vmem>> -> memref<128xi32, #tpu.memory_space<vmem>>
    %dma_wait3A_2084 = arith.constant 0 : i32
    %dma_wait3A_2085 = arith.constant 0 : i32
    %dma_wait3A_2086 = tpu.memref_slice %arg4[%dma_wait3A_2084, %dma_wait3A_2085] : memref<100000x128xf32, #tpu.memory_space<hbm>> -> memref<100000x128xf32, #tpu.memory_space<hbm>>
    tpu.wait_indirect_dma semaphore(%arg15 : memref<!tpu.dma_semaphore, #tpu.memory_space<semaphore_mem>>) src(%dma_wait3A_2086 : memref<100000x128xf32, #tpu.memory_space<hbm>>) dst(%arg11 : memref<128x128xf32, #tpu.memory_space<vmem>>)
    %dma_wait3A_2087 = arith.constant 0 : i32
    %dma_wait3A_2088 = tpu.memref_slice %arg13[%add3A_2075, %dma_wait3A_2087] : memref<6144x128xf32, #tpu.memory_space<vmem_shared>> -> memref<128x128xf32, #tpu.memory_space<vmem_shared>>
    %dma_wait3A_2089 = arith.constant 0 : i32
    %dma_wait3A_2090 = tpu.memref_slice %arg2[%add3A_2073, %dma_wait3A_2089] : memref<204800x128xf32, #tpu.memory_space<hbm>> -> memref<128x128xf32, #tpu.memory_space<hbm>>
    tpu.wait_dma2 semaphore(%arg18 : memref<!tpu.dma_semaphore, #tpu.memory_space<semaphore_mem>>) src(%dma_wait3A_2090 : memref<128x128xf32, #tpu.memory_space<hbm>>) dst(%dma_wait3A_2088 : memref<128x128xf32, #tpu.memory_space<vmem_shared>>)
    %dma_start3A_2091 = arith.constant 1 : i32
    %dma_start3A_2092 = arith.constant 0 : i32
    %dma_start3A_2093 = tpu.memref_slice %arg9[%dma_start3A_2091, %dma_start3A_2092] : memref<3x128xi32, #tpu.memory_space<vmem>> -> memref<1x128xi32, #tpu.memory_space<vmem>>
    %dma_start3A_2094 = tpu.memref_squeeze %dma_start3A_2093 : memref<1x128xi32, #tpu.memory_space<vmem>> -> memref<128xi32, #tpu.memory_space<vmem>>
    %dma_start3A_2095 = arith.constant 0 : i32
    %dma_start3A_2096 = arith.constant 0 : i32
    %dma_start3A_2097 = tpu.memref_slice %arg13[%dma_start3A_2095, %dma_start3A_2096] : memref<6144x128xf32, #tpu.memory_space<vmem_shared>> -> memref<6144x128xf32, #tpu.memory_space<vmem_shared>>
    tpu.enqueue_indirect_dma source(%arg11 : memref<128x128xf32, #tpu.memory_space<vmem>>) target(%dma_start3A_2097 : memref<6144x128xf32, #tpu.memory_space<vmem_shared>>) offsets(%dma_start3A_2094 : memref<128xi32, #tpu.memory_space<vmem>>) semaphore(%arg21 : memref<!tpu.dma_semaphore, #tpu.memory_space<semaphore_mem>>) {add = true}
    %dma_wait3A_2098 = arith.constant 0 : i32
    %dma_wait3A_2099 = arith.constant 0 : i32
    %dma_wait3A_2100 = tpu.memref_slice %arg9[%dma_wait3A_2098, %dma_wait3A_2099] : memref<3x128xi32, #tpu.memory_space<vmem>> -> memref<1x128xi32, #tpu.memory_space<vmem>>
    %dma_wait3A_2101 = tpu.memref_squeeze %dma_wait3A_2100 : memref<1x128xi32, #tpu.memory_space<vmem>> -> memref<128xi32, #tpu.memory_space<vmem>>
    %dma_wait3A_2102 = arith.constant 0 : i32
    %dma_wait3A_2103 = arith.constant 0 : i32
    %dma_wait3A_2104 = tpu.memref_slice %arg13[%dma_wait3A_2102, %dma_wait3A_2103] : memref<6144x128xf32, #tpu.memory_space<vmem_shared>> -> memref<6144x128xf32, #tpu.memory_space<vmem_shared>>
    tpu.wait_indirect_dma semaphore(%arg20 : memref<!tpu.dma_semaphore, #tpu.memory_space<semaphore_mem>>) src(%arg10 : memref<128x128xf32, #tpu.memory_space<vmem>>) dst(%dma_wait3A_2104 : memref<6144x128xf32, #tpu.memory_space<vmem_shared>>)
    %add3A_2105 = arith.constant 0 : i32
    %add3A_2106 = arith.addi %mul3A_4, %add3A_2105 : i32
    %add3A_2107 = arith.constant 135168 : i32
    %add3A_2108 = arith.addi %add3A_2107, %mul3A_2 : i32
    %dma_start3A_2109 = arith.constant 0 : i32
    %dma_start3A_2110 = tpu.memref_slice %arg6[%add3A_2108, %dma_start3A_2109] : memref<204800x128xf32, #tpu.memory_space<hbm>> -> memref<128x128xf32, #tpu.memory_space<hbm>>
    %dma_start3A_2111 = arith.constant 0 : i32
    %dma_start3A_2112 = tpu.memref_slice %arg13[%add3A_2106, %dma_start3A_2111] : memref<6144x128xf32, #tpu.memory_space<vmem_shared>> -> memref<128x128xf32, #tpu.memory_space<vmem_shared>>
    tpu.enqueue_dma source(%dma_start3A_2112 : memref<128x128xf32, #tpu.memory_space<vmem_shared>>) target(%dma_start3A_2110 : memref<128x128xf32, #tpu.memory_space<hbm>>) target_semaphore(%arg23 : memref<!tpu.dma_semaphore, #tpu.memory_space<semaphore_mem>>)
    %dma_start3A_2113 = arith.constant 36 : i32
    %dma_start3A_2114 = arith.constant 0 : i32
    %dma_start3A_2115 = tpu.memref_slice %arg7[%dma_start3A_2113, %dma_start3A_2114] : memref<50x128xi32, #tpu.memory_space<vmem>> -> memref<1x128xi32, #tpu.memory_space<vmem>>
    %dma_start3A_2116 = tpu.memref_squeeze %dma_start3A_2115 : memref<1x128xi32, #tpu.memory_space<vmem>> -> memref<128xi32, #tpu.memory_space<vmem>>
    %dma_start3A_2117 = arith.constant 0 : i32
    %dma_start3A_2118 = arith.constant 0 : i32
    %dma_start3A_2119 = tpu.memref_slice %arg4[%dma_start3A_2117, %dma_start3A_2118] : memref<100000x128xf32, #tpu.memory_space<hbm>> -> memref<100000x128xf32, #tpu.memory_space<hbm>>
    tpu.enqueue_indirect_dma source(%dma_start3A_2119 : memref<100000x128xf32, #tpu.memory_space<hbm>>) target(%arg10 : memref<128x128xf32, #tpu.memory_space<vmem>>) offsets(%dma_start3A_2116 : memref<128xi32, #tpu.memory_space<vmem>>) semaphore(%arg14 : memref<!tpu.dma_semaphore, #tpu.memory_space<semaphore_mem>>)
    %dma_wait3A_2120 = arith.constant 0 : i32
    %dma_wait3A_2121 = tpu.memref_slice %arg6[%add3A_2056, %dma_wait3A_2120] : memref<204800x128xf32, #tpu.memory_space<hbm>> -> memref<128x128xf32, #tpu.memory_space<hbm>>
    %dma_wait3A_2122 = arith.constant 0 : i32
    %dma_wait3A_2123 = tpu.memref_slice %arg13[%add3A_2054, %dma_wait3A_2122] : memref<6144x128xf32, #tpu.memory_space<vmem_shared>> -> memref<128x128xf32, #tpu.memory_space<vmem_shared>>
    tpu.wait_dma2 semaphore(%arg25 : memref<!tpu.dma_semaphore, #tpu.memory_space<semaphore_mem>>) src(%dma_wait3A_2123 : memref<128x128xf32, #tpu.memory_space<vmem_shared>>) dst(%dma_wait3A_2121 : memref<128x128xf32, #tpu.memory_space<hbm>>)
    %add3A_2124 = arith.constant 143360 : i32
    %add3A_2125 = arith.addi %add3A_2124, %mul3A_2 : i32
    %add3A_2126 = arith.constant 256 : i32
    %add3A_2127 = arith.addi %mul3A_4, %add3A_2126 : i32
    %dma_start3A_2128 = arith.constant 0 : i32
    %dma_start3A_2129 = tpu.memref_slice %arg13[%add3A_2127, %dma_start3A_2128] : memref<6144x128xf32, #tpu.memory_space<vmem_shared>> -> memref<128x128xf32, #tpu.memory_space<vmem_shared>>
    %dma_start3A_2130 = arith.constant 0 : i32
    %dma_start3A_2131 = tpu.memref_slice %arg2[%add3A_2125, %dma_start3A_2130] : memref<204800x128xf32, #tpu.memory_space<hbm>> -> memref<128x128xf32, #tpu.memory_space<hbm>>
    tpu.enqueue_dma source(%dma_start3A_2131 : memref<128x128xf32, #tpu.memory_space<hbm>>) target(%dma_start3A_2129 : memref<128x128xf32, #tpu.memory_space<vmem_shared>>) target_semaphore(%arg19 : memref<!tpu.dma_semaphore, #tpu.memory_space<semaphore_mem>>)
    %dma_wait3A_2132 = arith.constant 35 : i32
    %dma_wait3A_2133 = arith.constant 0 : i32
    %dma_wait3A_2134 = tpu.memref_slice %arg7[%dma_wait3A_2132, %dma_wait3A_2133] : memref<50x128xi32, #tpu.memory_space<vmem>> -> memref<1x128xi32, #tpu.memory_space<vmem>>
    %dma_wait3A_2135 = tpu.memref_squeeze %dma_wait3A_2134 : memref<1x128xi32, #tpu.memory_space<vmem>> -> memref<128xi32, #tpu.memory_space<vmem>>
    %dma_wait3A_2136 = arith.constant 0 : i32
    %dma_wait3A_2137 = arith.constant 0 : i32
    %dma_wait3A_2138 = tpu.memref_slice %arg4[%dma_wait3A_2136, %dma_wait3A_2137] : memref<100000x128xf32, #tpu.memory_space<hbm>> -> memref<100000x128xf32, #tpu.memory_space<hbm>>
    tpu.wait_indirect_dma semaphore(%arg16 : memref<!tpu.dma_semaphore, #tpu.memory_space<semaphore_mem>>) src(%dma_wait3A_2138 : memref<100000x128xf32, #tpu.memory_space<hbm>>) dst(%arg12 : memref<128x128xf32, #tpu.memory_space<vmem>>)
    %dma_wait3A_2139 = arith.constant 0 : i32
    %dma_wait3A_2140 = tpu.memref_slice %arg13[%add3A_2127, %dma_wait3A_2139] : memref<6144x128xf32, #tpu.memory_space<vmem_shared>> -> memref<128x128xf32, #tpu.memory_space<vmem_shared>>
    %dma_wait3A_2141 = arith.constant 0 : i32
    %dma_wait3A_2142 = tpu.memref_slice %arg2[%add3A_2125, %dma_wait3A_2141] : memref<204800x128xf32, #tpu.memory_space<hbm>> -> memref<128x128xf32, #tpu.memory_space<hbm>>
    tpu.wait_dma2 semaphore(%arg19 : memref<!tpu.dma_semaphore, #tpu.memory_space<semaphore_mem>>) src(%dma_wait3A_2142 : memref<128x128xf32, #tpu.memory_space<hbm>>) dst(%dma_wait3A_2140 : memref<128x128xf32, #tpu.memory_space<vmem_shared>>)
    %dma_start3A_2143 = arith.constant 2 : i32
    %dma_start3A_2144 = arith.constant 0 : i32
    %dma_start3A_2145 = tpu.memref_slice %arg9[%dma_start3A_2143, %dma_start3A_2144] : memref<3x128xi32, #tpu.memory_space<vmem>> -> memref<1x128xi32, #tpu.memory_space<vmem>>
    %dma_start3A_2146 = tpu.memref_squeeze %dma_start3A_2145 : memref<1x128xi32, #tpu.memory_space<vmem>> -> memref<128xi32, #tpu.memory_space<vmem>>
    %dma_start3A_2147 = arith.constant 0 : i32
    %dma_start3A_2148 = arith.constant 0 : i32
    %dma_start3A_2149 = tpu.memref_slice %arg13[%dma_start3A_2147, %dma_start3A_2148] : memref<6144x128xf32, #tpu.memory_space<vmem_shared>> -> memref<6144x128xf32, #tpu.memory_space<vmem_shared>>
    tpu.enqueue_indirect_dma source(%arg12 : memref<128x128xf32, #tpu.memory_space<vmem>>) target(%dma_start3A_2149 : memref<6144x128xf32, #tpu.memory_space<vmem_shared>>) offsets(%dma_start3A_2146 : memref<128xi32, #tpu.memory_space<vmem>>) semaphore(%arg22 : memref<!tpu.dma_semaphore, #tpu.memory_space<semaphore_mem>>) {add = true}
    %dma_wait3A_2150 = arith.constant 1 : i32
    %dma_wait3A_2151 = arith.constant 0 : i32
    %dma_wait3A_2152 = tpu.memref_slice %arg9[%dma_wait3A_2150, %dma_wait3A_2151] : memref<3x128xi32, #tpu.memory_space<vmem>> -> memref<1x128xi32, #tpu.memory_space<vmem>>
    %dma_wait3A_2153 = tpu.memref_squeeze %dma_wait3A_2152 : memref<1x128xi32, #tpu.memory_space<vmem>> -> memref<128xi32, #tpu.memory_space<vmem>>
    %dma_wait3A_2154 = arith.constant 0 : i32
    %dma_wait3A_2155 = arith.constant 0 : i32
    %dma_wait3A_2156 = tpu.memref_slice %arg13[%dma_wait3A_2154, %dma_wait3A_2155] : memref<6144x128xf32, #tpu.memory_space<vmem_shared>> -> memref<6144x128xf32, #tpu.memory_space<vmem_shared>>
    tpu.wait_indirect_dma semaphore(%arg21 : memref<!tpu.dma_semaphore, #tpu.memory_space<semaphore_mem>>) src(%arg11 : memref<128x128xf32, #tpu.memory_space<vmem>>) dst(%dma_wait3A_2156 : memref<6144x128xf32, #tpu.memory_space<vmem_shared>>)
    %add3A_2157 = arith.constant 128 : i32
    %add3A_2158 = arith.addi %mul3A_4, %add3A_2157 : i32
    %add3A_2159 = arith.constant 139264 : i32
    %add3A_2160 = arith.addi %add3A_2159, %mul3A_2 : i32
    %dma_start3A_2161 = arith.constant 0 : i32
    %dma_start3A_2162 = tpu.memref_slice %arg6[%add3A_2160, %dma_start3A_2161] : memref<204800x128xf32, #tpu.memory_space<hbm>> -> memref<128x128xf32, #tpu.memory_space<hbm>>
    %dma_start3A_2163 = arith.constant 0 : i32
    %dma_start3A_2164 = tpu.memref_slice %arg13[%add3A_2158, %dma_start3A_2163] : memref<6144x128xf32, #tpu.memory_space<vmem_shared>> -> memref<128x128xf32, #tpu.memory_space<vmem_shared>>
    tpu.enqueue_dma source(%dma_start3A_2164 : memref<128x128xf32, #tpu.memory_space<vmem_shared>>) target(%dma_start3A_2162 : memref<128x128xf32, #tpu.memory_space<hbm>>) target_semaphore(%arg24 : memref<!tpu.dma_semaphore, #tpu.memory_space<semaphore_mem>>)
    %dma_start3A_2165 = arith.constant 37 : i32
    %dma_start3A_2166 = arith.constant 0 : i32
    %dma_start3A_2167 = tpu.memref_slice %arg7[%dma_start3A_2165, %dma_start3A_2166] : memref<50x128xi32, #tpu.memory_space<vmem>> -> memref<1x128xi32, #tpu.memory_space<vmem>>
    %dma_start3A_2168 = tpu.memref_squeeze %dma_start3A_2167 : memref<1x128xi32, #tpu.memory_space<vmem>> -> memref<128xi32, #tpu.memory_space<vmem>>
    %dma_start3A_2169 = arith.constant 0 : i32
    %dma_start3A_2170 = arith.constant 0 : i32
    %dma_start3A_2171 = tpu.memref_slice %arg4[%dma_start3A_2169, %dma_start3A_2170] : memref<100000x128xf32, #tpu.memory_space<hbm>> -> memref<100000x128xf32, #tpu.memory_space<hbm>>
    tpu.enqueue_indirect_dma source(%dma_start3A_2171 : memref<100000x128xf32, #tpu.memory_space<hbm>>) target(%arg11 : memref<128x128xf32, #tpu.memory_space<vmem>>) offsets(%dma_start3A_2168 : memref<128xi32, #tpu.memory_space<vmem>>) semaphore(%arg15 : memref<!tpu.dma_semaphore, #tpu.memory_space<semaphore_mem>>)
    %dma_wait3A_2172 = arith.constant 0 : i32
    %dma_wait3A_2173 = tpu.memref_slice %arg6[%add3A_2108, %dma_wait3A_2172] : memref<204800x128xf32, #tpu.memory_space<hbm>> -> memref<128x128xf32, #tpu.memory_space<hbm>>
    %dma_wait3A_2174 = arith.constant 0 : i32
    %dma_wait3A_2175 = tpu.memref_slice %arg13[%add3A_2106, %dma_wait3A_2174] : memref<6144x128xf32, #tpu.memory_space<vmem_shared>> -> memref<128x128xf32, #tpu.memory_space<vmem_shared>>
    tpu.wait_dma2 semaphore(%arg23 : memref<!tpu.dma_semaphore, #tpu.memory_space<semaphore_mem>>) src(%dma_wait3A_2175 : memref<128x128xf32, #tpu.memory_space<vmem_shared>>) dst(%dma_wait3A_2173 : memref<128x128xf32, #tpu.memory_space<hbm>>)
    %add3A_2176 = arith.constant 147456 : i32
    %add3A_2177 = arith.addi %add3A_2176, %mul3A_2 : i32
    %add3A_2178 = arith.constant 0 : i32
    %add3A_2179 = arith.addi %mul3A_4, %add3A_2178 : i32
    %dma_start3A_2180 = arith.constant 0 : i32
    %dma_start3A_2181 = tpu.memref_slice %arg13[%add3A_2179, %dma_start3A_2180] : memref<6144x128xf32, #tpu.memory_space<vmem_shared>> -> memref<128x128xf32, #tpu.memory_space<vmem_shared>>
    %dma_start3A_2182 = arith.constant 0 : i32
    %dma_start3A_2183 = tpu.memref_slice %arg2[%add3A_2177, %dma_start3A_2182] : memref<204800x128xf32, #tpu.memory_space<hbm>> -> memref<128x128xf32, #tpu.memory_space<hbm>>
    tpu.enqueue_dma source(%dma_start3A_2183 : memref<128x128xf32, #tpu.memory_space<hbm>>) target(%dma_start3A_2181 : memref<128x128xf32, #tpu.memory_space<vmem_shared>>) target_semaphore(%arg17 : memref<!tpu.dma_semaphore, #tpu.memory_space<semaphore_mem>>)
    %dma_wait3A_2184 = arith.constant 36 : i32
    %dma_wait3A_2185 = arith.constant 0 : i32
    %dma_wait3A_2186 = tpu.memref_slice %arg7[%dma_wait3A_2184, %dma_wait3A_2185] : memref<50x128xi32, #tpu.memory_space<vmem>> -> memref<1x128xi32, #tpu.memory_space<vmem>>
    %dma_wait3A_2187 = tpu.memref_squeeze %dma_wait3A_2186 : memref<1x128xi32, #tpu.memory_space<vmem>> -> memref<128xi32, #tpu.memory_space<vmem>>
    %dma_wait3A_2188 = arith.constant 0 : i32
    %dma_wait3A_2189 = arith.constant 0 : i32
    %dma_wait3A_2190 = tpu.memref_slice %arg4[%dma_wait3A_2188, %dma_wait3A_2189] : memref<100000x128xf32, #tpu.memory_space<hbm>> -> memref<100000x128xf32, #tpu.memory_space<hbm>>
    tpu.wait_indirect_dma semaphore(%arg14 : memref<!tpu.dma_semaphore, #tpu.memory_space<semaphore_mem>>) src(%dma_wait3A_2190 : memref<100000x128xf32, #tpu.memory_space<hbm>>) dst(%arg10 : memref<128x128xf32, #tpu.memory_space<vmem>>)
    %dma_wait3A_2191 = arith.constant 0 : i32
    %dma_wait3A_2192 = tpu.memref_slice %arg13[%add3A_2179, %dma_wait3A_2191] : memref<6144x128xf32, #tpu.memory_space<vmem_shared>> -> memref<128x128xf32, #tpu.memory_space<vmem_shared>>
    %dma_wait3A_2193 = arith.constant 0 : i32
    %dma_wait3A_2194 = tpu.memref_slice %arg2[%add3A_2177, %dma_wait3A_2193] : memref<204800x128xf32, #tpu.memory_space<hbm>> -> memref<128x128xf32, #tpu.memory_space<hbm>>
    tpu.wait_dma2 semaphore(%arg17 : memref<!tpu.dma_semaphore, #tpu.memory_space<semaphore_mem>>) src(%dma_wait3A_2194 : memref<128x128xf32, #tpu.memory_space<hbm>>) dst(%dma_wait3A_2192 : memref<128x128xf32, #tpu.memory_space<vmem_shared>>)
    %dma_start3A_2195 = arith.constant 0 : i32
    %dma_start3A_2196 = arith.constant 0 : i32
    %dma_start3A_2197 = tpu.memref_slice %arg9[%dma_start3A_2195, %dma_start3A_2196] : memref<3x128xi32, #tpu.memory_space<vmem>> -> memref<1x128xi32, #tpu.memory_space<vmem>>
    %dma_start3A_2198 = tpu.memref_squeeze %dma_start3A_2197 : memref<1x128xi32, #tpu.memory_space<vmem>> -> memref<128xi32, #tpu.memory_space<vmem>>
    %dma_start3A_2199 = arith.constant 0 : i32
    %dma_start3A_2200 = arith.constant 0 : i32
    %dma_start3A_2201 = tpu.memref_slice %arg13[%dma_start3A_2199, %dma_start3A_2200] : memref<6144x128xf32, #tpu.memory_space<vmem_shared>> -> memref<6144x128xf32, #tpu.memory_space<vmem_shared>>
    tpu.enqueue_indirect_dma source(%arg10 : memref<128x128xf32, #tpu.memory_space<vmem>>) target(%dma_start3A_2201 : memref<6144x128xf32, #tpu.memory_space<vmem_shared>>) offsets(%dma_start3A_2198 : memref<128xi32, #tpu.memory_space<vmem>>) semaphore(%arg20 : memref<!tpu.dma_semaphore, #tpu.memory_space<semaphore_mem>>) {add = true}
    %dma_wait3A_2202 = arith.constant 2 : i32
    %dma_wait3A_2203 = arith.constant 0 : i32
    %dma_wait3A_2204 = tpu.memref_slice %arg9[%dma_wait3A_2202, %dma_wait3A_2203] : memref<3x128xi32, #tpu.memory_space<vmem>> -> memref<1x128xi32, #tpu.memory_space<vmem>>
    %dma_wait3A_2205 = tpu.memref_squeeze %dma_wait3A_2204 : memref<1x128xi32, #tpu.memory_space<vmem>> -> memref<128xi32, #tpu.memory_space<vmem>>
    %dma_wait3A_2206 = arith.constant 0 : i32
    %dma_wait3A_2207 = arith.constant 0 : i32
    %dma_wait3A_2208 = tpu.memref_slice %arg13[%dma_wait3A_2206, %dma_wait3A_2207] : memref<6144x128xf32, #tpu.memory_space<vmem_shared>> -> memref<6144x128xf32, #tpu.memory_space<vmem_shared>>
    tpu.wait_indirect_dma semaphore(%arg22 : memref<!tpu.dma_semaphore, #tpu.memory_space<semaphore_mem>>) src(%arg12 : memref<128x128xf32, #tpu.memory_space<vmem>>) dst(%dma_wait3A_2208 : memref<6144x128xf32, #tpu.memory_space<vmem_shared>>)
    %add3A_2209 = arith.constant 256 : i32
    %add3A_2210 = arith.addi %mul3A_4, %add3A_2209 : i32
    %add3A_2211 = arith.constant 143360 : i32
    %add3A_2212 = arith.addi %add3A_2211, %mul3A_2 : i32
    %dma_start3A_2213 = arith.constant 0 : i32
    %dma_start3A_2214 = tpu.memref_slice %arg6[%add3A_2212, %dma_start3A_2213] : memref<204800x128xf32, #tpu.memory_space<hbm>> -> memref<128x128xf32, #tpu.memory_space<hbm>>
    %dma_start3A_2215 = arith.constant 0 : i32
    %dma_start3A_2216 = tpu.memref_slice %arg13[%add3A_2210, %dma_start3A_2215] : memref<6144x128xf32, #tpu.memory_space<vmem_shared>> -> memref<128x128xf32, #tpu.memory_space<vmem_shared>>
    tpu.enqueue_dma source(%dma_start3A_2216 : memref<128x128xf32, #tpu.memory_space<vmem_shared>>) target(%dma_start3A_2214 : memref<128x128xf32, #tpu.memory_space<hbm>>) target_semaphore(%arg25 : memref<!tpu.dma_semaphore, #tpu.memory_space<semaphore_mem>>)
    %dma_start3A_2217 = arith.constant 38 : i32
    %dma_start3A_2218 = arith.constant 0 : i32
    %dma_start3A_2219 = tpu.memref_slice %arg7[%dma_start3A_2217, %dma_start3A_2218] : memref<50x128xi32, #tpu.memory_space<vmem>> -> memref<1x128xi32, #tpu.memory_space<vmem>>
    %dma_start3A_2220 = tpu.memref_squeeze %dma_start3A_2219 : memref<1x128xi32, #tpu.memory_space<vmem>> -> memref<128xi32, #tpu.memory_space<vmem>>
    %dma_start3A_2221 = arith.constant 0 : i32
    %dma_start3A_2222 = arith.constant 0 : i32
    %dma_start3A_2223 = tpu.memref_slice %arg4[%dma_start3A_2221, %dma_start3A_2222] : memref<100000x128xf32, #tpu.memory_space<hbm>> -> memref<100000x128xf32, #tpu.memory_space<hbm>>
    tpu.enqueue_indirect_dma source(%dma_start3A_2223 : memref<100000x128xf32, #tpu.memory_space<hbm>>) target(%arg12 : memref<128x128xf32, #tpu.memory_space<vmem>>) offsets(%dma_start3A_2220 : memref<128xi32, #tpu.memory_space<vmem>>) semaphore(%arg16 : memref<!tpu.dma_semaphore, #tpu.memory_space<semaphore_mem>>)
    %dma_wait3A_2224 = arith.constant 0 : i32
    %dma_wait3A_2225 = tpu.memref_slice %arg6[%add3A_2160, %dma_wait3A_2224] : memref<204800x128xf32, #tpu.memory_space<hbm>> -> memref<128x128xf32, #tpu.memory_space<hbm>>
    %dma_wait3A_2226 = arith.constant 0 : i32
    %dma_wait3A_2227 = tpu.memref_slice %arg13[%add3A_2158, %dma_wait3A_2226] : memref<6144x128xf32, #tpu.memory_space<vmem_shared>> -> memref<128x128xf32, #tpu.memory_space<vmem_shared>>
    tpu.wait_dma2 semaphore(%arg24 : memref<!tpu.dma_semaphore, #tpu.memory_space<semaphore_mem>>) src(%dma_wait3A_2227 : memref<128x128xf32, #tpu.memory_space<vmem_shared>>) dst(%dma_wait3A_2225 : memref<128x128xf32, #tpu.memory_space<hbm>>)
    %add3A_2228 = arith.constant 151552 : i32
    %add3A_2229 = arith.addi %add3A_2228, %mul3A_2 : i32
    %add3A_2230 = arith.constant 128 : i32
    %add3A_2231 = arith.addi %mul3A_4, %add3A_2230 : i32
    %dma_start3A_2232 = arith.constant 0 : i32
    %dma_start3A_2233 = tpu.memref_slice %arg13[%add3A_2231, %dma_start3A_2232] : memref<6144x128xf32, #tpu.memory_space<vmem_shared>> -> memref<128x128xf32, #tpu.memory_space<vmem_shared>>
    %dma_start3A_2234 = arith.constant 0 : i32
    %dma_start3A_2235 = tpu.memref_slice %arg2[%add3A_2229, %dma_start3A_2234] : memref<204800x128xf32, #tpu.memory_space<hbm>> -> memref<128x128xf32, #tpu.memory_space<hbm>>
    tpu.enqueue_dma source(%dma_start3A_2235 : memref<128x128xf32, #tpu.memory_space<hbm>>) target(%dma_start3A_2233 : memref<128x128xf32, #tpu.memory_space<vmem_shared>>) target_semaphore(%arg18 : memref<!tpu.dma_semaphore, #tpu.memory_space<semaphore_mem>>)
    %dma_wait3A_2236 = arith.constant 37 : i32
    %dma_wait3A_2237 = arith.constant 0 : i32
    %dma_wait3A_2238 = tpu.memref_slice %arg7[%dma_wait3A_2236, %dma_wait3A_2237] : memref<50x128xi32, #tpu.memory_space<vmem>> -> memref<1x128xi32, #tpu.memory_space<vmem>>
    %dma_wait3A_2239 = tpu.memref_squeeze %dma_wait3A_2238 : memref<1x128xi32, #tpu.memory_space<vmem>> -> memref<128xi32, #tpu.memory_space<vmem>>
    %dma_wait3A_2240 = arith.constant 0 : i32
    %dma_wait3A_2241 = arith.constant 0 : i32
    %dma_wait3A_2242 = tpu.memref_slice %arg4[%dma_wait3A_2240, %dma_wait3A_2241] : memref<100000x128xf32, #tpu.memory_space<hbm>> -> memref<100000x128xf32, #tpu.memory_space<hbm>>
    tpu.wait_indirect_dma semaphore(%arg15 : memref<!tpu.dma_semaphore, #tpu.memory_space<semaphore_mem>>) src(%dma_wait3A_2242 : memref<100000x128xf32, #tpu.memory_space<hbm>>) dst(%arg11 : memref<128x128xf32, #tpu.memory_space<vmem>>)
    %dma_wait3A_2243 = arith.constant 0 : i32
    %dma_wait3A_2244 = tpu.memref_slice %arg13[%add3A_2231, %dma_wait3A_2243] : memref<6144x128xf32, #tpu.memory_space<vmem_shared>> -> memref<128x128xf32, #tpu.memory_space<vmem_shared>>
    %dma_wait3A_2245 = arith.constant 0 : i32
    %dma_wait3A_2246 = tpu.memref_slice %arg2[%add3A_2229, %dma_wait3A_2245] : memref<204800x128xf32, #tpu.memory_space<hbm>> -> memref<128x128xf32, #tpu.memory_space<hbm>>
    tpu.wait_dma2 semaphore(%arg18 : memref<!tpu.dma_semaphore, #tpu.memory_space<semaphore_mem>>) src(%dma_wait3A_2246 : memref<128x128xf32, #tpu.memory_space<hbm>>) dst(%dma_wait3A_2244 : memref<128x128xf32, #tpu.memory_space<vmem_shared>>)
    %dma_start3A_2247 = arith.constant 1 : i32
    %dma_start3A_2248 = arith.constant 0 : i32
    %dma_start3A_2249 = tpu.memref_slice %arg9[%dma_start3A_2247, %dma_start3A_2248] : memref<3x128xi32, #tpu.memory_space<vmem>> -> memref<1x128xi32, #tpu.memory_space<vmem>>
    %dma_start3A_2250 = tpu.memref_squeeze %dma_start3A_2249 : memref<1x128xi32, #tpu.memory_space<vmem>> -> memref<128xi32, #tpu.memory_space<vmem>>
    %dma_start3A_2251 = arith.constant 0 : i32
    %dma_start3A_2252 = arith.constant 0 : i32
    %dma_start3A_2253 = tpu.memref_slice %arg13[%dma_start3A_2251, %dma_start3A_2252] : memref<6144x128xf32, #tpu.memory_space<vmem_shared>> -> memref<6144x128xf32, #tpu.memory_space<vmem_shared>>
    tpu.enqueue_indirect_dma source(%arg11 : memref<128x128xf32, #tpu.memory_space<vmem>>) target(%dma_start3A_2253 : memref<6144x128xf32, #tpu.memory_space<vmem_shared>>) offsets(%dma_start3A_2250 : memref<128xi32, #tpu.memory_space<vmem>>) semaphore(%arg21 : memref<!tpu.dma_semaphore, #tpu.memory_space<semaphore_mem>>) {add = true}
    %dma_wait3A_2254 = arith.constant 0 : i32
    %dma_wait3A_2255 = arith.constant 0 : i32
    %dma_wait3A_2256 = tpu.memref_slice %arg9[%dma_wait3A_2254, %dma_wait3A_2255] : memref<3x128xi32, #tpu.memory_space<vmem>> -> memref<1x128xi32, #tpu.memory_space<vmem>>
    %dma_wait3A_2257 = tpu.memref_squeeze %dma_wait3A_2256 : memref<1x128xi32, #tpu.memory_space<vmem>> -> memref<128xi32, #tpu.memory_space<vmem>>
    %dma_wait3A_2258 = arith.constant 0 : i32
    %dma_wait3A_2259 = arith.constant 0 : i32
    %dma_wait3A_2260 = tpu.memref_slice %arg13[%dma_wait3A_2258, %dma_wait3A_2259] : memref<6144x128xf32, #tpu.memory_space<vmem_shared>> -> memref<6144x128xf32, #tpu.memory_space<vmem_shared>>
    tpu.wait_indirect_dma semaphore(%arg20 : memref<!tpu.dma_semaphore, #tpu.memory_space<semaphore_mem>>) src(%arg10 : memref<128x128xf32, #tpu.memory_space<vmem>>) dst(%dma_wait3A_2260 : memref<6144x128xf32, #tpu.memory_space<vmem_shared>>)
    %add3A_2261 = arith.constant 0 : i32
    %add3A_2262 = arith.addi %mul3A_4, %add3A_2261 : i32
    %add3A_2263 = arith.constant 147456 : i32
    %add3A_2264 = arith.addi %add3A_2263, %mul3A_2 : i32
    %dma_start3A_2265 = arith.constant 0 : i32
    %dma_start3A_2266 = tpu.memref_slice %arg6[%add3A_2264, %dma_start3A_2265] : memref<204800x128xf32, #tpu.memory_space<hbm>> -> memref<128x128xf32, #tpu.memory_space<hbm>>
    %dma_start3A_2267 = arith.constant 0 : i32
    %dma_start3A_2268 = tpu.memref_slice %arg13[%add3A_2262, %dma_start3A_2267] : memref<6144x128xf32, #tpu.memory_space<vmem_shared>> -> memref<128x128xf32, #tpu.memory_space<vmem_shared>>
    tpu.enqueue_dma source(%dma_start3A_2268 : memref<128x128xf32, #tpu.memory_space<vmem_shared>>) target(%dma_start3A_2266 : memref<128x128xf32, #tpu.memory_space<hbm>>) target_semaphore(%arg23 : memref<!tpu.dma_semaphore, #tpu.memory_space<semaphore_mem>>)
    %dma_start3A_2269 = arith.constant 39 : i32
    %dma_start3A_2270 = arith.constant 0 : i32
    %dma_start3A_2271 = tpu.memref_slice %arg7[%dma_start3A_2269, %dma_start3A_2270] : memref<50x128xi32, #tpu.memory_space<vmem>> -> memref<1x128xi32, #tpu.memory_space<vmem>>
    %dma_start3A_2272 = tpu.memref_squeeze %dma_start3A_2271 : memref<1x128xi32, #tpu.memory_space<vmem>> -> memref<128xi32, #tpu.memory_space<vmem>>
    %dma_start3A_2273 = arith.constant 0 : i32
    %dma_start3A_2274 = arith.constant 0 : i32
    %dma_start3A_2275 = tpu.memref_slice %arg4[%dma_start3A_2273, %dma_start3A_2274] : memref<100000x128xf32, #tpu.memory_space<hbm>> -> memref<100000x128xf32, #tpu.memory_space<hbm>>
    tpu.enqueue_indirect_dma source(%dma_start3A_2275 : memref<100000x128xf32, #tpu.memory_space<hbm>>) target(%arg10 : memref<128x128xf32, #tpu.memory_space<vmem>>) offsets(%dma_start3A_2272 : memref<128xi32, #tpu.memory_space<vmem>>) semaphore(%arg14 : memref<!tpu.dma_semaphore, #tpu.memory_space<semaphore_mem>>)
    %dma_wait3A_2276 = arith.constant 0 : i32
    %dma_wait3A_2277 = tpu.memref_slice %arg6[%add3A_2212, %dma_wait3A_2276] : memref<204800x128xf32, #tpu.memory_space<hbm>> -> memref<128x128xf32, #tpu.memory_space<hbm>>
    %dma_wait3A_2278 = arith.constant 0 : i32
    %dma_wait3A_2279 = tpu.memref_slice %arg13[%add3A_2210, %dma_wait3A_2278] : memref<6144x128xf32, #tpu.memory_space<vmem_shared>> -> memref<128x128xf32, #tpu.memory_space<vmem_shared>>
    tpu.wait_dma2 semaphore(%arg25 : memref<!tpu.dma_semaphore, #tpu.memory_space<semaphore_mem>>) src(%dma_wait3A_2279 : memref<128x128xf32, #tpu.memory_space<vmem_shared>>) dst(%dma_wait3A_2277 : memref<128x128xf32, #tpu.memory_space<hbm>>)
    %add3A_2280 = arith.constant 155648 : i32
    %add3A_2281 = arith.addi %add3A_2280, %mul3A_2 : i32
    %add3A_2282 = arith.constant 256 : i32
    %add3A_2283 = arith.addi %mul3A_4, %add3A_2282 : i32
    %dma_start3A_2284 = arith.constant 0 : i32
    %dma_start3A_2285 = tpu.memref_slice %arg13[%add3A_2283, %dma_start3A_2284] : memref<6144x128xf32, #tpu.memory_space<vmem_shared>> -> memref<128x128xf32, #tpu.memory_space<vmem_shared>>
    %dma_start3A_2286 = arith.constant 0 : i32
    %dma_start3A_2287 = tpu.memref_slice %arg2[%add3A_2281, %dma_start3A_2286] : memref<204800x128xf32, #tpu.memory_space<hbm>> -> memref<128x128xf32, #tpu.memory_space<hbm>>
    tpu.enqueue_dma source(%dma_start3A_2287 : memref<128x128xf32, #tpu.memory_space<hbm>>) target(%dma_start3A_2285 : memref<128x128xf32, #tpu.memory_space<vmem_shared>>) target_semaphore(%arg19 : memref<!tpu.dma_semaphore, #tpu.memory_space<semaphore_mem>>)
    %dma_wait3A_2288 = arith.constant 38 : i32
    %dma_wait3A_2289 = arith.constant 0 : i32
    %dma_wait3A_2290 = tpu.memref_slice %arg7[%dma_wait3A_2288, %dma_wait3A_2289] : memref<50x128xi32, #tpu.memory_space<vmem>> -> memref<1x128xi32, #tpu.memory_space<vmem>>
    %dma_wait3A_2291 = tpu.memref_squeeze %dma_wait3A_2290 : memref<1x128xi32, #tpu.memory_space<vmem>> -> memref<128xi32, #tpu.memory_space<vmem>>
    %dma_wait3A_2292 = arith.constant 0 : i32
    %dma_wait3A_2293 = arith.constant 0 : i32
    %dma_wait3A_2294 = tpu.memref_slice %arg4[%dma_wait3A_2292, %dma_wait3A_2293] : memref<100000x128xf32, #tpu.memory_space<hbm>> -> memref<100000x128xf32, #tpu.memory_space<hbm>>
    tpu.wait_indirect_dma semaphore(%arg16 : memref<!tpu.dma_semaphore, #tpu.memory_space<semaphore_mem>>) src(%dma_wait3A_2294 : memref<100000x128xf32, #tpu.memory_space<hbm>>) dst(%arg12 : memref<128x128xf32, #tpu.memory_space<vmem>>)
    %dma_wait3A_2295 = arith.constant 0 : i32
    %dma_wait3A_2296 = tpu.memref_slice %arg13[%add3A_2283, %dma_wait3A_2295] : memref<6144x128xf32, #tpu.memory_space<vmem_shared>> -> memref<128x128xf32, #tpu.memory_space<vmem_shared>>
    %dma_wait3A_2297 = arith.constant 0 : i32
    %dma_wait3A_2298 = tpu.memref_slice %arg2[%add3A_2281, %dma_wait3A_2297] : memref<204800x128xf32, #tpu.memory_space<hbm>> -> memref<128x128xf32, #tpu.memory_space<hbm>>
    tpu.wait_dma2 semaphore(%arg19 : memref<!tpu.dma_semaphore, #tpu.memory_space<semaphore_mem>>) src(%dma_wait3A_2298 : memref<128x128xf32, #tpu.memory_space<hbm>>) dst(%dma_wait3A_2296 : memref<128x128xf32, #tpu.memory_space<vmem_shared>>)
    %dma_start3A_2299 = arith.constant 2 : i32
    %dma_start3A_2300 = arith.constant 0 : i32
    %dma_start3A_2301 = tpu.memref_slice %arg9[%dma_start3A_2299, %dma_start3A_2300] : memref<3x128xi32, #tpu.memory_space<vmem>> -> memref<1x128xi32, #tpu.memory_space<vmem>>
    %dma_start3A_2302 = tpu.memref_squeeze %dma_start3A_2301 : memref<1x128xi32, #tpu.memory_space<vmem>> -> memref<128xi32, #tpu.memory_space<vmem>>
    %dma_start3A_2303 = arith.constant 0 : i32
    %dma_start3A_2304 = arith.constant 0 : i32
    %dma_start3A_2305 = tpu.memref_slice %arg13[%dma_start3A_2303, %dma_start3A_2304] : memref<6144x128xf32, #tpu.memory_space<vmem_shared>> -> memref<6144x128xf32, #tpu.memory_space<vmem_shared>>
    tpu.enqueue_indirect_dma source(%arg12 : memref<128x128xf32, #tpu.memory_space<vmem>>) target(%dma_start3A_2305 : memref<6144x128xf32, #tpu.memory_space<vmem_shared>>) offsets(%dma_start3A_2302 : memref<128xi32, #tpu.memory_space<vmem>>) semaphore(%arg22 : memref<!tpu.dma_semaphore, #tpu.memory_space<semaphore_mem>>) {add = true}
    %dma_wait3A_2306 = arith.constant 1 : i32
    %dma_wait3A_2307 = arith.constant 0 : i32
    %dma_wait3A_2308 = tpu.memref_slice %arg9[%dma_wait3A_2306, %dma_wait3A_2307] : memref<3x128xi32, #tpu.memory_space<vmem>> -> memref<1x128xi32, #tpu.memory_space<vmem>>
    %dma_wait3A_2309 = tpu.memref_squeeze %dma_wait3A_2308 : memref<1x128xi32, #tpu.memory_space<vmem>> -> memref<128xi32, #tpu.memory_space<vmem>>
    %dma_wait3A_2310 = arith.constant 0 : i32
    %dma_wait3A_2311 = arith.constant 0 : i32
    %dma_wait3A_2312 = tpu.memref_slice %arg13[%dma_wait3A_2310, %dma_wait3A_2311] : memref<6144x128xf32, #tpu.memory_space<vmem_shared>> -> memref<6144x128xf32, #tpu.memory_space<vmem_shared>>
    tpu.wait_indirect_dma semaphore(%arg21 : memref<!tpu.dma_semaphore, #tpu.memory_space<semaphore_mem>>) src(%arg11 : memref<128x128xf32, #tpu.memory_space<vmem>>) dst(%dma_wait3A_2312 : memref<6144x128xf32, #tpu.memory_space<vmem_shared>>)
    %add3A_2313 = arith.constant 128 : i32
    %add3A_2314 = arith.addi %mul3A_4, %add3A_2313 : i32
    %add3A_2315 = arith.constant 151552 : i32
    %add3A_2316 = arith.addi %add3A_2315, %mul3A_2 : i32
    %dma_start3A_2317 = arith.constant 0 : i32
    %dma_start3A_2318 = tpu.memref_slice %arg6[%add3A_2316, %dma_start3A_2317] : memref<204800x128xf32, #tpu.memory_space<hbm>> -> memref<128x128xf32, #tpu.memory_space<hbm>>
    %dma_start3A_2319 = arith.constant 0 : i32
    %dma_start3A_2320 = tpu.memref_slice %arg13[%add3A_2314, %dma_start3A_2319] : memref<6144x128xf32, #tpu.memory_space<vmem_shared>> -> memref<128x128xf32, #tpu.memory_space<vmem_shared>>
    tpu.enqueue_dma source(%dma_start3A_2320 : memref<128x128xf32, #tpu.memory_space<vmem_shared>>) target(%dma_start3A_2318 : memref<128x128xf32, #tpu.memory_space<hbm>>) target_semaphore(%arg24 : memref<!tpu.dma_semaphore, #tpu.memory_space<semaphore_mem>>)
    %dma_start3A_2321 = arith.constant 40 : i32
    %dma_start3A_2322 = arith.constant 0 : i32
    %dma_start3A_2323 = tpu.memref_slice %arg7[%dma_start3A_2321, %dma_start3A_2322] : memref<50x128xi32, #tpu.memory_space<vmem>> -> memref<1x128xi32, #tpu.memory_space<vmem>>
    %dma_start3A_2324 = tpu.memref_squeeze %dma_start3A_2323 : memref<1x128xi32, #tpu.memory_space<vmem>> -> memref<128xi32, #tpu.memory_space<vmem>>
    %dma_start3A_2325 = arith.constant 0 : i32
    %dma_start3A_2326 = arith.constant 0 : i32
    %dma_start3A_2327 = tpu.memref_slice %arg4[%dma_start3A_2325, %dma_start3A_2326] : memref<100000x128xf32, #tpu.memory_space<hbm>> -> memref<100000x128xf32, #tpu.memory_space<hbm>>
    tpu.enqueue_indirect_dma source(%dma_start3A_2327 : memref<100000x128xf32, #tpu.memory_space<hbm>>) target(%arg11 : memref<128x128xf32, #tpu.memory_space<vmem>>) offsets(%dma_start3A_2324 : memref<128xi32, #tpu.memory_space<vmem>>) semaphore(%arg15 : memref<!tpu.dma_semaphore, #tpu.memory_space<semaphore_mem>>)
    %dma_wait3A_2328 = arith.constant 0 : i32
    %dma_wait3A_2329 = tpu.memref_slice %arg6[%add3A_2264, %dma_wait3A_2328] : memref<204800x128xf32, #tpu.memory_space<hbm>> -> memref<128x128xf32, #tpu.memory_space<hbm>>
    %dma_wait3A_2330 = arith.constant 0 : i32
    %dma_wait3A_2331 = tpu.memref_slice %arg13[%add3A_2262, %dma_wait3A_2330] : memref<6144x128xf32, #tpu.memory_space<vmem_shared>> -> memref<128x128xf32, #tpu.memory_space<vmem_shared>>
    tpu.wait_dma2 semaphore(%arg23 : memref<!tpu.dma_semaphore, #tpu.memory_space<semaphore_mem>>) src(%dma_wait3A_2331 : memref<128x128xf32, #tpu.memory_space<vmem_shared>>) dst(%dma_wait3A_2329 : memref<128x128xf32, #tpu.memory_space<hbm>>)
    %add3A_2332 = arith.constant 159744 : i32
    %add3A_2333 = arith.addi %add3A_2332, %mul3A_2 : i32
    %add3A_2334 = arith.constant 0 : i32
    %add3A_2335 = arith.addi %mul3A_4, %add3A_2334 : i32
    %dma_start3A_2336 = arith.constant 0 : i32
    %dma_start3A_2337 = tpu.memref_slice %arg13[%add3A_2335, %dma_start3A_2336] : memref<6144x128xf32, #tpu.memory_space<vmem_shared>> -> memref<128x128xf32, #tpu.memory_space<vmem_shared>>
    %dma_start3A_2338 = arith.constant 0 : i32
    %dma_start3A_2339 = tpu.memref_slice %arg2[%add3A_2333, %dma_start3A_2338] : memref<204800x128xf32, #tpu.memory_space<hbm>> -> memref<128x128xf32, #tpu.memory_space<hbm>>
    tpu.enqueue_dma source(%dma_start3A_2339 : memref<128x128xf32, #tpu.memory_space<hbm>>) target(%dma_start3A_2337 : memref<128x128xf32, #tpu.memory_space<vmem_shared>>) target_semaphore(%arg17 : memref<!tpu.dma_semaphore, #tpu.memory_space<semaphore_mem>>)
    %dma_wait3A_2340 = arith.constant 39 : i32
    %dma_wait3A_2341 = arith.constant 0 : i32
    %dma_wait3A_2342 = tpu.memref_slice %arg7[%dma_wait3A_2340, %dma_wait3A_2341] : memref<50x128xi32, #tpu.memory_space<vmem>> -> memref<1x128xi32, #tpu.memory_space<vmem>>
    %dma_wait3A_2343 = tpu.memref_squeeze %dma_wait3A_2342 : memref<1x128xi32, #tpu.memory_space<vmem>> -> memref<128xi32, #tpu.memory_space<vmem>>
    %dma_wait3A_2344 = arith.constant 0 : i32
    %dma_wait3A_2345 = arith.constant 0 : i32
    %dma_wait3A_2346 = tpu.memref_slice %arg4[%dma_wait3A_2344, %dma_wait3A_2345] : memref<100000x128xf32, #tpu.memory_space<hbm>> -> memref<100000x128xf32, #tpu.memory_space<hbm>>
    tpu.wait_indirect_dma semaphore(%arg14 : memref<!tpu.dma_semaphore, #tpu.memory_space<semaphore_mem>>) src(%dma_wait3A_2346 : memref<100000x128xf32, #tpu.memory_space<hbm>>) dst(%arg10 : memref<128x128xf32, #tpu.memory_space<vmem>>)
    %dma_wait3A_2347 = arith.constant 0 : i32
    %dma_wait3A_2348 = tpu.memref_slice %arg13[%add3A_2335, %dma_wait3A_2347] : memref<6144x128xf32, #tpu.memory_space<vmem_shared>> -> memref<128x128xf32, #tpu.memory_space<vmem_shared>>
    %dma_wait3A_2349 = arith.constant 0 : i32
    %dma_wait3A_2350 = tpu.memref_slice %arg2[%add3A_2333, %dma_wait3A_2349] : memref<204800x128xf32, #tpu.memory_space<hbm>> -> memref<128x128xf32, #tpu.memory_space<hbm>>
    tpu.wait_dma2 semaphore(%arg17 : memref<!tpu.dma_semaphore, #tpu.memory_space<semaphore_mem>>) src(%dma_wait3A_2350 : memref<128x128xf32, #tpu.memory_space<hbm>>) dst(%dma_wait3A_2348 : memref<128x128xf32, #tpu.memory_space<vmem_shared>>)
    %dma_start3A_2351 = arith.constant 0 : i32
    %dma_start3A_2352 = arith.constant 0 : i32
    %dma_start3A_2353 = tpu.memref_slice %arg9[%dma_start3A_2351, %dma_start3A_2352] : memref<3x128xi32, #tpu.memory_space<vmem>> -> memref<1x128xi32, #tpu.memory_space<vmem>>
    %dma_start3A_2354 = tpu.memref_squeeze %dma_start3A_2353 : memref<1x128xi32, #tpu.memory_space<vmem>> -> memref<128xi32, #tpu.memory_space<vmem>>
    %dma_start3A_2355 = arith.constant 0 : i32
    %dma_start3A_2356 = arith.constant 0 : i32
    %dma_start3A_2357 = tpu.memref_slice %arg13[%dma_start3A_2355, %dma_start3A_2356] : memref<6144x128xf32, #tpu.memory_space<vmem_shared>> -> memref<6144x128xf32, #tpu.memory_space<vmem_shared>>
    tpu.enqueue_indirect_dma source(%arg10 : memref<128x128xf32, #tpu.memory_space<vmem>>) target(%dma_start3A_2357 : memref<6144x128xf32, #tpu.memory_space<vmem_shared>>) offsets(%dma_start3A_2354 : memref<128xi32, #tpu.memory_space<vmem>>) semaphore(%arg20 : memref<!tpu.dma_semaphore, #tpu.memory_space<semaphore_mem>>) {add = true}
    %dma_wait3A_2358 = arith.constant 2 : i32
    %dma_wait3A_2359 = arith.constant 0 : i32
    %dma_wait3A_2360 = tpu.memref_slice %arg9[%dma_wait3A_2358, %dma_wait3A_2359] : memref<3x128xi32, #tpu.memory_space<vmem>> -> memref<1x128xi32, #tpu.memory_space<vmem>>
    %dma_wait3A_2361 = tpu.memref_squeeze %dma_wait3A_2360 : memref<1x128xi32, #tpu.memory_space<vmem>> -> memref<128xi32, #tpu.memory_space<vmem>>
    %dma_wait3A_2362 = arith.constant 0 : i32
    %dma_wait3A_2363 = arith.constant 0 : i32
    %dma_wait3A_2364 = tpu.memref_slice %arg13[%dma_wait3A_2362, %dma_wait3A_2363] : memref<6144x128xf32, #tpu.memory_space<vmem_shared>> -> memref<6144x128xf32, #tpu.memory_space<vmem_shared>>
    tpu.wait_indirect_dma semaphore(%arg22 : memref<!tpu.dma_semaphore, #tpu.memory_space<semaphore_mem>>) src(%arg12 : memref<128x128xf32, #tpu.memory_space<vmem>>) dst(%dma_wait3A_2364 : memref<6144x128xf32, #tpu.memory_space<vmem_shared>>)
    %add3A_2365 = arith.constant 256 : i32
    %add3A_2366 = arith.addi %mul3A_4, %add3A_2365 : i32
    %add3A_2367 = arith.constant 155648 : i32
    %add3A_2368 = arith.addi %add3A_2367, %mul3A_2 : i32
    %dma_start3A_2369 = arith.constant 0 : i32
    %dma_start3A_2370 = tpu.memref_slice %arg6[%add3A_2368, %dma_start3A_2369] : memref<204800x128xf32, #tpu.memory_space<hbm>> -> memref<128x128xf32, #tpu.memory_space<hbm>>
    %dma_start3A_2371 = arith.constant 0 : i32
    %dma_start3A_2372 = tpu.memref_slice %arg13[%add3A_2366, %dma_start3A_2371] : memref<6144x128xf32, #tpu.memory_space<vmem_shared>> -> memref<128x128xf32, #tpu.memory_space<vmem_shared>>
    tpu.enqueue_dma source(%dma_start3A_2372 : memref<128x128xf32, #tpu.memory_space<vmem_shared>>) target(%dma_start3A_2370 : memref<128x128xf32, #tpu.memory_space<hbm>>) target_semaphore(%arg25 : memref<!tpu.dma_semaphore, #tpu.memory_space<semaphore_mem>>)
    %dma_start3A_2373 = arith.constant 41 : i32
    %dma_start3A_2374 = arith.constant 0 : i32
    %dma_start3A_2375 = tpu.memref_slice %arg7[%dma_start3A_2373, %dma_start3A_2374] : memref<50x128xi32, #tpu.memory_space<vmem>> -> memref<1x128xi32, #tpu.memory_space<vmem>>
    %dma_start3A_2376 = tpu.memref_squeeze %dma_start3A_2375 : memref<1x128xi32, #tpu.memory_space<vmem>> -> memref<128xi32, #tpu.memory_space<vmem>>
    %dma_start3A_2377 = arith.constant 0 : i32
    %dma_start3A_2378 = arith.constant 0 : i32
    %dma_start3A_2379 = tpu.memref_slice %arg4[%dma_start3A_2377, %dma_start3A_2378] : memref<100000x128xf32, #tpu.memory_space<hbm>> -> memref<100000x128xf32, #tpu.memory_space<hbm>>
    tpu.enqueue_indirect_dma source(%dma_start3A_2379 : memref<100000x128xf32, #tpu.memory_space<hbm>>) target(%arg12 : memref<128x128xf32, #tpu.memory_space<vmem>>) offsets(%dma_start3A_2376 : memref<128xi32, #tpu.memory_space<vmem>>) semaphore(%arg16 : memref<!tpu.dma_semaphore, #tpu.memory_space<semaphore_mem>>)
    %dma_wait3A_2380 = arith.constant 0 : i32
    %dma_wait3A_2381 = tpu.memref_slice %arg6[%add3A_2316, %dma_wait3A_2380] : memref<204800x128xf32, #tpu.memory_space<hbm>> -> memref<128x128xf32, #tpu.memory_space<hbm>>
    %dma_wait3A_2382 = arith.constant 0 : i32
    %dma_wait3A_2383 = tpu.memref_slice %arg13[%add3A_2314, %dma_wait3A_2382] : memref<6144x128xf32, #tpu.memory_space<vmem_shared>> -> memref<128x128xf32, #tpu.memory_space<vmem_shared>>
    tpu.wait_dma2 semaphore(%arg24 : memref<!tpu.dma_semaphore, #tpu.memory_space<semaphore_mem>>) src(%dma_wait3A_2383 : memref<128x128xf32, #tpu.memory_space<vmem_shared>>) dst(%dma_wait3A_2381 : memref<128x128xf32, #tpu.memory_space<hbm>>)
    %add3A_2384 = arith.constant 163840 : i32
    %add3A_2385 = arith.addi %add3A_2384, %mul3A_2 : i32
    %add3A_2386 = arith.constant 128 : i32
    %add3A_2387 = arith.addi %mul3A_4, %add3A_2386 : i32
    %dma_start3A_2388 = arith.constant 0 : i32
    %dma_start3A_2389 = tpu.memref_slice %arg13[%add3A_2387, %dma_start3A_2388] : memref<6144x128xf32, #tpu.memory_space<vmem_shared>> -> memref<128x128xf32, #tpu.memory_space<vmem_shared>>
    %dma_start3A_2390 = arith.constant 0 : i32
    %dma_start3A_2391 = tpu.memref_slice %arg2[%add3A_2385, %dma_start3A_2390] : memref<204800x128xf32, #tpu.memory_space<hbm>> -> memref<128x128xf32, #tpu.memory_space<hbm>>
    tpu.enqueue_dma source(%dma_start3A_2391 : memref<128x128xf32, #tpu.memory_space<hbm>>) target(%dma_start3A_2389 : memref<128x128xf32, #tpu.memory_space<vmem_shared>>) target_semaphore(%arg18 : memref<!tpu.dma_semaphore, #tpu.memory_space<semaphore_mem>>)
    %dma_wait3A_2392 = arith.constant 40 : i32
    %dma_wait3A_2393 = arith.constant 0 : i32
    %dma_wait3A_2394 = tpu.memref_slice %arg7[%dma_wait3A_2392, %dma_wait3A_2393] : memref<50x128xi32, #tpu.memory_space<vmem>> -> memref<1x128xi32, #tpu.memory_space<vmem>>
    %dma_wait3A_2395 = tpu.memref_squeeze %dma_wait3A_2394 : memref<1x128xi32, #tpu.memory_space<vmem>> -> memref<128xi32, #tpu.memory_space<vmem>>
    %dma_wait3A_2396 = arith.constant 0 : i32
    %dma_wait3A_2397 = arith.constant 0 : i32
    %dma_wait3A_2398 = tpu.memref_slice %arg4[%dma_wait3A_2396, %dma_wait3A_2397] : memref<100000x128xf32, #tpu.memory_space<hbm>> -> memref<100000x128xf32, #tpu.memory_space<hbm>>
    tpu.wait_indirect_dma semaphore(%arg15 : memref<!tpu.dma_semaphore, #tpu.memory_space<semaphore_mem>>) src(%dma_wait3A_2398 : memref<100000x128xf32, #tpu.memory_space<hbm>>) dst(%arg11 : memref<128x128xf32, #tpu.memory_space<vmem>>)
    %dma_wait3A_2399 = arith.constant 0 : i32
    %dma_wait3A_2400 = tpu.memref_slice %arg13[%add3A_2387, %dma_wait3A_2399] : memref<6144x128xf32, #tpu.memory_space<vmem_shared>> -> memref<128x128xf32, #tpu.memory_space<vmem_shared>>
    %dma_wait3A_2401 = arith.constant 0 : i32
    %dma_wait3A_2402 = tpu.memref_slice %arg2[%add3A_2385, %dma_wait3A_2401] : memref<204800x128xf32, #tpu.memory_space<hbm>> -> memref<128x128xf32, #tpu.memory_space<hbm>>
    tpu.wait_dma2 semaphore(%arg18 : memref<!tpu.dma_semaphore, #tpu.memory_space<semaphore_mem>>) src(%dma_wait3A_2402 : memref<128x128xf32, #tpu.memory_space<hbm>>) dst(%dma_wait3A_2400 : memref<128x128xf32, #tpu.memory_space<vmem_shared>>)
    %dma_start3A_2403 = arith.constant 1 : i32
    %dma_start3A_2404 = arith.constant 0 : i32
    %dma_start3A_2405 = tpu.memref_slice %arg9[%dma_start3A_2403, %dma_start3A_2404] : memref<3x128xi32, #tpu.memory_space<vmem>> -> memref<1x128xi32, #tpu.memory_space<vmem>>
    %dma_start3A_2406 = tpu.memref_squeeze %dma_start3A_2405 : memref<1x128xi32, #tpu.memory_space<vmem>> -> memref<128xi32, #tpu.memory_space<vmem>>
    %dma_start3A_2407 = arith.constant 0 : i32
    %dma_start3A_2408 = arith.constant 0 : i32
    %dma_start3A_2409 = tpu.memref_slice %arg13[%dma_start3A_2407, %dma_start3A_2408] : memref<6144x128xf32, #tpu.memory_space<vmem_shared>> -> memref<6144x128xf32, #tpu.memory_space<vmem_shared>>
    tpu.enqueue_indirect_dma source(%arg11 : memref<128x128xf32, #tpu.memory_space<vmem>>) target(%dma_start3A_2409 : memref<6144x128xf32, #tpu.memory_space<vmem_shared>>) offsets(%dma_start3A_2406 : memref<128xi32, #tpu.memory_space<vmem>>) semaphore(%arg21 : memref<!tpu.dma_semaphore, #tpu.memory_space<semaphore_mem>>) {add = true}
    %dma_wait3A_2410 = arith.constant 0 : i32
    %dma_wait3A_2411 = arith.constant 0 : i32
    %dma_wait3A_2412 = tpu.memref_slice %arg9[%dma_wait3A_2410, %dma_wait3A_2411] : memref<3x128xi32, #tpu.memory_space<vmem>> -> memref<1x128xi32, #tpu.memory_space<vmem>>
    %dma_wait3A_2413 = tpu.memref_squeeze %dma_wait3A_2412 : memref<1x128xi32, #tpu.memory_space<vmem>> -> memref<128xi32, #tpu.memory_space<vmem>>
    %dma_wait3A_2414 = arith.constant 0 : i32
    %dma_wait3A_2415 = arith.constant 0 : i32
    %dma_wait3A_2416 = tpu.memref_slice %arg13[%dma_wait3A_2414, %dma_wait3A_2415] : memref<6144x128xf32, #tpu.memory_space<vmem_shared>> -> memref<6144x128xf32, #tpu.memory_space<vmem_shared>>
    tpu.wait_indirect_dma semaphore(%arg20 : memref<!tpu.dma_semaphore, #tpu.memory_space<semaphore_mem>>) src(%arg10 : memref<128x128xf32, #tpu.memory_space<vmem>>) dst(%dma_wait3A_2416 : memref<6144x128xf32, #tpu.memory_space<vmem_shared>>)
    %add3A_2417 = arith.constant 0 : i32
    %add3A_2418 = arith.addi %mul3A_4, %add3A_2417 : i32
    %add3A_2419 = arith.constant 159744 : i32
    %add3A_2420 = arith.addi %add3A_2419, %mul3A_2 : i32
    %dma_start3A_2421 = arith.constant 0 : i32
    %dma_start3A_2422 = tpu.memref_slice %arg6[%add3A_2420, %dma_start3A_2421] : memref<204800x128xf32, #tpu.memory_space<hbm>> -> memref<128x128xf32, #tpu.memory_space<hbm>>
    %dma_start3A_2423 = arith.constant 0 : i32
    %dma_start3A_2424 = tpu.memref_slice %arg13[%add3A_2418, %dma_start3A_2423] : memref<6144x128xf32, #tpu.memory_space<vmem_shared>> -> memref<128x128xf32, #tpu.memory_space<vmem_shared>>
    tpu.enqueue_dma source(%dma_start3A_2424 : memref<128x128xf32, #tpu.memory_space<vmem_shared>>) target(%dma_start3A_2422 : memref<128x128xf32, #tpu.memory_space<hbm>>) target_semaphore(%arg23 : memref<!tpu.dma_semaphore, #tpu.memory_space<semaphore_mem>>)
    %dma_start3A_2425 = arith.constant 42 : i32
    %dma_start3A_2426 = arith.constant 0 : i32
    %dma_start3A_2427 = tpu.memref_slice %arg7[%dma_start3A_2425, %dma_start3A_2426] : memref<50x128xi32, #tpu.memory_space<vmem>> -> memref<1x128xi32, #tpu.memory_space<vmem>>
    %dma_start3A_2428 = tpu.memref_squeeze %dma_start3A_2427 : memref<1x128xi32, #tpu.memory_space<vmem>> -> memref<128xi32, #tpu.memory_space<vmem>>
    %dma_start3A_2429 = arith.constant 0 : i32
    %dma_start3A_2430 = arith.constant 0 : i32
    %dma_start3A_2431 = tpu.memref_slice %arg4[%dma_start3A_2429, %dma_start3A_2430] : memref<100000x128xf32, #tpu.memory_space<hbm>> -> memref<100000x128xf32, #tpu.memory_space<hbm>>
    tpu.enqueue_indirect_dma source(%dma_start3A_2431 : memref<100000x128xf32, #tpu.memory_space<hbm>>) target(%arg10 : memref<128x128xf32, #tpu.memory_space<vmem>>) offsets(%dma_start3A_2428 : memref<128xi32, #tpu.memory_space<vmem>>) semaphore(%arg14 : memref<!tpu.dma_semaphore, #tpu.memory_space<semaphore_mem>>)
    %dma_wait3A_2432 = arith.constant 0 : i32
    %dma_wait3A_2433 = tpu.memref_slice %arg6[%add3A_2368, %dma_wait3A_2432] : memref<204800x128xf32, #tpu.memory_space<hbm>> -> memref<128x128xf32, #tpu.memory_space<hbm>>
    %dma_wait3A_2434 = arith.constant 0 : i32
    %dma_wait3A_2435 = tpu.memref_slice %arg13[%add3A_2366, %dma_wait3A_2434] : memref<6144x128xf32, #tpu.memory_space<vmem_shared>> -> memref<128x128xf32, #tpu.memory_space<vmem_shared>>
    tpu.wait_dma2 semaphore(%arg25 : memref<!tpu.dma_semaphore, #tpu.memory_space<semaphore_mem>>) src(%dma_wait3A_2435 : memref<128x128xf32, #tpu.memory_space<vmem_shared>>) dst(%dma_wait3A_2433 : memref<128x128xf32, #tpu.memory_space<hbm>>)
    %add3A_2436 = arith.constant 167936 : i32
    %add3A_2437 = arith.addi %add3A_2436, %mul3A_2 : i32
    %add3A_2438 = arith.constant 256 : i32
    %add3A_2439 = arith.addi %mul3A_4, %add3A_2438 : i32
    %dma_start3A_2440 = arith.constant 0 : i32
    %dma_start3A_2441 = tpu.memref_slice %arg13[%add3A_2439, %dma_start3A_2440] : memref<6144x128xf32, #tpu.memory_space<vmem_shared>> -> memref<128x128xf32, #tpu.memory_space<vmem_shared>>
    %dma_start3A_2442 = arith.constant 0 : i32
    %dma_start3A_2443 = tpu.memref_slice %arg2[%add3A_2437, %dma_start3A_2442] : memref<204800x128xf32, #tpu.memory_space<hbm>> -> memref<128x128xf32, #tpu.memory_space<hbm>>
    tpu.enqueue_dma source(%dma_start3A_2443 : memref<128x128xf32, #tpu.memory_space<hbm>>) target(%dma_start3A_2441 : memref<128x128xf32, #tpu.memory_space<vmem_shared>>) target_semaphore(%arg19 : memref<!tpu.dma_semaphore, #tpu.memory_space<semaphore_mem>>)
    %dma_wait3A_2444 = arith.constant 41 : i32
    %dma_wait3A_2445 = arith.constant 0 : i32
    %dma_wait3A_2446 = tpu.memref_slice %arg7[%dma_wait3A_2444, %dma_wait3A_2445] : memref<50x128xi32, #tpu.memory_space<vmem>> -> memref<1x128xi32, #tpu.memory_space<vmem>>
    %dma_wait3A_2447 = tpu.memref_squeeze %dma_wait3A_2446 : memref<1x128xi32, #tpu.memory_space<vmem>> -> memref<128xi32, #tpu.memory_space<vmem>>
    %dma_wait3A_2448 = arith.constant 0 : i32
    %dma_wait3A_2449 = arith.constant 0 : i32
    %dma_wait3A_2450 = tpu.memref_slice %arg4[%dma_wait3A_2448, %dma_wait3A_2449] : memref<100000x128xf32, #tpu.memory_space<hbm>> -> memref<100000x128xf32, #tpu.memory_space<hbm>>
    tpu.wait_indirect_dma semaphore(%arg16 : memref<!tpu.dma_semaphore, #tpu.memory_space<semaphore_mem>>) src(%dma_wait3A_2450 : memref<100000x128xf32, #tpu.memory_space<hbm>>) dst(%arg12 : memref<128x128xf32, #tpu.memory_space<vmem>>)
    %dma_wait3A_2451 = arith.constant 0 : i32
    %dma_wait3A_2452 = tpu.memref_slice %arg13[%add3A_2439, %dma_wait3A_2451] : memref<6144x128xf32, #tpu.memory_space<vmem_shared>> -> memref<128x128xf32, #tpu.memory_space<vmem_shared>>
    %dma_wait3A_2453 = arith.constant 0 : i32
    %dma_wait3A_2454 = tpu.memref_slice %arg2[%add3A_2437, %dma_wait3A_2453] : memref<204800x128xf32, #tpu.memory_space<hbm>> -> memref<128x128xf32, #tpu.memory_space<hbm>>
    tpu.wait_dma2 semaphore(%arg19 : memref<!tpu.dma_semaphore, #tpu.memory_space<semaphore_mem>>) src(%dma_wait3A_2454 : memref<128x128xf32, #tpu.memory_space<hbm>>) dst(%dma_wait3A_2452 : memref<128x128xf32, #tpu.memory_space<vmem_shared>>)
    %dma_start3A_2455 = arith.constant 2 : i32
    %dma_start3A_2456 = arith.constant 0 : i32
    %dma_start3A_2457 = tpu.memref_slice %arg9[%dma_start3A_2455, %dma_start3A_2456] : memref<3x128xi32, #tpu.memory_space<vmem>> -> memref<1x128xi32, #tpu.memory_space<vmem>>
    %dma_start3A_2458 = tpu.memref_squeeze %dma_start3A_2457 : memref<1x128xi32, #tpu.memory_space<vmem>> -> memref<128xi32, #tpu.memory_space<vmem>>
    %dma_start3A_2459 = arith.constant 0 : i32
    %dma_start3A_2460 = arith.constant 0 : i32
    %dma_start3A_2461 = tpu.memref_slice %arg13[%dma_start3A_2459, %dma_start3A_2460] : memref<6144x128xf32, #tpu.memory_space<vmem_shared>> -> memref<6144x128xf32, #tpu.memory_space<vmem_shared>>
    tpu.enqueue_indirect_dma source(%arg12 : memref<128x128xf32, #tpu.memory_space<vmem>>) target(%dma_start3A_2461 : memref<6144x128xf32, #tpu.memory_space<vmem_shared>>) offsets(%dma_start3A_2458 : memref<128xi32, #tpu.memory_space<vmem>>) semaphore(%arg22 : memref<!tpu.dma_semaphore, #tpu.memory_space<semaphore_mem>>) {add = true}
    %dma_wait3A_2462 = arith.constant 1 : i32
    %dma_wait3A_2463 = arith.constant 0 : i32
    %dma_wait3A_2464 = tpu.memref_slice %arg9[%dma_wait3A_2462, %dma_wait3A_2463] : memref<3x128xi32, #tpu.memory_space<vmem>> -> memref<1x128xi32, #tpu.memory_space<vmem>>
    %dma_wait3A_2465 = tpu.memref_squeeze %dma_wait3A_2464 : memref<1x128xi32, #tpu.memory_space<vmem>> -> memref<128xi32, #tpu.memory_space<vmem>>
    %dma_wait3A_2466 = arith.constant 0 : i32
    %dma_wait3A_2467 = arith.constant 0 : i32
    %dma_wait3A_2468 = tpu.memref_slice %arg13[%dma_wait3A_2466, %dma_wait3A_2467] : memref<6144x128xf32, #tpu.memory_space<vmem_shared>> -> memref<6144x128xf32, #tpu.memory_space<vmem_shared>>
    tpu.wait_indirect_dma semaphore(%arg21 : memref<!tpu.dma_semaphore, #tpu.memory_space<semaphore_mem>>) src(%arg11 : memref<128x128xf32, #tpu.memory_space<vmem>>) dst(%dma_wait3A_2468 : memref<6144x128xf32, #tpu.memory_space<vmem_shared>>)
    %add3A_2469 = arith.constant 128 : i32
    %add3A_2470 = arith.addi %mul3A_4, %add3A_2469 : i32
    %add3A_2471 = arith.constant 163840 : i32
    %add3A_2472 = arith.addi %add3A_2471, %mul3A_2 : i32
    %dma_start3A_2473 = arith.constant 0 : i32
    %dma_start3A_2474 = tpu.memref_slice %arg6[%add3A_2472, %dma_start3A_2473] : memref<204800x128xf32, #tpu.memory_space<hbm>> -> memref<128x128xf32, #tpu.memory_space<hbm>>
    %dma_start3A_2475 = arith.constant 0 : i32
    %dma_start3A_2476 = tpu.memref_slice %arg13[%add3A_2470, %dma_start3A_2475] : memref<6144x128xf32, #tpu.memory_space<vmem_shared>> -> memref<128x128xf32, #tpu.memory_space<vmem_shared>>
    tpu.enqueue_dma source(%dma_start3A_2476 : memref<128x128xf32, #tpu.memory_space<vmem_shared>>) target(%dma_start3A_2474 : memref<128x128xf32, #tpu.memory_space<hbm>>) target_semaphore(%arg24 : memref<!tpu.dma_semaphore, #tpu.memory_space<semaphore_mem>>)
    %dma_start3A_2477 = arith.constant 43 : i32
    %dma_start3A_2478 = arith.constant 0 : i32
    %dma_start3A_2479 = tpu.memref_slice %arg7[%dma_start3A_2477, %dma_start3A_2478] : memref<50x128xi32, #tpu.memory_space<vmem>> -> memref<1x128xi32, #tpu.memory_space<vmem>>
    %dma_start3A_2480 = tpu.memref_squeeze %dma_start3A_2479 : memref<1x128xi32, #tpu.memory_space<vmem>> -> memref<128xi32, #tpu.memory_space<vmem>>
    %dma_start3A_2481 = arith.constant 0 : i32
    %dma_start3A_2482 = arith.constant 0 : i32
    %dma_start3A_2483 = tpu.memref_slice %arg4[%dma_start3A_2481, %dma_start3A_2482] : memref<100000x128xf32, #tpu.memory_space<hbm>> -> memref<100000x128xf32, #tpu.memory_space<hbm>>
    tpu.enqueue_indirect_dma source(%dma_start3A_2483 : memref<100000x128xf32, #tpu.memory_space<hbm>>) target(%arg11 : memref<128x128xf32, #tpu.memory_space<vmem>>) offsets(%dma_start3A_2480 : memref<128xi32, #tpu.memory_space<vmem>>) semaphore(%arg15 : memref<!tpu.dma_semaphore, #tpu.memory_space<semaphore_mem>>)
    %dma_wait3A_2484 = arith.constant 0 : i32
    %dma_wait3A_2485 = tpu.memref_slice %arg6[%add3A_2420, %dma_wait3A_2484] : memref<204800x128xf32, #tpu.memory_space<hbm>> -> memref<128x128xf32, #tpu.memory_space<hbm>>
    %dma_wait3A_2486 = arith.constant 0 : i32
    %dma_wait3A_2487 = tpu.memref_slice %arg13[%add3A_2418, %dma_wait3A_2486] : memref<6144x128xf32, #tpu.memory_space<vmem_shared>> -> memref<128x128xf32, #tpu.memory_space<vmem_shared>>
    tpu.wait_dma2 semaphore(%arg23 : memref<!tpu.dma_semaphore, #tpu.memory_space<semaphore_mem>>) src(%dma_wait3A_2487 : memref<128x128xf32, #tpu.memory_space<vmem_shared>>) dst(%dma_wait3A_2485 : memref<128x128xf32, #tpu.memory_space<hbm>>)
    %add3A_2488 = arith.constant 172032 : i32
    %add3A_2489 = arith.addi %add3A_2488, %mul3A_2 : i32
    %add3A_2490 = arith.constant 0 : i32
    %add3A_2491 = arith.addi %mul3A_4, %add3A_2490 : i32
    %dma_start3A_2492 = arith.constant 0 : i32
    %dma_start3A_2493 = tpu.memref_slice %arg13[%add3A_2491, %dma_start3A_2492] : memref<6144x128xf32, #tpu.memory_space<vmem_shared>> -> memref<128x128xf32, #tpu.memory_space<vmem_shared>>
    %dma_start3A_2494 = arith.constant 0 : i32
    %dma_start3A_2495 = tpu.memref_slice %arg2[%add3A_2489, %dma_start3A_2494] : memref<204800x128xf32, #tpu.memory_space<hbm>> -> memref<128x128xf32, #tpu.memory_space<hbm>>
    tpu.enqueue_dma source(%dma_start3A_2495 : memref<128x128xf32, #tpu.memory_space<hbm>>) target(%dma_start3A_2493 : memref<128x128xf32, #tpu.memory_space<vmem_shared>>) target_semaphore(%arg17 : memref<!tpu.dma_semaphore, #tpu.memory_space<semaphore_mem>>)
    %dma_wait3A_2496 = arith.constant 42 : i32
    %dma_wait3A_2497 = arith.constant 0 : i32
    %dma_wait3A_2498 = tpu.memref_slice %arg7[%dma_wait3A_2496, %dma_wait3A_2497] : memref<50x128xi32, #tpu.memory_space<vmem>> -> memref<1x128xi32, #tpu.memory_space<vmem>>
    %dma_wait3A_2499 = tpu.memref_squeeze %dma_wait3A_2498 : memref<1x128xi32, #tpu.memory_space<vmem>> -> memref<128xi32, #tpu.memory_space<vmem>>
    %dma_wait3A_2500 = arith.constant 0 : i32
    %dma_wait3A_2501 = arith.constant 0 : i32
    %dma_wait3A_2502 = tpu.memref_slice %arg4[%dma_wait3A_2500, %dma_wait3A_2501] : memref<100000x128xf32, #tpu.memory_space<hbm>> -> memref<100000x128xf32, #tpu.memory_space<hbm>>
    tpu.wait_indirect_dma semaphore(%arg14 : memref<!tpu.dma_semaphore, #tpu.memory_space<semaphore_mem>>) src(%dma_wait3A_2502 : memref<100000x128xf32, #tpu.memory_space<hbm>>) dst(%arg10 : memref<128x128xf32, #tpu.memory_space<vmem>>)
    %dma_wait3A_2503 = arith.constant 0 : i32
    %dma_wait3A_2504 = tpu.memref_slice %arg13[%add3A_2491, %dma_wait3A_2503] : memref<6144x128xf32, #tpu.memory_space<vmem_shared>> -> memref<128x128xf32, #tpu.memory_space<vmem_shared>>
    %dma_wait3A_2505 = arith.constant 0 : i32
    %dma_wait3A_2506 = tpu.memref_slice %arg2[%add3A_2489, %dma_wait3A_2505] : memref<204800x128xf32, #tpu.memory_space<hbm>> -> memref<128x128xf32, #tpu.memory_space<hbm>>
    tpu.wait_dma2 semaphore(%arg17 : memref<!tpu.dma_semaphore, #tpu.memory_space<semaphore_mem>>) src(%dma_wait3A_2506 : memref<128x128xf32, #tpu.memory_space<hbm>>) dst(%dma_wait3A_2504 : memref<128x128xf32, #tpu.memory_space<vmem_shared>>)
    %dma_start3A_2507 = arith.constant 0 : i32
    %dma_start3A_2508 = arith.constant 0 : i32
    %dma_start3A_2509 = tpu.memref_slice %arg9[%dma_start3A_2507, %dma_start3A_2508] : memref<3x128xi32, #tpu.memory_space<vmem>> -> memref<1x128xi32, #tpu.memory_space<vmem>>
    %dma_start3A_2510 = tpu.memref_squeeze %dma_start3A_2509 : memref<1x128xi32, #tpu.memory_space<vmem>> -> memref<128xi32, #tpu.memory_space<vmem>>
    %dma_start3A_2511 = arith.constant 0 : i32
    %dma_start3A_2512 = arith.constant 0 : i32
    %dma_start3A_2513 = tpu.memref_slice %arg13[%dma_start3A_2511, %dma_start3A_2512] : memref<6144x128xf32, #tpu.memory_space<vmem_shared>> -> memref<6144x128xf32, #tpu.memory_space<vmem_shared>>
    tpu.enqueue_indirect_dma source(%arg10 : memref<128x128xf32, #tpu.memory_space<vmem>>) target(%dma_start3A_2513 : memref<6144x128xf32, #tpu.memory_space<vmem_shared>>) offsets(%dma_start3A_2510 : memref<128xi32, #tpu.memory_space<vmem>>) semaphore(%arg20 : memref<!tpu.dma_semaphore, #tpu.memory_space<semaphore_mem>>) {add = true}
    %dma_wait3A_2514 = arith.constant 2 : i32
    %dma_wait3A_2515 = arith.constant 0 : i32
    %dma_wait3A_2516 = tpu.memref_slice %arg9[%dma_wait3A_2514, %dma_wait3A_2515] : memref<3x128xi32, #tpu.memory_space<vmem>> -> memref<1x128xi32, #tpu.memory_space<vmem>>
    %dma_wait3A_2517 = tpu.memref_squeeze %dma_wait3A_2516 : memref<1x128xi32, #tpu.memory_space<vmem>> -> memref<128xi32, #tpu.memory_space<vmem>>
    %dma_wait3A_2518 = arith.constant 0 : i32
    %dma_wait3A_2519 = arith.constant 0 : i32
    %dma_wait3A_2520 = tpu.memref_slice %arg13[%dma_wait3A_2518, %dma_wait3A_2519] : memref<6144x128xf32, #tpu.memory_space<vmem_shared>> -> memref<6144x128xf32, #tpu.memory_space<vmem_shared>>
    tpu.wait_indirect_dma semaphore(%arg22 : memref<!tpu.dma_semaphore, #tpu.memory_space<semaphore_mem>>) src(%arg12 : memref<128x128xf32, #tpu.memory_space<vmem>>) dst(%dma_wait3A_2520 : memref<6144x128xf32, #tpu.memory_space<vmem_shared>>)
    %add3A_2521 = arith.constant 256 : i32
    %add3A_2522 = arith.addi %mul3A_4, %add3A_2521 : i32
    %add3A_2523 = arith.constant 167936 : i32
    %add3A_2524 = arith.addi %add3A_2523, %mul3A_2 : i32
    %dma_start3A_2525 = arith.constant 0 : i32
    %dma_start3A_2526 = tpu.memref_slice %arg6[%add3A_2524, %dma_start3A_2525] : memref<204800x128xf32, #tpu.memory_space<hbm>> -> memref<128x128xf32, #tpu.memory_space<hbm>>
    %dma_start3A_2527 = arith.constant 0 : i32
    %dma_start3A_2528 = tpu.memref_slice %arg13[%add3A_2522, %dma_start3A_2527] : memref<6144x128xf32, #tpu.memory_space<vmem_shared>> -> memref<128x128xf32, #tpu.memory_space<vmem_shared>>
    tpu.enqueue_dma source(%dma_start3A_2528 : memref<128x128xf32, #tpu.memory_space<vmem_shared>>) target(%dma_start3A_2526 : memref<128x128xf32, #tpu.memory_space<hbm>>) target_semaphore(%arg25 : memref<!tpu.dma_semaphore, #tpu.memory_space<semaphore_mem>>)
    %dma_start3A_2529 = arith.constant 44 : i32
    %dma_start3A_2530 = arith.constant 0 : i32
    %dma_start3A_2531 = tpu.memref_slice %arg7[%dma_start3A_2529, %dma_start3A_2530] : memref<50x128xi32, #tpu.memory_space<vmem>> -> memref<1x128xi32, #tpu.memory_space<vmem>>
    %dma_start3A_2532 = tpu.memref_squeeze %dma_start3A_2531 : memref<1x128xi32, #tpu.memory_space<vmem>> -> memref<128xi32, #tpu.memory_space<vmem>>
    %dma_start3A_2533 = arith.constant 0 : i32
    %dma_start3A_2534 = arith.constant 0 : i32
    %dma_start3A_2535 = tpu.memref_slice %arg4[%dma_start3A_2533, %dma_start3A_2534] : memref<100000x128xf32, #tpu.memory_space<hbm>> -> memref<100000x128xf32, #tpu.memory_space<hbm>>
    tpu.enqueue_indirect_dma source(%dma_start3A_2535 : memref<100000x128xf32, #tpu.memory_space<hbm>>) target(%arg12 : memref<128x128xf32, #tpu.memory_space<vmem>>) offsets(%dma_start3A_2532 : memref<128xi32, #tpu.memory_space<vmem>>) semaphore(%arg16 : memref<!tpu.dma_semaphore, #tpu.memory_space<semaphore_mem>>)
    %dma_wait3A_2536 = arith.constant 0 : i32
    %dma_wait3A_2537 = tpu.memref_slice %arg6[%add3A_2472, %dma_wait3A_2536] : memref<204800x128xf32, #tpu.memory_space<hbm>> -> memref<128x128xf32, #tpu.memory_space<hbm>>
    %dma_wait3A_2538 = arith.constant 0 : i32
    %dma_wait3A_2539 = tpu.memref_slice %arg13[%add3A_2470, %dma_wait3A_2538] : memref<6144x128xf32, #tpu.memory_space<vmem_shared>> -> memref<128x128xf32, #tpu.memory_space<vmem_shared>>
    tpu.wait_dma2 semaphore(%arg24 : memref<!tpu.dma_semaphore, #tpu.memory_space<semaphore_mem>>) src(%dma_wait3A_2539 : memref<128x128xf32, #tpu.memory_space<vmem_shared>>) dst(%dma_wait3A_2537 : memref<128x128xf32, #tpu.memory_space<hbm>>)
    %add3A_2540 = arith.constant 176128 : i32
    %add3A_2541 = arith.addi %add3A_2540, %mul3A_2 : i32
    %add3A_2542 = arith.constant 128 : i32
    %add3A_2543 = arith.addi %mul3A_4, %add3A_2542 : i32
    %dma_start3A_2544 = arith.constant 0 : i32
    %dma_start3A_2545 = tpu.memref_slice %arg13[%add3A_2543, %dma_start3A_2544] : memref<6144x128xf32, #tpu.memory_space<vmem_shared>> -> memref<128x128xf32, #tpu.memory_space<vmem_shared>>
    %dma_start3A_2546 = arith.constant 0 : i32
    %dma_start3A_2547 = tpu.memref_slice %arg2[%add3A_2541, %dma_start3A_2546] : memref<204800x128xf32, #tpu.memory_space<hbm>> -> memref<128x128xf32, #tpu.memory_space<hbm>>
    tpu.enqueue_dma source(%dma_start3A_2547 : memref<128x128xf32, #tpu.memory_space<hbm>>) target(%dma_start3A_2545 : memref<128x128xf32, #tpu.memory_space<vmem_shared>>) target_semaphore(%arg18 : memref<!tpu.dma_semaphore, #tpu.memory_space<semaphore_mem>>)
    %dma_wait3A_2548 = arith.constant 43 : i32
    %dma_wait3A_2549 = arith.constant 0 : i32
    %dma_wait3A_2550 = tpu.memref_slice %arg7[%dma_wait3A_2548, %dma_wait3A_2549] : memref<50x128xi32, #tpu.memory_space<vmem>> -> memref<1x128xi32, #tpu.memory_space<vmem>>
    %dma_wait3A_2551 = tpu.memref_squeeze %dma_wait3A_2550 : memref<1x128xi32, #tpu.memory_space<vmem>> -> memref<128xi32, #tpu.memory_space<vmem>>
    %dma_wait3A_2552 = arith.constant 0 : i32
    %dma_wait3A_2553 = arith.constant 0 : i32
    %dma_wait3A_2554 = tpu.memref_slice %arg4[%dma_wait3A_2552, %dma_wait3A_2553] : memref<100000x128xf32, #tpu.memory_space<hbm>> -> memref<100000x128xf32, #tpu.memory_space<hbm>>
    tpu.wait_indirect_dma semaphore(%arg15 : memref<!tpu.dma_semaphore, #tpu.memory_space<semaphore_mem>>) src(%dma_wait3A_2554 : memref<100000x128xf32, #tpu.memory_space<hbm>>) dst(%arg11 : memref<128x128xf32, #tpu.memory_space<vmem>>)
    %dma_wait3A_2555 = arith.constant 0 : i32
    %dma_wait3A_2556 = tpu.memref_slice %arg13[%add3A_2543, %dma_wait3A_2555] : memref<6144x128xf32, #tpu.memory_space<vmem_shared>> -> memref<128x128xf32, #tpu.memory_space<vmem_shared>>
    %dma_wait3A_2557 = arith.constant 0 : i32
    %dma_wait3A_2558 = tpu.memref_slice %arg2[%add3A_2541, %dma_wait3A_2557] : memref<204800x128xf32, #tpu.memory_space<hbm>> -> memref<128x128xf32, #tpu.memory_space<hbm>>
    tpu.wait_dma2 semaphore(%arg18 : memref<!tpu.dma_semaphore, #tpu.memory_space<semaphore_mem>>) src(%dma_wait3A_2558 : memref<128x128xf32, #tpu.memory_space<hbm>>) dst(%dma_wait3A_2556 : memref<128x128xf32, #tpu.memory_space<vmem_shared>>)
    %dma_start3A_2559 = arith.constant 1 : i32
    %dma_start3A_2560 = arith.constant 0 : i32
    %dma_start3A_2561 = tpu.memref_slice %arg9[%dma_start3A_2559, %dma_start3A_2560] : memref<3x128xi32, #tpu.memory_space<vmem>> -> memref<1x128xi32, #tpu.memory_space<vmem>>
    %dma_start3A_2562 = tpu.memref_squeeze %dma_start3A_2561 : memref<1x128xi32, #tpu.memory_space<vmem>> -> memref<128xi32, #tpu.memory_space<vmem>>
    %dma_start3A_2563 = arith.constant 0 : i32
    %dma_start3A_2564 = arith.constant 0 : i32
    %dma_start3A_2565 = tpu.memref_slice %arg13[%dma_start3A_2563, %dma_start3A_2564] : memref<6144x128xf32, #tpu.memory_space<vmem_shared>> -> memref<6144x128xf32, #tpu.memory_space<vmem_shared>>
    tpu.enqueue_indirect_dma source(%arg11 : memref<128x128xf32, #tpu.memory_space<vmem>>) target(%dma_start3A_2565 : memref<6144x128xf32, #tpu.memory_space<vmem_shared>>) offsets(%dma_start3A_2562 : memref<128xi32, #tpu.memory_space<vmem>>) semaphore(%arg21 : memref<!tpu.dma_semaphore, #tpu.memory_space<semaphore_mem>>) {add = true}
    %dma_wait3A_2566 = arith.constant 0 : i32
    %dma_wait3A_2567 = arith.constant 0 : i32
    %dma_wait3A_2568 = tpu.memref_slice %arg9[%dma_wait3A_2566, %dma_wait3A_2567] : memref<3x128xi32, #tpu.memory_space<vmem>> -> memref<1x128xi32, #tpu.memory_space<vmem>>
    %dma_wait3A_2569 = tpu.memref_squeeze %dma_wait3A_2568 : memref<1x128xi32, #tpu.memory_space<vmem>> -> memref<128xi32, #tpu.memory_space<vmem>>
    %dma_wait3A_2570 = arith.constant 0 : i32
    %dma_wait3A_2571 = arith.constant 0 : i32
    %dma_wait3A_2572 = tpu.memref_slice %arg13[%dma_wait3A_2570, %dma_wait3A_2571] : memref<6144x128xf32, #tpu.memory_space<vmem_shared>> -> memref<6144x128xf32, #tpu.memory_space<vmem_shared>>
    tpu.wait_indirect_dma semaphore(%arg20 : memref<!tpu.dma_semaphore, #tpu.memory_space<semaphore_mem>>) src(%arg10 : memref<128x128xf32, #tpu.memory_space<vmem>>) dst(%dma_wait3A_2572 : memref<6144x128xf32, #tpu.memory_space<vmem_shared>>)
    %add3A_2573 = arith.constant 0 : i32
    %add3A_2574 = arith.addi %mul3A_4, %add3A_2573 : i32
    %add3A_2575 = arith.constant 172032 : i32
    %add3A_2576 = arith.addi %add3A_2575, %mul3A_2 : i32
    %dma_start3A_2577 = arith.constant 0 : i32
    %dma_start3A_2578 = tpu.memref_slice %arg6[%add3A_2576, %dma_start3A_2577] : memref<204800x128xf32, #tpu.memory_space<hbm>> -> memref<128x128xf32, #tpu.memory_space<hbm>>
    %dma_start3A_2579 = arith.constant 0 : i32
    %dma_start3A_2580 = tpu.memref_slice %arg13[%add3A_2574, %dma_start3A_2579] : memref<6144x128xf32, #tpu.memory_space<vmem_shared>> -> memref<128x128xf32, #tpu.memory_space<vmem_shared>>
    tpu.enqueue_dma source(%dma_start3A_2580 : memref<128x128xf32, #tpu.memory_space<vmem_shared>>) target(%dma_start3A_2578 : memref<128x128xf32, #tpu.memory_space<hbm>>) target_semaphore(%arg23 : memref<!tpu.dma_semaphore, #tpu.memory_space<semaphore_mem>>)
    %dma_start3A_2581 = arith.constant 45 : i32
    %dma_start3A_2582 = arith.constant 0 : i32
    %dma_start3A_2583 = tpu.memref_slice %arg7[%dma_start3A_2581, %dma_start3A_2582] : memref<50x128xi32, #tpu.memory_space<vmem>> -> memref<1x128xi32, #tpu.memory_space<vmem>>
    %dma_start3A_2584 = tpu.memref_squeeze %dma_start3A_2583 : memref<1x128xi32, #tpu.memory_space<vmem>> -> memref<128xi32, #tpu.memory_space<vmem>>
    %dma_start3A_2585 = arith.constant 0 : i32
    %dma_start3A_2586 = arith.constant 0 : i32
    %dma_start3A_2587 = tpu.memref_slice %arg4[%dma_start3A_2585, %dma_start3A_2586] : memref<100000x128xf32, #tpu.memory_space<hbm>> -> memref<100000x128xf32, #tpu.memory_space<hbm>>
    tpu.enqueue_indirect_dma source(%dma_start3A_2587 : memref<100000x128xf32, #tpu.memory_space<hbm>>) target(%arg10 : memref<128x128xf32, #tpu.memory_space<vmem>>) offsets(%dma_start3A_2584 : memref<128xi32, #tpu.memory_space<vmem>>) semaphore(%arg14 : memref<!tpu.dma_semaphore, #tpu.memory_space<semaphore_mem>>)
    %dma_wait3A_2588 = arith.constant 0 : i32
    %dma_wait3A_2589 = tpu.memref_slice %arg6[%add3A_2524, %dma_wait3A_2588] : memref<204800x128xf32, #tpu.memory_space<hbm>> -> memref<128x128xf32, #tpu.memory_space<hbm>>
    %dma_wait3A_2590 = arith.constant 0 : i32
    %dma_wait3A_2591 = tpu.memref_slice %arg13[%add3A_2522, %dma_wait3A_2590] : memref<6144x128xf32, #tpu.memory_space<vmem_shared>> -> memref<128x128xf32, #tpu.memory_space<vmem_shared>>
    tpu.wait_dma2 semaphore(%arg25 : memref<!tpu.dma_semaphore, #tpu.memory_space<semaphore_mem>>) src(%dma_wait3A_2591 : memref<128x128xf32, #tpu.memory_space<vmem_shared>>) dst(%dma_wait3A_2589 : memref<128x128xf32, #tpu.memory_space<hbm>>)
    %add3A_2592 = arith.constant 180224 : i32
    %add3A_2593 = arith.addi %add3A_2592, %mul3A_2 : i32
    %add3A_2594 = arith.constant 256 : i32
    %add3A_2595 = arith.addi %mul3A_4, %add3A_2594 : i32
    %dma_start3A_2596 = arith.constant 0 : i32
    %dma_start3A_2597 = tpu.memref_slice %arg13[%add3A_2595, %dma_start3A_2596] : memref<6144x128xf32, #tpu.memory_space<vmem_shared>> -> memref<128x128xf32, #tpu.memory_space<vmem_shared>>
    %dma_start3A_2598 = arith.constant 0 : i32
    %dma_start3A_2599 = tpu.memref_slice %arg2[%add3A_2593, %dma_start3A_2598] : memref<204800x128xf32, #tpu.memory_space<hbm>> -> memref<128x128xf32, #tpu.memory_space<hbm>>
    tpu.enqueue_dma source(%dma_start3A_2599 : memref<128x128xf32, #tpu.memory_space<hbm>>) target(%dma_start3A_2597 : memref<128x128xf32, #tpu.memory_space<vmem_shared>>) target_semaphore(%arg19 : memref<!tpu.dma_semaphore, #tpu.memory_space<semaphore_mem>>)
    %dma_wait3A_2600 = arith.constant 44 : i32
    %dma_wait3A_2601 = arith.constant 0 : i32
    %dma_wait3A_2602 = tpu.memref_slice %arg7[%dma_wait3A_2600, %dma_wait3A_2601] : memref<50x128xi32, #tpu.memory_space<vmem>> -> memref<1x128xi32, #tpu.memory_space<vmem>>
    %dma_wait3A_2603 = tpu.memref_squeeze %dma_wait3A_2602 : memref<1x128xi32, #tpu.memory_space<vmem>> -> memref<128xi32, #tpu.memory_space<vmem>>
    %dma_wait3A_2604 = arith.constant 0 : i32
    %dma_wait3A_2605 = arith.constant 0 : i32
    %dma_wait3A_2606 = tpu.memref_slice %arg4[%dma_wait3A_2604, %dma_wait3A_2605] : memref<100000x128xf32, #tpu.memory_space<hbm>> -> memref<100000x128xf32, #tpu.memory_space<hbm>>
    tpu.wait_indirect_dma semaphore(%arg16 : memref<!tpu.dma_semaphore, #tpu.memory_space<semaphore_mem>>) src(%dma_wait3A_2606 : memref<100000x128xf32, #tpu.memory_space<hbm>>) dst(%arg12 : memref<128x128xf32, #tpu.memory_space<vmem>>)
    %dma_wait3A_2607 = arith.constant 0 : i32
    %dma_wait3A_2608 = tpu.memref_slice %arg13[%add3A_2595, %dma_wait3A_2607] : memref<6144x128xf32, #tpu.memory_space<vmem_shared>> -> memref<128x128xf32, #tpu.memory_space<vmem_shared>>
    %dma_wait3A_2609 = arith.constant 0 : i32
    %dma_wait3A_2610 = tpu.memref_slice %arg2[%add3A_2593, %dma_wait3A_2609] : memref<204800x128xf32, #tpu.memory_space<hbm>> -> memref<128x128xf32, #tpu.memory_space<hbm>>
    tpu.wait_dma2 semaphore(%arg19 : memref<!tpu.dma_semaphore, #tpu.memory_space<semaphore_mem>>) src(%dma_wait3A_2610 : memref<128x128xf32, #tpu.memory_space<hbm>>) dst(%dma_wait3A_2608 : memref<128x128xf32, #tpu.memory_space<vmem_shared>>)
    %dma_start3A_2611 = arith.constant 2 : i32
    %dma_start3A_2612 = arith.constant 0 : i32
    %dma_start3A_2613 = tpu.memref_slice %arg9[%dma_start3A_2611, %dma_start3A_2612] : memref<3x128xi32, #tpu.memory_space<vmem>> -> memref<1x128xi32, #tpu.memory_space<vmem>>
    %dma_start3A_2614 = tpu.memref_squeeze %dma_start3A_2613 : memref<1x128xi32, #tpu.memory_space<vmem>> -> memref<128xi32, #tpu.memory_space<vmem>>
    %dma_start3A_2615 = arith.constant 0 : i32
    %dma_start3A_2616 = arith.constant 0 : i32
    %dma_start3A_2617 = tpu.memref_slice %arg13[%dma_start3A_2615, %dma_start3A_2616] : memref<6144x128xf32, #tpu.memory_space<vmem_shared>> -> memref<6144x128xf32, #tpu.memory_space<vmem_shared>>
    tpu.enqueue_indirect_dma source(%arg12 : memref<128x128xf32, #tpu.memory_space<vmem>>) target(%dma_start3A_2617 : memref<6144x128xf32, #tpu.memory_space<vmem_shared>>) offsets(%dma_start3A_2614 : memref<128xi32, #tpu.memory_space<vmem>>) semaphore(%arg22 : memref<!tpu.dma_semaphore, #tpu.memory_space<semaphore_mem>>) {add = true}
    %dma_wait3A_2618 = arith.constant 1 : i32
    %dma_wait3A_2619 = arith.constant 0 : i32
    %dma_wait3A_2620 = tpu.memref_slice %arg9[%dma_wait3A_2618, %dma_wait3A_2619] : memref<3x128xi32, #tpu.memory_space<vmem>> -> memref<1x128xi32, #tpu.memory_space<vmem>>
    %dma_wait3A_2621 = tpu.memref_squeeze %dma_wait3A_2620 : memref<1x128xi32, #tpu.memory_space<vmem>> -> memref<128xi32, #tpu.memory_space<vmem>>
    %dma_wait3A_2622 = arith.constant 0 : i32
    %dma_wait3A_2623 = arith.constant 0 : i32
    %dma_wait3A_2624 = tpu.memref_slice %arg13[%dma_wait3A_2622, %dma_wait3A_2623] : memref<6144x128xf32, #tpu.memory_space<vmem_shared>> -> memref<6144x128xf32, #tpu.memory_space<vmem_shared>>
    tpu.wait_indirect_dma semaphore(%arg21 : memref<!tpu.dma_semaphore, #tpu.memory_space<semaphore_mem>>) src(%arg11 : memref<128x128xf32, #tpu.memory_space<vmem>>) dst(%dma_wait3A_2624 : memref<6144x128xf32, #tpu.memory_space<vmem_shared>>)
    %add3A_2625 = arith.constant 128 : i32
    %add3A_2626 = arith.addi %mul3A_4, %add3A_2625 : i32
    %add3A_2627 = arith.constant 176128 : i32
    %add3A_2628 = arith.addi %add3A_2627, %mul3A_2 : i32
    %dma_start3A_2629 = arith.constant 0 : i32
    %dma_start3A_2630 = tpu.memref_slice %arg6[%add3A_2628, %dma_start3A_2629] : memref<204800x128xf32, #tpu.memory_space<hbm>> -> memref<128x128xf32, #tpu.memory_space<hbm>>
    %dma_start3A_2631 = arith.constant 0 : i32
    %dma_start3A_2632 = tpu.memref_slice %arg13[%add3A_2626, %dma_start3A_2631] : memref<6144x128xf32, #tpu.memory_space<vmem_shared>> -> memref<128x128xf32, #tpu.memory_space<vmem_shared>>
    tpu.enqueue_dma source(%dma_start3A_2632 : memref<128x128xf32, #tpu.memory_space<vmem_shared>>) target(%dma_start3A_2630 : memref<128x128xf32, #tpu.memory_space<hbm>>) target_semaphore(%arg24 : memref<!tpu.dma_semaphore, #tpu.memory_space<semaphore_mem>>)
    %dma_start3A_2633 = arith.constant 46 : i32
    %dma_start3A_2634 = arith.constant 0 : i32
    %dma_start3A_2635 = tpu.memref_slice %arg7[%dma_start3A_2633, %dma_start3A_2634] : memref<50x128xi32, #tpu.memory_space<vmem>> -> memref<1x128xi32, #tpu.memory_space<vmem>>
    %dma_start3A_2636 = tpu.memref_squeeze %dma_start3A_2635 : memref<1x128xi32, #tpu.memory_space<vmem>> -> memref<128xi32, #tpu.memory_space<vmem>>
    %dma_start3A_2637 = arith.constant 0 : i32
    %dma_start3A_2638 = arith.constant 0 : i32
    %dma_start3A_2639 = tpu.memref_slice %arg4[%dma_start3A_2637, %dma_start3A_2638] : memref<100000x128xf32, #tpu.memory_space<hbm>> -> memref<100000x128xf32, #tpu.memory_space<hbm>>
    tpu.enqueue_indirect_dma source(%dma_start3A_2639 : memref<100000x128xf32, #tpu.memory_space<hbm>>) target(%arg11 : memref<128x128xf32, #tpu.memory_space<vmem>>) offsets(%dma_start3A_2636 : memref<128xi32, #tpu.memory_space<vmem>>) semaphore(%arg15 : memref<!tpu.dma_semaphore, #tpu.memory_space<semaphore_mem>>)
    %dma_wait3A_2640 = arith.constant 0 : i32
    %dma_wait3A_2641 = tpu.memref_slice %arg6[%add3A_2576, %dma_wait3A_2640] : memref<204800x128xf32, #tpu.memory_space<hbm>> -> memref<128x128xf32, #tpu.memory_space<hbm>>
    %dma_wait3A_2642 = arith.constant 0 : i32
    %dma_wait3A_2643 = tpu.memref_slice %arg13[%add3A_2574, %dma_wait3A_2642] : memref<6144x128xf32, #tpu.memory_space<vmem_shared>> -> memref<128x128xf32, #tpu.memory_space<vmem_shared>>
    tpu.wait_dma2 semaphore(%arg23 : memref<!tpu.dma_semaphore, #tpu.memory_space<semaphore_mem>>) src(%dma_wait3A_2643 : memref<128x128xf32, #tpu.memory_space<vmem_shared>>) dst(%dma_wait3A_2641 : memref<128x128xf32, #tpu.memory_space<hbm>>)
    %add3A_2644 = arith.constant 184320 : i32
    %add3A_2645 = arith.addi %add3A_2644, %mul3A_2 : i32
    %add3A_2646 = arith.constant 0 : i32
    %add3A_2647 = arith.addi %mul3A_4, %add3A_2646 : i32
    %dma_start3A_2648 = arith.constant 0 : i32
    %dma_start3A_2649 = tpu.memref_slice %arg13[%add3A_2647, %dma_start3A_2648] : memref<6144x128xf32, #tpu.memory_space<vmem_shared>> -> memref<128x128xf32, #tpu.memory_space<vmem_shared>>
    %dma_start3A_2650 = arith.constant 0 : i32
    %dma_start3A_2651 = tpu.memref_slice %arg2[%add3A_2645, %dma_start3A_2650] : memref<204800x128xf32, #tpu.memory_space<hbm>> -> memref<128x128xf32, #tpu.memory_space<hbm>>
    tpu.enqueue_dma source(%dma_start3A_2651 : memref<128x128xf32, #tpu.memory_space<hbm>>) target(%dma_start3A_2649 : memref<128x128xf32, #tpu.memory_space<vmem_shared>>) target_semaphore(%arg17 : memref<!tpu.dma_semaphore, #tpu.memory_space<semaphore_mem>>)
    %dma_wait3A_2652 = arith.constant 45 : i32
    %dma_wait3A_2653 = arith.constant 0 : i32
    %dma_wait3A_2654 = tpu.memref_slice %arg7[%dma_wait3A_2652, %dma_wait3A_2653] : memref<50x128xi32, #tpu.memory_space<vmem>> -> memref<1x128xi32, #tpu.memory_space<vmem>>
    %dma_wait3A_2655 = tpu.memref_squeeze %dma_wait3A_2654 : memref<1x128xi32, #tpu.memory_space<vmem>> -> memref<128xi32, #tpu.memory_space<vmem>>
    %dma_wait3A_2656 = arith.constant 0 : i32
    %dma_wait3A_2657 = arith.constant 0 : i32
    %dma_wait3A_2658 = tpu.memref_slice %arg4[%dma_wait3A_2656, %dma_wait3A_2657] : memref<100000x128xf32, #tpu.memory_space<hbm>> -> memref<100000x128xf32, #tpu.memory_space<hbm>>
    tpu.wait_indirect_dma semaphore(%arg14 : memref<!tpu.dma_semaphore, #tpu.memory_space<semaphore_mem>>) src(%dma_wait3A_2658 : memref<100000x128xf32, #tpu.memory_space<hbm>>) dst(%arg10 : memref<128x128xf32, #tpu.memory_space<vmem>>)
    %dma_wait3A_2659 = arith.constant 0 : i32
    %dma_wait3A_2660 = tpu.memref_slice %arg13[%add3A_2647, %dma_wait3A_2659] : memref<6144x128xf32, #tpu.memory_space<vmem_shared>> -> memref<128x128xf32, #tpu.memory_space<vmem_shared>>
    %dma_wait3A_2661 = arith.constant 0 : i32
    %dma_wait3A_2662 = tpu.memref_slice %arg2[%add3A_2645, %dma_wait3A_2661] : memref<204800x128xf32, #tpu.memory_space<hbm>> -> memref<128x128xf32, #tpu.memory_space<hbm>>
    tpu.wait_dma2 semaphore(%arg17 : memref<!tpu.dma_semaphore, #tpu.memory_space<semaphore_mem>>) src(%dma_wait3A_2662 : memref<128x128xf32, #tpu.memory_space<hbm>>) dst(%dma_wait3A_2660 : memref<128x128xf32, #tpu.memory_space<vmem_shared>>)
    %dma_start3A_2663 = arith.constant 0 : i32
    %dma_start3A_2664 = arith.constant 0 : i32
    %dma_start3A_2665 = tpu.memref_slice %arg9[%dma_start3A_2663, %dma_start3A_2664] : memref<3x128xi32, #tpu.memory_space<vmem>> -> memref<1x128xi32, #tpu.memory_space<vmem>>
    %dma_start3A_2666 = tpu.memref_squeeze %dma_start3A_2665 : memref<1x128xi32, #tpu.memory_space<vmem>> -> memref<128xi32, #tpu.memory_space<vmem>>
    %dma_start3A_2667 = arith.constant 0 : i32
    %dma_start3A_2668 = arith.constant 0 : i32
    %dma_start3A_2669 = tpu.memref_slice %arg13[%dma_start3A_2667, %dma_start3A_2668] : memref<6144x128xf32, #tpu.memory_space<vmem_shared>> -> memref<6144x128xf32, #tpu.memory_space<vmem_shared>>
    tpu.enqueue_indirect_dma source(%arg10 : memref<128x128xf32, #tpu.memory_space<vmem>>) target(%dma_start3A_2669 : memref<6144x128xf32, #tpu.memory_space<vmem_shared>>) offsets(%dma_start3A_2666 : memref<128xi32, #tpu.memory_space<vmem>>) semaphore(%arg20 : memref<!tpu.dma_semaphore, #tpu.memory_space<semaphore_mem>>) {add = true}
    %dma_wait3A_2670 = arith.constant 2 : i32
    %dma_wait3A_2671 = arith.constant 0 : i32
    %dma_wait3A_2672 = tpu.memref_slice %arg9[%dma_wait3A_2670, %dma_wait3A_2671] : memref<3x128xi32, #tpu.memory_space<vmem>> -> memref<1x128xi32, #tpu.memory_space<vmem>>
    %dma_wait3A_2673 = tpu.memref_squeeze %dma_wait3A_2672 : memref<1x128xi32, #tpu.memory_space<vmem>> -> memref<128xi32, #tpu.memory_space<vmem>>
    %dma_wait3A_2674 = arith.constant 0 : i32
    %dma_wait3A_2675 = arith.constant 0 : i32
    %dma_wait3A_2676 = tpu.memref_slice %arg13[%dma_wait3A_2674, %dma_wait3A_2675] : memref<6144x128xf32, #tpu.memory_space<vmem_shared>> -> memref<6144x128xf32, #tpu.memory_space<vmem_shared>>
    tpu.wait_indirect_dma semaphore(%arg22 : memref<!tpu.dma_semaphore, #tpu.memory_space<semaphore_mem>>) src(%arg12 : memref<128x128xf32, #tpu.memory_space<vmem>>) dst(%dma_wait3A_2676 : memref<6144x128xf32, #tpu.memory_space<vmem_shared>>)
    %add3A_2677 = arith.constant 256 : i32
    %add3A_2678 = arith.addi %mul3A_4, %add3A_2677 : i32
    %add3A_2679 = arith.constant 180224 : i32
    %add3A_2680 = arith.addi %add3A_2679, %mul3A_2 : i32
    %dma_start3A_2681 = arith.constant 0 : i32
    %dma_start3A_2682 = tpu.memref_slice %arg6[%add3A_2680, %dma_start3A_2681] : memref<204800x128xf32, #tpu.memory_space<hbm>> -> memref<128x128xf32, #tpu.memory_space<hbm>>
    %dma_start3A_2683 = arith.constant 0 : i32
    %dma_start3A_2684 = tpu.memref_slice %arg13[%add3A_2678, %dma_start3A_2683] : memref<6144x128xf32, #tpu.memory_space<vmem_shared>> -> memref<128x128xf32, #tpu.memory_space<vmem_shared>>
    tpu.enqueue_dma source(%dma_start3A_2684 : memref<128x128xf32, #tpu.memory_space<vmem_shared>>) target(%dma_start3A_2682 : memref<128x128xf32, #tpu.memory_space<hbm>>) target_semaphore(%arg25 : memref<!tpu.dma_semaphore, #tpu.memory_space<semaphore_mem>>)
    %dma_start3A_2685 = arith.constant 47 : i32
    %dma_start3A_2686 = arith.constant 0 : i32
    %dma_start3A_2687 = tpu.memref_slice %arg7[%dma_start3A_2685, %dma_start3A_2686] : memref<50x128xi32, #tpu.memory_space<vmem>> -> memref<1x128xi32, #tpu.memory_space<vmem>>
    %dma_start3A_2688 = tpu.memref_squeeze %dma_start3A_2687 : memref<1x128xi32, #tpu.memory_space<vmem>> -> memref<128xi32, #tpu.memory_space<vmem>>
    %dma_start3A_2689 = arith.constant 0 : i32
    %dma_start3A_2690 = arith.constant 0 : i32
    %dma_start3A_2691 = tpu.memref_slice %arg4[%dma_start3A_2689, %dma_start3A_2690] : memref<100000x128xf32, #tpu.memory_space<hbm>> -> memref<100000x128xf32, #tpu.memory_space<hbm>>
    tpu.enqueue_indirect_dma source(%dma_start3A_2691 : memref<100000x128xf32, #tpu.memory_space<hbm>>) target(%arg12 : memref<128x128xf32, #tpu.memory_space<vmem>>) offsets(%dma_start3A_2688 : memref<128xi32, #tpu.memory_space<vmem>>) semaphore(%arg16 : memref<!tpu.dma_semaphore, #tpu.memory_space<semaphore_mem>>)
    %dma_wait3A_2692 = arith.constant 0 : i32
    %dma_wait3A_2693 = tpu.memref_slice %arg6[%add3A_2628, %dma_wait3A_2692] : memref<204800x128xf32, #tpu.memory_space<hbm>> -> memref<128x128xf32, #tpu.memory_space<hbm>>
    %dma_wait3A_2694 = arith.constant 0 : i32
    %dma_wait3A_2695 = tpu.memref_slice %arg13[%add3A_2626, %dma_wait3A_2694] : memref<6144x128xf32, #tpu.memory_space<vmem_shared>> -> memref<128x128xf32, #tpu.memory_space<vmem_shared>>
    tpu.wait_dma2 semaphore(%arg24 : memref<!tpu.dma_semaphore, #tpu.memory_space<semaphore_mem>>) src(%dma_wait3A_2695 : memref<128x128xf32, #tpu.memory_space<vmem_shared>>) dst(%dma_wait3A_2693 : memref<128x128xf32, #tpu.memory_space<hbm>>)
    %add3A_2696 = arith.constant 188416 : i32
    %add3A_2697 = arith.addi %add3A_2696, %mul3A_2 : i32
    %add3A_2698 = arith.constant 128 : i32
    %add3A_2699 = arith.addi %mul3A_4, %add3A_2698 : i32
    %dma_start3A_2700 = arith.constant 0 : i32
    %dma_start3A_2701 = tpu.memref_slice %arg13[%add3A_2699, %dma_start3A_2700] : memref<6144x128xf32, #tpu.memory_space<vmem_shared>> -> memref<128x128xf32, #tpu.memory_space<vmem_shared>>
    %dma_start3A_2702 = arith.constant 0 : i32
    %dma_start3A_2703 = tpu.memref_slice %arg2[%add3A_2697, %dma_start3A_2702] : memref<204800x128xf32, #tpu.memory_space<hbm>> -> memref<128x128xf32, #tpu.memory_space<hbm>>
    tpu.enqueue_dma source(%dma_start3A_2703 : memref<128x128xf32, #tpu.memory_space<hbm>>) target(%dma_start3A_2701 : memref<128x128xf32, #tpu.memory_space<vmem_shared>>) target_semaphore(%arg18 : memref<!tpu.dma_semaphore, #tpu.memory_space<semaphore_mem>>)
    %dma_wait3A_2704 = arith.constant 46 : i32
    %dma_wait3A_2705 = arith.constant 0 : i32
    %dma_wait3A_2706 = tpu.memref_slice %arg7[%dma_wait3A_2704, %dma_wait3A_2705] : memref<50x128xi32, #tpu.memory_space<vmem>> -> memref<1x128xi32, #tpu.memory_space<vmem>>
    %dma_wait3A_2707 = tpu.memref_squeeze %dma_wait3A_2706 : memref<1x128xi32, #tpu.memory_space<vmem>> -> memref<128xi32, #tpu.memory_space<vmem>>
    %dma_wait3A_2708 = arith.constant 0 : i32
    %dma_wait3A_2709 = arith.constant 0 : i32
    %dma_wait3A_2710 = tpu.memref_slice %arg4[%dma_wait3A_2708, %dma_wait3A_2709] : memref<100000x128xf32, #tpu.memory_space<hbm>> -> memref<100000x128xf32, #tpu.memory_space<hbm>>
    tpu.wait_indirect_dma semaphore(%arg15 : memref<!tpu.dma_semaphore, #tpu.memory_space<semaphore_mem>>) src(%dma_wait3A_2710 : memref<100000x128xf32, #tpu.memory_space<hbm>>) dst(%arg11 : memref<128x128xf32, #tpu.memory_space<vmem>>)
    %dma_wait3A_2711 = arith.constant 0 : i32
    %dma_wait3A_2712 = tpu.memref_slice %arg13[%add3A_2699, %dma_wait3A_2711] : memref<6144x128xf32, #tpu.memory_space<vmem_shared>> -> memref<128x128xf32, #tpu.memory_space<vmem_shared>>
    %dma_wait3A_2713 = arith.constant 0 : i32
    %dma_wait3A_2714 = tpu.memref_slice %arg2[%add3A_2697, %dma_wait3A_2713] : memref<204800x128xf32, #tpu.memory_space<hbm>> -> memref<128x128xf32, #tpu.memory_space<hbm>>
    tpu.wait_dma2 semaphore(%arg18 : memref<!tpu.dma_semaphore, #tpu.memory_space<semaphore_mem>>) src(%dma_wait3A_2714 : memref<128x128xf32, #tpu.memory_space<hbm>>) dst(%dma_wait3A_2712 : memref<128x128xf32, #tpu.memory_space<vmem_shared>>)
    %dma_start3A_2715 = arith.constant 1 : i32
    %dma_start3A_2716 = arith.constant 0 : i32
    %dma_start3A_2717 = tpu.memref_slice %arg9[%dma_start3A_2715, %dma_start3A_2716] : memref<3x128xi32, #tpu.memory_space<vmem>> -> memref<1x128xi32, #tpu.memory_space<vmem>>
    %dma_start3A_2718 = tpu.memref_squeeze %dma_start3A_2717 : memref<1x128xi32, #tpu.memory_space<vmem>> -> memref<128xi32, #tpu.memory_space<vmem>>
    %dma_start3A_2719 = arith.constant 0 : i32
    %dma_start3A_2720 = arith.constant 0 : i32
    %dma_start3A_2721 = tpu.memref_slice %arg13[%dma_start3A_2719, %dma_start3A_2720] : memref<6144x128xf32, #tpu.memory_space<vmem_shared>> -> memref<6144x128xf32, #tpu.memory_space<vmem_shared>>
    tpu.enqueue_indirect_dma source(%arg11 : memref<128x128xf32, #tpu.memory_space<vmem>>) target(%dma_start3A_2721 : memref<6144x128xf32, #tpu.memory_space<vmem_shared>>) offsets(%dma_start3A_2718 : memref<128xi32, #tpu.memory_space<vmem>>) semaphore(%arg21 : memref<!tpu.dma_semaphore, #tpu.memory_space<semaphore_mem>>) {add = true}
    %dma_wait3A_2722 = arith.constant 0 : i32
    %dma_wait3A_2723 = arith.constant 0 : i32
    %dma_wait3A_2724 = tpu.memref_slice %arg9[%dma_wait3A_2722, %dma_wait3A_2723] : memref<3x128xi32, #tpu.memory_space<vmem>> -> memref<1x128xi32, #tpu.memory_space<vmem>>
    %dma_wait3A_2725 = tpu.memref_squeeze %dma_wait3A_2724 : memref<1x128xi32, #tpu.memory_space<vmem>> -> memref<128xi32, #tpu.memory_space<vmem>>
    %dma_wait3A_2726 = arith.constant 0 : i32
    %dma_wait3A_2727 = arith.constant 0 : i32
    %dma_wait3A_2728 = tpu.memref_slice %arg13[%dma_wait3A_2726, %dma_wait3A_2727] : memref<6144x128xf32, #tpu.memory_space<vmem_shared>> -> memref<6144x128xf32, #tpu.memory_space<vmem_shared>>
    tpu.wait_indirect_dma semaphore(%arg20 : memref<!tpu.dma_semaphore, #tpu.memory_space<semaphore_mem>>) src(%arg10 : memref<128x128xf32, #tpu.memory_space<vmem>>) dst(%dma_wait3A_2728 : memref<6144x128xf32, #tpu.memory_space<vmem_shared>>)
    %add3A_2729 = arith.constant 0 : i32
    %add3A_2730 = arith.addi %mul3A_4, %add3A_2729 : i32
    %add3A_2731 = arith.constant 184320 : i32
    %add3A_2732 = arith.addi %add3A_2731, %mul3A_2 : i32
    %dma_start3A_2733 = arith.constant 0 : i32
    %dma_start3A_2734 = tpu.memref_slice %arg6[%add3A_2732, %dma_start3A_2733] : memref<204800x128xf32, #tpu.memory_space<hbm>> -> memref<128x128xf32, #tpu.memory_space<hbm>>
    %dma_start3A_2735 = arith.constant 0 : i32
    %dma_start3A_2736 = tpu.memref_slice %arg13[%add3A_2730, %dma_start3A_2735] : memref<6144x128xf32, #tpu.memory_space<vmem_shared>> -> memref<128x128xf32, #tpu.memory_space<vmem_shared>>
    tpu.enqueue_dma source(%dma_start3A_2736 : memref<128x128xf32, #tpu.memory_space<vmem_shared>>) target(%dma_start3A_2734 : memref<128x128xf32, #tpu.memory_space<hbm>>) target_semaphore(%arg23 : memref<!tpu.dma_semaphore, #tpu.memory_space<semaphore_mem>>)
    %dma_start3A_2737 = arith.constant 48 : i32
    %dma_start3A_2738 = arith.constant 0 : i32
    %dma_start3A_2739 = tpu.memref_slice %arg7[%dma_start3A_2737, %dma_start3A_2738] : memref<50x128xi32, #tpu.memory_space<vmem>> -> memref<1x128xi32, #tpu.memory_space<vmem>>
    %dma_start3A_2740 = tpu.memref_squeeze %dma_start3A_2739 : memref<1x128xi32, #tpu.memory_space<vmem>> -> memref<128xi32, #tpu.memory_space<vmem>>
    %dma_start3A_2741 = arith.constant 0 : i32
    %dma_start3A_2742 = arith.constant 0 : i32
    %dma_start3A_2743 = tpu.memref_slice %arg4[%dma_start3A_2741, %dma_start3A_2742] : memref<100000x128xf32, #tpu.memory_space<hbm>> -> memref<100000x128xf32, #tpu.memory_space<hbm>>
    tpu.enqueue_indirect_dma source(%dma_start3A_2743 : memref<100000x128xf32, #tpu.memory_space<hbm>>) target(%arg10 : memref<128x128xf32, #tpu.memory_space<vmem>>) offsets(%dma_start3A_2740 : memref<128xi32, #tpu.memory_space<vmem>>) semaphore(%arg14 : memref<!tpu.dma_semaphore, #tpu.memory_space<semaphore_mem>>)
    %dma_wait3A_2744 = arith.constant 0 : i32
    %dma_wait3A_2745 = tpu.memref_slice %arg6[%add3A_2680, %dma_wait3A_2744] : memref<204800x128xf32, #tpu.memory_space<hbm>> -> memref<128x128xf32, #tpu.memory_space<hbm>>
    %dma_wait3A_2746 = arith.constant 0 : i32
    %dma_wait3A_2747 = tpu.memref_slice %arg13[%add3A_2678, %dma_wait3A_2746] : memref<6144x128xf32, #tpu.memory_space<vmem_shared>> -> memref<128x128xf32, #tpu.memory_space<vmem_shared>>
    tpu.wait_dma2 semaphore(%arg25 : memref<!tpu.dma_semaphore, #tpu.memory_space<semaphore_mem>>) src(%dma_wait3A_2747 : memref<128x128xf32, #tpu.memory_space<vmem_shared>>) dst(%dma_wait3A_2745 : memref<128x128xf32, #tpu.memory_space<hbm>>)
    %add3A_2748 = arith.constant 192512 : i32
    %add3A_2749 = arith.addi %add3A_2748, %mul3A_2 : i32
    %add3A_2750 = arith.constant 256 : i32
    %add3A_2751 = arith.addi %mul3A_4, %add3A_2750 : i32
    %dma_start3A_2752 = arith.constant 0 : i32
    %dma_start3A_2753 = tpu.memref_slice %arg13[%add3A_2751, %dma_start3A_2752] : memref<6144x128xf32, #tpu.memory_space<vmem_shared>> -> memref<128x128xf32, #tpu.memory_space<vmem_shared>>
    %dma_start3A_2754 = arith.constant 0 : i32
    %dma_start3A_2755 = tpu.memref_slice %arg2[%add3A_2749, %dma_start3A_2754] : memref<204800x128xf32, #tpu.memory_space<hbm>> -> memref<128x128xf32, #tpu.memory_space<hbm>>
    tpu.enqueue_dma source(%dma_start3A_2755 : memref<128x128xf32, #tpu.memory_space<hbm>>) target(%dma_start3A_2753 : memref<128x128xf32, #tpu.memory_space<vmem_shared>>) target_semaphore(%arg19 : memref<!tpu.dma_semaphore, #tpu.memory_space<semaphore_mem>>)
    %dma_wait3A_2756 = arith.constant 47 : i32
    %dma_wait3A_2757 = arith.constant 0 : i32
    %dma_wait3A_2758 = tpu.memref_slice %arg7[%dma_wait3A_2756, %dma_wait3A_2757] : memref<50x128xi32, #tpu.memory_space<vmem>> -> memref<1x128xi32, #tpu.memory_space<vmem>>
    %dma_wait3A_2759 = tpu.memref_squeeze %dma_wait3A_2758 : memref<1x128xi32, #tpu.memory_space<vmem>> -> memref<128xi32, #tpu.memory_space<vmem>>
    %dma_wait3A_2760 = arith.constant 0 : i32
    %dma_wait3A_2761 = arith.constant 0 : i32
    %dma_wait3A_2762 = tpu.memref_slice %arg4[%dma_wait3A_2760, %dma_wait3A_2761] : memref<100000x128xf32, #tpu.memory_space<hbm>> -> memref<100000x128xf32, #tpu.memory_space<hbm>>
    tpu.wait_indirect_dma semaphore(%arg16 : memref<!tpu.dma_semaphore, #tpu.memory_space<semaphore_mem>>) src(%dma_wait3A_2762 : memref<100000x128xf32, #tpu.memory_space<hbm>>) dst(%arg12 : memref<128x128xf32, #tpu.memory_space<vmem>>)
    %dma_wait3A_2763 = arith.constant 0 : i32
    %dma_wait3A_2764 = tpu.memref_slice %arg13[%add3A_2751, %dma_wait3A_2763] : memref<6144x128xf32, #tpu.memory_space<vmem_shared>> -> memref<128x128xf32, #tpu.memory_space<vmem_shared>>
    %dma_wait3A_2765 = arith.constant 0 : i32
    %dma_wait3A_2766 = tpu.memref_slice %arg2[%add3A_2749, %dma_wait3A_2765] : memref<204800x128xf32, #tpu.memory_space<hbm>> -> memref<128x128xf32, #tpu.memory_space<hbm>>
    tpu.wait_dma2 semaphore(%arg19 : memref<!tpu.dma_semaphore, #tpu.memory_space<semaphore_mem>>) src(%dma_wait3A_2766 : memref<128x128xf32, #tpu.memory_space<hbm>>) dst(%dma_wait3A_2764 : memref<128x128xf32, #tpu.memory_space<vmem_shared>>)
    %dma_start3A_2767 = arith.constant 2 : i32
    %dma_start3A_2768 = arith.constant 0 : i32
    %dma_start3A_2769 = tpu.memref_slice %arg9[%dma_start3A_2767, %dma_start3A_2768] : memref<3x128xi32, #tpu.memory_space<vmem>> -> memref<1x128xi32, #tpu.memory_space<vmem>>
    %dma_start3A_2770 = tpu.memref_squeeze %dma_start3A_2769 : memref<1x128xi32, #tpu.memory_space<vmem>> -> memref<128xi32, #tpu.memory_space<vmem>>
    %dma_start3A_2771 = arith.constant 0 : i32
    %dma_start3A_2772 = arith.constant 0 : i32
    %dma_start3A_2773 = tpu.memref_slice %arg13[%dma_start3A_2771, %dma_start3A_2772] : memref<6144x128xf32, #tpu.memory_space<vmem_shared>> -> memref<6144x128xf32, #tpu.memory_space<vmem_shared>>
    tpu.enqueue_indirect_dma source(%arg12 : memref<128x128xf32, #tpu.memory_space<vmem>>) target(%dma_start3A_2773 : memref<6144x128xf32, #tpu.memory_space<vmem_shared>>) offsets(%dma_start3A_2770 : memref<128xi32, #tpu.memory_space<vmem>>) semaphore(%arg22 : memref<!tpu.dma_semaphore, #tpu.memory_space<semaphore_mem>>) {add = true}
    %dma_wait3A_2774 = arith.constant 1 : i32
    %dma_wait3A_2775 = arith.constant 0 : i32
    %dma_wait3A_2776 = tpu.memref_slice %arg9[%dma_wait3A_2774, %dma_wait3A_2775] : memref<3x128xi32, #tpu.memory_space<vmem>> -> memref<1x128xi32, #tpu.memory_space<vmem>>
    %dma_wait3A_2777 = tpu.memref_squeeze %dma_wait3A_2776 : memref<1x128xi32, #tpu.memory_space<vmem>> -> memref<128xi32, #tpu.memory_space<vmem>>
    %dma_wait3A_2778 = arith.constant 0 : i32
    %dma_wait3A_2779 = arith.constant 0 : i32
    %dma_wait3A_2780 = tpu.memref_slice %arg13[%dma_wait3A_2778, %dma_wait3A_2779] : memref<6144x128xf32, #tpu.memory_space<vmem_shared>> -> memref<6144x128xf32, #tpu.memory_space<vmem_shared>>
    tpu.wait_indirect_dma semaphore(%arg21 : memref<!tpu.dma_semaphore, #tpu.memory_space<semaphore_mem>>) src(%arg11 : memref<128x128xf32, #tpu.memory_space<vmem>>) dst(%dma_wait3A_2780 : memref<6144x128xf32, #tpu.memory_space<vmem_shared>>)
    %add3A_2781 = arith.constant 128 : i32
    %add3A_2782 = arith.addi %mul3A_4, %add3A_2781 : i32
    %add3A_2783 = arith.constant 188416 : i32
    %add3A_2784 = arith.addi %add3A_2783, %mul3A_2 : i32
    %dma_start3A_2785 = arith.constant 0 : i32
    %dma_start3A_2786 = tpu.memref_slice %arg6[%add3A_2784, %dma_start3A_2785] : memref<204800x128xf32, #tpu.memory_space<hbm>> -> memref<128x128xf32, #tpu.memory_space<hbm>>
    %dma_start3A_2787 = arith.constant 0 : i32
    %dma_start3A_2788 = tpu.memref_slice %arg13[%add3A_2782, %dma_start3A_2787] : memref<6144x128xf32, #tpu.memory_space<vmem_shared>> -> memref<128x128xf32, #tpu.memory_space<vmem_shared>>
    tpu.enqueue_dma source(%dma_start3A_2788 : memref<128x128xf32, #tpu.memory_space<vmem_shared>>) target(%dma_start3A_2786 : memref<128x128xf32, #tpu.memory_space<hbm>>) target_semaphore(%arg24 : memref<!tpu.dma_semaphore, #tpu.memory_space<semaphore_mem>>)
    %dma_start3A_2789 = arith.constant 49 : i32
    %dma_start3A_2790 = arith.constant 0 : i32
    %dma_start3A_2791 = tpu.memref_slice %arg7[%dma_start3A_2789, %dma_start3A_2790] : memref<50x128xi32, #tpu.memory_space<vmem>> -> memref<1x128xi32, #tpu.memory_space<vmem>>
    %dma_start3A_2792 = tpu.memref_squeeze %dma_start3A_2791 : memref<1x128xi32, #tpu.memory_space<vmem>> -> memref<128xi32, #tpu.memory_space<vmem>>
    %dma_start3A_2793 = arith.constant 0 : i32
    %dma_start3A_2794 = arith.constant 0 : i32
    %dma_start3A_2795 = tpu.memref_slice %arg4[%dma_start3A_2793, %dma_start3A_2794] : memref<100000x128xf32, #tpu.memory_space<hbm>> -> memref<100000x128xf32, #tpu.memory_space<hbm>>
    tpu.enqueue_indirect_dma source(%dma_start3A_2795 : memref<100000x128xf32, #tpu.memory_space<hbm>>) target(%arg11 : memref<128x128xf32, #tpu.memory_space<vmem>>) offsets(%dma_start3A_2792 : memref<128xi32, #tpu.memory_space<vmem>>) semaphore(%arg15 : memref<!tpu.dma_semaphore, #tpu.memory_space<semaphore_mem>>)
    %dma_wait3A_2796 = arith.constant 0 : i32
    %dma_wait3A_2797 = tpu.memref_slice %arg6[%add3A_2732, %dma_wait3A_2796] : memref<204800x128xf32, #tpu.memory_space<hbm>> -> memref<128x128xf32, #tpu.memory_space<hbm>>
    %dma_wait3A_2798 = arith.constant 0 : i32
    %dma_wait3A_2799 = tpu.memref_slice %arg13[%add3A_2730, %dma_wait3A_2798] : memref<6144x128xf32, #tpu.memory_space<vmem_shared>> -> memref<128x128xf32, #tpu.memory_space<vmem_shared>>
    tpu.wait_dma2 semaphore(%arg23 : memref<!tpu.dma_semaphore, #tpu.memory_space<semaphore_mem>>) src(%dma_wait3A_2799 : memref<128x128xf32, #tpu.memory_space<vmem_shared>>) dst(%dma_wait3A_2797 : memref<128x128xf32, #tpu.memory_space<hbm>>)
    %add3A_2800 = arith.constant 196608 : i32
    %add3A_2801 = arith.addi %add3A_2800, %mul3A_2 : i32
    %add3A_2802 = arith.constant 0 : i32
    %add3A_2803 = arith.addi %mul3A_4, %add3A_2802 : i32
    %dma_start3A_2804 = arith.constant 0 : i32
    %dma_start3A_2805 = tpu.memref_slice %arg13[%add3A_2803, %dma_start3A_2804] : memref<6144x128xf32, #tpu.memory_space<vmem_shared>> -> memref<128x128xf32, #tpu.memory_space<vmem_shared>>
    %dma_start3A_2806 = arith.constant 0 : i32
    %dma_start3A_2807 = tpu.memref_slice %arg2[%add3A_2801, %dma_start3A_2806] : memref<204800x128xf32, #tpu.memory_space<hbm>> -> memref<128x128xf32, #tpu.memory_space<hbm>>
    tpu.enqueue_dma source(%dma_start3A_2807 : memref<128x128xf32, #tpu.memory_space<hbm>>) target(%dma_start3A_2805 : memref<128x128xf32, #tpu.memory_space<vmem_shared>>) target_semaphore(%arg17 : memref<!tpu.dma_semaphore, #tpu.memory_space<semaphore_mem>>)
    %dma_wait3A_2808 = arith.constant 48 : i32
    %dma_wait3A_2809 = arith.constant 0 : i32
    %dma_wait3A_2810 = tpu.memref_slice %arg7[%dma_wait3A_2808, %dma_wait3A_2809] : memref<50x128xi32, #tpu.memory_space<vmem>> -> memref<1x128xi32, #tpu.memory_space<vmem>>
    %dma_wait3A_2811 = tpu.memref_squeeze %dma_wait3A_2810 : memref<1x128xi32, #tpu.memory_space<vmem>> -> memref<128xi32, #tpu.memory_space<vmem>>
    %dma_wait3A_2812 = arith.constant 0 : i32
    %dma_wait3A_2813 = arith.constant 0 : i32
    %dma_wait3A_2814 = tpu.memref_slice %arg4[%dma_wait3A_2812, %dma_wait3A_2813] : memref<100000x128xf32, #tpu.memory_space<hbm>> -> memref<100000x128xf32, #tpu.memory_space<hbm>>
    tpu.wait_indirect_dma semaphore(%arg14 : memref<!tpu.dma_semaphore, #tpu.memory_space<semaphore_mem>>) src(%dma_wait3A_2814 : memref<100000x128xf32, #tpu.memory_space<hbm>>) dst(%arg10 : memref<128x128xf32, #tpu.memory_space<vmem>>)
    %dma_wait3A_2815 = arith.constant 0 : i32
    %dma_wait3A_2816 = tpu.memref_slice %arg13[%add3A_2803, %dma_wait3A_2815] : memref<6144x128xf32, #tpu.memory_space<vmem_shared>> -> memref<128x128xf32, #tpu.memory_space<vmem_shared>>
    %dma_wait3A_2817 = arith.constant 0 : i32
    %dma_wait3A_2818 = tpu.memref_slice %arg2[%add3A_2801, %dma_wait3A_2817] : memref<204800x128xf32, #tpu.memory_space<hbm>> -> memref<128x128xf32, #tpu.memory_space<hbm>>
    tpu.wait_dma2 semaphore(%arg17 : memref<!tpu.dma_semaphore, #tpu.memory_space<semaphore_mem>>) src(%dma_wait3A_2818 : memref<128x128xf32, #tpu.memory_space<hbm>>) dst(%dma_wait3A_2816 : memref<128x128xf32, #tpu.memory_space<vmem_shared>>)
    %dma_start3A_2819 = arith.constant 0 : i32
    %dma_start3A_2820 = arith.constant 0 : i32
    %dma_start3A_2821 = tpu.memref_slice %arg9[%dma_start3A_2819, %dma_start3A_2820] : memref<3x128xi32, #tpu.memory_space<vmem>> -> memref<1x128xi32, #tpu.memory_space<vmem>>
    %dma_start3A_2822 = tpu.memref_squeeze %dma_start3A_2821 : memref<1x128xi32, #tpu.memory_space<vmem>> -> memref<128xi32, #tpu.memory_space<vmem>>
    %dma_start3A_2823 = arith.constant 0 : i32
    %dma_start3A_2824 = arith.constant 0 : i32
    %dma_start3A_2825 = tpu.memref_slice %arg13[%dma_start3A_2823, %dma_start3A_2824] : memref<6144x128xf32, #tpu.memory_space<vmem_shared>> -> memref<6144x128xf32, #tpu.memory_space<vmem_shared>>
    tpu.enqueue_indirect_dma source(%arg10 : memref<128x128xf32, #tpu.memory_space<vmem>>) target(%dma_start3A_2825 : memref<6144x128xf32, #tpu.memory_space<vmem_shared>>) offsets(%dma_start3A_2822 : memref<128xi32, #tpu.memory_space<vmem>>) semaphore(%arg20 : memref<!tpu.dma_semaphore, #tpu.memory_space<semaphore_mem>>) {add = true}
    %dma_wait3A_2826 = arith.constant 2 : i32
    %dma_wait3A_2827 = arith.constant 0 : i32
    %dma_wait3A_2828 = tpu.memref_slice %arg9[%dma_wait3A_2826, %dma_wait3A_2827] : memref<3x128xi32, #tpu.memory_space<vmem>> -> memref<1x128xi32, #tpu.memory_space<vmem>>
    %dma_wait3A_2829 = tpu.memref_squeeze %dma_wait3A_2828 : memref<1x128xi32, #tpu.memory_space<vmem>> -> memref<128xi32, #tpu.memory_space<vmem>>
    %dma_wait3A_2830 = arith.constant 0 : i32
    %dma_wait3A_2831 = arith.constant 0 : i32
    %dma_wait3A_2832 = tpu.memref_slice %arg13[%dma_wait3A_2830, %dma_wait3A_2831] : memref<6144x128xf32, #tpu.memory_space<vmem_shared>> -> memref<6144x128xf32, #tpu.memory_space<vmem_shared>>
    tpu.wait_indirect_dma semaphore(%arg22 : memref<!tpu.dma_semaphore, #tpu.memory_space<semaphore_mem>>) src(%arg12 : memref<128x128xf32, #tpu.memory_space<vmem>>) dst(%dma_wait3A_2832 : memref<6144x128xf32, #tpu.memory_space<vmem_shared>>)
    %add3A_2833 = arith.constant 256 : i32
    %add3A_2834 = arith.addi %mul3A_4, %add3A_2833 : i32
    %add3A_2835 = arith.constant 192512 : i32
    %add3A_2836 = arith.addi %add3A_2835, %mul3A_2 : i32
    %dma_start3A_2837 = arith.constant 0 : i32
    %dma_start3A_2838 = tpu.memref_slice %arg6[%add3A_2836, %dma_start3A_2837] : memref<204800x128xf32, #tpu.memory_space<hbm>> -> memref<128x128xf32, #tpu.memory_space<hbm>>
    %dma_start3A_2839 = arith.constant 0 : i32
    %dma_start3A_2840 = tpu.memref_slice %arg13[%add3A_2834, %dma_start3A_2839] : memref<6144x128xf32, #tpu.memory_space<vmem_shared>> -> memref<128x128xf32, #tpu.memory_space<vmem_shared>>
    tpu.enqueue_dma source(%dma_start3A_2840 : memref<128x128xf32, #tpu.memory_space<vmem_shared>>) target(%dma_start3A_2838 : memref<128x128xf32, #tpu.memory_space<hbm>>) target_semaphore(%arg25 : memref<!tpu.dma_semaphore, #tpu.memory_space<semaphore_mem>>)
    %dma_wait3A_2841 = arith.constant 0 : i32
    %dma_wait3A_2842 = tpu.memref_slice %arg6[%add3A_2784, %dma_wait3A_2841] : memref<204800x128xf32, #tpu.memory_space<hbm>> -> memref<128x128xf32, #tpu.memory_space<hbm>>
    %dma_wait3A_2843 = arith.constant 0 : i32
    %dma_wait3A_2844 = tpu.memref_slice %arg13[%add3A_2782, %dma_wait3A_2843] : memref<6144x128xf32, #tpu.memory_space<vmem_shared>> -> memref<128x128xf32, #tpu.memory_space<vmem_shared>>
    tpu.wait_dma2 semaphore(%arg24 : memref<!tpu.dma_semaphore, #tpu.memory_space<semaphore_mem>>) src(%dma_wait3A_2844 : memref<128x128xf32, #tpu.memory_space<vmem_shared>>) dst(%dma_wait3A_2842 : memref<128x128xf32, #tpu.memory_space<hbm>>)
    %add3A_2845 = arith.constant 200704 : i32
    %add3A_2846 = arith.addi %add3A_2845, %mul3A_2 : i32
    %add3A_2847 = arith.constant 128 : i32
    %add3A_2848 = arith.addi %mul3A_4, %add3A_2847 : i32
    %dma_start3A_2849 = arith.constant 0 : i32
    %dma_start3A_2850 = tpu.memref_slice %arg13[%add3A_2848, %dma_start3A_2849] : memref<6144x128xf32, #tpu.memory_space<vmem_shared>> -> memref<128x128xf32, #tpu.memory_space<vmem_shared>>
    %dma_start3A_2851 = arith.constant 0 : i32
    %dma_start3A_2852 = tpu.memref_slice %arg2[%add3A_2846, %dma_start3A_2851] : memref<204800x128xf32, #tpu.memory_space<hbm>> -> memref<128x128xf32, #tpu.memory_space<hbm>>
    tpu.enqueue_dma source(%dma_start3A_2852 : memref<128x128xf32, #tpu.memory_space<hbm>>) target(%dma_start3A_2850 : memref<128x128xf32, #tpu.memory_space<vmem_shared>>) target_semaphore(%arg18 : memref<!tpu.dma_semaphore, #tpu.memory_space<semaphore_mem>>)
    %dma_wait3A_2853 = arith.constant 49 : i32
    %dma_wait3A_2854 = arith.constant 0 : i32
    %dma_wait3A_2855 = tpu.memref_slice %arg7[%dma_wait3A_2853, %dma_wait3A_2854] : memref<50x128xi32, #tpu.memory_space<vmem>> -> memref<1x128xi32, #tpu.memory_space<vmem>>
    %dma_wait3A_2856 = tpu.memref_squeeze %dma_wait3A_2855 : memref<1x128xi32, #tpu.memory_space<vmem>> -> memref<128xi32, #tpu.memory_space<vmem>>
    %dma_wait3A_2857 = arith.constant 0 : i32
    %dma_wait3A_2858 = arith.constant 0 : i32
    %dma_wait3A_2859 = tpu.memref_slice %arg4[%dma_wait3A_2857, %dma_wait3A_2858] : memref<100000x128xf32, #tpu.memory_space<hbm>> -> memref<100000x128xf32, #tpu.memory_space<hbm>>
    tpu.wait_indirect_dma semaphore(%arg15 : memref<!tpu.dma_semaphore, #tpu.memory_space<semaphore_mem>>) src(%dma_wait3A_2859 : memref<100000x128xf32, #tpu.memory_space<hbm>>) dst(%arg11 : memref<128x128xf32, #tpu.memory_space<vmem>>)
    %dma_wait3A_2860 = arith.constant 0 : i32
    %dma_wait3A_2861 = tpu.memref_slice %arg13[%add3A_2848, %dma_wait3A_2860] : memref<6144x128xf32, #tpu.memory_space<vmem_shared>> -> memref<128x128xf32, #tpu.memory_space<vmem_shared>>
    %dma_wait3A_2862 = arith.constant 0 : i32
    %dma_wait3A_2863 = tpu.memref_slice %arg2[%add3A_2846, %dma_wait3A_2862] : memref<204800x128xf32, #tpu.memory_space<hbm>> -> memref<128x128xf32, #tpu.memory_space<hbm>>
    tpu.wait_dma2 semaphore(%arg18 : memref<!tpu.dma_semaphore, #tpu.memory_space<semaphore_mem>>) src(%dma_wait3A_2863 : memref<128x128xf32, #tpu.memory_space<hbm>>) dst(%dma_wait3A_2861 : memref<128x128xf32, #tpu.memory_space<vmem_shared>>)
    %dma_start3A_2864 = arith.constant 1 : i32
    %dma_start3A_2865 = arith.constant 0 : i32
    %dma_start3A_2866 = tpu.memref_slice %arg9[%dma_start3A_2864, %dma_start3A_2865] : memref<3x128xi32, #tpu.memory_space<vmem>> -> memref<1x128xi32, #tpu.memory_space<vmem>>
    %dma_start3A_2867 = tpu.memref_squeeze %dma_start3A_2866 : memref<1x128xi32, #tpu.memory_space<vmem>> -> memref<128xi32, #tpu.memory_space<vmem>>
    %dma_start3A_2868 = arith.constant 0 : i32
    %dma_start3A_2869 = arith.constant 0 : i32
    %dma_start3A_2870 = tpu.memref_slice %arg13[%dma_start3A_2868, %dma_start3A_2869] : memref<6144x128xf32, #tpu.memory_space<vmem_shared>> -> memref<6144x128xf32, #tpu.memory_space<vmem_shared>>
    tpu.enqueue_indirect_dma source(%arg11 : memref<128x128xf32, #tpu.memory_space<vmem>>) target(%dma_start3A_2870 : memref<6144x128xf32, #tpu.memory_space<vmem_shared>>) offsets(%dma_start3A_2867 : memref<128xi32, #tpu.memory_space<vmem>>) semaphore(%arg21 : memref<!tpu.dma_semaphore, #tpu.memory_space<semaphore_mem>>) {add = true}
    %dma_wait3A_2871 = arith.constant 0 : i32
    %dma_wait3A_2872 = arith.constant 0 : i32
    %dma_wait3A_2873 = tpu.memref_slice %arg9[%dma_wait3A_2871, %dma_wait3A_2872] : memref<3x128xi32, #tpu.memory_space<vmem>> -> memref<1x128xi32, #tpu.memory_space<vmem>>
    %dma_wait3A_2874 = tpu.memref_squeeze %dma_wait3A_2873 : memref<1x128xi32, #tpu.memory_space<vmem>> -> memref<128xi32, #tpu.memory_space<vmem>>
    %dma_wait3A_2875 = arith.constant 0 : i32
    %dma_wait3A_2876 = arith.constant 0 : i32
    %dma_wait3A_2877 = tpu.memref_slice %arg13[%dma_wait3A_2875, %dma_wait3A_2876] : memref<6144x128xf32, #tpu.memory_space<vmem_shared>> -> memref<6144x128xf32, #tpu.memory_space<vmem_shared>>
    tpu.wait_indirect_dma semaphore(%arg20 : memref<!tpu.dma_semaphore, #tpu.memory_space<semaphore_mem>>) src(%arg10 : memref<128x128xf32, #tpu.memory_space<vmem>>) dst(%dma_wait3A_2877 : memref<6144x128xf32, #tpu.memory_space<vmem_shared>>)
    %add3A_2878 = arith.constant 0 : i32
    %add3A_2879 = arith.addi %mul3A_4, %add3A_2878 : i32
    %add3A_2880 = arith.constant 196608 : i32
    %add3A_2881 = arith.addi %add3A_2880, %mul3A_2 : i32
    %dma_start3A_2882 = arith.constant 0 : i32
    %dma_start3A_2883 = tpu.memref_slice %arg6[%add3A_2881, %dma_start3A_2882] : memref<204800x128xf32, #tpu.memory_space<hbm>> -> memref<128x128xf32, #tpu.memory_space<hbm>>
    %dma_start3A_2884 = arith.constant 0 : i32
    %dma_start3A_2885 = tpu.memref_slice %arg13[%add3A_2879, %dma_start3A_2884] : memref<6144x128xf32, #tpu.memory_space<vmem_shared>> -> memref<128x128xf32, #tpu.memory_space<vmem_shared>>
    tpu.enqueue_dma source(%dma_start3A_2885 : memref<128x128xf32, #tpu.memory_space<vmem_shared>>) target(%dma_start3A_2883 : memref<128x128xf32, #tpu.memory_space<hbm>>) target_semaphore(%arg23 : memref<!tpu.dma_semaphore, #tpu.memory_space<semaphore_mem>>)
    %dma_wait3A_2886 = arith.constant 0 : i32
    %dma_wait3A_2887 = tpu.memref_slice %arg6[%add3A_2836, %dma_wait3A_2886] : memref<204800x128xf32, #tpu.memory_space<hbm>> -> memref<128x128xf32, #tpu.memory_space<hbm>>
    %dma_wait3A_2888 = arith.constant 0 : i32
    %dma_wait3A_2889 = tpu.memref_slice %arg13[%add3A_2834, %dma_wait3A_2888] : memref<6144x128xf32, #tpu.memory_space<vmem_shared>> -> memref<128x128xf32, #tpu.memory_space<vmem_shared>>
    tpu.wait_dma2 semaphore(%arg25 : memref<!tpu.dma_semaphore, #tpu.memory_space<semaphore_mem>>) src(%dma_wait3A_2889 : memref<128x128xf32, #tpu.memory_space<vmem_shared>>) dst(%dma_wait3A_2887 : memref<128x128xf32, #tpu.memory_space<hbm>>)
    %dma_wait3A_2890 = arith.constant 1 : i32
    %dma_wait3A_2891 = arith.constant 0 : i32
    %dma_wait3A_2892 = tpu.memref_slice %arg9[%dma_wait3A_2890, %dma_wait3A_2891] : memref<3x128xi32, #tpu.memory_space<vmem>> -> memref<1x128xi32, #tpu.memory_space<vmem>>
    %dma_wait3A_2893 = tpu.memref_squeeze %dma_wait3A_2892 : memref<1x128xi32, #tpu.memory_space<vmem>> -> memref<128xi32, #tpu.memory_space<vmem>>
    %dma_wait3A_2894 = arith.constant 0 : i32
    %dma_wait3A_2895 = arith.constant 0 : i32
    %dma_wait3A_2896 = tpu.memref_slice %arg13[%dma_wait3A_2894, %dma_wait3A_2895] : memref<6144x128xf32, #tpu.memory_space<vmem_shared>> -> memref<6144x128xf32, #tpu.memory_space<vmem_shared>>
    tpu.wait_indirect_dma semaphore(%arg21 : memref<!tpu.dma_semaphore, #tpu.memory_space<semaphore_mem>>) src(%arg11 : memref<128x128xf32, #tpu.memory_space<vmem>>) dst(%dma_wait3A_2896 : memref<6144x128xf32, #tpu.memory_space<vmem_shared>>)
    %add3A_2897 = arith.constant 128 : i32
    %add3A_2898 = arith.addi %mul3A_4, %add3A_2897 : i32
    %add3A_2899 = arith.constant 200704 : i32
    %add3A_2900 = arith.addi %add3A_2899, %mul3A_2 : i32
    %dma_start3A_2901 = arith.constant 0 : i32
    %dma_start3A_2902 = tpu.memref_slice %arg6[%add3A_2900, %dma_start3A_2901] : memref<204800x128xf32, #tpu.memory_space<hbm>> -> memref<128x128xf32, #tpu.memory_space<hbm>>
    %dma_start3A_2903 = arith.constant 0 : i32
    %dma_start3A_2904 = tpu.memref_slice %arg13[%add3A_2898, %dma_start3A_2903] : memref<6144x128xf32, #tpu.memory_space<vmem_shared>> -> memref<128x128xf32, #tpu.memory_space<vmem_shared>>
    tpu.enqueue_dma source(%dma_start3A_2904 : memref<128x128xf32, #tpu.memory_space<vmem_shared>>) target(%dma_start3A_2902 : memref<128x128xf32, #tpu.memory_space<hbm>>) target_semaphore(%arg24 : memref<!tpu.dma_semaphore, #tpu.memory_space<semaphore_mem>>)
    %dma_wait3A_2905 = arith.constant 0 : i32
    %dma_wait3A_2906 = tpu.memref_slice %arg6[%add3A_2881, %dma_wait3A_2905] : memref<204800x128xf32, #tpu.memory_space<hbm>> -> memref<128x128xf32, #tpu.memory_space<hbm>>
    %dma_wait3A_2907 = arith.constant 0 : i32
    %dma_wait3A_2908 = tpu.memref_slice %arg13[%add3A_2879, %dma_wait3A_2907] : memref<6144x128xf32, #tpu.memory_space<vmem_shared>> -> memref<128x128xf32, #tpu.memory_space<vmem_shared>>
    tpu.wait_dma2 semaphore(%arg23 : memref<!tpu.dma_semaphore, #tpu.memory_space<semaphore_mem>>) src(%dma_wait3A_2908 : memref<128x128xf32, #tpu.memory_space<vmem_shared>>) dst(%dma_wait3A_2906 : memref<128x128xf32, #tpu.memory_space<hbm>>)
    %dma_wait3A_2909 = arith.constant 0 : i32
    %dma_wait3A_2910 = tpu.memref_slice %arg6[%add3A_2900, %dma_wait3A_2909] : memref<204800x128xf32, #tpu.memory_space<hbm>> -> memref<128x128xf32, #tpu.memory_space<hbm>>
    %dma_wait3A_2911 = arith.constant 0 : i32
    %dma_wait3A_2912 = tpu.memref_slice %arg13[%add3A_2898, %dma_wait3A_2911] : memref<6144x128xf32, #tpu.memory_space<vmem_shared>> -> memref<128x128xf32, #tpu.memory_space<vmem_shared>>
    tpu.wait_dma2 semaphore(%arg24 : memref<!tpu.dma_semaphore, #tpu.memory_space<semaphore_mem>>) src(%dma_wait3A_2912 : memref<128x128xf32, #tpu.memory_space<vmem_shared>>) dst(%dma_wait3A_2910 : memref<128x128xf32, #tpu.memory_space<hbm>>)
    return
  }
}

</mosaic_0001>

<sc_bundles>
// kernel: kernel.3.cloned.1.call-start
scs
__scs_entry_jumppad:
0x0: {  	(pc) =	sbr.rel $0x88, $3  }
0x1: {  	(tag) =	ssettag $0x0;
	lr =	simm.s32 $0x1  }
0x2: {  	[smem:$0x3F9E] =	sst lr;
	_ =	strace $0xD0000000  }
0x3: {  	_ = 	snop  }
0x4: {  	_ = 	snop  }
0x5: {  	_ = 	snop  }
0x6: {  	_ = 	snop  }
0x7: {  	_ = 	snop  }
__scs_overlays_trampoline_lowered:
0x8: {  	[smem:$0x3FAD] =	sst s0  }
0x9: {  	[smem:$0x3FAE] =	sst s1  }
0xa: {  	[smem:$0x3FAF] =	sst s2  }
0xb: {  	[smem:$0x3FB0] =	sst s3  }
0xc: {  	[smem:$0x3FB1] =	sst s4  }
0xd: {  	[smem:$0x3FB2] =	sst s5  }
0xe: {  	[smem:$0x3FB3] =	sst s6  }
0xf: {  	[smem:$0x3FB4] =	sst s7  }
0x10: {  	[smem:$0x3FB5] =	sst s8  }
0x11: {  	[smem:$0x3FB6] =	sst s9;
	s0 =	simm.s32 @!p0 $0x0  }
0x12: {  	s1 =	sld [smem:$0x3F9C];
	s0 =	simm.s32 @p0 $0x1  }
0x13: {  	[smem:$0x3FB7] =	sst s0;
	s0 =	simm.s32 @!p1 $0x0  }
0x14: {  	s2 =	sld [smem:$0x3F9B];
	s0 =	simm.s32 @p1 $0x1  }
0x15: {  	[smem:$0x3FB8] =	sst s0;
	s0 =	simm.s32 @!p2 $0x0  }
0x16: {  	s3 =	sld [smem:$0x3FDB];
	s0 =	simm.s32 @p2 $0x1  }
0x17: {  	s4 =	simm.s32 $0x1BF5;
	[smem:$0x3FBA] =	sst s0  }
0x18: {  	s0 =	sld [smem:$0x3F9D];
	_ =	swait.ge [sflag:s4], $0x0  }
0x19: {  	s7 =	sld [smem:$0x3F9E]  }
0x1a: {  	s8 =	sadd.s32 $0xFFFFE003, lr  }
0x1b: {  	s9 =	sadd.s32 $0xFFFFFEF7, lr;
	s5 =	simm.s32 $0xFFFFFFFF;
	p2 =	slt.u32 s8, $0xFFFFF086  }
0x1c: {  	p1 =	slt.u32 s9, $0xF7A;
	s5 =	simm.s32 @!p2 $0x0  }
0x1d: {  	s5 =	simm.s32 @p1 $0x1;
	p0 =	seq.s32 s7, s2  }
0x1e: {  	s7 =	smul.u32 @!p0 $0xF7A, s2;
	p2 =	seq.s32 @!p0 s5, $0x0  }
0x1f: {  	s9 =	smul.u32 $0xF7A, s1;
	s8 =	simm.s32 @!p0 $0x1BF5;
	p2 =	por !p2, p0  }
0x20: {  	[sflag:s8] =	ssyncset.s32 @!p0 $0xFFFFF086;
	s6 =	sadd.s32 @!p0 s3, s7;
	s7 =	simm.s32 @!p0 $0x108  }
0x21: {  	s3 =	sadd.s32 s3, s9;
	s6 =	sadd.s32 @!p0 $0x88, s6;
	s7 =	simm.s32 @p2 $0x1082  }
0x22: {  	[simem:s7], [sflag:s8] =	dma.local @!p0 [hbm:s6], $0xF7A  }
0x23: {  	s9 =	sor.u32 $0xD0000000, s2;
	s6 =	simm.s32 $0x108;
	_ =	swait.ge @!p0 [sflag:s8], $0x0  }
0x24: {  	s3 =	sadd.s32 $0x88, s3;
	s6 =	simm.s32 @!p1 $0x1082;
	[sflag:s4] =	ssyncset.s32 $0xFFFFF086  }
0x25: {  	[simem:s6], [sflag:s4] =	dma.local [hbm:s3], $0xF7A  }
0x26: {  	[smem:$0x3F9E] =	sst s1;
	(tag) =	ssettag s2;
	_ =	strace s9  }
0x27: {  	s1 =	sld [smem:$0x3FAE]  }
0x28: {  	s2 =	sld [smem:$0x3FAF]  }
0x29: {  	s4 =	sld [smem:$0x3FB1]  }
0x2a: {  	p0 =	seq.s32 s5, $0x0;
	s5 =	sld [smem:$0x3FB2]  }
0x2b: {  	s6 =	sld [smem:$0x3FB3]  }
0x2c: {  	s7 =	sld [smem:$0x3FB4]  }
0x2d: {  	s3 =	simm.s32 $0x108;
	s8 =	sld [smem:$0x3FB5]  }
0x2e: {  	s3 =	simm.s32 @!p0 $0x1082;
	s9 =	sld [smem:$0x3FB6]  }
0x2f: {  	lr =	sadd.s32 s0, s3;
	s0 =	sld [smem:$0x3FAD]  }
0x30: {  	s3 =	sld [smem:$0x3FB0]  }
0x31: {  	[smem:$0x3FB9] =	sst s10  }
0x32: {  	s10 =	sld [smem:$0x3FB7];
	_ =	sdelay $0x3  }
0x33: {  	p0 =	seq.s32 s10, $0x1;
	s10 =	sld [smem:$0x3FB9];
	_ =	sdelay $0x3  }
0x34: {  	[smem:$0x3FB9] =	sst s10  }
0x35: {  	s10 =	sld [smem:$0x3FB8];
	_ =	sdelay $0x3  }
0x36: {  	p1 =	seq.s32 s10, $0x1;
	s10 =	sld [smem:$0x3FB9];
	_ =	sdelay $0x3  }
0x37: {  	[smem:$0x3FB9] =	sst s10  }
0x38: {  	s10 =	sld [smem:$0x3FBA]  }
0x39: {  	_ = 	snop;
	(pc) =	sbr.ind lr, $3  }
0x3a: {  	_ = 	snop  }
0x3b: {  	_ = 	snop  }
0x3c: {  	p2 =	seq.s32 s10, $0x1;
	s10 =	sld [smem:$0x3FB9]  }
0x3d: {  	_ =	shalt  }
0x3e: {  	_ =	shalt  }
0x3f: {  	_ =	shalt  }
0x40: {  	_ =	shalt  }
0x41: {  	_ =	shalt  }
0x42: {  	_ =	shalt  }
0x43: {  	_ =	shalt  }
0x44: {  	_ =	shalt  }
0x45: {  	_ =	shalt  }
0x46: {  	_ =	shalt  }
0x47: {  	_ =	shalt  }
0x48: {  	_ =	shalt  }
0x49: {  	_ =	shalt  }
0x4a: {  	_ =	shalt  }
0x4b: {  	_ =	shalt  }
0x4c: {  	_ =	shalt  }
0x4d: {  	_ =	shalt  }
0x4e: {  	_ =	shalt  }
0x4f: {  	_ =	shalt  }
0x50: {  	_ =	shalt  }
0x51: {  	_ =	shalt  }
0x52: {  	_ =	shalt  }
0x53: {  	_ =	shalt  }
0x54: {  	_ =	shalt  }
0x55: {  	_ =	shalt  }
0x56: {  	_ =	shalt  }
0x57: {  	_ =	shalt  }
0x58: {  	_ =	shalt  }
0x59: {  	_ =	shalt  }
0x5a: {  	_ =	shalt  }
0x5b: {  	_ =	shalt  }
0x5c: {  	_ =	shalt  }
0x5d: {  	_ =	shalt  }
0x5e: {  	_ =	shalt  }
0x5f: {  	_ =	shalt  }
0x60: {  	_ =	shalt  }
0x61: {  	_ =	shalt  }
0x62: {  	_ =	shalt  }
0x63: {  	_ =	shalt  }
0x64: {  	_ =	shalt  }
0x65: {  	_ =	shalt  }
0x66: {  	_ =	shalt  }
0x67: {  	_ =	shalt  }
0x68: {  	_ =	shalt  }
0x69: {  	_ =	shalt  }
0x6a: {  	_ =	shalt  }
0x6b: {  	_ =	shalt  }
0x6c: {  	_ =	shalt  }
0x6d: {  	_ =	shalt  }
0x6e: {  	_ =	shalt  }
0x6f: {  	_ =	shalt  }
0x70: {  	_ =	shalt  }
0x71: {  	_ =	shalt  }
0x72: {  	_ =	shalt  }
0x73: {  	_ =	shalt  }
0x74: {  	_ =	shalt  }
0x75: {  	_ =	shalt  }
0x76: {  	_ =	shalt  }
0x77: {  	_ =	shalt  }
0x78: {  	_ =	shalt  }
0x79: {  	_ =	shalt  }
0x7a: {  	_ =	shalt  }
0x7b: {  	_ =	shalt  }
0x7c: {  	_ =	shalt  }
0x7d: {  	_ =	shalt  }
0x7e: {  	_ =	shalt  }
0x7f: {  	_ =	shalt  }
0x80: {  	_ =	shalt  }
0x81: {  	_ =	shalt  }
0x82: {  	_ =	shalt  }
0x83: {  	_ =	shalt  }
0x84: {  	_ =	shalt  }
0x85: {  	_ =	shalt  }
0x86: {  	_ =	shalt  }
0x87: {  	_ =	shalt  }
.Lfunc_end0:
.L_simem_size_0:
called_computation_lowered:
.L_overlay_start_0:
0x88: {  	s2 =	sld [smem:$0x3FD9]  }
0x89: {  	s3 =	sld [smem:$0x3FFE];
	_ =	sdelay $0x1  }
0x8a: {  	s1 =	srdreg.scid  }
0x8b: {  	s0 =	sand.u32 $0x1, s1  }
0x8c: {  	s17 =	sshll.u32 s0, $0xA;
	s2 =	sadd.s32 s3, s2  }
0x8d: {  	s2 =	sadd.s32 s2, s17  }
0x8e: {  	[smem:$0x3FC5] =	sst s2  }
0x8f: {  	_ = 	snop  }
0x90: {  	s2 =	sld [smem:$0x3FC9]  }
0x91: {  	s18 =	sld [smem:$0x3FC8]  }
0x92: {  	s4 =	sld [smem:$0x3FC7]  }
0x93: {  	s5 =	sld [smem:$0x3FD0];
	(tm) =	ssettm $0x1  }
0x94: {  	s6 =	sld [smem:$0x3FFB];
	_ =	sdelay $0x3  }
0x95: {  	_ =	strace s6  }
0x96: {  	s6 =	sld [smem:$0x3FFC];
	_ =	sdelay $0x3  }
0x97: {  	_ =	strace s6  }
0x98: {  	s6 =	sld [smem:$0x3FFD];
	_ =	sdelay $0x3  }
0x99: {  	_ =	strace s6  }
0x9a: {  	_ =	strace $0x8FFFFFFF  }
0x9b: {  	s19 =	sld [smem:$0x3FDB];
	_ =	sdelay $0x1  }
0x9c: {  	s7 =	simm.s32 $_scs_section_size  }
0x9d: {  	s8 =	simm.s32 $_size__tile_overlayer_lowered;
	s9 =	simm.s32 $_tile_overlayer_lowered  }
0x9e: {  	s22 =	simm.s32 $0x1BFF;
	s21 =	sshll.u32 s9, $0x1;
	s6 =	sadd.s32 s7, s19  }
0x9f: {  	s10 =	simm.s32 $0x0;
	s20 =	sshll.u32 s8, $0x1;
	s8 =	sadd.s32 s21, s6  }
0xa0: {  	[timem:s10], [sflag:s22] =	dma.local [hbm:s8], s20  }
0xa1: {  	_ =	swait.ge [sflag:s22], s20  }
0xa2: {  	s7 =	ssub.s32 $0x0, s20;
	[sflag:s22] =	ssyncset.done $0x0  }
0xa3: {  	[sflag:s22] =	ssyncadd.s32 s7;
	_ =	sdelay $0x1  }
0xa4: {  	s23 =	simm.s32 $0x1B8B  }
0xa5: {  	_ =	swait.ge [sflag:s23], $0x1  }
0xa6: {  	[sflag:s23] =	ssyncset.done $0x0  }
0xa7: {  	s25 =	simm.s32 $0x1B8E;
	s24 =	sld [smem:$0x3FFE];
	[sflag:s23] =	ssyncadd.s32 $0xFFFFFFFF  }
0xa8: {  	s26 =	simm.s32 $execute0_lowered;
	[smem:$0x3FD2] =	sst s25  }
0xa9: {  	s8 =	sshll.u32 s26, $0x1;
	_ =	strace $0x80000046;
	[dreg:$0x1] =	wrdreg $0xFFFFFFFF  }
0xaa: {  	s28 =	simm.s32 $_size_execute0_lowered;
	s6 =	sadd.s32 s6, s8;
	[dreg:$0x0] =	wrdreg $0x0  }
0xab: {  	s8 =	sshll.u32 s28, $0x1;
	[dreg:$0x2] =	wrdreg s6  }
0xac: {  	[dreg:$0x3] =	wrdreg s8  }
0xad: {  	[dreg:$0x4] =	wrdreg $0xC0  }
0xae: {  	_ =	task [dreg:s10], $0x5FFFF  }
0xaf: {  	[dreg:$0x1] =	wrdreg $0xFFFFFFFF  }
0xb0: {  	[dreg:$0x0] =	wrdreg $0x60  }
0xb1: {  	[dreg:$0x2] =	wrdreg s2  }
0xb2: {  	[dreg:$0x3] =	wrdreg s18  }
0xb3: {  	[dreg:$0x4] =	wrdreg s4  }
0xb4: {  	[dreg:$0x5] =	wrdreg s24  }
0xb5: {  	[dreg:$0x6] =	wrdreg s5  }
0xb6: {  	[dreg:$0x7] =	wrdreg $0xE0000  }
0xb7: {  	[dreg:$0x8] =	wrdreg $0x9  }
0xb8: {  	_ =	task.clear_ibuf [dreg:s10], $0x9FFFF;
	_ =	strace $0x90000046  }
0xb9: {  	s29 =	simm.s32 $0x9;
	_ =	strace $0x80000048  }
0xba: {  	_ =	swait.ge [sflag:s29], $0x1  }
0xbb: {  	[sflag:s29] =	ssyncadd.s32 $0xFFFFFFFF  }
0xbc: {  	_ =	strace $0x90000048  }
0xbd: {  	_ =	sfence  }
0xbe: {  	s30 =	sld [smem:$0x0];
	_ =	sdelay $0x2  }
0xbf: {  	s31 =	sshll.u32 s1, $0xD;
	s1 =	sshrl.u32 s1, $0x2  }
0xc0: {  	s3 =	sand.u32 $0x4000, s31;
	s1 =	sadd.s32 s1, s30  }
0xc1: {  	s0 =	sor.u32 s3, s0;
	s1 =	sshll.u32 s1, $0x11  }
0xc2: {  	s0 =	sor.u32 s1, s0  }
0xc3: {  	s0 =	sadd.s32 $0x8F2B, s0  }
0xc4: {  	[sflag:s0] =	ssyncadd.remote.s32 $0x1  }
0xc5: {  	_ =	sfence.sel $0xFFFF  }
0xc6: {  	[dreg:$0x0] =	wrdreg $0xFFFFFFFF;
	(pc) =	sbr.abs _section_cstart, $3  }
0xc7: {  	[dreg:$0x1] =	wrdreg $0xFFFFFFFF  }
0xc8: {  	_ =	task.clear_ibuf [dreg:s10], $0x2FFFF;
	_ =	strace $0x9FFFFFFF  }
0xc9: {  	(tm) =	ssettm $0x7FFFFFFF  }
tec
execute0_lowered:
.L_overlay_start_1:
0x0: {  	(tag) =	ssettag $0x1  }
0x1: {  	s2 =	rddreg [dreg:$0x0]  }
0x2: {  	s5 =	rddreg [dreg:$0x1]  }
0x3: {  	s1 =	rddreg [dreg:$0x2]  }
0x4: {  	s6 =	rddreg [dreg:$0x3]  }
0x5: {  	s4 =	rddreg [dreg:$0x4]  }
0x6: {  	s3 =	rddreg [dreg:$0x5]  }
0x7: {  	s0 =	srdreg.scid;
	s9 =	stileid.u32  }
0x8: {  	s10 =	simm.s32 $0x0;
	s0 =	sand.u32 $0x1, s0;
	s7 =	sshll.u32 s9, $0x8  }
0x9: {  	[smem:$0x7FF] =	sst s10;
	s6 =	sadd.s32 $0x400, s6;
	s8 =	sshll.u32 s0, $0x7  }
0xa: {  	_ =	strace $0x80000047;
	[dreg:$0x7] =	wrdreg s6;
	s6 =	simm.s32 $0x600  }
0xb: {  	s7 =	sor.u32 s8, s7;
	[smem:$0x7D8] =	sst s6;
	s8 =	simm.s32 $0x700  }
0xc: {  	s5 =	sadd.s32 s5, s7;
	[smem:$0x7DA] =	sst s8  }
0xd: {  	s8 =	simm.s32 $0xF00;
	[smem:$0x77F] =	sst s5  }
0xe: {  	s15 =	sadd.s32 $0x6000, s5;
	s5 =	sshll.u32 s7, $0x4;
	[smem:$0x7EB] =	sst s8  }
0xf: {  	[dreg:$0x8] =	wrdreg s15;
	s16 =	sadd.s32 s2, s5  }
0x10: {  	s7 =	sor.u32 $0x10000, s5;
	s20 =	sadd.s32 s4, s5;
	[dreg:$0x9] =	wrdreg s16  }
0x11: {  	s18 =	sor.u32 $0x20000, s5;
	s17 =	sadd.s32 s2, s7;
	[dreg:$0xc] =	wrdreg s20  }
0x12: {  	s19 =	sadd.s32 s2, s18;
	[dreg:$0xa] =	wrdreg s17  }
0x13: {  	s22 =	sor.u32 $0x30000, s5;
	s21 =	sadd.s32 s4, s7;
	[dreg:$0xb] =	wrdreg s19  }
0x14: {  	s23 =	sadd.s32 s2, s22;
	[dreg:$0xd] =	wrdreg s21  }
0x15: {  	s25 =	sor.u32 $0x40000, s5;
	s24 =	sadd.s32 s4, s18;
	[dreg:$0xe] =	wrdreg s23  }
0x16: {  	s26 =	sadd.s32 s2, s25;
	[dreg:$0xf] =	wrdreg s24  }
0x17: {  	s10 =	sor.u32 $0x50000, s5;
	s7 =	sadd.s32 s4, s22;
	[dreg:$0x10] =	wrdreg s26  }
0x18: {  	s11 =	sadd.s32 s2, s10;
	[dreg:$0x11] =	wrdreg s7  }
0x19: {  	s13 =	sor.u32 $0x60000, s5;
	s12 =	sadd.s32 s4, s25;
	[dreg:$0x12] =	wrdreg s11  }
0x1a: {  	s14 =	sadd.s32 s2, s13;
	[dreg:$0x13] =	wrdreg s12  }
0x1b: {  	s15 =	sadd.s32 s4, s10;
	[dreg:$0x14] =	wrdreg s14  }
0x1c: {  	s16 =	sor.u32 $0x70000, s5;
	s18 =	sadd.s32 s4, s13;
	[dreg:$0x15] =	wrdreg s15  }
0x1d: {  	s17 =	sadd.s32 s2, s16;
	[dreg:$0x17] =	wrdreg s18  }
0x1e: {  	s22 =	sor.u32 $0x90000, s5;
	s21 =	sadd.s32 s4, s16;
	[dreg:$0x16] =	wrdreg s17  }
0x1f: {  	s25 =	sor.u32 $0xA0000, s5;
	s23 =	sadd.s32 s2, s22;
	[dreg:$0x19] =	wrdreg s21  }
0x20: {  	s26 =	sadd.s32 s2, s25;
	[dreg:$0x1a] =	wrdreg s23  }
0x21: {  	s10 =	sor.u32 $0xB0000, s5;
	s7 =	sadd.s32 s4, s22;
	[dreg:$0x1c] =	wrdreg s26  }
0x22: {  	s11 =	sadd.s32 s2, s10;
	[dreg:$0x1d] =	wrdreg s7  }
0x23: {  	s13 =	sor.u32 $0xC0000, s5;
	s12 =	sadd.s32 s4, s25;
	[dreg:$0x1e] =	wrdreg s11  }
0x24: {  	s14 =	sadd.s32 s2, s13;
	[dreg:$0x1f] =	wrdreg s12  }
0x25: {  	s15 =	sadd.s32 s4, s10;
	[smem:$0x780] =	sst s14  }
0x26: {  	s19 =	sor.u32 $0x80000, s5;
	s18 =	sadd.s32 s4, s13;
	[smem:$0x781] =	sst s15  }
0x27: {  	s20 =	sadd.s32 s2, s19;
	[smem:$0x783] =	sst s18  }
0x28: {  	s16 =	sor.u32 $0xD0000, s5;
	s24 =	sadd.s32 s4, s19;
	[dreg:$0x18] =	wrdreg s20  }
0x29: {  	s17 =	sadd.s32 s2, s16;
	[dreg:$0x1b] =	wrdreg s24  }
0x2a: {  	s22 =	sor.u32 $0xF0000, s5;
	s21 =	sadd.s32 s4, s16;
	[smem:$0x782] =	sst s17  }
0x2b: {  	s25 =	sor.u32 $0x100000, s5;
	s23 =	sadd.s32 s2, s22;
	[smem:$0x785] =	sst s21  }
0x2c: {  	s26 =	sadd.s32 s2, s25;
	[smem:$0x786] =	sst s23  }
0x2d: {  	s10 =	sor.u32 $0x110000, s5;
	s7 =	sadd.s32 s4, s22;
	[smem:$0x788] =	sst s26  }
0x2e: {  	s11 =	sadd.s32 s2, s10;
	[smem:$0x789] =	sst s7  }
0x2f: {  	s13 =	sor.u32 $0x120000, s5;
	s12 =	sadd.s32 s4, s25;
	[smem:$0x78A] =	sst s11  }
0x30: {  	s14 =	sadd.s32 s2, s13;
	[smem:$0x78B] =	sst s12  }
0x31: {  	s15 =	sadd.s32 s4, s10;
	[smem:$0x78C] =	sst s14  }
0x32: {  	s19 =	sor.u32 $0xE0000, s5;
	s18 =	sadd.s32 s4, s13;
	[smem:$0x78D] =	sst s15  }
0x33: {  	s20 =	sadd.s32 s2, s19;
	[smem:$0x78F] =	sst s18  }
0x34: {  	s16 =	sor.u32 $0x130000, s5;
	s24 =	sadd.s32 s4, s19;
	[smem:$0x784] =	sst s20  }
0x35: {  	s17 =	sadd.s32 s2, s16;
	[smem:$0x787] =	sst s24  }
0x36: {  	s22 =	sor.u32 $0x150000, s5;
	s21 =	sadd.s32 s4, s16;
	[smem:$0x78E] =	sst s17  }
0x37: {  	s25 =	sor.u32 $0x160000, s5;
	s23 =	sadd.s32 s2, s22;
	[smem:$0x791] =	sst s21  }
0x38: {  	s26 =	sadd.s32 s2, s25;
	[smem:$0x792] =	sst s23  }
0x39: {  	s10 =	sor.u32 $0x170000, s5;
	s7 =	sadd.s32 s4, s22;
	[smem:$0x794] =	sst s26  }
0x3a: {  	s11 =	sadd.s32 s2, s10;
	[smem:$0x795] =	sst s7  }
0x3b: {  	s13 =	sor.u32 $0x180000, s5;
	s12 =	sadd.s32 s4, s25;
	[smem:$0x796] =	sst s11  }
0x3c: {  	s14 =	sadd.s32 s2, s13;
	[smem:$0x797] =	sst s12  }
0x3d: {  	s15 =	sadd.s32 s4, s10;
	[smem:$0x798] =	sst s14  }
0x3e: {  	s19 =	sor.u32 $0x140000, s5;
	s18 =	sadd.s32 s4, s13;
	[smem:$0x799] =	sst s15  }
0x3f: {  	s20 =	sadd.s32 s2, s19;
	[smem:$0x79B] =	sst s18  }
0x40: {  	s16 =	sor.u32 $0x190000, s5;
	s24 =	sadd.s32 s4, s19;
	[smem:$0x790] =	sst s20  }
0x41: {  	s17 =	sadd.s32 s2, s16;
	[smem:$0x793] =	sst s24  }
0x42: {  	s22 =	sor.u32 $0x1B0000, s5;
	s21 =	sadd.s32 s4, s16;
	[smem:$0x79A] =	sst s17  }
0x43: {  	s25 =	sor.u32 $0x1C0000, s5;
	s23 =	sadd.s32 s2, s22;
	[smem:$0x79D] =	sst s21  }
0x44: {  	s26 =	sadd.s32 s2, s25;
	[smem:$0x79E] =	sst s23  }
0x45: {  	s10 =	sor.u32 $0x1D0000, s5;
	s7 =	sadd.s32 s4, s22;
	[smem:$0x7A0] =	sst s26  }
0x46: {  	s11 =	sadd.s32 s2, s10;
	[smem:$0x7A1] =	sst s7  }
0x47: {  	s13 =	sor.u32 $0x1E0000, s5;
	s12 =	sadd.s32 s4, s25;
	[smem:$0x7A2] =	sst s11  }
0x48: {  	s14 =	sadd.s32 s2, s13;
	[smem:$0x7A3] =	sst s12  }
0x49: {  	s15 =	sadd.s32 s4, s10;
	[smem:$0x7A4] =	sst s14  }
0x4a: {  	s19 =	sor.u32 $0x1A0000, s5;
	s18 =	sadd.s32 s4, s13;
	[smem:$0x7A5] =	sst s15  }
0x4b: {  	s20 =	sadd.s32 s2, s19;
	[smem:$0x7A7] =	sst s18  }
0x4c: {  	s16 =	sor.u32 $0x1F0000, s5;
	s24 =	sadd.s32 s4, s19;
	[smem:$0x79C] =	sst s20  }
0x4d: {  	s17 =	sadd.s32 s2, s16;
	[smem:$0x79F] =	sst s24  }
0x4e: {  	s22 =	sor.u32 $0x210000, s5;
	s21 =	sadd.s32 s4, s16;
	[smem:$0x7A6] =	sst s17  }
0x4f: {  	s25 =	sor.u32 $0x220000, s5;
	s23 =	sadd.s32 s2, s22;
	[smem:$0x7A9] =	sst s21  }
0x50: {  	s26 =	sadd.s32 s2, s25;
	[smem:$0x7AA] =	sst s23  }
0x51: {  	s10 =	sor.u32 $0x230000, s5;
	s7 =	sadd.s32 s4, s22;
	[smem:$0x7AC] =	sst s26  }
0x52: {  	s11 =	sadd.s32 s2, s10;
	[smem:$0x7AD] =	sst s7  }
0x53: {  	s13 =	sor.u32 $0x240000, s5;
	s12 =	sadd.s32 s4, s25;
	[smem:$0x7AE] =	sst s11  }
0x54: {  	s14 =	sadd.s32 s2, s13;
	[smem:$0x7AF] =	sst s12  }
0x55: {  	s15 =	sadd.s32 s4, s10;
	[smem:$0x7B0] =	sst s14  }
0x56: {  	s19 =	sor.u32 $0x200000, s5;
	s18 =	sadd.s32 s4, s13;
	[smem:$0x7B1] =	sst s15  }
0x57: {  	s20 =	sadd.s32 s2, s19;
	[smem:$0x7B3] =	sst s18  }
0x58: {  	s16 =	sor.u32 $0x250000, s5;
	s24 =	sadd.s32 s4, s19;
	[smem:$0x7A8] =	sst s20  }
0x59: {  	s17 =	sadd.s32 s2, s16;
	[smem:$0x7AB] =	sst s24  }
0x5a: {  	s22 =	sor.u32 $0x270000, s5;
	s21 =	sadd.s32 s4, s16;
	[smem:$0x7B2] =	sst s17  }
0x5b: {  	s25 =	sor.u32 $0x280000, s5;
	s23 =	sadd.s32 s2, s22;
	[smem:$0x7B5] =	sst s21  }
0x5c: {  	s26 =	sadd.s32 s2, s25;
	[smem:$0x7B6] =	sst s23  }
0x5d: {  	s10 =	sor.u32 $0x290000, s5;
	s7 =	sadd.s32 s4, s22;
	[smem:$0x7B8] =	sst s26  }
0x5e: {  	s11 =	sadd.s32 s2, s10;
	[smem:$0x7B9] =	sst s7  }
0x5f: {  	s13 =	sor.u32 $0x2A0000, s5;
	s12 =	sadd.s32 s4, s25;
	[smem:$0x7BA] =	sst s11  }
0x60: {  	s14 =	sadd.s32 s2, s13;
	[smem:$0x7BB] =	sst s12  }
0x61: {  	s15 =	sadd.s32 s4, s10;
	[smem:$0x7BC] =	sst s14  }
0x62: {  	s19 =	sor.u32 $0x260000, s5;
	s18 =	sadd.s32 s4, s13;
	[smem:$0x7BD] =	sst s15  }
0x63: {  	s20 =	sadd.s32 s2, s19;
	[smem:$0x7BF] =	sst s18  }
0x64: {  	s16 =	sor.u32 $0x2B0000, s5;
	s24 =	sadd.s32 s4, s19;
	[smem:$0x7B4] =	sst s20  }
0x65: {  	s17 =	sadd.s32 s2, s16;
	[smem:$0x7B7] =	sst s24  }
0x66: {  	s22 =	sor.u32 $0x2D0000, s5;
	s21 =	sadd.s32 s4, s16;
	[smem:$0x7BE] =	sst s17  }
0x67: {  	s25 =	sor.u32 $0x2E0000, s5;
	s23 =	sadd.s32 s2, s22;
	[smem:$0x7C1] =	sst s21  }
0x68: {  	s26 =	sadd.s32 s2, s25;
	[smem:$0x7C2] =	sst s23  }
0x69: {  	s10 =	sor.u32 $0x2F0000, s5;
	s7 =	sadd.s32 s4, s22;
	[smem:$0x7C4] =	sst s26  }
0x6a: {  	s11 =	sadd.s32 s2, s10;
	[smem:$0x7C5] =	sst s7  }
0x6b: {  	s13 =	sor.u32 $0x300000, s5;
	s12 =	sadd.s32 s4, s25;
	[smem:$0x7C6] =	sst s11  }
0x6c: {  	s14 =	sadd.s32 s2, s13;
	[smem:$0x7C7] =	sst s12  }
0x6d: {  	s15 =	sadd.s32 s4, s10;
	[smem:$0x7C8] =	sst s14  }
0x6e: {  	s16 =	sadd.s32 s4, s13;
	[smem:$0x7C9] =	sst s15  }
0x6f: {  	s18 =	simm.s32 $0x8000;
	[smem:$0x7CB] =	sst s16  }
0x70: {  	s22 =	simm.s32 $0x200;
	[smem:$0x7CD] =	sst s18  }
0x71: {  	s25 =	simm.s32 $0x380;
	[smem:$0x7D1] =	sst s22  }
0x72: {  	s10 =	simm.s32 $0x780;
	[smem:$0x7D4] =	sst s25  }
0x73: {  	s19 =	sor.u32 $0x2C0000, s5;
	s13 =	simm.s32 $0x900;
	[smem:$0x7DB] =	sst s10  }
0x74: {  	s20 =	sadd.s32 s2, s19;
	[smem:$0x7DE] =	sst s13  }
0x75: {  	s5 =	sor.u32 $0x310000, s5;
	s24 =	sadd.s32 s4, s19;
	[smem:$0x7C0] =	sst s20  }
0x76: {  	s2 =	sadd.s32 s2, s5;
	[smem:$0x7C3] =	sst s24  }
0x77: {  	s17 =	sadd.s32 s4, s5;
	[smem:$0x7CA] =	sst s2  }
0x78: {  	s19 =	simm.s32 $0x1C00;
	[smem:$0x7CC] =	sst s17  }
0x79: {  	s21 =	simm.s32 $0x180;
	[smem:$0x7CE] =	sst s19  }
0x7a: {  	s23 =	simm.s32 $0x280;
	[smem:$0x7D0] =	sst s21  }
0x7b: {  	s26 =	simm.s32 $0x480;
	[smem:$0x7D2] =	sst s23  }
0x7c: {  	s4 =	simm.s32 $0x500;
	[smem:$0x7D5] =	sst s26  }
0x7d: {  	s5 =	simm.s32 $0x580;
	[smem:$0x7D6] =	sst s4  }
0x7e: {  	s7 =	simm.s32 $0x680;
	[smem:$0x7D7] =	sst s5  }
0x7f: {  	s11 =	simm.s32 $0x800;
	[smem:$0x7D9] =	sst s7  }
0x80: {  	s12 =	simm.s32 $0x880;
	[smem:$0x7DC] =	sst s11  }
0x81: {  	s14 =	simm.s32 $0x980;
	[smem:$0x7DD] =	sst s12  }
0x82: {  	s15 =	simm.s32 $0xA00;
	[smem:$0x7DF] =	sst s14  }
0x83: {  	s16 =	simm.s32 $0xA80;
	[smem:$0x7E0] =	sst s15  }
0x84: {  	s18 =	simm.s32 $0xB80;
	[smem:$0x7E1] =	sst s16  }
0x85: {  	s25 =	simm.s32 $0xE00;
	[smem:$0x7E3] =	sst s18  }
0x86: {  	s10 =	simm.s32 $0x1000;
	[smem:$0x7E8] =	sst s25  }
0x87: {  	s13 =	simm.s32 $0x1180;
	[smem:$0x7ED] =	sst s10  }
0x88: {  	s28 =	simm.s32 $0x8;
	s20 =	simm.s32 $0x100;
	[smem:$0x7F0] =	sst s13  }
0x89: {  	s29 =	simm.s32 $0xA;
	s24 =	simm.s32 $0x300;
	[smem:$0x7CF] =	sst s20  }
0x8a: {  	s30 =	simm.s32 $0x9;
	s17 =	simm.s32 $0xB00;
	[smem:$0x7D3] =	sst s24  }
0x8b: {  	s31 =	simm.s32 $0xB;
	s21 =	simm.s32 $0xC80;
	[smem:$0x7E2] =	sst s17  }
0x8c: {  	s0 =	ssub.s32 $0x2, s0;
	s23 =	simm.s32 $0xD00;
	[smem:$0x7E5] =	sst s21  }
0x8d: {  	s22 =	smul.u32 $0x30000, s9;
	s5 =	simm.s32 $0xE80;
	[smem:$0x7E6] =	sst s23  }
0x8e: {  	s19 =	sshrl.u32 s0, $0x1;
	s11 =	simm.s32 $0x1080;
	[smem:$0x7E9] =	sst s5  }
0x8f: {  	s12 =	simm.s32 $0x1100;
	s14 =	simm.s32 $0x1200;
	[smem:$0x7EE] =	sst s11  }
0x90: {  	s15 =	simm.s32 $0x1280;
	s13 =	simm.s32 $0x6000;
	[smem:$0x7EF] =	sst s12  }
0x91: {  	s16 =	simm.s32 $0x1300;
	s18 =	simm.s32 $0x1400;
	[smem:$0x7F1] =	sst s14  }
0x92: {  	s25 =	simm.s32 $0x1780;
	s20 =	simm.s32 $0xC00;
	[smem:$0x7F2] =	sst s15  }
0x93: {  	s4 =	ssub.s32 s0, s19;
	s0 =	smul.u32 $0x180, s9;
	[smem:$0x7F3] =	sst s16  }
0x94: {  	s24 =	simm.s32 $0xD80;
	s2 =	sshrl.u32 s22, $0x2;
	[smem:$0x7F5] =	sst s18  }
0x95: {  	s9 =	simm.s32 $0xF80;
	s11 =	simm.s32 $0x80;
	[smem:$0x7FC] =	sst s25  }
0x96: {  	s12 =	simm.s32 $0x2000;
	s17 =	simm.s32 $0x1380;
	[smem:$0x7E4] =	sst s20  }
0x97: {  	s15 =	simm.s32 $0xA000;
	s19 =	simm.s32 $0x1480;
	[smem:$0x7E7] =	sst s24  }
0x98: {  	s18 =	simm.s32 $0x4;
	s21 =	simm.s32 $0x1580;
	[smem:$0x7EC] =	sst s9  }
0x99: {  	s22 =	simm.s32 $0x1600;
	s23 =	simm.s32 $0x1680;
	[smem:$0x7F4] =	sst s17  }
0x9a: {  	s25 =	simm.s32 $0x6;
	s26 =	sadd.s32 s2, s3;
	[smem:$0x7F6] =	sst s19  }
0x9b: {  	s4 =	smax.u32 s4, $0x1;
	s17 =	simm.s32 $0x1;
	[smem:$0x7F8] =	sst s21  }
0x9c: {  	s20 =	simm.s32 $0x1500;
	s19 =	simm.s32 $0x1E00;
	[smem:$0x7F9] =	sst s22  }
0x9d: {  	s21 =	simm.s32 $0x5;
	[smem:$0x7FA] =	sst s23;
	s24 =	simm.s32 $0x1700  }
0x9e: {  	s22 =	simm.s32 $0x1E80;
	s23 =	simm.s32 $0x7;
	[smem:$0x7EA] =	sst s26  }
0x9f: {  	s7 =	sadd.s32 $0x4000, s26;
	s6 =	sadd.s32 $0x8000, s26;
	[smem:$0x7F7] =	sst s20  }
0xa0: {  	s20 =	simm.s32 $0x2;
	[smem:$0x7FB] =	sst s24;
	s26 =	simm.s32 $0x1880  }
0xa1: {  	s24 =	simm.s32 $0x3;
	v0 =	vmov s0;
	s0 =	simm.s32 $0xC;
	s14 =	sshrl.u32 s7, $0x3  }
0xa2: {  	s16 =	sshrl.u32 s6, $0x3;
	[smem:$0x7FD] =	sst s26;
	s26 =	simm.s32 $0x1F00  }
.LBB2_1:
0xa3: {  	s2 =	sld [smem:$0x7CD]  }
0xa4: {  	s6 =	sld [smem:$0x77F];
	_ =	sdelay $0x1  }
0xa5: {  	[smem:$0x77E] =	sst s4;
	s5 =	simm.s32 $0x0;
	s7 =	simm.s32 $0x400  }
0xa6: {  	[tilespmem:s5], [sflag:$0xD] =	stream.strided.gather [hbm4b:s6+s7], $0x1800, s2, s7, $0x38;
	[tilespmem:$0x1A000] =	vst v63  }
0xa7: {  	s10 =	rddreg [dreg:$0x8];
	s8 =	simm.s32 $0xD;
	s7 =	simm.s32 $0x1800  }
0xa8: {  	[tilespmem:s7], [sflag:$0xD] =	stream.linear.gather [hbm4b:s10+s5], $0x100, $0x38;
	[tilespmem:$0x1A000] =	vst v63  }
0xa9: {  	_ =	swait.ge [sflag:s8], $0x1900  }
0xaa: {  	s10 =	sld [smem:$0x7CE]  }
0xab: {  	[sflag:s8] =	ssyncset.done $0x0  }
0xac: {  	s9 =	rddreg [dreg:$0x7];
	[sflag:s8] =	ssyncadd.s32 $0xFFFFE700  }
0xad: {  	[tilespmem:s10], [sflag:$0xD] =	stream.linear.gather [hbm4b:s9+s5], $0x180, $0x38;
	[tilespmem:$0x1A000] =	vst v63  }
0xae: {  	_ =	swait.ge [sflag:s8], $0x180  }
0xaf: {  	[sflag:s8] =	ssyncset.done $0x0  }
0xb0: {  	[sflag:s8] =	ssyncadd.s32 $0xFFFFFE80  }
0xb1: {  	v1 =	vld [tilespmem:$0x1C00]  }
0xb2: {  	v2 =	vld [tilespmem:$0x1C10]  }
0xb3: {  	v3 =	vld [tilespmem:$0x1C20]  }
0xb4: {  	v4 =	vld [tilespmem:$0x1C30]  }
0xb5: {  	v5 =	vld [tilespmem:$0x1C40]  }
0xb6: {  	v6 =	vld [tilespmem:$0x1C50];
	v1 =	vadd.s32 v0, v1  }
0xb7: {  	[tilespmem:$0x1E00] =	vst v1;
	v1 =	vadd.s32 v0, v2;
	v2 =	vld [tilespmem:$0x1C60]  }
0xb8: {  	[tilespmem:$0x1E10] =	vst v1;
	v1 =	vadd.s32 v0, v3;
	v3 =	vld [tilespmem:$0x1C70]  }
0xb9: {  	v54 =	vld [tilespmem:$0x1C80];
	[tilespmem:$0x1E20] =	vst v1;
	v1 =	vadd.s32 v0, v4  }
0xba: {  	v55 =	vld [tilespmem:$0x1C90];
	[tilespmem:$0x1E30] =	vst v1;
	v1 =	vadd.s32 v0, v5  }
0xbb: {  	v56 =	vld [tilespmem:$0x1CA0];
	[tilespmem:$0x1E40] =	vst v1;
	v1 =	vadd.s32 v0, v6  }
0xbc: {  	[tilespmem:$0x1E50] =	vst v1;
	v1 =	vadd.s32 v0, v2;
	v2 =	vld [tilespmem:$0x1CB0]  }
0xbd: {  	[tilespmem:$0x1E60] =	vst v1;
	v1 =	vadd.s32 v0, v3;
	v3 =	vld [tilespmem:$0x1CC0]  }
0xbe: {  	v57 =	vld [tilespmem:$0x1CD0];
	[tilespmem:$0x1E70] =	vst v1;
	v1 =	vadd.s32 v0, v54  }
0xbf: {  	v58 =	vld [tilespmem:$0x1CE0];
	[tilespmem:$0x1E80] =	vst v1;
	v1 =	vadd.s32 v0, v55  }
0xc0: {  	v59 =	vld [tilespmem:$0x1CF0];
	[tilespmem:$0x1E90] =	vst v1;
	v1 =	vadd.s32 v0, v56  }
0xc1: {  	[tilespmem:$0x1EA0] =	vst v1;
	v1 =	vadd.s32 v0, v2;
	v2 =	vld [tilespmem:$0x1D00]  }
0xc2: {  	[tilespmem:$0x1EB0] =	vst v1;
	v1 =	vadd.s32 v0, v3;
	v3 =	vld [tilespmem:$0x1D10]  }
0xc3: {  	v60 =	vld [tilespmem:$0x1D20];
	[tilespmem:$0x1EC0] =	vst v1;
	v1 =	vadd.s32 v0, v57  }
0xc4: {  	v61 =	vld [tilespmem:$0x1D30];
	[tilespmem:$0x1ED0] =	vst v1;
	v1 =	vadd.s32 v0, v58  }
0xc5: {  	v62 =	vld [tilespmem:$0x1D40];
	[tilespmem:$0x1EE0] =	vst v1;
	v1 =	vadd.s32 v0, v59  }
0xc6: {  	[tilespmem:$0x1EF0] =	vst v1;
	v1 =	vadd.s32 v0, v2;
	v2 =	vld [tilespmem:$0x1D50]  }
0xc7: {  	[tilespmem:$0x1F00] =	vst v1;
	v1 =	vadd.s32 v0, v3;
	v3 =	vld [tilespmem:$0x1D60]  }
0xc8: {  	v63 =	vld [tilespmem:$0x1D70];
	[tilespmem:$0x1F10] =	vst v1;
	v1 =	vadd.s32 v0, v60  }
0xc9: {  	[tilespmem:$0x1F20] =	vst v1;
	v1 =	vadd.s32 v0, v61  }
0xca: {  	[tilespmem:$0x1F30] =	vst v1;
	v1 =	vadd.s32 v0, v62  }
0xcb: {  	[tilespmem:$0x1F40] =	vst v1;
	v1 =	vadd.s32 v0, v2  }
0xcc: {  	[tilespmem:$0x1F50] =	vst v1;
	v1 =	vadd.s32 v0, v3  }
0xcd: {  	s6 =	stileid.u32;
	s7 =	sld [smem:$0x7EA];
	[tilespmem:$0x1F60] =	vst v1;
	v1 =	vadd.s32 v0, v63  }
0xce: {  	s10 =	sshll.u32 s6, $0x6;
	[tilespmem:$0x1F70] =	vst v1  }
0xcf: {  	[tilespmem:s12], [sflag:$0x1] =	stream.indirect.gather [hbm4b:s1+s11], $0x80, s5, s11, $0xb8;
	[tilespmem:$0x1A000] =	vst v63  }
0xd0: {  	s8 =	sor.u32 $0x1C04, s10;
	s2 =	sshrl.u32 s7, $0x3;
	s5 =	rddreg [dreg:$0x9]  }
0xd1: {  	[spmem:s2], [sflag:s8] =	dma.local [hbm:s5], $0x800  }
0xd2: {  	s5 =	sor.u32 $0x1C05, s10;
	s4 =	rddreg [dreg:$0xa]  }
0xd3: {  	[tilespmem:s13], [sflag:$0x2] =	stream.indirect.gather [hbm4b:s1+s11], $0x80, s11, s11, $0xb8;
	[tilespmem:$0x1A000] =	vst v63  }
0xd4: {  	[spmem:s14], [sflag:s5] =	dma.local [hbm:s4], $0x800  }
0xd5: {  	s4 =	sld [smem:$0x7CF];
	_ =	sdelay $0x2  }
0xd6: {  	[tilespmem:s15], [sflag:$0x3] =	stream.indirect.gather [hbm4b:s1+s11], $0x80, s4, s11, $0xb8;
	[tilespmem:$0x1A000] =	vst v63  }
0xd7: {  	s9 =	rddreg [dreg:$0xb];
	s4 =	sor.u32 $0x1C06, s10  }
0xd8: {  	[spmem:s16], [sflag:s4] =	dma.local [hbm:s9], $0x800  }
0xd9: {  	_ =	swait.ge [sflag:s17], $0x4000  }
0xda: {  	[sflag:s17] =	ssyncset.done $0x0  }
0xdb: {  	[sflag:s17] =	ssyncadd.s32 $0xFFFFC000  }
0xdc: {  	_ =	swait.ge [sflag:s18], $0x800  }
0xdd: {  	[sflag:s18] =	ssyncset.done $0x0  }
0xde: {  	[sflag:s18] =	ssyncadd.s32 $0xFFFFF800  }
0xdf: {  	[spmem:s3] =	stream.indirect.scatter.add.f32 [tilespmem:s12], [sflag:$0x7], $0x80, s19, s11, $0xb8;
	[tilespmem:$0x1A000] =	vst v63  }
0xe0: {  	_ =	swait.ge [sflag:s20], $0x4000  }
0xe1: {  	[sflag:s20] =	ssyncset.done $0x0  }
0xe2: {  	[sflag:s20] =	ssyncadd.s32 $0xFFFFC000  }
0xe3: {  	_ =	swait.ge [sflag:s21], $0x800  }
0xe4: {  	[sflag:s21] =	ssyncset.done $0x0  }
0xe5: {  	[sflag:s21] =	ssyncadd.s32 $0xFFFFF800  }
0xe6: {  	[spmem:s3] =	stream.indirect.scatter.add.f32 [tilespmem:s13], [sflag:$0x8], $0x80, s22, s11, $0xb8;
	[tilespmem:$0x1A000] =	vst v63  }
0xe7: {  	_ =	swait.ge [sflag:s23], $0x4000  }
0xe8: {  	[sflag:s23] =	ssyncset.done $0x0  }
0xe9: {  	s9 =	sor.u32 $0x1C0A, s10;
	s7 =	rddreg [dreg:$0xc];
	[sflag:s23] =	ssyncadd.s32 $0xFFFFC000  }
0xea: {  	[hbm:s7], [sflag:s9] =	dma.local [spmem:s2], $0x800  }
0xeb: {  	s6 =	sld [smem:$0x7D0];
	_ =	sdelay $0x2  }
0xec: {  	[tilespmem:s12], [sflag:$0x1] =	stream.indirect.gather [hbm4b:s1+s11], $0x80, s6, s11, $0xb8;
	[tilespmem:$0x1A000] =	vst v63  }
0xed: {  	_ =	swait.ge [sflag:s24], $0x4000  }
0xee: {  	[sflag:s24] =	ssyncset.done $0x0  }
0xef: {  	[sflag:s24] =	ssyncadd.s32 $0xFFFFC000  }
0xf0: {  	_ =	swait.ge [sflag:s25], $0x800  }
0xf1: {  	[sflag:s25] =	ssyncset.done $0x0  }
0xf2: {  	[sflag:s25] =	ssyncadd.s32 $0xFFFFF800  }
0xf3: {  	[spmem:s3] =	stream.indirect.scatter.add.f32 [tilespmem:s15], [sflag:$0x9], $0x80, s26, s11, $0xb8;
	[tilespmem:$0x1A000] =	vst v63  }
0xf4: {  	_ =	swait.ge [sflag:s28], $0x4000  }
0xf5: {  	[sflag:s28] =	ssyncset.done $0x0  }
0xf6: {  	s6 =	sor.u32 $0x1C0B, s10;
	s7 =	rddreg [dreg:$0xd];
	[sflag:s28] =	ssyncadd.s32 $0xFFFFC000  }
0xf7: {  	[hbm:s7], [sflag:s6] =	dma.local [spmem:s14], $0x800  }
0xf8: {  	s7 =	sld [smem:$0x7D1];
	_ =	sdelay $0x2  }
0xf9: {  	[tilespmem:s13], [sflag:$0x2] =	stream.indirect.gather [hbm4b:s1+s11], $0x80, s7, s11, $0xb8;
	[tilespmem:$0x1A000] =	vst v63  }
0xfa: {  	_ =	swait.ge [sflag:s29], $0x800  }
0xfb: {  	[sflag:s29] =	ssyncset.done $0x0  }
0xfc: {  	s7 =	rddreg [dreg:$0xe];
	[sflag:s29] =	ssyncadd.s32 $0xFFFFF800  }
0xfd: {  	[spmem:s2], [sflag:s8] =	dma.local [hbm:s7], $0x800  }
0xfe: {  	_ =	swait.ge [sflag:s17], $0x4000  }
0xff: {  	[sflag:s17] =	ssyncset.done $0x0  }
0x100: {  	[sflag:s17] =	ssyncadd.s32 $0xFFFFC000  }
0x101: {  	_ =	swait.ge [sflag:s18], $0x800  }
0x102: {  	[sflag:s18] =	ssyncset.done $0x0  }
0x103: {  	[sflag:s18] =	ssyncadd.s32 $0xFFFFF800  }
0x104: {  	[spmem:s3] =	stream.indirect.scatter.add.f32 [tilespmem:s12], [sflag:$0x7], $0x80, s19, s11, $0xb8;
	[tilespmem:$0x1A000] =	vst v63  }
0x105: {  	_ =	swait.ge [sflag:s30], $0x4000  }
0x106: {  	[sflag:s30] =	ssyncset.done $0x0  }
0x107: {  	s10 =	sor.u32 $0x1C0C, s10;
	s7 =	rddreg [dreg:$0xf];
	[sflag:s30] =	ssyncadd.s32 $0xFFFFC000  }
0x108: {  	[hbm:s7], [sflag:s10] =	dma.local [spmem:s16], $0x800  }
0x109: {  	s7 =	sld [smem:$0x7D2];
	_ =	sdelay $0x2  }
0x10a: {  	[tilespmem:s15], [sflag:$0x3] =	stream.indirect.gather [hbm4b:s1+s11], $0x80, s7, s11, $0xb8;
	[tilespmem:$0x1A000] =	vst v63  }
0x10b: {  	_ =	swait.ge [sflag:s31], $0x800  }
0x10c: {  	[sflag:s31] =	ssyncset.done $0x0  }
0x10d: {  	s7 =	rddreg [dreg:$0x10];
	[sflag:s31] =	ssyncadd.s32 $0xFFFFF800  }
0x10e: {  	[spmem:s14], [sflag:s5] =	dma.local [hbm:s7], $0x800  }
0x10f: {  	_ =	swait.ge [sflag:s20], $0x4000  }
0x110: {  	[sflag:s20] =	ssyncset.done $0x0  }
0x111: {  	[sflag:s20] =	ssyncadd.s32 $0xFFFFC000  }
0x112: {  	_ =	swait.ge [sflag:s21], $0x800  }
0x113: {  	[sflag:s21] =	ssyncset.done $0x0  }
0x114: {  	[sflag:s21] =	ssyncadd.s32 $0xFFFFF800  }
0x115: {  	[spmem:s3] =	stream.indirect.scatter.add.f32 [tilespmem:s13], [sflag:$0x8], $0x80, s22, s11, $0xb8;
	[tilespmem:$0x1A000] =	vst v63  }
0x116: {  	_ =	swait.ge [sflag:s23], $0x4000  }
0x117: {  	[sflag:s23] =	ssyncset.done $0x0  }
0x118: {  	s7 =	rddreg [dreg:$0x11];
	[sflag:s23] =	ssyncadd.s32 $0xFFFFC000  }
0x119: {  	[hbm:s7], [sflag:s9] =	dma.local [spmem:s2], $0x800  }
0x11a: {  	s7 =	sld [smem:$0x7D3];
	_ =	sdelay $0x2  }
0x11b: {  	[tilespmem:s12], [sflag:$0x1] =	stream.indirect.gather [hbm4b:s1+s11], $0x80, s7, s11, $0xb8;
	[tilespmem:$0x1A000] =	vst v63  }
0x11c: {  	_ =	swait.ge [sflag:s0], $0x800  }
0x11d: {  	[sflag:s0] =	ssyncset.done $0x0  }
0x11e: {  	s7 =	rddreg [dreg:$0x12];
	[sflag:s0] =	ssyncadd.s32 $0xFFFFF800  }
0x11f: {  	[spmem:s16], [sflag:s4] =	dma.local [hbm:s7], $0x800  }
0x120: {  	_ =	swait.ge [sflag:s24], $0x4000  }
0x121: {  	[sflag:s24] =	ssyncset.done $0x0  }
0x122: {  	[sflag:s24] =	ssyncadd.s32 $0xFFFFC000  }
0x123: {  	_ =	swait.ge [sflag:s25], $0x800  }
0x124: {  	[sflag:s25] =	ssyncset.done $0x0  }
0x125: {  	[sflag:s25] =	ssyncadd.s32 $0xFFFFF800  }
0x126: {  	[spmem:s3] =	stream.indirect.scatter.add.f32 [tilespmem:s15], [sflag:$0x9], $0x80, s26, s11, $0xb8;
	[tilespmem:$0x1A000] =	vst v63  }
0x127: {  	_ =	swait.ge [sflag:s28], $0x4000  }
0x128: {  	[sflag:s28] =	ssyncset.done $0x0  }
0x129: {  	s7 =	rddreg [dreg:$0x13];
	[sflag:s28] =	ssyncadd.s32 $0xFFFFC000  }
0x12a: {  	[hbm:s7], [sflag:s6] =	dma.local [spmem:s14], $0x800  }
0x12b: {  	s7 =	sld [smem:$0x7D4];
	_ =	sdelay $0x2  }
0x12c: {  	[tilespmem:s13], [sflag:$0x2] =	stream.indirect.gather [hbm4b:s1+s11], $0x80, s7, s11, $0xb8;
	[tilespmem:$0x1A000] =	vst v63  }
0x12d: {  	_ =	swait.ge [sflag:s29], $0x800  }
0x12e: {  	[sflag:s29] =	ssyncset.done $0x0  }
0x12f: {  	s7 =	rddreg [dreg:$0x14];
	[sflag:s29] =	ssyncadd.s32 $0xFFFFF800  }
0x130: {  	[spmem:s2], [sflag:s8] =	dma.local [hbm:s7], $0x800  }
0x131: {  	_ =	swait.ge [sflag:s17], $0x4000  }
0x132: {  	[sflag:s17] =	ssyncset.done $0x0  }
0x133: {  	[sflag:s17] =	ssyncadd.s32 $0xFFFFC000  }
0x134: {  	_ =	swait.ge [sflag:s18], $0x800  }
0x135: {  	[sflag:s18] =	ssyncset.done $0x0  }
0x136: {  	[sflag:s18] =	ssyncadd.s32 $0xFFFFF800  }
0x137: {  	[spmem:s3] =	stream.indirect.scatter.add.f32 [tilespmem:s12], [sflag:$0x7], $0x80, s19, s11, $0xb8;
	[tilespmem:$0x1A000] =	vst v63  }
0x138: {  	_ =	swait.ge [sflag:s30], $0x4000  }
0x139: {  	[sflag:s30] =	ssyncset.done $0x0  }
0x13a: {  	s7 =	rddreg [dreg:$0x15];
	[sflag:s30] =	ssyncadd.s32 $0xFFFFC000  }
0x13b: {  	[hbm:s7], [sflag:s10] =	dma.local [spmem:s16], $0x800  }
0x13c: {  	s7 =	simm.s32 $0x400  }
0x13d: {  	[tilespmem:s15], [sflag:$0x3] =	stream.indirect.gather [hbm4b:s1+s11], $0x80, s7, s11, $0xb8;
	[tilespmem:$0x1A000] =	vst v63  }
0x13e: {  	_ =	swait.ge [sflag:s31], $0x800  }
0x13f: {  	[sflag:s31] =	ssyncset.done $0x0  }
0x140: {  	s7 =	rddreg [dreg:$0x16];
	[sflag:s31] =	ssyncadd.s32 $0xFFFFF800  }
0x141: {  	[spmem:s14], [sflag:s5] =	dma.local [hbm:s7], $0x800  }
0x142: {  	_ =	swait.ge [sflag:s20], $0x4000  }
0x143: {  	[sflag:s20] =	ssyncset.done $0x0  }
0x144: {  	[sflag:s20] =	ssyncadd.s32 $0xFFFFC000  }
0x145: {  	_ =	swait.ge [sflag:s21], $0x800  }
0x146: {  	[sflag:s21] =	ssyncset.done $0x0  }
0x147: {  	[sflag:s21] =	ssyncadd.s32 $0xFFFFF800  }
0x148: {  	[spmem:s3] =	stream.indirect.scatter.add.f32 [tilespmem:s13], [sflag:$0x8], $0x80, s22, s11, $0xb8;
	[tilespmem:$0x1A000] =	vst v63  }
0x149: {  	_ =	swait.ge [sflag:s23], $0x4000  }
0x14a: {  	[sflag:s23] =	ssyncset.done $0x0  }
0x14b: {  	s7 =	rddreg [dreg:$0x17];
	[sflag:s23] =	ssyncadd.s32 $0xFFFFC000  }
0x14c: {  	[hbm:s7], [sflag:s9] =	dma.local [spmem:s2], $0x800  }
0x14d: {  	s7 =	sld [smem:$0x7D5];
	_ =	sdelay $0x2  }
0x14e: {  	[tilespmem:s12], [sflag:$0x1] =	stream.indirect.gather [hbm4b:s1+s11], $0x80, s7, s11, $0xb8;
	[tilespmem:$0x1A000] =	vst v63  }
0x14f: {  	_ =	swait.ge [sflag:s0], $0x800  }
0x150: {  	[sflag:s0] =	ssyncset.done $0x0  }
0x151: {  	s7 =	rddreg [dreg:$0x18];
	[sflag:s0] =	ssyncadd.s32 $0xFFFFF800  }
0x152: {  	[spmem:s16], [sflag:s4] =	dma.local [hbm:s7], $0x800  }
0x153: {  	_ =	swait.ge [sflag:s24], $0x4000  }
0x154: {  	[sflag:s24] =	ssyncset.done $0x0  }
0x155: {  	[sflag:s24] =	ssyncadd.s32 $0xFFFFC000  }
0x156: {  	_ =	swait.ge [sflag:s25], $0x800  }
0x157: {  	[sflag:s25] =	ssyncset.done $0x0  }
0x158: {  	[sflag:s25] =	ssyncadd.s32 $0xFFFFF800  }
0x159: {  	[spmem:s3] =	stream.indirect.scatter.add.f32 [tilespmem:s15], [sflag:$0x9], $0x80, s26, s11, $0xb8;
	[tilespmem:$0x1A000] =	vst v63  }
0x15a: {  	_ =	swait.ge [sflag:s28], $0x4000  }
0x15b: {  	[sflag:s28] =	ssyncset.done $0x0  }
0x15c: {  	s7 =	rddreg [dreg:$0x19];
	[sflag:s28] =	ssyncadd.s32 $0xFFFFC000  }
0x15d: {  	[hbm:s7], [sflag:s6] =	dma.local [spmem:s14], $0x800  }
0x15e: {  	s7 =	sld [smem:$0x7D6];
	_ =	sdelay $0x2  }
0x15f: {  	[tilespmem:s13], [sflag:$0x2] =	stream.indirect.gather [hbm4b:s1+s11], $0x80, s7, s11, $0xb8;
	[tilespmem:$0x1A000] =	vst v63  }
0x160: {  	_ =	swait.ge [sflag:s29], $0x800  }
0x161: {  	[sflag:s29] =	ssyncset.done $0x0  }
0x162: {  	s7 =	rddreg [dreg:$0x1a];
	[sflag:s29] =	ssyncadd.s32 $0xFFFFF800  }
0x163: {  	[spmem:s2], [sflag:s8] =	dma.local [hbm:s7], $0x800  }
0x164: {  	_ =	swait.ge [sflag:s17], $0x4000  }
0x165: {  	[sflag:s17] =	ssyncset.done $0x0  }
0x166: {  	[sflag:s17] =	ssyncadd.s32 $0xFFFFC000  }
0x167: {  	_ =	swait.ge [sflag:s18], $0x800  }
0x168: {  	[sflag:s18] =	ssyncset.done $0x0  }
0x169: {  	[sflag:s18] =	ssyncadd.s32 $0xFFFFF800  }
0x16a: {  	[spmem:s3] =	stream.indirect.scatter.add.f32 [tilespmem:s12], [sflag:$0x7], $0x80, s19, s11, $0xb8;
	[tilespmem:$0x1A000] =	vst v63  }
0x16b: {  	_ =	swait.ge [sflag:s30], $0x4000  }
0x16c: {  	[sflag:s30] =	ssyncset.done $0x0  }
0x16d: {  	s7 =	rddreg [dreg:$0x1b];
	[sflag:s30] =	ssyncadd.s32 $0xFFFFC000  }
0x16e: {  	[hbm:s7], [sflag:s10] =	dma.local [spmem:s16], $0x800  }
0x16f: {  	s7 =	sld [smem:$0x7D7];
	_ =	sdelay $0x2  }
0x170: {  	[tilespmem:s15], [sflag:$0x3] =	stream.indirect.gather [hbm4b:s1+s11], $0x80, s7, s11, $0xb8;
	[tilespmem:$0x1A000] =	vst v63  }
0x171: {  	_ =	swait.ge [sflag:s31], $0x800  }
0x172: {  	[sflag:s31] =	ssyncset.done $0x0  }
0x173: {  	s7 =	rddreg [dreg:$0x1c];
	[sflag:s31] =	ssyncadd.s32 $0xFFFFF800  }
0x174: {  	[spmem:s14], [sflag:s5] =	dma.local [hbm:s7], $0x800  }
0x175: {  	_ =	swait.ge [sflag:s20], $0x4000  }
0x176: {  	[sflag:s20] =	ssyncset.done $0x0  }
0x177: {  	[sflag:s20] =	ssyncadd.s32 $0xFFFFC000  }
0x178: {  	_ =	swait.ge [sflag:s21], $0x800  }
0x179: {  	[sflag:s21] =	ssyncset.done $0x0  }
0x17a: {  	[sflag:s21] =	ssyncadd.s32 $0xFFFFF800  }
0x17b: {  	[spmem:s3] =	stream.indirect.scatter.add.f32 [tilespmem:s13], [sflag:$0x8], $0x80, s22, s11, $0xb8;
	[tilespmem:$0x1A000] =	vst v63  }
0x17c: {  	_ =	swait.ge [sflag:s23], $0x4000  }
0x17d: {  	[sflag:s23] =	ssyncset.done $0x0  }
0x17e: {  	s7 =	rddreg [dreg:$0x1d];
	[sflag:s23] =	ssyncadd.s32 $0xFFFFC000  }
0x17f: {  	[hbm:s7], [sflag:s9] =	dma.local [spmem:s2], $0x800  }
0x180: {  	s7 =	sld [smem:$0x7D8];
	_ =	sdelay $0x2  }
0x181: {  	[tilespmem:s12], [sflag:$0x1] =	stream.indirect.gather [hbm4b:s1+s11], $0x80, s7, s11, $0xb8;
	[tilespmem:$0x1A000] =	vst v63  }
0x182: {  	_ =	swait.ge [sflag:s0], $0x800  }
0x183: {  	[sflag:s0] =	ssyncset.done $0x0  }
0x184: {  	s7 =	rddreg [dreg:$0x1e];
	[sflag:s0] =	ssyncadd.s32 $0xFFFFF800  }
0x185: {  	[spmem:s16], [sflag:s4] =	dma.local [hbm:s7], $0x800  }
0x186: {  	_ =	swait.ge [sflag:s24], $0x4000  }
0x187: {  	[sflag:s24] =	ssyncset.done $0x0  }
0x188: {  	[sflag:s24] =	ssyncadd.s32 $0xFFFFC000  }
0x189: {  	_ =	swait.ge [sflag:s25], $0x800  }
0x18a: {  	[sflag:s25] =	ssyncset.done $0x0  }
0x18b: {  	[sflag:s25] =	ssyncadd.s32 $0xFFFFF800  }
0x18c: {  	[spmem:s3] =	stream.indirect.scatter.add.f32 [tilespmem:s15], [sflag:$0x9], $0x80, s26, s11, $0xb8;
	[tilespmem:$0x1A000] =	vst v63  }
0x18d: {  	_ =	swait.ge [sflag:s28], $0x4000  }
0x18e: {  	[sflag:s28] =	ssyncset.done $0x0  }
0x18f: {  	s7 =	rddreg [dreg:$0x1f];
	[sflag:s28] =	ssyncadd.s32 $0xFFFFC000  }
0x190: {  	[hbm:s7], [sflag:s6] =	dma.local [spmem:s14], $0x800  }
0x191: {  	s7 =	sld [smem:$0x7D9];
	_ =	sdelay $0x2  }
0x192: {  	[tilespmem:s13], [sflag:$0x2] =	stream.indirect.gather [hbm4b:s1+s11], $0x80, s7, s11, $0xb8;
	[tilespmem:$0x1A000] =	vst v63  }
0x193: {  	_ =	swait.ge [sflag:s29], $0x800  }
0x194: {  	s7 =	sld [smem:$0x780]  }
0x195: {  	[sflag:s29] =	ssyncset.done $0x0  }
0x196: {  	[sflag:s29] =	ssyncadd.s32 $0xFFFFF800  }
0x197: {  	[spmem:s2], [sflag:s8] =	dma.local [hbm:s7], $0x800  }
0x198: {  	_ =	swait.ge [sflag:s17], $0x4000  }
0x199: {  	[sflag:s17] =	ssyncset.done $0x0  }
0x19a: {  	[sflag:s17] =	ssyncadd.s32 $0xFFFFC000  }
0x19b: {  	_ =	swait.ge [sflag:s18], $0x800  }
0x19c: {  	[sflag:s18] =	ssyncset.done $0x0  }
0x19d: {  	[sflag:s18] =	ssyncadd.s32 $0xFFFFF800  }
0x19e: {  	[spmem:s3] =	stream.indirect.scatter.add.f32 [tilespmem:s12], [sflag:$0x7], $0x80, s19, s11, $0xb8;
	[tilespmem:$0x1A000] =	vst v63  }
0x19f: {  	_ =	swait.ge [sflag:s30], $0x4000  }
0x1a0: {  	s7 =	sld [smem:$0x781]  }
0x1a1: {  	[sflag:s30] =	ssyncset.done $0x0  }
0x1a2: {  	[sflag:s30] =	ssyncadd.s32 $0xFFFFC000  }
0x1a3: {  	[hbm:s7], [sflag:s10] =	dma.local [spmem:s16], $0x800  }
0x1a4: {  	s7 =	sld [smem:$0x7DA];
	_ =	sdelay $0x2  }
0x1a5: {  	[tilespmem:s15], [sflag:$0x3] =	stream.indirect.gather [hbm4b:s1+s11], $0x80, s7, s11, $0xb8;
	[tilespmem:$0x1A000] =	vst v63  }
0x1a6: {  	_ =	swait.ge [sflag:s31], $0x800  }
0x1a7: {  	s7 =	sld [smem:$0x782]  }
0x1a8: {  	[sflag:s31] =	ssyncset.done $0x0  }
0x1a9: {  	[sflag:s31] =	ssyncadd.s32 $0xFFFFF800  }
0x1aa: {  	[spmem:s14], [sflag:s5] =	dma.local [hbm:s7], $0x800  }
0x1ab: {  	_ =	swait.ge [sflag:s20], $0x4000  }
0x1ac: {  	[sflag:s20] =	ssyncset.done $0x0  }
0x1ad: {  	[sflag:s20] =	ssyncadd.s32 $0xFFFFC000  }
0x1ae: {  	_ =	swait.ge [sflag:s21], $0x800  }
0x1af: {  	[sflag:s21] =	ssyncset.done $0x0  }
0x1b0: {  	[sflag:s21] =	ssyncadd.s32 $0xFFFFF800  }
0x1b1: {  	[spmem:s3] =	stream.indirect.scatter.add.f32 [tilespmem:s13], [sflag:$0x8], $0x80, s22, s11, $0xb8;
	[tilespmem:$0x1A000] =	vst v63  }
0x1b2: {  	_ =	swait.ge [sflag:s23], $0x4000  }
0x1b3: {  	s7 =	sld [smem:$0x783]  }
0x1b4: {  	[sflag:s23] =	ssyncset.done $0x0  }
0x1b5: {  	[sflag:s23] =	ssyncadd.s32 $0xFFFFC000  }
0x1b6: {  	[hbm:s7], [sflag:s9] =	dma.local [spmem:s2], $0x800  }
0x1b7: {  	s7 =	sld [smem:$0x7DB];
	_ =	sdelay $0x2  }
0x1b8: {  	[tilespmem:s12], [sflag:$0x1] =	stream.indirect.gather [hbm4b:s1+s11], $0x80, s7, s11, $0xb8;
	[tilespmem:$0x1A000] =	vst v63  }
0x1b9: {  	_ =	swait.ge [sflag:s0], $0x800  }
0x1ba: {  	s7 =	sld [smem:$0x784]  }
0x1bb: {  	[sflag:s0] =	ssyncset.done $0x0  }
0x1bc: {  	[sflag:s0] =	ssyncadd.s32 $0xFFFFF800  }
0x1bd: {  	[spmem:s16], [sflag:s4] =	dma.local [hbm:s7], $0x800  }
0x1be: {  	_ =	swait.ge [sflag:s24], $0x4000  }
0x1bf: {  	[sflag:s24] =	ssyncset.done $0x0  }
0x1c0: {  	[sflag:s24] =	ssyncadd.s32 $0xFFFFC000  }
0x1c1: {  	_ =	swait.ge [sflag:s25], $0x800  }
0x1c2: {  	[sflag:s25] =	ssyncset.done $0x0  }
0x1c3: {  	[sflag:s25] =	ssyncadd.s32 $0xFFFFF800  }
0x1c4: {  	[spmem:s3] =	stream.indirect.scatter.add.f32 [tilespmem:s15], [sflag:$0x9], $0x80, s26, s11, $0xb8;
	[tilespmem:$0x1A000] =	vst v63  }
0x1c5: {  	_ =	swait.ge [sflag:s28], $0x4000  }
0x1c6: {  	s7 =	sld [smem:$0x785]  }
0x1c7: {  	[sflag:s28] =	ssyncset.done $0x0  }
0x1c8: {  	[sflag:s28] =	ssyncadd.s32 $0xFFFFC000  }
0x1c9: {  	[hbm:s7], [sflag:s6] =	dma.local [spmem:s14], $0x800  }
0x1ca: {  	s7 =	sld [smem:$0x7DC];
	_ =	sdelay $0x2  }
0x1cb: {  	[tilespmem:s13], [sflag:$0x2] =	stream.indirect.gather [hbm4b:s1+s11], $0x80, s7, s11, $0xb8;
	[tilespmem:$0x1A000] =	vst v63  }
0x1cc: {  	_ =	swait.ge [sflag:s29], $0x800  }
0x1cd: {  	s7 =	sld [smem:$0x786]  }
0x1ce: {  	[sflag:s29] =	ssyncset.done $0x0  }
0x1cf: {  	[sflag:s29] =	ssyncadd.s32 $0xFFFFF800  }
0x1d0: {  	[spmem:s2], [sflag:s8] =	dma.local [hbm:s7], $0x800  }
0x1d1: {  	_ =	swait.ge [sflag:s17], $0x4000  }
0x1d2: {  	[sflag:s17] =	ssyncset.done $0x0  }
0x1d3: {  	[sflag:s17] =	ssyncadd.s32 $0xFFFFC000  }
0x1d4: {  	_ =	swait.ge [sflag:s18], $0x800  }
0x1d5: {  	[sflag:s18] =	ssyncset.done $0x0  }
0x1d6: {  	[sflag:s18] =	ssyncadd.s32 $0xFFFFF800  }
0x1d7: {  	[spmem:s3] =	stream.indirect.scatter.add.f32 [tilespmem:s12], [sflag:$0x7], $0x80, s19, s11, $0xb8;
	[tilespmem:$0x1A000] =	vst v63  }
0x1d8: {  	_ =	swait.ge [sflag:s30], $0x4000  }
0x1d9: {  	s7 =	sld [smem:$0x787]  }
0x1da: {  	[sflag:s30] =	ssyncset.done $0x0  }
0x1db: {  	[sflag:s30] =	ssyncadd.s32 $0xFFFFC000  }
0x1dc: {  	[hbm:s7], [sflag:s10] =	dma.local [spmem:s16], $0x800  }
0x1dd: {  	s7 =	sld [smem:$0x7DD];
	_ =	sdelay $0x2  }
0x1de: {  	[tilespmem:s15], [sflag:$0x3] =	stream.indirect.gather [hbm4b:s1+s11], $0x80, s7, s11, $0xb8;
	[tilespmem:$0x1A000] =	vst v63  }
0x1df: {  	_ =	swait.ge [sflag:s31], $0x800  }
0x1e0: {  	s7 =	sld [smem:$0x788]  }
0x1e1: {  	[sflag:s31] =	ssyncset.done $0x0  }
0x1e2: {  	[sflag:s31] =	ssyncadd.s32 $0xFFFFF800  }
0x1e3: {  	[spmem:s14], [sflag:s5] =	dma.local [hbm:s7], $0x800  }
0x1e4: {  	_ =	swait.ge [sflag:s20], $0x4000  }
0x1e5: {  	[sflag:s20] =	ssyncset.done $0x0  }
0x1e6: {  	[sflag:s20] =	ssyncadd.s32 $0xFFFFC000  }
0x1e7: {  	_ =	swait.ge [sflag:s21], $0x800  }
0x1e8: {  	[sflag:s21] =	ssyncset.done $0x0  }
0x1e9: {  	[sflag:s21] =	ssyncadd.s32 $0xFFFFF800  }
0x1ea: {  	[spmem:s3] =	stream.indirect.scatter.add.f32 [tilespmem:s13], [sflag:$0x8], $0x80, s22, s11, $0xb8;
	[tilespmem:$0x1A000] =	vst v63  }
0x1eb: {  	_ =	swait.ge [sflag:s23], $0x4000  }
0x1ec: {  	s7 =	sld [smem:$0x789]  }
0x1ed: {  	[sflag:s23] =	ssyncset.done $0x0  }
0x1ee: {  	[sflag:s23] =	ssyncadd.s32 $0xFFFFC000  }
0x1ef: {  	[hbm:s7], [sflag:s9] =	dma.local [spmem:s2], $0x800  }
0x1f0: {  	s7 =	sld [smem:$0x7DE];
	_ =	sdelay $0x2  }
0x1f1: {  	[tilespmem:s12], [sflag:$0x1] =	stream.indirect.gather [hbm4b:s1+s11], $0x80, s7, s11, $0xb8;
	[tilespmem:$0x1A000] =	vst v63  }
0x1f2: {  	_ =	swait.ge [sflag:s0], $0x800  }
0x1f3: {  	s7 =	sld [smem:$0x78A]  }
0x1f4: {  	[sflag:s0] =	ssyncset.done $0x0  }
0x1f5: {  	[sflag:s0] =	ssyncadd.s32 $0xFFFFF800  }
0x1f6: {  	[spmem:s16], [sflag:s4] =	dma.local [hbm:s7], $0x800  }
0x1f7: {  	_ =	swait.ge [sflag:s24], $0x4000  }
0x1f8: {  	[sflag:s24] =	ssyncset.done $0x0  }
0x1f9: {  	[sflag:s24] =	ssyncadd.s32 $0xFFFFC000  }
0x1fa: {  	_ =	swait.ge [sflag:s25], $0x800  }
0x1fb: {  	[sflag:s25] =	ssyncset.done $0x0  }
0x1fc: {  	[sflag:s25] =	ssyncadd.s32 $0xFFFFF800  }
0x1fd: {  	[spmem:s3] =	stream.indirect.scatter.add.f32 [tilespmem:s15], [sflag:$0x9], $0x80, s26, s11, $0xb8;
	[tilespmem:$0x1A000] =	vst v63  }
0x1fe: {  	_ =	swait.ge [sflag:s28], $0x4000  }
0x1ff: {  	s7 =	sld [smem:$0x78B]  }
0x200: {  	[sflag:s28] =	ssyncset.done $0x0  }
0x201: {  	[sflag:s28] =	ssyncadd.s32 $0xFFFFC000  }
0x202: {  	[hbm:s7], [sflag:s6] =	dma.local [spmem:s14], $0x800  }
0x203: {  	s7 =	sld [smem:$0x7DF];
	_ =	sdelay $0x2  }
0x204: {  	[tilespmem:s13], [sflag:$0x2] =	stream.indirect.gather [hbm4b:s1+s11], $0x80, s7, s11, $0xb8;
	[tilespmem:$0x1A000] =	vst v63  }
0x205: {  	_ =	swait.ge [sflag:s29], $0x800  }
0x206: {  	s7 =	sld [smem:$0x78C]  }
0x207: {  	[sflag:s29] =	ssyncset.done $0x0  }
0x208: {  	[sflag:s29] =	ssyncadd.s32 $0xFFFFF800  }
0x209: {  	[spmem:s2], [sflag:s8] =	dma.local [hbm:s7], $0x800  }
0x20a: {  	_ =	swait.ge [sflag:s17], $0x4000  }
0x20b: {  	[sflag:s17] =	ssyncset.done $0x0  }
0x20c: {  	[sflag:s17] =	ssyncadd.s32 $0xFFFFC000  }
0x20d: {  	_ =	swait.ge [sflag:s18], $0x800  }
0x20e: {  	[sflag:s18] =	ssyncset.done $0x0  }
0x20f: {  	[sflag:s18] =	ssyncadd.s32 $0xFFFFF800  }
0x210: {  	[spmem:s3] =	stream.indirect.scatter.add.f32 [tilespmem:s12], [sflag:$0x7], $0x80, s19, s11, $0xb8;
	[tilespmem:$0x1A000] =	vst v63  }
0x211: {  	_ =	swait.ge [sflag:s30], $0x4000  }
0x212: {  	s7 =	sld [smem:$0x78D]  }
0x213: {  	[sflag:s30] =	ssyncset.done $0x0  }
0x214: {  	[sflag:s30] =	ssyncadd.s32 $0xFFFFC000  }
0x215: {  	[hbm:s7], [sflag:s10] =	dma.local [spmem:s16], $0x800  }
0x216: {  	s7 =	sld [smem:$0x7E0];
	_ =	sdelay $0x2  }
0x217: {  	[tilespmem:s15], [sflag:$0x3] =	stream.indirect.gather [hbm4b:s1+s11], $0x80, s7, s11, $0xb8;
	[tilespmem:$0x1A000] =	vst v63  }
0x218: {  	_ =	swait.ge [sflag:s31], $0x800  }
0x219: {  	s7 =	sld [smem:$0x78E]  }
0x21a: {  	[sflag:s31] =	ssyncset.done $0x0  }
0x21b: {  	[sflag:s31] =	ssyncadd.s32 $0xFFFFF800  }
0x21c: {  	[spmem:s14], [sflag:s5] =	dma.local [hbm:s7], $0x800  }
0x21d: {  	_ =	swait.ge [sflag:s20], $0x4000  }
0x21e: {  	[sflag:s20] =	ssyncset.done $0x0  }
0x21f: {  	[sflag:s20] =	ssyncadd.s32 $0xFFFFC000  }
0x220: {  	_ =	swait.ge [sflag:s21], $0x800  }
0x221: {  	[sflag:s21] =	ssyncset.done $0x0  }
0x222: {  	[sflag:s21] =	ssyncadd.s32 $0xFFFFF800  }
0x223: {  	[spmem:s3] =	stream.indirect.scatter.add.f32 [tilespmem:s13], [sflag:$0x8], $0x80, s22, s11, $0xb8;
	[tilespmem:$0x1A000] =	vst v63  }
0x224: {  	_ =	swait.ge [sflag:s23], $0x4000  }
0x225: {  	s7 =	sld [smem:$0x78F]  }
0x226: {  	[sflag:s23] =	ssyncset.done $0x0  }
0x227: {  	[sflag:s23] =	ssyncadd.s32 $0xFFFFC000  }
0x228: {  	[hbm:s7], [sflag:s9] =	dma.local [spmem:s2], $0x800  }
0x229: {  	s7 =	sld [smem:$0x7E1];
	_ =	sdelay $0x2  }
0x22a: {  	[tilespmem:s12], [sflag:$0x1] =	stream.indirect.gather [hbm4b:s1+s11], $0x80, s7, s11, $0xb8;
	[tilespmem:$0x1A000] =	vst v63  }
0x22b: {  	_ =	swait.ge [sflag:s0], $0x800  }
0x22c: {  	s7 =	sld [smem:$0x790]  }
0x22d: {  	[sflag:s0] =	ssyncset.done $0x0  }
0x22e: {  	[sflag:s0] =	ssyncadd.s32 $0xFFFFF800  }
0x22f: {  	[spmem:s16], [sflag:s4] =	dma.local [hbm:s7], $0x800  }
0x230: {  	_ =	swait.ge [sflag:s24], $0x4000  }
0x231: {  	[sflag:s24] =	ssyncset.done $0x0  }
0x232: {  	[sflag:s24] =	ssyncadd.s32 $0xFFFFC000  }
0x233: {  	_ =	swait.ge [sflag:s25], $0x800  }
0x234: {  	[sflag:s25] =	ssyncset.done $0x0  }
0x235: {  	[sflag:s25] =	ssyncadd.s32 $0xFFFFF800  }
0x236: {  	[spmem:s3] =	stream.indirect.scatter.add.f32 [tilespmem:s15], [sflag:$0x9], $0x80, s26, s11, $0xb8;
	[tilespmem:$0x1A000] =	vst v63  }
0x237: {  	_ =	swait.ge [sflag:s28], $0x4000  }
0x238: {  	s7 =	sld [smem:$0x791]  }
0x239: {  	[sflag:s28] =	ssyncset.done $0x0  }
0x23a: {  	[sflag:s28] =	ssyncadd.s32 $0xFFFFC000  }
0x23b: {  	[hbm:s7], [sflag:s6] =	dma.local [spmem:s14], $0x800  }
0x23c: {  	s7 =	sld [smem:$0x7E2];
	_ =	sdelay $0x2  }
0x23d: {  	[tilespmem:s13], [sflag:$0x2] =	stream.indirect.gather [hbm4b:s1+s11], $0x80, s7, s11, $0xb8;
	[tilespmem:$0x1A000] =	vst v63  }
0x23e: {  	_ =	swait.ge [sflag:s29], $0x800  }
0x23f: {  	s7 =	sld [smem:$0x792]  }
0x240: {  	[sflag:s29] =	ssyncset.done $0x0  }
0x241: {  	[sflag:s29] =	ssyncadd.s32 $0xFFFFF800  }
0x242: {  	[spmem:s2], [sflag:s8] =	dma.local [hbm:s7], $0x800  }
0x243: {  	_ =	swait.ge [sflag:s17], $0x4000  }
0x244: {  	[sflag:s17] =	ssyncset.done $0x0  }
0x245: {  	[sflag:s17] =	ssyncadd.s32 $0xFFFFC000  }
0x246: {  	_ =	swait.ge [sflag:s18], $0x800  }
0x247: {  	[sflag:s18] =	ssyncset.done $0x0  }
0x248: {  	[sflag:s18] =	ssyncadd.s32 $0xFFFFF800  }
0x249: {  	[spmem:s3] =	stream.indirect.scatter.add.f32 [tilespmem:s12], [sflag:$0x7], $0x80, s19, s11, $0xb8;
	[tilespmem:$0x1A000] =	vst v63  }
0x24a: {  	_ =	swait.ge [sflag:s30], $0x4000  }
0x24b: {  	s7 =	sld [smem:$0x793]  }
0x24c: {  	[sflag:s30] =	ssyncset.done $0x0  }
0x24d: {  	[sflag:s30] =	ssyncadd.s32 $0xFFFFC000  }
0x24e: {  	[hbm:s7], [sflag:s10] =	dma.local [spmem:s16], $0x800  }
0x24f: {  	s7 =	sld [smem:$0x7E3];
	_ =	sdelay $0x2  }
0x250: {  	[tilespmem:s15], [sflag:$0x3] =	stream.indirect.gather [hbm4b:s1+s11], $0x80, s7, s11, $0xb8;
	[tilespmem:$0x1A000] =	vst v63  }
0x251: {  	_ =	swait.ge [sflag:s31], $0x800  }
0x252: {  	s7 =	sld [smem:$0x794]  }
0x253: {  	[sflag:s31] =	ssyncset.done $0x0  }
0x254: {  	[sflag:s31] =	ssyncadd.s32 $0xFFFFF800  }
0x255: {  	[spmem:s14], [sflag:s5] =	dma.local [hbm:s7], $0x800  }
0x256: {  	_ =	swait.ge [sflag:s20], $0x4000  }
0x257: {  	[sflag:s20] =	ssyncset.done $0x0  }
0x258: {  	[sflag:s20] =	ssyncadd.s32 $0xFFFFC000  }
0x259: {  	_ =	swait.ge [sflag:s21], $0x800  }
0x25a: {  	[sflag:s21] =	ssyncset.done $0x0  }
0x25b: {  	[sflag:s21] =	ssyncadd.s32 $0xFFFFF800  }
0x25c: {  	[spmem:s3] =	stream.indirect.scatter.add.f32 [tilespmem:s13], [sflag:$0x8], $0x80, s22, s11, $0xb8;
	[tilespmem:$0x1A000] =	vst v63  }
0x25d: {  	_ =	swait.ge [sflag:s23], $0x4000  }
0x25e: {  	s7 =	sld [smem:$0x795]  }
0x25f: {  	[sflag:s23] =	ssyncset.done $0x0  }
0x260: {  	[sflag:s23] =	ssyncadd.s32 $0xFFFFC000  }
0x261: {  	[hbm:s7], [sflag:s9] =	dma.local [spmem:s2], $0x800  }
0x262: {  	s7 =	sld [smem:$0x7E4];
	_ =	sdelay $0x2  }
0x263: {  	[tilespmem:s12], [sflag:$0x1] =	stream.indirect.gather [hbm4b:s1+s11], $0x80, s7, s11, $0xb8;
	[tilespmem:$0x1A000] =	vst v63  }
0x264: {  	_ =	swait.ge [sflag:s0], $0x800  }
0x265: {  	s7 =	sld [smem:$0x796]  }
0x266: {  	[sflag:s0] =	ssyncset.done $0x0  }
0x267: {  	[sflag:s0] =	ssyncadd.s32 $0xFFFFF800  }
0x268: {  	[spmem:s16], [sflag:s4] =	dma.local [hbm:s7], $0x800  }
0x269: {  	_ =	swait.ge [sflag:s24], $0x4000  }
0x26a: {  	[sflag:s24] =	ssyncset.done $0x0  }
0x26b: {  	[sflag:s24] =	ssyncadd.s32 $0xFFFFC000  }
0x26c: {  	_ =	swait.ge [sflag:s25], $0x800  }
0x26d: {  	[sflag:s25] =	ssyncset.done $0x0  }
0x26e: {  	[sflag:s25] =	ssyncadd.s32 $0xFFFFF800  }
0x26f: {  	[spmem:s3] =	stream.indirect.scatter.add.f32 [tilespmem:s15], [sflag:$0x9], $0x80, s26, s11, $0xb8;
	[tilespmem:$0x1A000] =	vst v63  }
0x270: {  	_ =	swait.ge [sflag:s28], $0x4000  }
0x271: {  	s7 =	sld [smem:$0x797]  }
0x272: {  	[sflag:s28] =	ssyncset.done $0x0  }
0x273: {  	[sflag:s28] =	ssyncadd.s32 $0xFFFFC000  }
0x274: {  	[hbm:s7], [sflag:s6] =	dma.local [spmem:s14], $0x800  }
0x275: {  	s7 =	sld [smem:$0x7E5];
	_ =	sdelay $0x2  }
0x276: {  	[tilespmem:s13], [sflag:$0x2] =	stream.indirect.gather [hbm4b:s1+s11], $0x80, s7, s11, $0xb8;
	[tilespmem:$0x1A000] =	vst v63  }
0x277: {  	_ =	swait.ge [sflag:s29], $0x800  }
0x278: {  	s7 =	sld [smem:$0x798]  }
0x279: {  	[sflag:s29] =	ssyncset.done $0x0  }
0x27a: {  	[sflag:s29] =	ssyncadd.s32 $0xFFFFF800  }
0x27b: {  	[spmem:s2], [sflag:s8] =	dma.local [hbm:s7], $0x800  }
0x27c: {  	_ =	swait.ge [sflag:s17], $0x4000  }
0x27d: {  	[sflag:s17] =	ssyncset.done $0x0  }
0x27e: {  	[sflag:s17] =	ssyncadd.s32 $0xFFFFC000  }
0x27f: {  	_ =	swait.ge [sflag:s18], $0x800  }
0x280: {  	[sflag:s18] =	ssyncset.done $0x0  }
0x281: {  	[sflag:s18] =	ssyncadd.s32 $0xFFFFF800  }
0x282: {  	[spmem:s3] =	stream.indirect.scatter.add.f32 [tilespmem:s12], [sflag:$0x7], $0x80, s19, s11, $0xb8;
	[tilespmem:$0x1A000] =	vst v63  }
0x283: {  	_ =	swait.ge [sflag:s30], $0x4000  }
0x284: {  	s7 =	sld [smem:$0x799]  }
0x285: {  	[sflag:s30] =	ssyncset.done $0x0  }
0x286: {  	[sflag:s30] =	ssyncadd.s32 $0xFFFFC000  }
0x287: {  	[hbm:s7], [sflag:s10] =	dma.local [spmem:s16], $0x800  }
0x288: {  	s7 =	sld [smem:$0x7E6];
	_ =	sdelay $0x2  }
0x289: {  	[tilespmem:s15], [sflag:$0x3] =	stream.indirect.gather [hbm4b:s1+s11], $0x80, s7, s11, $0xb8;
	[tilespmem:$0x1A000] =	vst v63  }
0x28a: {  	_ =	swait.ge [sflag:s31], $0x800  }
0x28b: {  	s7 =	sld [smem:$0x79A]  }
0x28c: {  	[sflag:s31] =	ssyncset.done $0x0  }
0x28d: {  	[sflag:s31] =	ssyncadd.s32 $0xFFFFF800  }
0x28e: {  	[spmem:s14], [sflag:s5] =	dma.local [hbm:s7], $0x800  }
0x28f: {  	_ =	swait.ge [sflag:s20], $0x4000  }
0x290: {  	[sflag:s20] =	ssyncset.done $0x0  }
0x291: {  	[sflag:s20] =	ssyncadd.s32 $0xFFFFC000  }
0x292: {  	_ =	swait.ge [sflag:s21], $0x800  }
0x293: {  	[sflag:s21] =	ssyncset.done $0x0  }
0x294: {  	[sflag:s21] =	ssyncadd.s32 $0xFFFFF800  }
0x295: {  	[spmem:s3] =	stream.indirect.scatter.add.f32 [tilespmem:s13], [sflag:$0x8], $0x80, s22, s11, $0xb8;
	[tilespmem:$0x1A000] =	vst v63  }
0x296: {  	_ =	swait.ge [sflag:s23], $0x4000  }
0x297: {  	s7 =	sld [smem:$0x79B]  }
0x298: {  	[sflag:s23] =	ssyncset.done $0x0  }
0x299: {  	[sflag:s23] =	ssyncadd.s32 $0xFFFFC000  }
0x29a: {  	[hbm:s7], [sflag:s9] =	dma.local [spmem:s2], $0x800  }
0x29b: {  	s7 =	sld [smem:$0x7E7];
	_ =	sdelay $0x2  }
0x29c: {  	[tilespmem:s12], [sflag:$0x1] =	stream.indirect.gather [hbm4b:s1+s11], $0x80, s7, s11, $0xb8;
	[tilespmem:$0x1A000] =	vst v63  }
0x29d: {  	_ =	swait.ge [sflag:s0], $0x800  }
0x29e: {  	s7 =	sld [smem:$0x79C]  }
0x29f: {  	[sflag:s0] =	ssyncset.done $0x0  }
0x2a0: {  	[sflag:s0] =	ssyncadd.s32 $0xFFFFF800  }
0x2a1: {  	[spmem:s16], [sflag:s4] =	dma.local [hbm:s7], $0x800  }
0x2a2: {  	_ =	swait.ge [sflag:s24], $0x4000  }
0x2a3: {  	[sflag:s24] =	ssyncset.done $0x0  }
0x2a4: {  	[sflag:s24] =	ssyncadd.s32 $0xFFFFC000  }
0x2a5: {  	_ =	swait.ge [sflag:s25], $0x800  }
0x2a6: {  	[sflag:s25] =	ssyncset.done $0x0  }
0x2a7: {  	[sflag:s25] =	ssyncadd.s32 $0xFFFFF800  }
0x2a8: {  	[spmem:s3] =	stream.indirect.scatter.add.f32 [tilespmem:s15], [sflag:$0x9], $0x80, s26, s11, $0xb8;
	[tilespmem:$0x1A000] =	vst v63  }
0x2a9: {  	_ =	swait.ge [sflag:s28], $0x4000  }
0x2aa: {  	s7 =	sld [smem:$0x79D]  }
0x2ab: {  	[sflag:s28] =	ssyncset.done $0x0  }
0x2ac: {  	[sflag:s28] =	ssyncadd.s32 $0xFFFFC000  }
0x2ad: {  	[hbm:s7], [sflag:s6] =	dma.local [spmem:s14], $0x800  }
0x2ae: {  	s7 =	sld [smem:$0x7E8];
	_ =	sdelay $0x2  }
0x2af: {  	[tilespmem:s13], [sflag:$0x2] =	stream.indirect.gather [hbm4b:s1+s11], $0x80, s7, s11, $0xb8;
	[tilespmem:$0x1A000] =	vst v63  }
0x2b0: {  	_ =	swait.ge [sflag:s29], $0x800  }
0x2b1: {  	s7 =	sld [smem:$0x79E]  }
0x2b2: {  	[sflag:s29] =	ssyncset.done $0x0  }
0x2b3: {  	[sflag:s29] =	ssyncadd.s32 $0xFFFFF800  }
0x2b4: {  	[spmem:s2], [sflag:s8] =	dma.local [hbm:s7], $0x800  }
0x2b5: {  	_ =	swait.ge [sflag:s17], $0x4000  }
0x2b6: {  	[sflag:s17] =	ssyncset.done $0x0  }
0x2b7: {  	[sflag:s17] =	ssyncadd.s32 $0xFFFFC000  }
0x2b8: {  	_ =	swait.ge [sflag:s18], $0x800  }
0x2b9: {  	[sflag:s18] =	ssyncset.done $0x0  }
0x2ba: {  	[sflag:s18] =	ssyncadd.s32 $0xFFFFF800  }
0x2bb: {  	[spmem:s3] =	stream.indirect.scatter.add.f32 [tilespmem:s12], [sflag:$0x7], $0x80, s19, s11, $0xb8;
	[tilespmem:$0x1A000] =	vst v63  }
0x2bc: {  	_ =	swait.ge [sflag:s30], $0x4000  }
0x2bd: {  	s7 =	sld [smem:$0x79F]  }
0x2be: {  	[sflag:s30] =	ssyncset.done $0x0  }
0x2bf: {  	[sflag:s30] =	ssyncadd.s32 $0xFFFFC000  }
0x2c0: {  	[hbm:s7], [sflag:s10] =	dma.local [spmem:s16], $0x800  }
0x2c1: {  	s7 =	sld [smem:$0x7E9];
	_ =	sdelay $0x2  }
0x2c2: {  	[tilespmem:s15], [sflag:$0x3] =	stream.indirect.gather [hbm4b:s1+s11], $0x80, s7, s11, $0xb8;
	[tilespmem:$0x1A000] =	vst v63  }
0x2c3: {  	_ =	swait.ge [sflag:s31], $0x800  }
0x2c4: {  	s7 =	sld [smem:$0x7A0]  }
0x2c5: {  	[sflag:s31] =	ssyncset.done $0x0  }
0x2c6: {  	[sflag:s31] =	ssyncadd.s32 $0xFFFFF800  }
0x2c7: {  	[spmem:s14], [sflag:s5] =	dma.local [hbm:s7], $0x800  }
0x2c8: {  	_ =	swait.ge [sflag:s20], $0x4000  }
0x2c9: {  	[sflag:s20] =	ssyncset.done $0x0  }
0x2ca: {  	[sflag:s20] =	ssyncadd.s32 $0xFFFFC000  }
0x2cb: {  	_ =	swait.ge [sflag:s21], $0x800  }
0x2cc: {  	[sflag:s21] =	ssyncset.done $0x0  }
0x2cd: {  	[sflag:s21] =	ssyncadd.s32 $0xFFFFF800  }
0x2ce: {  	[spmem:s3] =	stream.indirect.scatter.add.f32 [tilespmem:s13], [sflag:$0x8], $0x80, s22, s11, $0xb8;
	[tilespmem:$0x1A000] =	vst v63  }
0x2cf: {  	_ =	swait.ge [sflag:s23], $0x4000  }
0x2d0: {  	s7 =	sld [smem:$0x7A1]  }
0x2d1: {  	[sflag:s23] =	ssyncset.done $0x0  }
0x2d2: {  	[sflag:s23] =	ssyncadd.s32 $0xFFFFC000  }
0x2d3: {  	[hbm:s7], [sflag:s9] =	dma.local [spmem:s2], $0x800  }
0x2d4: {  	s7 =	sld [smem:$0x7EB];
	_ =	sdelay $0x2  }
0x2d5: {  	[tilespmem:s12], [sflag:$0x1] =	stream.indirect.gather [hbm4b:s1+s11], $0x80, s7, s11, $0xb8;
	[tilespmem:$0x1A000] =	vst v63  }
0x2d6: {  	_ =	swait.ge [sflag:s0], $0x800  }
0x2d7: {  	s7 =	sld [smem:$0x7A2]  }
0x2d8: {  	[sflag:s0] =	ssyncset.done $0x0  }
0x2d9: {  	[sflag:s0] =	ssyncadd.s32 $0xFFFFF800  }
0x2da: {  	[spmem:s16], [sflag:s4] =	dma.local [hbm:s7], $0x800  }
0x2db: {  	_ =	swait.ge [sflag:s24], $0x4000  }
0x2dc: {  	[sflag:s24] =	ssyncset.done $0x0  }
0x2dd: {  	[sflag:s24] =	ssyncadd.s32 $0xFFFFC000  }
0x2de: {  	_ =	swait.ge [sflag:s25], $0x800  }
0x2df: {  	[sflag:s25] =	ssyncset.done $0x0  }
0x2e0: {  	[sflag:s25] =	ssyncadd.s32 $0xFFFFF800  }
0x2e1: {  	[spmem:s3] =	stream.indirect.scatter.add.f32 [tilespmem:s15], [sflag:$0x9], $0x80, s26, s11, $0xb8;
	[tilespmem:$0x1A000] =	vst v63  }
0x2e2: {  	_ =	swait.ge [sflag:s28], $0x4000  }
0x2e3: {  	s7 =	sld [smem:$0x7A3]  }
0x2e4: {  	[sflag:s28] =	ssyncset.done $0x0  }
0x2e5: {  	[sflag:s28] =	ssyncadd.s32 $0xFFFFC000  }
0x2e6: {  	[hbm:s7], [sflag:s6] =	dma.local [spmem:s14], $0x800  }
0x2e7: {  	s7 =	sld [smem:$0x7EC];
	_ =	sdelay $0x2  }
0x2e8: {  	[tilespmem:s13], [sflag:$0x2] =	stream.indirect.gather [hbm4b:s1+s11], $0x80, s7, s11, $0xb8;
	[tilespmem:$0x1A000] =	vst v63  }
0x2e9: {  	_ =	swait.ge [sflag:s29], $0x800  }
0x2ea: {  	s7 =	sld [smem:$0x7A4]  }
0x2eb: {  	[sflag:s29] =	ssyncset.done $0x0  }
0x2ec: {  	[sflag:s29] =	ssyncadd.s32 $0xFFFFF800  }
0x2ed: {  	[spmem:s2], [sflag:s8] =	dma.local [hbm:s7], $0x800  }
0x2ee: {  	_ =	swait.ge [sflag:s17], $0x4000  }
0x2ef: {  	[sflag:s17] =	ssyncset.done $0x0  }
0x2f0: {  	[sflag:s17] =	ssyncadd.s32 $0xFFFFC000  }
0x2f1: {  	_ =	swait.ge [sflag:s18], $0x800  }
0x2f2: {  	[sflag:s18] =	ssyncset.done $0x0  }
0x2f3: {  	[sflag:s18] =	ssyncadd.s32 $0xFFFFF800  }
0x2f4: {  	[spmem:s3] =	stream.indirect.scatter.add.f32 [tilespmem:s12], [sflag:$0x7], $0x80, s19, s11, $0xb8;
	[tilespmem:$0x1A000] =	vst v63  }
0x2f5: {  	_ =	swait.ge [sflag:s30], $0x4000  }
0x2f6: {  	s7 =	sld [smem:$0x7A5]  }
0x2f7: {  	[sflag:s30] =	ssyncset.done $0x0  }
0x2f8: {  	[sflag:s30] =	ssyncadd.s32 $0xFFFFC000  }
0x2f9: {  	[hbm:s7], [sflag:s10] =	dma.local [spmem:s16], $0x800  }
0x2fa: {  	s7 =	sld [smem:$0x7ED];
	_ =	sdelay $0x2  }
0x2fb: {  	[tilespmem:s15], [sflag:$0x3] =	stream.indirect.gather [hbm4b:s1+s11], $0x80, s7, s11, $0xb8;
	[tilespmem:$0x1A000] =	vst v63  }
0x2fc: {  	_ =	swait.ge [sflag:s31], $0x800  }
0x2fd: {  	s7 =	sld [smem:$0x7A6]  }
0x2fe: {  	[sflag:s31] =	ssyncset.done $0x0  }
0x2ff: {  	[sflag:s31] =	ssyncadd.s32 $0xFFFFF800  }
0x300: {  	[spmem:s14], [sflag:s5] =	dma.local [hbm:s7], $0x800  }
0x301: {  	_ =	swait.ge [sflag:s20], $0x4000  }
0x302: {  	[sflag:s20] =	ssyncset.done $0x0  }
0x303: {  	[sflag:s20] =	ssyncadd.s32 $0xFFFFC000  }
0x304: {  	_ =	swait.ge [sflag:s21], $0x800  }
0x305: {  	[sflag:s21] =	ssyncset.done $0x0  }
0x306: {  	[sflag:s21] =	ssyncadd.s32 $0xFFFFF800  }
0x307: {  	[spmem:s3] =	stream.indirect.scatter.add.f32 [tilespmem:s13], [sflag:$0x8], $0x80, s22, s11, $0xb8;
	[tilespmem:$0x1A000] =	vst v63  }
0x308: {  	_ =	swait.ge [sflag:s23], $0x4000  }
0x309: {  	s7 =	sld [smem:$0x7A7]  }
0x30a: {  	[sflag:s23] =	ssyncset.done $0x0  }
0x30b: {  	[sflag:s23] =	ssyncadd.s32 $0xFFFFC000  }
0x30c: {  	[hbm:s7], [sflag:s9] =	dma.local [spmem:s2], $0x800  }
0x30d: {  	s7 =	sld [smem:$0x7EE];
	_ =	sdelay $0x2  }
0x30e: {  	[tilespmem:s12], [sflag:$0x1] =	stream.indirect.gather [hbm4b:s1+s11], $0x80, s7, s11, $0xb8;
	[tilespmem:$0x1A000] =	vst v63  }
0x30f: {  	_ =	swait.ge [sflag:s0], $0x800  }
0x310: {  	s7 =	sld [smem:$0x7A8]  }
0x311: {  	[sflag:s0] =	ssyncset.done $0x0  }
0x312: {  	[sflag:s0] =	ssyncadd.s32 $0xFFFFF800  }
0x313: {  	[spmem:s16], [sflag:s4] =	dma.local [hbm:s7], $0x800  }
0x314: {  	_ =	swait.ge [sflag:s24], $0x4000  }
0x315: {  	[sflag:s24] =	ssyncset.done $0x0  }
0x316: {  	[sflag:s24] =	ssyncadd.s32 $0xFFFFC000  }
0x317: {  	_ =	swait.ge [sflag:s25], $0x800  }
0x318: {  	[sflag:s25] =	ssyncset.done $0x0  }
0x319: {  	[sflag:s25] =	ssyncadd.s32 $0xFFFFF800  }
0x31a: {  	[spmem:s3] =	stream.indirect.scatter.add.f32 [tilespmem:s15], [sflag:$0x9], $0x80, s26, s11, $0xb8;
	[tilespmem:$0x1A000] =	vst v63  }
0x31b: {  	_ =	swait.ge [sflag:s28], $0x4000  }
0x31c: {  	s7 =	sld [smem:$0x7A9]  }
0x31d: {  	[sflag:s28] =	ssyncset.done $0x0  }
0x31e: {  	[sflag:s28] =	ssyncadd.s32 $0xFFFFC000  }
0x31f: {  	[hbm:s7], [sflag:s6] =	dma.local [spmem:s14], $0x800  }
0x320: {  	s7 =	sld [smem:$0x7EF];
	_ =	sdelay $0x2  }
0x321: {  	[tilespmem:s13], [sflag:$0x2] =	stream.indirect.gather [hbm4b:s1+s11], $0x80, s7, s11, $0xb8;
	[tilespmem:$0x1A000] =	vst v63  }
0x322: {  	_ =	swait.ge [sflag:s29], $0x800  }
0x323: {  	s7 =	sld [smem:$0x7AA]  }
0x324: {  	[sflag:s29] =	ssyncset.done $0x0  }
0x325: {  	[sflag:s29] =	ssyncadd.s32 $0xFFFFF800  }
0x326: {  	[spmem:s2], [sflag:s8] =	dma.local [hbm:s7], $0x800  }
0x327: {  	_ =	swait.ge [sflag:s17], $0x4000  }
0x328: {  	[sflag:s17] =	ssyncset.done $0x0  }
0x329: {  	[sflag:s17] =	ssyncadd.s32 $0xFFFFC000  }
0x32a: {  	_ =	swait.ge [sflag:s18], $0x800  }
0x32b: {  	[sflag:s18] =	ssyncset.done $0x0  }
0x32c: {  	[sflag:s18] =	ssyncadd.s32 $0xFFFFF800  }
0x32d: {  	[spmem:s3] =	stream.indirect.scatter.add.f32 [tilespmem:s12], [sflag:$0x7], $0x80, s19, s11, $0xb8;
	[tilespmem:$0x1A000] =	vst v63  }
0x32e: {  	_ =	swait.ge [sflag:s30], $0x4000  }
0x32f: {  	s7 =	sld [smem:$0x7AB]  }
0x330: {  	[sflag:s30] =	ssyncset.done $0x0  }
0x331: {  	[sflag:s30] =	ssyncadd.s32 $0xFFFFC000  }
0x332: {  	[hbm:s7], [sflag:s10] =	dma.local [spmem:s16], $0x800  }
0x333: {  	s7 =	sld [smem:$0x7F0];
	_ =	sdelay $0x2  }
0x334: {  	[tilespmem:s15], [sflag:$0x3] =	stream.indirect.gather [hbm4b:s1+s11], $0x80, s7, s11, $0xb8;
	[tilespmem:$0x1A000] =	vst v63  }
0x335: {  	_ =	swait.ge [sflag:s31], $0x800  }
0x336: {  	s7 =	sld [smem:$0x7AC]  }
0x337: {  	[sflag:s31] =	ssyncset.done $0x0  }
0x338: {  	[sflag:s31] =	ssyncadd.s32 $0xFFFFF800  }
0x339: {  	[spmem:s14], [sflag:s5] =	dma.local [hbm:s7], $0x800  }
0x33a: {  	_ =	swait.ge [sflag:s20], $0x4000  }
0x33b: {  	[sflag:s20] =	ssyncset.done $0x0  }
0x33c: {  	[sflag:s20] =	ssyncadd.s32 $0xFFFFC000  }
0x33d: {  	_ =	swait.ge [sflag:s21], $0x800  }
0x33e: {  	[sflag:s21] =	ssyncset.done $0x0  }
0x33f: {  	[sflag:s21] =	ssyncadd.s32 $0xFFFFF800  }
0x340: {  	[spmem:s3] =	stream.indirect.scatter.add.f32 [tilespmem:s13], [sflag:$0x8], $0x80, s22, s11, $0xb8;
	[tilespmem:$0x1A000] =	vst v63  }
0x341: {  	_ =	swait.ge [sflag:s23], $0x4000  }
0x342: {  	s7 =	sld [smem:$0x7AD]  }
0x343: {  	[sflag:s23] =	ssyncset.done $0x0  }
0x344: {  	[sflag:s23] =	ssyncadd.s32 $0xFFFFC000  }
0x345: {  	[hbm:s7], [sflag:s9] =	dma.local [spmem:s2], $0x800  }
0x346: {  	s7 =	sld [smem:$0x7F1];
	_ =	sdelay $0x2  }
0x347: {  	[tilespmem:s12], [sflag:$0x1] =	stream.indirect.gather [hbm4b:s1+s11], $0x80, s7, s11, $0xb8;
	[tilespmem:$0x1A000] =	vst v63  }
0x348: {  	_ =	swait.ge [sflag:s0], $0x800  }
0x349: {  	s7 =	sld [smem:$0x7AE]  }
0x34a: {  	[sflag:s0] =	ssyncset.done $0x0  }
0x34b: {  	[sflag:s0] =	ssyncadd.s32 $0xFFFFF800  }
0x34c: {  	[spmem:s16], [sflag:s4] =	dma.local [hbm:s7], $0x800  }
0x34d: {  	_ =	swait.ge [sflag:s24], $0x4000  }
0x34e: {  	[sflag:s24] =	ssyncset.done $0x0  }
0x34f: {  	[sflag:s24] =	ssyncadd.s32 $0xFFFFC000  }
0x350: {  	_ =	swait.ge [sflag:s25], $0x800  }
0x351: {  	[sflag:s25] =	ssyncset.done $0x0  }
0x352: {  	[sflag:s25] =	ssyncadd.s32 $0xFFFFF800  }
0x353: {  	[spmem:s3] =	stream.indirect.scatter.add.f32 [tilespmem:s15], [sflag:$0x9], $0x80, s26, s11, $0xb8;
	[tilespmem:$0x1A000] =	vst v63  }
0x354: {  	_ =	swait.ge [sflag:s28], $0x4000  }
0x355: {  	s7 =	sld [smem:$0x7AF]  }
0x356: {  	[sflag:s28] =	ssyncset.done $0x0  }
0x357: {  	[sflag:s28] =	ssyncadd.s32 $0xFFFFC000  }
0x358: {  	[hbm:s7], [sflag:s6] =	dma.local [spmem:s14], $0x800  }
0x359: {  	s7 =	sld [smem:$0x7F2];
	_ =	sdelay $0x2  }
0x35a: {  	[tilespmem:s13], [sflag:$0x2] =	stream.indirect.gather [hbm4b:s1+s11], $0x80, s7, s11, $0xb8;
	[tilespmem:$0x1A000] =	vst v63  }
0x35b: {  	_ =	swait.ge [sflag:s29], $0x800  }
0x35c: {  	s7 =	sld [smem:$0x7B0]  }
0x35d: {  	[sflag:s29] =	ssyncset.done $0x0  }
0x35e: {  	[sflag:s29] =	ssyncadd.s32 $0xFFFFF800  }
0x35f: {  	[spmem:s2], [sflag:s8] =	dma.local [hbm:s7], $0x800  }
0x360: {  	_ =	swait.ge [sflag:s17], $0x4000  }
0x361: {  	[sflag:s17] =	ssyncset.done $0x0  }
0x362: {  	[sflag:s17] =	ssyncadd.s32 $0xFFFFC000  }
0x363: {  	_ =	swait.ge [sflag:s18], $0x800  }
0x364: {  	[sflag:s18] =	ssyncset.done $0x0  }
0x365: {  	[sflag:s18] =	ssyncadd.s32 $0xFFFFF800  }
0x366: {  	[spmem:s3] =	stream.indirect.scatter.add.f32 [tilespmem:s12], [sflag:$0x7], $0x80, s19, s11, $0xb8;
	[tilespmem:$0x1A000] =	vst v63  }
0x367: {  	_ =	swait.ge [sflag:s30], $0x4000  }
0x368: {  	s7 =	sld [smem:$0x7B1]  }
0x369: {  	[sflag:s30] =	ssyncset.done $0x0  }
0x36a: {  	[sflag:s30] =	ssyncadd.s32 $0xFFFFC000  }
0x36b: {  	[hbm:s7], [sflag:s10] =	dma.local [spmem:s16], $0x800  }
0x36c: {  	s7 =	sld [smem:$0x7F3];
	_ =	sdelay $0x2  }
0x36d: {  	[tilespmem:s15], [sflag:$0x3] =	stream.indirect.gather [hbm4b:s1+s11], $0x80, s7, s11, $0xb8;
	[tilespmem:$0x1A000] =	vst v63  }
0x36e: {  	_ =	swait.ge [sflag:s31], $0x800  }
0x36f: {  	s7 =	sld [smem:$0x7B2]  }
0x370: {  	[sflag:s31] =	ssyncset.done $0x0  }
0x371: {  	[sflag:s31] =	ssyncadd.s32 $0xFFFFF800  }
0x372: {  	[spmem:s14], [sflag:s5] =	dma.local [hbm:s7], $0x800  }
0x373: {  	_ =	swait.ge [sflag:s20], $0x4000  }
0x374: {  	[sflag:s20] =	ssyncset.done $0x0  }
0x375: {  	[sflag:s20] =	ssyncadd.s32 $0xFFFFC000  }
0x376: {  	_ =	swait.ge [sflag:s21], $0x800  }
0x377: {  	[sflag:s21] =	ssyncset.done $0x0  }
0x378: {  	[sflag:s21] =	ssyncadd.s32 $0xFFFFF800  }
0x379: {  	[spmem:s3] =	stream.indirect.scatter.add.f32 [tilespmem:s13], [sflag:$0x8], $0x80, s22, s11, $0xb8;
	[tilespmem:$0x1A000] =	vst v63  }
0x37a: {  	_ =	swait.ge [sflag:s23], $0x4000  }
0x37b: {  	s7 =	sld [smem:$0x7B3]  }
0x37c: {  	[sflag:s23] =	ssyncset.done $0x0  }
0x37d: {  	[sflag:s23] =	ssyncadd.s32 $0xFFFFC000  }
0x37e: {  	[hbm:s7], [sflag:s9] =	dma.local [spmem:s2], $0x800  }
0x37f: {  	s7 =	sld [smem:$0x7F4];
	_ =	sdelay $0x2  }
0x380: {  	[tilespmem:s12], [sflag:$0x1] =	stream.indirect.gather [hbm4b:s1+s11], $0x80, s7, s11, $0xb8;
	[tilespmem:$0x1A000] =	vst v63  }
0x381: {  	_ =	swait.ge [sflag:s0], $0x800  }
0x382: {  	s7 =	sld [smem:$0x7B4]  }
0x383: {  	[sflag:s0] =	ssyncset.done $0x0  }
0x384: {  	[sflag:s0] =	ssyncadd.s32 $0xFFFFF800  }
0x385: {  	[spmem:s16], [sflag:s4] =	dma.local [hbm:s7], $0x800  }
0x386: {  	_ =	swait.ge [sflag:s24], $0x4000  }
0x387: {  	[sflag:s24] =	ssyncset.done $0x0  }
0x388: {  	[sflag:s24] =	ssyncadd.s32 $0xFFFFC000  }
0x389: {  	_ =	swait.ge [sflag:s25], $0x800  }
0x38a: {  	[sflag:s25] =	ssyncset.done $0x0  }
0x38b: {  	[sflag:s25] =	ssyncadd.s32 $0xFFFFF800  }
0x38c: {  	[spmem:s3] =	stream.indirect.scatter.add.f32 [tilespmem:s15], [sflag:$0x9], $0x80, s26, s11, $0xb8;
	[tilespmem:$0x1A000] =	vst v63  }
0x38d: {  	_ =	swait.ge [sflag:s28], $0x4000  }
0x38e: {  	s7 =	sld [smem:$0x7B5]  }
0x38f: {  	[sflag:s28] =	ssyncset.done $0x0  }
0x390: {  	[sflag:s28] =	ssyncadd.s32 $0xFFFFC000  }
0x391: {  	[hbm:s7], [sflag:s6] =	dma.local [spmem:s14], $0x800  }
0x392: {  	s7 =	sld [smem:$0x7F5];
	_ =	sdelay $0x2  }
0x393: {  	[tilespmem:s13], [sflag:$0x2] =	stream.indirect.gather [hbm4b:s1+s11], $0x80, s7, s11, $0xb8;
	[tilespmem:$0x1A000] =	vst v63  }
0x394: {  	_ =	swait.ge [sflag:s29], $0x800  }
0x395: {  	s7 =	sld [smem:$0x7B6]  }
0x396: {  	[sflag:s29] =	ssyncset.done $0x0  }
0x397: {  	[sflag:s29] =	ssyncadd.s32 $0xFFFFF800  }
0x398: {  	[spmem:s2], [sflag:s8] =	dma.local [hbm:s7], $0x800  }
0x399: {  	_ =	swait.ge [sflag:s17], $0x4000  }
0x39a: {  	[sflag:s17] =	ssyncset.done $0x0  }
0x39b: {  	[sflag:s17] =	ssyncadd.s32 $0xFFFFC000  }
0x39c: {  	_ =	swait.ge [sflag:s18], $0x800  }
0x39d: {  	[sflag:s18] =	ssyncset.done $0x0  }
0x39e: {  	[sflag:s18] =	ssyncadd.s32 $0xFFFFF800  }
0x39f: {  	[spmem:s3] =	stream.indirect.scatter.add.f32 [tilespmem:s12], [sflag:$0x7], $0x80, s19, s11, $0xb8;
	[tilespmem:$0x1A000] =	vst v63  }
0x3a0: {  	_ =	swait.ge [sflag:s30], $0x4000  }
0x3a1: {  	s7 =	sld [smem:$0x7B7]  }
0x3a2: {  	[sflag:s30] =	ssyncset.done $0x0  }
0x3a3: {  	[sflag:s30] =	ssyncadd.s32 $0xFFFFC000  }
0x3a4: {  	[hbm:s7], [sflag:s10] =	dma.local [spmem:s16], $0x800  }
0x3a5: {  	s7 =	sld [smem:$0x7F6];
	_ =	sdelay $0x2  }
0x3a6: {  	[tilespmem:s15], [sflag:$0x3] =	stream.indirect.gather [hbm4b:s1+s11], $0x80, s7, s11, $0xb8;
	[tilespmem:$0x1A000] =	vst v63  }
0x3a7: {  	_ =	swait.ge [sflag:s31], $0x800  }
0x3a8: {  	s7 =	sld [smem:$0x7B8]  }
0x3a9: {  	[sflag:s31] =	ssyncset.done $0x0  }
0x3aa: {  	[sflag:s31] =	ssyncadd.s32 $0xFFFFF800  }
0x3ab: {  	[spmem:s14], [sflag:s5] =	dma.local [hbm:s7], $0x800  }
0x3ac: {  	_ =	swait.ge [sflag:s20], $0x4000  }
0x3ad: {  	[sflag:s20] =	ssyncset.done $0x0  }
0x3ae: {  	[sflag:s20] =	ssyncadd.s32 $0xFFFFC000  }
0x3af: {  	_ =	swait.ge [sflag:s21], $0x800  }
0x3b0: {  	[sflag:s21] =	ssyncset.done $0x0  }
0x3b1: {  	[sflag:s21] =	ssyncadd.s32 $0xFFFFF800  }
0x3b2: {  	[spmem:s3] =	stream.indirect.scatter.add.f32 [tilespmem:s13], [sflag:$0x8], $0x80, s22, s11, $0xb8;
	[tilespmem:$0x1A000] =	vst v63  }
0x3b3: {  	_ =	swait.ge [sflag:s23], $0x4000  }
0x3b4: {  	s7 =	sld [smem:$0x7B9]  }
0x3b5: {  	[sflag:s23] =	ssyncset.done $0x0  }
0x3b6: {  	[sflag:s23] =	ssyncadd.s32 $0xFFFFC000  }
0x3b7: {  	[hbm:s7], [sflag:s9] =	dma.local [spmem:s2], $0x800  }
0x3b8: {  	s7 =	sld [smem:$0x7F7];
	_ =	sdelay $0x2  }
0x3b9: {  	[tilespmem:s12], [sflag:$0x1] =	stream.indirect.gather [hbm4b:s1+s11], $0x80, s7, s11, $0xb8;
	[tilespmem:$0x1A000] =	vst v63  }
0x3ba: {  	_ =	swait.ge [sflag:s0], $0x800  }
0x3bb: {  	s7 =	sld [smem:$0x7BA]  }
0x3bc: {  	[sflag:s0] =	ssyncset.done $0x0  }
0x3bd: {  	[sflag:s0] =	ssyncadd.s32 $0xFFFFF800  }
0x3be: {  	[spmem:s16], [sflag:s4] =	dma.local [hbm:s7], $0x800  }
0x3bf: {  	_ =	swait.ge [sflag:s24], $0x4000  }
0x3c0: {  	[sflag:s24] =	ssyncset.done $0x0  }
0x3c1: {  	[sflag:s24] =	ssyncadd.s32 $0xFFFFC000  }
0x3c2: {  	_ =	swait.ge [sflag:s25], $0x800  }
0x3c3: {  	[sflag:s25] =	ssyncset.done $0x0  }
0x3c4: {  	[sflag:s25] =	ssyncadd.s32 $0xFFFFF800  }
0x3c5: {  	[spmem:s3] =	stream.indirect.scatter.add.f32 [tilespmem:s15], [sflag:$0x9], $0x80, s26, s11, $0xb8;
	[tilespmem:$0x1A000] =	vst v63  }
0x3c6: {  	_ =	swait.ge [sflag:s28], $0x4000  }
0x3c7: {  	s7 =	sld [smem:$0x7BB]  }
0x3c8: {  	[sflag:s28] =	ssyncset.done $0x0  }
0x3c9: {  	[sflag:s28] =	ssyncadd.s32 $0xFFFFC000  }
0x3ca: {  	[hbm:s7], [sflag:s6] =	dma.local [spmem:s14], $0x800  }
0x3cb: {  	s7 =	sld [smem:$0x7F8];
	_ =	sdelay $0x2  }
0x3cc: {  	[tilespmem:s13], [sflag:$0x2] =	stream.indirect.gather [hbm4b:s1+s11], $0x80, s7, s11, $0xb8;
	[tilespmem:$0x1A000] =	vst v63  }
0x3cd: {  	_ =	swait.ge [sflag:s29], $0x800  }
0x3ce: {  	s7 =	sld [smem:$0x7BC]  }
0x3cf: {  	[sflag:s29] =	ssyncset.done $0x0  }
0x3d0: {  	[sflag:s29] =	ssyncadd.s32 $0xFFFFF800  }
0x3d1: {  	[spmem:s2], [sflag:s8] =	dma.local [hbm:s7], $0x800  }
0x3d2: {  	_ =	swait.ge [sflag:s17], $0x4000  }
0x3d3: {  	[sflag:s17] =	ssyncset.done $0x0  }
0x3d4: {  	[sflag:s17] =	ssyncadd.s32 $0xFFFFC000  }
0x3d5: {  	_ =	swait.ge [sflag:s18], $0x800  }
0x3d6: {  	[sflag:s18] =	ssyncset.done $0x0  }
0x3d7: {  	[sflag:s18] =	ssyncadd.s32 $0xFFFFF800  }
0x3d8: {  	[spmem:s3] =	stream.indirect.scatter.add.f32 [tilespmem:s12], [sflag:$0x7], $0x80, s19, s11, $0xb8;
	[tilespmem:$0x1A000] =	vst v63  }
0x3d9: {  	_ =	swait.ge [sflag:s30], $0x4000  }
0x3da: {  	s7 =	sld [smem:$0x7BD]  }
0x3db: {  	[sflag:s30] =	ssyncset.done $0x0  }
0x3dc: {  	[sflag:s30] =	ssyncadd.s32 $0xFFFFC000  }
0x3dd: {  	[hbm:s7], [sflag:s10] =	dma.local [spmem:s16], $0x800  }
0x3de: {  	s7 =	sld [smem:$0x7F9];
	_ =	sdelay $0x2  }
0x3df: {  	[tilespmem:s15], [sflag:$0x3] =	stream.indirect.gather [hbm4b:s1+s11], $0x80, s7, s11, $0xb8;
	[tilespmem:$0x1A000] =	vst v63  }
0x3e0: {  	_ =	swait.ge [sflag:s31], $0x800  }
0x3e1: {  	s7 =	sld [smem:$0x7BE]  }
0x3e2: {  	[sflag:s31] =	ssyncset.done $0x0  }
0x3e3: {  	[sflag:s31] =	ssyncadd.s32 $0xFFFFF800  }
0x3e4: {  	[spmem:s14], [sflag:s5] =	dma.local [hbm:s7], $0x800  }
0x3e5: {  	_ =	swait.ge [sflag:s20], $0x4000  }
0x3e6: {  	[sflag:s20] =	ssyncset.done $0x0  }
0x3e7: {  	[sflag:s20] =	ssyncadd.s32 $0xFFFFC000  }
0x3e8: {  	_ =	swait.ge [sflag:s21], $0x800  }
0x3e9: {  	[sflag:s21] =	ssyncset.done $0x0  }
0x3ea: {  	[sflag:s21] =	ssyncadd.s32 $0xFFFFF800  }
0x3eb: {  	[spmem:s3] =	stream.indirect.scatter.add.f32 [tilespmem:s13], [sflag:$0x8], $0x80, s22, s11, $0xb8;
	[tilespmem:$0x1A000] =	vst v63  }
0x3ec: {  	_ =	swait.ge [sflag:s23], $0x4000  }
0x3ed: {  	s7 =	sld [smem:$0x7BF]  }
0x3ee: {  	[sflag:s23] =	ssyncset.done $0x0  }
0x3ef: {  	[sflag:s23] =	ssyncadd.s32 $0xFFFFC000  }
0x3f0: {  	[hbm:s7], [sflag:s9] =	dma.local [spmem:s2], $0x800  }
0x3f1: {  	s7 =	sld [smem:$0x7FA];
	_ =	sdelay $0x2  }
0x3f2: {  	[tilespmem:s12], [sflag:$0x1] =	stream.indirect.gather [hbm4b:s1+s11], $0x80, s7, s11, $0xb8;
	[tilespmem:$0x1A000] =	vst v63  }
0x3f3: {  	_ =	swait.ge [sflag:s0], $0x800  }
0x3f4: {  	s7 =	sld [smem:$0x7C0]  }
0x3f5: {  	[sflag:s0] =	ssyncset.done $0x0  }
0x3f6: {  	[sflag:s0] =	ssyncadd.s32 $0xFFFFF800  }
0x3f7: {  	[spmem:s16], [sflag:s4] =	dma.local [hbm:s7], $0x800  }
0x3f8: {  	_ =	swait.ge [sflag:s24], $0x4000  }
0x3f9: {  	[sflag:s24] =	ssyncset.done $0x0  }
0x3fa: {  	[sflag:s24] =	ssyncadd.s32 $0xFFFFC000  }
0x3fb: {  	_ =	swait.ge [sflag:s25], $0x800  }
0x3fc: {  	[sflag:s25] =	ssyncset.done $0x0  }
0x3fd: {  	[sflag:s25] =	ssyncadd.s32 $0xFFFFF800  }
0x3fe: {  	[spmem:s3] =	stream.indirect.scatter.add.f32 [tilespmem:s15], [sflag:$0x9], $0x80, s26, s11, $0xb8;
	[tilespmem:$0x1A000] =	vst v63  }
0x3ff: {  	_ =	swait.ge [sflag:s28], $0x4000  }
0x400: {  	s7 =	sld [smem:$0x7C1]  }
0x401: {  	[sflag:s28] =	ssyncset.done $0x0  }
0x402: {  	[sflag:s28] =	ssyncadd.s32 $0xFFFFC000  }
0x403: {  	[hbm:s7], [sflag:s6] =	dma.local [spmem:s14], $0x800  }
0x404: {  	s7 =	sld [smem:$0x7FB];
	_ =	sdelay $0x2  }
0x405: {  	[tilespmem:s13], [sflag:$0x2] =	stream.indirect.gather [hbm4b:s1+s11], $0x80, s7, s11, $0xb8;
	[tilespmem:$0x1A000] =	vst v63  }
0x406: {  	_ =	swait.ge [sflag:s29], $0x800  }
0x407: {  	s7 =	sld [smem:$0x7C2]  }
0x408: {  	[sflag:s29] =	ssyncset.done $0x0  }
0x409: {  	[sflag:s29] =	ssyncadd.s32 $0xFFFFF800  }
0x40a: {  	[spmem:s2], [sflag:s8] =	dma.local [hbm:s7], $0x800  }
0x40b: {  	_ =	swait.ge [sflag:s17], $0x4000  }
0x40c: {  	[sflag:s17] =	ssyncset.done $0x0  }
0x40d: {  	[sflag:s17] =	ssyncadd.s32 $0xFFFFC000  }
0x40e: {  	_ =	swait.ge [sflag:s18], $0x800  }
0x40f: {  	[sflag:s18] =	ssyncset.done $0x0  }
0x410: {  	[sflag:s18] =	ssyncadd.s32 $0xFFFFF800  }
0x411: {  	[spmem:s3] =	stream.indirect.scatter.add.f32 [tilespmem:s12], [sflag:$0x7], $0x80, s19, s11, $0xb8;
	[tilespmem:$0x1A000] =	vst v63  }
0x412: {  	_ =	swait.ge [sflag:s30], $0x4000  }
0x413: {  	s7 =	sld [smem:$0x7C3]  }
0x414: {  	[sflag:s30] =	ssyncset.done $0x0  }
0x415: {  	[sflag:s30] =	ssyncadd.s32 $0xFFFFC000  }
0x416: {  	[hbm:s7], [sflag:s10] =	dma.local [spmem:s16], $0x800  }
0x417: {  	s7 =	sld [smem:$0x7FC];
	_ =	sdelay $0x2  }
0x418: {  	[tilespmem:s15], [sflag:$0x3] =	stream.indirect.gather [hbm4b:s1+s11], $0x80, s7, s11, $0xb8;
	[tilespmem:$0x1A000] =	vst v63  }
0x419: {  	_ =	swait.ge [sflag:s31], $0x800  }
0x41a: {  	s7 =	sld [smem:$0x7C4]  }
0x41b: {  	[sflag:s31] =	ssyncset.done $0x0  }
0x41c: {  	[sflag:s31] =	ssyncadd.s32 $0xFFFFF800  }
0x41d: {  	[spmem:s14], [sflag:s5] =	dma.local [hbm:s7], $0x800  }
0x41e: {  	_ =	swait.ge [sflag:s20], $0x4000  }
0x41f: {  	[sflag:s20] =	ssyncset.done $0x0  }
0x420: {  	[sflag:s20] =	ssyncadd.s32 $0xFFFFC000  }
0x421: {  	_ =	swait.ge [sflag:s21], $0x800  }
0x422: {  	[sflag:s21] =	ssyncset.done $0x0  }
0x423: {  	[sflag:s21] =	ssyncadd.s32 $0xFFFFF800  }
0x424: {  	[spmem:s3] =	stream.indirect.scatter.add.f32 [tilespmem:s13], [sflag:$0x8], $0x80, s22, s11, $0xb8;
	[tilespmem:$0x1A000] =	vst v63  }
0x425: {  	_ =	swait.ge [sflag:s23], $0x4000  }
0x426: {  	s7 =	sld [smem:$0x7C5]  }
0x427: {  	[sflag:s23] =	ssyncset.done $0x0  }
0x428: {  	[sflag:s23] =	ssyncadd.s32 $0xFFFFC000  }
0x429: {  	[hbm:s7], [sflag:s9] =	dma.local [spmem:s2], $0x800  }
0x42a: {  	s7 =	simm.s32 $0x1800  }
0x42b: {  	[tilespmem:s12], [sflag:$0x1] =	stream.indirect.gather [hbm4b:s1+s11], $0x80, s7, s11, $0xb8;
	[tilespmem:$0x1A000] =	vst v63  }
0x42c: {  	_ =	swait.ge [sflag:s0], $0x800  }
0x42d: {  	s7 =	sld [smem:$0x7C6]  }
0x42e: {  	[sflag:s0] =	ssyncset.done $0x0  }
0x42f: {  	[sflag:s0] =	ssyncadd.s32 $0xFFFFF800  }
0x430: {  	[spmem:s16], [sflag:s4] =	dma.local [hbm:s7], $0x800  }
0x431: {  	_ =	swait.ge [sflag:s24], $0x4000  }
0x432: {  	[sflag:s24] =	ssyncset.done $0x0  }
0x433: {  	[sflag:s24] =	ssyncadd.s32 $0xFFFFC000  }
0x434: {  	_ =	swait.ge [sflag:s25], $0x800  }
0x435: {  	[sflag:s25] =	ssyncset.done $0x0  }
0x436: {  	[sflag:s25] =	ssyncadd.s32 $0xFFFFF800  }
0x437: {  	[spmem:s3] =	stream.indirect.scatter.add.f32 [tilespmem:s15], [sflag:$0x9], $0x80, s26, s11, $0xb8;
	[tilespmem:$0x1A000] =	vst v63  }
0x438: {  	_ =	swait.ge [sflag:s28], $0x4000  }
0x439: {  	s7 =	sld [smem:$0x7C7]  }
0x43a: {  	[sflag:s28] =	ssyncset.done $0x0  }
0x43b: {  	[sflag:s28] =	ssyncadd.s32 $0xFFFFC000  }
0x43c: {  	[hbm:s7], [sflag:s6] =	dma.local [spmem:s14], $0x800  }
0x43d: {  	s4 =	sld [smem:$0x7FD];
	_ =	sdelay $0x2  }
0x43e: {  	[tilespmem:s13], [sflag:$0x2] =	stream.indirect.gather [hbm4b:s1+s11], $0x80, s4, s11, $0xb8;
	[tilespmem:$0x1A000] =	vst v63  }
0x43f: {  	_ =	swait.ge [sflag:s29], $0x800  }
0x440: {  	s7 =	sld [smem:$0x7C8]  }
0x441: {  	[sflag:s29] =	ssyncset.done $0x0  }
0x442: {  	[sflag:s29] =	ssyncadd.s32 $0xFFFFF800  }
0x443: {  	[spmem:s2], [sflag:s8] =	dma.local [hbm:s7], $0x800  }
0x444: {  	_ =	swait.ge [sflag:s17], $0x4000  }
0x445: {  	[sflag:s17] =	ssyncset.done $0x0  }
0x446: {  	[sflag:s17] =	ssyncadd.s32 $0xFFFFC000  }
0x447: {  	_ =	swait.ge [sflag:s18], $0x800  }
0x448: {  	[sflag:s18] =	ssyncset.done $0x0  }
0x449: {  	[sflag:s18] =	ssyncadd.s32 $0xFFFFF800  }
0x44a: {  	[spmem:s3] =	stream.indirect.scatter.add.f32 [tilespmem:s12], [sflag:$0x7], $0x80, s19, s11, $0xb8;
	[tilespmem:$0x1A000] =	vst v63  }
0x44b: {  	_ =	swait.ge [sflag:s30], $0x4000  }
0x44c: {  	s8 =	sld [smem:$0x7C9]  }
0x44d: {  	[sflag:s30] =	ssyncset.done $0x0  }
0x44e: {  	[sflag:s30] =	ssyncadd.s32 $0xFFFFC000  }
0x44f: {  	[hbm:s8], [sflag:s10] =	dma.local [spmem:s16], $0x800  }
0x450: {  	_ =	swait.ge [sflag:s31], $0x800  }
0x451: {  	s7 =	sld [smem:$0x7CA]  }
0x452: {  	[sflag:s31] =	ssyncset.done $0x0  }
0x453: {  	[sflag:s31] =	ssyncadd.s32 $0xFFFFF800  }
0x454: {  	[spmem:s14], [sflag:s5] =	dma.local [hbm:s7], $0x800  }
0x455: {  	_ =	swait.ge [sflag:s20], $0x4000  }
0x456: {  	[sflag:s20] =	ssyncset.done $0x0  }
0x457: {  	[sflag:s20] =	ssyncadd.s32 $0xFFFFC000  }
0x458: {  	_ =	swait.ge [sflag:s21], $0x800  }
0x459: {  	[sflag:s21] =	ssyncset.done $0x0  }
0x45a: {  	[sflag:s21] =	ssyncadd.s32 $0xFFFFF800  }
0x45b: {  	[spmem:s3] =	stream.indirect.scatter.add.f32 [tilespmem:s13], [sflag:$0x8], $0x80, s22, s11, $0xb8;
	[tilespmem:$0x1A000] =	vst v63  }
0x45c: {  	_ =	swait.ge [sflag:s23], $0x4000  }
0x45d: {  	s8 =	sld [smem:$0x7CB]  }
0x45e: {  	[sflag:s23] =	ssyncset.done $0x0  }
0x45f: {  	[sflag:s23] =	ssyncadd.s32 $0xFFFFC000  }
0x460: {  	[hbm:s8], [sflag:s9] =	dma.local [spmem:s2], $0x800  }
0x461: {  	s4 =	sld [smem:$0x77E];
	_ =	swait.ge [sflag:s0], $0x800  }
0x462: {  	[sflag:s0] =	ssyncset.done $0x0  }
0x463: {  	[sflag:s0] =	ssyncadd.s32 $0xFFFFF800  }
0x464: {  	_ =	swait.ge [sflag:s28], $0x4000  }
0x465: {  	s10 =	sld [smem:$0x7CC]  }
0x466: {  	[sflag:s28] =	ssyncset.done $0x0  }
0x467: {  	[sflag:s28] =	ssyncadd.s32 $0xFFFFC000  }
0x468: {  	[hbm:s10], [sflag:s6] =	dma.local [spmem:s14], $0x800  }
0x469: {  	p0 =	sne.s32 s4, $0x1;
	_ =	swait.ge [sflag:s29], $0x800  }
.Ltmp0:
0x46a: {  	[sflag:s29] =	ssyncset.done $0x0;
	(pc) =	sbr.rel @p0 .LBB2_1-.Ltmp0, $4  }
0x46b: {  	[sflag:s29] =	ssyncadd.s32 $0xFFFFF800  }
0x46c: {  	_ =	swait.ge [sflag:s31], $0x800  }
0x46d: {  	[sflag:s31] =	ssyncset.done $0x0  }
0x46e: {  	s4 =	sadd.s32 $0xFFFFFFFF, s4;
	[sflag:s31] =	ssyncadd.s32 $0xFFFFF800  }
0x46f: {  	_ =	sfence.sel $0x180000  }
0x470: {  	[bflag:$0x0] =	sbarrier.arrive $0xFFFF  }
0x471: {  	_ =	strace $0x90000047  }
0x472: {  	s0 =	stileid.u32;
	[bflag:$0x2] =	sbarrier.arrive $0xFFFF  }
0x473: {  	p0 =	sne.s32 s0, $0x0;
	s0 =	rddreg [dreg:$0x6]  }
0x474: {  	s0 =	sadd.s32 @!p0 $0x100000, s0  }
0x475: {  	[sflag:s0] =	ssyncadd.tile.s32 @!p0 $0x1;
	_ =	shalt  }
.Lfunc_end2:
_tile_overlayer_lowered:
.L_overlay_start_2:
0x476: {  	(tag) =	ssettag $0x2  }
0x477: {  	s0 =	rddreg [dreg:$0x0];
	s2 =	stileid.u32  }
0x478: {  	s1 =	rddreg [dreg:$0x1];
	p0 =	sne.s32 s2, $0x0  }
0x479: {  	s3 =	rddreg [dreg:$0x2];
	[bflag:$0x3] =	sbarrier.arrive $0xFFFF;
	s2 =	simm.s32 @!p0 $0x1C0D  }
0x47a: {  	[timem:s3], [sflag:s2] =	dma.local @!p0 [hbm:s0], s1  }
0x47b: {  	s0 =	simm.s32 @!p0 $0xD  }
0x47c: {  	_ =	swait.ge @!p0 [sflag:s0], s1  }
0x47d: {  	s1 =	ssub.s32 @!p0 $0x0, s1;
	[sflag:s0] =	ssyncset.done @!p0 $0x0  }
0x47e: {  	[sflag:s0] =	ssyncadd.s32 @!p0 s1  }
0x47f: {  	[bflag:$0x3] =	sbarrier.arrive $0xFFFF  }
0x480: {  	_ =	shalt  }

</sc_bundles>
